<compile_context>
chip_gen: v7x
topology: tpu7x:2x2x1
jax: 0.10.2.dev20260603
libtpu: 0.0.44.dev20260713+nightly
codegen_flags: <defaults>
</compile_context>

<pallas_src>
import jax
import jax.numpy as jnp
from jax import lax
from jax.experimental import pallas as pl
from jax.experimental.pallas import tpu as pltpu
from jax.experimental.pallas import tpu_sc as plsc

NUM_ENTITY = 100000
NUM_LABEL = 1000
D = 64
B = 4096
NNEG = 50
NPAD = 64
NC = 2
NS = 16
NW = NC * NS
BPW = B // NW
L = 16
DC = D // L
NG = NPAD // L


def _sc_body(head, label, tail, head_p, tail_p, ent, lab,
             pos_out, sq1_out, sq2_out,
             hidx, lidx, tidx, hp_idx, tp_idx,
             h_rows, t_rows, l_rows, hl, lt,
             hp0, hp1, tp0, tp1,
             pos_part, sq1, sq2,
             sem_h, sem_t, sem_l, s0, s1, s2, s3):
    wid = lax.axis_index("s") * NC + lax.axis_index("c")
    base = wid * BPW

    pltpu.sync_copy(head.at[pl.ds(base, BPW)], hidx)
    pltpu.sync_copy(label.at[pl.ds(base, BPW)], lidx)
    pltpu.sync_copy(tail.at[pl.ds(base, BPW)], tidx)
    pltpu.sync_copy(head_p.at[pl.ds(base, BPW)], hp_idx)
    pltpu.sync_copy(tail_p.at[pl.ds(base, BPW)], tp_idx)
    ch = pltpu.async_copy(ent.at[hidx], h_rows, sem_h)
    ct = pltpu.async_copy(ent.at[tidx], t_rows, sem_t)
    cl = pltpu.async_copy(lab.at[lidx], l_rows, sem_l)
    ch.wait()
    ct.wait()
    cl.wait()

    zv = jnp.zeros((L,), jnp.float32)

    def _pro(i, carry):
        acc = zv
        for c in range(DC):
            sl = pl.ds(L * c, L)
            hv = h_rows[i, sl]
            lv = l_rows[i, sl]
            tv = t_rows[i, sl]
            hlv = hv + lv
            hl[i, sl] = hlv
            lt[i, sl] = lv - tv
            dd = hlv - tv
            acc = acc + dd * dd
        pos_part[i, pl.ds(0, L)] = acc
        return carry

    lax.fori_loop(0, BPW, _pro, 0)

    def _issue(i, hpb, tpb, sh, st):
        pltpu.async_copy(ent.at[hp_idx.at[i]], hpb, sh)
        pltpu.async_copy(ent.at[tp_idx.at[i]], tpb, st)

    def _wait(i, hpb, tpb, sh, st):
        pltpu.make_async_copy(ent.at[hp_idx.at[i]], hpb, sh).wait()
        pltpu.make_async_copy(ent.at[tp_idx.at[i]], tpb, st).wait()

    lane = jnp.arange(L, dtype=jnp.int32)
    bits = [((lane >> k) & 1) == 1 for k in range(4)]
    perms = [lane ^ (1 << k) for k in range(4)]

    def _combine(a, b, k):
        s1 = jnp.where(bits[k], b, a)
        s2 = jnp.where(bits[k], a, b)
        return s1 + jnp.take_along_axis(s2, perms[k], axis=0)

    def _tree(vs):
        k = 0
        while len(vs) > 1:
            vs = [_combine(vs[2 * m], vs[2 * m + 1], k)
                  for m in range(len(vs) // 2)]
            k += 1
        return vs[0]

    def _push(stack, v):
        k = 0
        while stack and stack[-1][0] == k:
            _, u = stack.pop()
            v = _combine(u, v, k)
            k += 1
        stack.append((k, v))

    def _rowp(j, hpb, tpb, ltv, hlv):
        a1 = None
        a2 = None
        for c in range(DC):
            sl = pl.ds(L * c, L)
            hp = hpb[j, sl]
            tp = tpb[j, sl]
            d1 = hp + ltv[c]
            d2 = hlv[c] - tp
            t1 = d1 * d1
            t2 = d2 * d2
            a1 = t1 if a1 is None else a1 + t1
            a2 = t2 if a2 is None else a2 + t2
        return a1, a2

    NFULL = NNEG // L
    NTAIL = NNEG - NFULL * L

    def _compute(i, hpb, tpb):
        ltv = [lt[i, pl.ds(L * c, L)] for c in range(DC)]
        hlv = [hl[i, pl.ds(L * c, L)] for c in range(DC)]

        def _gl(g, carry):
            s1 = []
            s2 = []
            for jj in range(L):
                p1, p2 = _rowp(g * L + jj, hpb, tpb, ltv, hlv)
                _push(s1, p1)
                _push(s2, p2)
            sq1[i, pl.ds(L * g, L)] = s1[0][1]
            sq2[i, pl.ds(L * g, L)] = s2[0][1]
            return carry

        lax.fori_loop(0, NFULL, _gl, 0)

        pa1, pa2 = _rowp(NFULL * L, hpb, tpb, ltv, hlv)
        pb1, pb2 = _rowp(NFULL * L + 1, hpb, tpb, ltv, hlv)
        u1 = _combine(pa1, pb1, 0)
        u2 = _combine(pa2, pb2, 0)
        for k in range(1, 4):
            u1 = _combine(u1, zv, k)
            u2 = _combine(u2, zv, k)
        sq1[i, pl.ds(NFULL * L, L)] = u1
        sq2[i, pl.ds(NFULL * L, L)] = u2

    _issue(0, hp0, tp0, s0, s2)

    def _outer(i2, carry):
        i = i2 * 2
        _issue(i + 1, hp1, tp1, s1, s3)
        _wait(i, hp0, tp0, s0, s2)
        _compute(i, hp0, tp0)

        @pl.when(i + 2 < BPW)
        def _():
            _issue(i + 2, hp0, tp0, s0, s2)

        _wait(i + 1, hp1, tp1, s1, s3)
        _compute(i + 1, hp1, tp1)
        return carry

    lax.fori_loop(0, BPW // 2, _outer, 0)

    pltpu.sync_copy(pos_part, pos_out.at[pl.ds(base, BPW)])
    pltpu.sync_copy(sq1, sq1_out.at[pl.ds(base, BPW)])
    pltpu.sync_copy(sq2, sq2_out.at[pl.ds(base, BPW)])


_sc_call = pl.kernel(
    _sc_body,
    out_type=(
        jax.ShapeDtypeStruct((B, L), jnp.float32),
        jax.ShapeDtypeStruct((B, NPAD), jnp.float32),
        jax.ShapeDtypeStruct((B, NPAD), jnp.float32),
    ),
    mesh=plsc.VectorSubcoreMesh(
        core_axis_name="c", subcore_axis_name="s",
        num_cores=NC, num_subcores=NS,
    ),
    compiler_params=pltpu.CompilerParams(
        needs_layout_passes=False, use_tc_tiling_on_sc=False),
    scratch_types=[
        pltpu.VMEM((BPW,), jnp.int32),
        pltpu.VMEM((BPW,), jnp.int32),
        pltpu.VMEM((BPW,), jnp.int32),
        pltpu.VMEM((BPW, NNEG), jnp.int32),
        pltpu.VMEM((BPW, NNEG), jnp.int32),
        pltpu.VMEM((BPW, D), jnp.float32),
        pltpu.VMEM((BPW, D), jnp.float32),
        pltpu.VMEM((BPW, D), jnp.float32),
        pltpu.VMEM((BPW, D), jnp.float32),
        pltpu.VMEM((BPW, D), jnp.float32),
        pltpu.VMEM((NNEG, D), jnp.float32),
        pltpu.VMEM((NNEG, D), jnp.float32),
        pltpu.VMEM((NNEG, D), jnp.float32),
        pltpu.VMEM((NNEG, D), jnp.float32),
        pltpu.VMEM((BPW, L), jnp.float32),
        pltpu.VMEM((BPW, NPAD), jnp.float32),
        pltpu.VMEM((BPW, NPAD), jnp.float32),
        pltpu.SemaphoreType.DMA,
        pltpu.SemaphoreType.DMA,
        pltpu.SemaphoreType.DMA,
        pltpu.SemaphoreType.DMA,
        pltpu.SemaphoreType.DMA,
        pltpu.SemaphoreType.DMA,
        pltpu.SemaphoreType.DMA,
    ],
)


def _tc_body(gamma_ref, pos_ref, sq1_ref, sq2_ref, out_ref):
    g = gamma_ref[0, 0]
    pos_sq = jnp.sum(pos_ref[...], axis=1, keepdims=True)
    pos_d = jnp.sqrt(pos_sq)
    d1 = jnp.sqrt(sq1_ref[...])
    d2 = jnp.sqrt(sq2_ref[...])
    term = g + 2.0 * pos_d - d1 - d2
    col = lax.broadcasted_iota(jnp.int32, (B, NPAD), 1)
    v = jnp.where(col < NNEG, jnp.maximum(term, 0.0), 0.0)
    out_ref[0, 0] = jnp.sum(v)


_tc_call = pl.pallas_call(
    _tc_body,
    out_shape=jax.ShapeDtypeStruct((1, 1), jnp.float32),
    in_specs=[
        pl.BlockSpec(memory_space=pltpu.SMEM),
        pl.BlockSpec(memory_space=pltpu.VMEM),
        pl.BlockSpec(memory_space=pltpu.VMEM),
        pl.BlockSpec(memory_space=pltpu.VMEM),
    ],
    out_specs=pl.BlockSpec(memory_space=pltpu.SMEM),
)


def kernel(head, label, tail, head_p, tail_p, embed_entity, embed_label, gamma):
    pos_part, sq1, sq2 = _sc_call(head, label, tail, head_p, tail_p,
                                  embed_entity, embed_label)
    out = _tc_call(gamma.reshape(1, 1), pos_part, sq1, sq2)
    return out[0, 0]

# --- scband reference (transcript-rebuilt; emitter-appended) ---
"""Pipeline reference for scband-trans-e-48086453846131 (READ-ONLY COPY).

The authoritative reference and input builder live on the scoring server;
editing this copy changes nothing except your own understanding.
"""

import jax, jax.numpy as jnp
import numpy as np

NUM_ENTITY = 100000
NUM_LABEL = 1000
EMBED_DIM = 64
BATCH = 4096
NUM_NEG = 50
GAMMA = 1.0


def setup_inputs(seed: int = 0) -> dict:
    key = jax.random.key(seed)
    k1, k2, k3, k4, k5, k6, k7 = jax.random.split(key, 7)
    head = jax.random.randint(k1, (BATCH,), 0, NUM_ENTITY)
    label = jax.random.randint(k2, (BATCH,), 0, NUM_LABEL)
    tail = jax.random.randint(k3, (BATCH,), 0, NUM_ENTITY)
    head_p = jax.random.randint(k4, (BATCH, NUM_NEG), 0, NUM_ENTITY)
    tail_p = jax.random.randint(k5, (BATCH, NUM_NEG), 0, NUM_ENTITY)
    embed_entity = jax.random.normal(k6, (NUM_ENTITY, EMBED_DIM), dtype=jnp.float32)
    embed_label = jax.random.normal(k7, (NUM_LABEL, EMBED_DIM), dtype=jnp.float32)
    gamma = jnp.asarray([GAMMA], dtype=jnp.float32)
    return {
        "head": head,
        "label": label,
        "tail": tail,
        "head_p": head_p,
        "tail_p": tail_p,
        "embed_entity": embed_entity,
        "embed_label": embed_label,
        "gamma": gamma,
    }


def reference(head, label, tail, head_p, tail_p, embed_entity, embed_label, gamma):
    h = jnp.take(embed_entity, head, axis=0)
    t = jnp.take(embed_entity, tail, axis=0)
    l = jnp.take(embed_label, label, axis=0)
    h_p = jnp.take(embed_entity, head_p, axis=0)
    t_p = jnp.take(embed_entity, tail_p, axis=0)
    pos_d = jnp.linalg.norm(h + l - t, ord=2, axis=1)
    neg_d1 = jnp.linalg.norm(h_p + l[:, None, :] - t[:, None, :], ord=2, axis=2)
    neg_d2 = jnp.linalg.norm((h + l)[:, None, :] - t_p, ord=2, axis=2)
    loss = jnp.sum(
        jax.nn.relu(gamma + (pos_d[:, None] - neg_d1) + (pos_d[:, None] - neg_d2)),
        axis=1,
    )
    return jnp.sum(loss)

if __name__ == "__main__":
    import jax
    _d = setup_inputs()
    print(jax.jit(kernel)(*tuple(_d.values())))

</pallas_src>

<mosaic_0001>
#map = affine_map<(d0, d1) -> (0)>
#map1 = affine_map<(d0, d1) -> (0, 0)>
module attributes {stable_mosaic.version = 14 : i64} {
  func.func @_sc_body(%arg0: i32, %arg1: i32, %arg2: memref<4096xi32, #tpu.memory_space<hbm>>, %arg3: memref<4096xi32, #tpu.memory_space<hbm>>, %arg4: memref<4096xi32, #tpu.memory_space<hbm>>, %arg5: memref<4096x50xi32, #tpu.memory_space<hbm>>, %arg6: memref<4096x50xi32, #tpu.memory_space<hbm>>, %arg7: memref<100000x64xf32, #tpu.memory_space<hbm>>, %arg8: memref<1000x64xf32, #tpu.memory_space<hbm>>, %arg9: memref<4096x16xf32, #tpu.memory_space<hbm>>, %arg10: memref<4096x64xf32, #tpu.memory_space<hbm>>, %arg11: memref<4096x64xf32, #tpu.memory_space<hbm>>, %arg12: memref<128xi32, #tpu.memory_space<vmem>>, %arg13: memref<128xi32, #tpu.memory_space<vmem>>, %arg14: memref<128xi32, #tpu.memory_space<vmem>>, %arg15: memref<128x50xi32, #tpu.memory_space<vmem>>, %arg16: memref<128x50xi32, #tpu.memory_space<vmem>>, %arg17: memref<128x64xf32, #tpu.memory_space<vmem>>, %arg18: memref<128x64xf32, #tpu.memory_space<vmem>>, %arg19: memref<128x64xf32, #tpu.memory_space<vmem>>, %arg20: memref<128x64xf32, #tpu.memory_space<vmem>>, %arg21: memref<128x64xf32, #tpu.memory_space<vmem>>, %arg22: memref<50x64xf32, #tpu.memory_space<vmem>>, %arg23: memref<50x64xf32, #tpu.memory_space<vmem>>, %arg24: memref<50x64xf32, #tpu.memory_space<vmem>>, %arg25: memref<50x64xf32, #tpu.memory_space<vmem>>, %arg26: memref<128x16xf32, #tpu.memory_space<vmem>>, %arg27: memref<128x64xf32, #tpu.memory_space<vmem>>, %arg28: memref<128x64xf32, #tpu.memory_space<vmem>>, %arg29: memref<!tpu.dma_semaphore, #tpu.memory_space<semaphore_mem>>, %arg30: memref<!tpu.dma_semaphore, #tpu.memory_space<semaphore_mem>>, %arg31: memref<!tpu.dma_semaphore, #tpu.memory_space<semaphore_mem>>, %arg32: memref<!tpu.dma_semaphore, #tpu.memory_space<semaphore_mem>>, %arg33: memref<!tpu.dma_semaphore, #tpu.memory_space<semaphore_mem>>, %arg34: memref<!tpu.dma_semaphore, #tpu.memory_space<semaphore_mem>>, %arg35: memref<!tpu.dma_semaphore, #tpu.memory_space<semaphore_mem>>) attributes {dimension_semantics = [#tpu.dimension_semantics<core_parallel>, #tpu.dimension_semantics<subcore_parallel>], iteration_bounds = array<i64: 2, 16>, scalar_prefetch = 0 : i64, scratch_operands = 24 : i64, tpu.core_type = #tpu.core_type<sc_vector_subcore>, window_params = [{transform_indices = #map}, {transform_indices = #map}, {transform_indices = #map}, {transform_indices = #map1}, {transform_indices = #map1}, {transform_indices = #map1}, {transform_indices = #map1}, {transform_indices = #map1}, {transform_indices = #map1}, {transform_indices = #map1}]} {
    %mul3A = arith.constant 2 : i32
    %mul3A_0 = arith.muli %arg1, %mul3A : i32
    %add3A = arith.addi %mul3A_0, %arg0 : i32
    %mul3A_1 = arith.constant 128 : i32
    %mul3A_2 = arith.muli %add3A, %mul3A_1 : i32
    "tpu.region"() ({
      %run_scoped3A = tpu.sem_alloc : memref<!tpu.dma_semaphore, #tpu.memory_space<semaphore_mem>>
      %dma_start3A_89 = tpu.memref_slice %arg2[%mul3A_2] : memref<4096xi32, #tpu.memory_space<hbm>> -> memref<128xi32, #tpu.memory_space<hbm>>
      %dma_start3A_90 = tpu.memref_slice %arg2[%mul3A_2] : memref<4096xi32, #tpu.memory_space<hbm>> -> memref<128xi32, #tpu.memory_space<hbm>>
      tpu.enqueue_dma source(%dma_start3A_90 : memref<128xi32, #tpu.memory_space<hbm>>) target(%arg12 : memref<128xi32, #tpu.memory_space<vmem>>) target_semaphore(%run_scoped3A : memref<!tpu.dma_semaphore, #tpu.memory_space<semaphore_mem>>)
      %dma_wait3A_91 = tpu.memref_slice %arg2[%mul3A_2] : memref<4096xi32, #tpu.memory_space<hbm>> -> memref<128xi32, #tpu.memory_space<hbm>>
      %dma_wait3A_92 = tpu.memref_slice %arg2[%mul3A_2] : memref<4096xi32, #tpu.memory_space<hbm>> -> memref<128xi32, #tpu.memory_space<hbm>>
      tpu.wait_dma2 semaphore(%run_scoped3A : memref<!tpu.dma_semaphore, #tpu.memory_space<semaphore_mem>>) src(%dma_wait3A_92 : memref<128xi32, #tpu.memory_space<hbm>>) dst(%arg12 : memref<128xi32, #tpu.memory_space<vmem>>)
      tpu.yield
    }) : () -> ()
    "tpu.region"() ({
      %run_scoped3A = tpu.sem_alloc : memref<!tpu.dma_semaphore, #tpu.memory_space<semaphore_mem>>
      %dma_start3A_89 = tpu.memref_slice %arg3[%mul3A_2] : memref<4096xi32, #tpu.memory_space<hbm>> -> memref<128xi32, #tpu.memory_space<hbm>>
      %dma_start3A_90 = tpu.memref_slice %arg3[%mul3A_2] : memref<4096xi32, #tpu.memory_space<hbm>> -> memref<128xi32, #tpu.memory_space<hbm>>
      tpu.enqueue_dma source(%dma_start3A_90 : memref<128xi32, #tpu.memory_space<hbm>>) target(%arg13 : memref<128xi32, #tpu.memory_space<vmem>>) target_semaphore(%run_scoped3A : memref<!tpu.dma_semaphore, #tpu.memory_space<semaphore_mem>>)
      %dma_wait3A_91 = tpu.memref_slice %arg3[%mul3A_2] : memref<4096xi32, #tpu.memory_space<hbm>> -> memref<128xi32, #tpu.memory_space<hbm>>
      %dma_wait3A_92 = tpu.memref_slice %arg3[%mul3A_2] : memref<4096xi32, #tpu.memory_space<hbm>> -> memref<128xi32, #tpu.memory_space<hbm>>
      tpu.wait_dma2 semaphore(%run_scoped3A : memref<!tpu.dma_semaphore, #tpu.memory_space<semaphore_mem>>) src(%dma_wait3A_92 : memref<128xi32, #tpu.memory_space<hbm>>) dst(%arg13 : memref<128xi32, #tpu.memory_space<vmem>>)
      tpu.yield
    }) : () -> ()
    "tpu.region"() ({
      %run_scoped3A = tpu.sem_alloc : memref<!tpu.dma_semaphore, #tpu.memory_space<semaphore_mem>>
      %dma_start3A_89 = tpu.memref_slice %arg4[%mul3A_2] : memref<4096xi32, #tpu.memory_space<hbm>> -> memref<128xi32, #tpu.memory_space<hbm>>
      %dma_start3A_90 = tpu.memref_slice %arg4[%mul3A_2] : memref<4096xi32, #tpu.memory_space<hbm>> -> memref<128xi32, #tpu.memory_space<hbm>>
      tpu.enqueue_dma source(%dma_start3A_90 : memref<128xi32, #tpu.memory_space<hbm>>) target(%arg14 : memref<128xi32, #tpu.memory_space<vmem>>) target_semaphore(%run_scoped3A : memref<!tpu.dma_semaphore, #tpu.memory_space<semaphore_mem>>)
      %dma_wait3A_91 = tpu.memref_slice %arg4[%mul3A_2] : memref<4096xi32, #tpu.memory_space<hbm>> -> memref<128xi32, #tpu.memory_space<hbm>>
      %dma_wait3A_92 = tpu.memref_slice %arg4[%mul3A_2] : memref<4096xi32, #tpu.memory_space<hbm>> -> memref<128xi32, #tpu.memory_space<hbm>>
      tpu.wait_dma2 semaphore(%run_scoped3A : memref<!tpu.dma_semaphore, #tpu.memory_space<semaphore_mem>>) src(%dma_wait3A_92 : memref<128xi32, #tpu.memory_space<hbm>>) dst(%arg14 : memref<128xi32, #tpu.memory_space<vmem>>)
      tpu.yield
    }) : () -> ()
    "tpu.region"() ({
      %run_scoped3A = tpu.sem_alloc : memref<!tpu.dma_semaphore, #tpu.memory_space<semaphore_mem>>
      %dma_start3A_89 = arith.constant 0 : i32
      %dma_start3A_90 = tpu.memref_slice %arg5[%mul3A_2, %dma_start3A_89] : memref<4096x50xi32, #tpu.memory_space<hbm>> -> memref<128x50xi32, #tpu.memory_space<hbm>>
      %dma_start3A_91 = arith.constant 0 : i32
      %dma_start3A_92 = tpu.memref_slice %arg5[%mul3A_2, %dma_start3A_91] : memref<4096x50xi32, #tpu.memory_space<hbm>> -> memref<128x50xi32, #tpu.memory_space<hbm>>
      tpu.enqueue_dma source(%dma_start3A_92 : memref<128x50xi32, #tpu.memory_space<hbm>>) target(%arg15 : memref<128x50xi32, #tpu.memory_space<vmem>>) target_semaphore(%run_scoped3A : memref<!tpu.dma_semaphore, #tpu.memory_space<semaphore_mem>>)
      %dma_wait3A_93 = arith.constant 0 : i32
      %dma_wait3A_94 = tpu.memref_slice %arg5[%mul3A_2, %dma_wait3A_93] : memref<4096x50xi32, #tpu.memory_space<hbm>> -> memref<128x50xi32, #tpu.memory_space<hbm>>
      %dma_wait3A_95 = arith.constant 0 : i32
      %dma_wait3A_96 = tpu.memref_slice %arg5[%mul3A_2, %dma_wait3A_95] : memref<4096x50xi32, #tpu.memory_space<hbm>> -> memref<128x50xi32, #tpu.memory_space<hbm>>
      tpu.wait_dma2 semaphore(%run_scoped3A : memref<!tpu.dma_semaphore, #tpu.memory_space<semaphore_mem>>) src(%dma_wait3A_96 : memref<128x50xi32, #tpu.memory_space<hbm>>) dst(%arg15 : memref<128x50xi32, #tpu.memory_space<vmem>>)
      tpu.yield
    }) : () -> ()
    "tpu.region"() ({
      %run_scoped3A = tpu.sem_alloc : memref<!tpu.dma_semaphore, #tpu.memory_space<semaphore_mem>>
      %dma_start3A_89 = arith.constant 0 : i32
      %dma_start3A_90 = tpu.memref_slice %arg6[%mul3A_2, %dma_start3A_89] : memref<4096x50xi32, #tpu.memory_space<hbm>> -> memref<128x50xi32, #tpu.memory_space<hbm>>
      %dma_start3A_91 = arith.constant 0 : i32
      %dma_start3A_92 = tpu.memref_slice %arg6[%mul3A_2, %dma_start3A_91] : memref<4096x50xi32, #tpu.memory_space<hbm>> -> memref<128x50xi32, #tpu.memory_space<hbm>>
      tpu.enqueue_dma source(%dma_start3A_92 : memref<128x50xi32, #tpu.memory_space<hbm>>) target(%arg16 : memref<128x50xi32, #tpu.memory_space<vmem>>) target_semaphore(%run_scoped3A : memref<!tpu.dma_semaphore, #tpu.memory_space<semaphore_mem>>)
      %dma_wait3A_93 = arith.constant 0 : i32
      %dma_wait3A_94 = tpu.memref_slice %arg6[%mul3A_2, %dma_wait3A_93] : memref<4096x50xi32, #tpu.memory_space<hbm>> -> memref<128x50xi32, #tpu.memory_space<hbm>>
      %dma_wait3A_95 = arith.constant 0 : i32
      %dma_wait3A_96 = tpu.memref_slice %arg6[%mul3A_2, %dma_wait3A_95] : memref<4096x50xi32, #tpu.memory_space<hbm>> -> memref<128x50xi32, #tpu.memory_space<hbm>>
      tpu.wait_dma2 semaphore(%run_scoped3A : memref<!tpu.dma_semaphore, #tpu.memory_space<semaphore_mem>>) src(%dma_wait3A_96 : memref<128x50xi32, #tpu.memory_space<hbm>>) dst(%arg16 : memref<128x50xi32, #tpu.memory_space<vmem>>)
      tpu.yield
    }) : () -> ()
    %dma_start3A = arith.constant 0 : i32
    %dma_start3A_3 = arith.constant 0 : i32
    %dma_start3A_4 = tpu.memref_slice %arg7[%dma_start3A, %dma_start3A_3] : memref<100000x64xf32, #tpu.memory_space<hbm>> -> memref<100000x64xf32, #tpu.memory_space<hbm>>
    tpu.enqueue_indirect_dma source(%dma_start3A_4 : memref<100000x64xf32, #tpu.memory_space<hbm>>) target(%arg17 : memref<128x64xf32, #tpu.memory_space<vmem>>) offsets(%arg12 : memref<128xi32, #tpu.memory_space<vmem>>) semaphore(%arg29 : memref<!tpu.dma_semaphore, #tpu.memory_space<semaphore_mem>>)
    %dma_start3A_5 = arith.constant 0 : i32
    %dma_start3A_6 = arith.constant 0 : i32
    %dma_start3A_7 = tpu.memref_slice %arg7[%dma_start3A_5, %dma_start3A_6] : memref<100000x64xf32, #tpu.memory_space<hbm>> -> memref<100000x64xf32, #tpu.memory_space<hbm>>
    tpu.enqueue_indirect_dma source(%dma_start3A_7 : memref<100000x64xf32, #tpu.memory_space<hbm>>) target(%arg18 : memref<128x64xf32, #tpu.memory_space<vmem>>) offsets(%arg14 : memref<128xi32, #tpu.memory_space<vmem>>) semaphore(%arg30 : memref<!tpu.dma_semaphore, #tpu.memory_space<semaphore_mem>>)
    %dma_start3A_8 = arith.constant 0 : i32
    %dma_start3A_9 = arith.constant 0 : i32
    %dma_start3A_10 = tpu.memref_slice %arg8[%dma_start3A_8, %dma_start3A_9] : memref<1000x64xf32, #tpu.memory_space<hbm>> -> memref<1000x64xf32, #tpu.memory_space<hbm>>
    tpu.enqueue_indirect_dma source(%dma_start3A_10 : memref<1000x64xf32, #tpu.memory_space<hbm>>) target(%arg19 : memref<128x64xf32, #tpu.memory_space<vmem>>) offsets(%arg13 : memref<128xi32, #tpu.memory_space<vmem>>) semaphore(%arg31 : memref<!tpu.dma_semaphore, #tpu.memory_space<semaphore_mem>>)
    %dma_wait3A = arith.constant 0 : i32
    %dma_wait3A_11 = arith.constant 0 : i32
    %dma_wait3A_12 = tpu.memref_slice %arg7[%dma_wait3A, %dma_wait3A_11] : memref<100000x64xf32, #tpu.memory_space<hbm>> -> memref<100000x64xf32, #tpu.memory_space<hbm>>
    tpu.wait_indirect_dma semaphore(%arg29 : memref<!tpu.dma_semaphore, #tpu.memory_space<semaphore_mem>>) src(%dma_wait3A_12 : memref<100000x64xf32, #tpu.memory_space<hbm>>) dst(%arg17 : memref<128x64xf32, #tpu.memory_space<vmem>>)
    %dma_wait3A_13 = arith.constant 0 : i32
    %dma_wait3A_14 = arith.constant 0 : i32
    %dma_wait3A_15 = tpu.memref_slice %arg7[%dma_wait3A_13, %dma_wait3A_14] : memref<100000x64xf32, #tpu.memory_space<hbm>> -> memref<100000x64xf32, #tpu.memory_space<hbm>>
    tpu.wait_indirect_dma semaphore(%arg30 : memref<!tpu.dma_semaphore, #tpu.memory_space<semaphore_mem>>) src(%dma_wait3A_15 : memref<100000x64xf32, #tpu.memory_space<hbm>>) dst(%arg18 : memref<128x64xf32, #tpu.memory_space<vmem>>)
    %dma_wait3A_16 = arith.constant 0 : i32
    %dma_wait3A_17 = arith.constant 0 : i32
    %dma_wait3A_18 = tpu.memref_slice %arg8[%dma_wait3A_16, %dma_wait3A_17] : memref<1000x64xf32, #tpu.memory_space<hbm>> -> memref<1000x64xf32, #tpu.memory_space<hbm>>
    tpu.wait_indirect_dma semaphore(%arg31 : memref<!tpu.dma_semaphore, #tpu.memory_space<semaphore_mem>>) src(%dma_wait3A_18 : memref<1000x64xf32, #tpu.memory_space<hbm>>) dst(%arg19 : memref<128x64xf32, #tpu.memory_space<vmem>>)
    %broadcast_in_dim3A = arith.constant 0.000000e+00 : f32
    %broadcast_in_dim3A_19 = vector.broadcast %broadcast_in_dim3A : f32 to vector<16xf32>
    %scan3A = arith.constant 0 : i32
    %scan3A_20 = arith.constant 0 : i32
    %scan3A_21 = arith.constant 128 : i32
    %scan3A_22 = arith.addi %scan3A_20, %scan3A_21 : i32
    %scan3A_23 = arith.constant 1 : i32
    scf.for %scan3A_89 = %scan3A_20 to %scan3A_22 step %scan3A_23  : i32 {
      %get3A = arith.index_cast %scan3A_89 : i32 to index
      %get3A_90 = arith.constant 0 : index
      %get3A_91 = tpu.vector_load %arg17[%get3A, %get3A_90] {strides = array<i32>} : memref<128x64xf32, #tpu.memory_space<vmem>>, vector<16xf32>,
      %get3A_92 = arith.index_cast %scan3A_89 : i32 to index
      %get3A_93 = arith.constant 0 : index
      %get3A_94 = tpu.vector_load %arg19[%get3A_92, %get3A_93] {strides = array<i32>} : memref<128x64xf32, #tpu.memory_space<vmem>>, vector<16xf32>,
      %get3A_95 = arith.index_cast %scan3A_89 : i32 to index
      %get3A_96 = arith.constant 0 : index
      %get3A_97 = tpu.vector_load %arg18[%get3A_95, %get3A_96] {strides = array<i32>} : memref<128x64xf32, #tpu.memory_space<vmem>>, vector<16xf32>,
      %add3A_98 = arith.addf %get3A_91, %get3A_94 : vector<16xf32>
      %swap3A = arith.index_cast %scan3A_89 : i32 to index
      %swap3A_99 = arith.constant 0 : index
      %swap3A_100 = tpu.vector_load %arg20[%swap3A, %swap3A_99] {strides = array<i32>} : memref<128x64xf32, #tpu.memory_space<vmem>>, vector<16xf32>,
      tpu.vector_store %arg20[%swap3A, %swap3A_99], %add3A_98 {strides = array<i32>} : memref<128x64xf32, #tpu.memory_space<vmem>>, vector<16xf32>,
      %sub3A = arith.subf %get3A_94, %get3A_97 : vector<16xf32>
      %swap3A_101 = arith.index_cast %scan3A_89 : i32 to index
      %swap3A_102 = arith.constant 0 : index
      %swap3A_103 = tpu.vector_load %arg21[%swap3A_101, %swap3A_102] {strides = array<i32>} : memref<128x64xf32, #tpu.memory_space<vmem>>, vector<16xf32>,
      tpu.vector_store %arg21[%swap3A_101, %swap3A_102], %sub3A {strides = array<i32>} : memref<128x64xf32, #tpu.memory_space<vmem>>, vector<16xf32>,
      %sub3A_104 = arith.subf %add3A_98, %get3A_97 : vector<16xf32>
      %mul3A_105 = arith.mulf %sub3A_104, %sub3A_104 : vector<16xf32>
      %add3A_106 = arith.addf %broadcast_in_dim3A_19, %mul3A_105 : vector<16xf32>
      %get3A_107 = arith.index_cast %scan3A_89 : i32 to index
      %get3A_108 = arith.constant 16 : index
      %get3A_109 = tpu.vector_load %arg17[%get3A_107, %get3A_108] {strides = array<i32>} : memref<128x64xf32, #tpu.memory_space<vmem>>, vector<16xf32>,
      %get3A_110 = arith.index_cast %scan3A_89 : i32 to index
      %get3A_111 = arith.constant 16 : index
      %get3A_112 = tpu.vector_load %arg19[%get3A_110, %get3A_111] {strides = array<i32>} : memref<128x64xf32, #tpu.memory_space<vmem>>, vector<16xf32>,
      %get3A_113 = arith.index_cast %scan3A_89 : i32 to index
      %get3A_114 = arith.constant 16 : index
      %get3A_115 = tpu.vector_load %arg18[%get3A_113, %get3A_114] {strides = array<i32>} : memref<128x64xf32, #tpu.memory_space<vmem>>, vector<16xf32>,
      %add3A_116 = arith.addf %get3A_109, %get3A_112 : vector<16xf32>
      %swap3A_117 = arith.index_cast %scan3A_89 : i32 to index
      %swap3A_118 = arith.constant 16 : index
      %swap3A_119 = tpu.vector_load %arg20[%swap3A_117, %swap3A_118] {strides = array<i32>} : memref<128x64xf32, #tpu.memory_space<vmem>>, vector<16xf32>,
      tpu.vector_store %arg20[%swap3A_117, %swap3A_118], %add3A_116 {strides = array<i32>} : memref<128x64xf32, #tpu.memory_space<vmem>>, vector<16xf32>,
      %sub3A_120 = arith.subf %get3A_112, %get3A_115 : vector<16xf32>
      %swap3A_121 = arith.index_cast %scan3A_89 : i32 to index
      %swap3A_122 = arith.constant 16 : index
      %swap3A_123 = tpu.vector_load %arg21[%swap3A_121, %swap3A_122] {strides = array<i32>} : memref<128x64xf32, #tpu.memory_space<vmem>>, vector<16xf32>,
      tpu.vector_store %arg21[%swap3A_121, %swap3A_122], %sub3A_120 {strides = array<i32>} : memref<128x64xf32, #tpu.memory_space<vmem>>, vector<16xf32>,
      %sub3A_124 = arith.subf %add3A_116, %get3A_115 : vector<16xf32>
      %mul3A_125 = arith.mulf %sub3A_124, %sub3A_124 : vector<16xf32>
      %add3A_126 = arith.addf %add3A_106, %mul3A_125 : vector<16xf32>
      %get3A_127 = arith.index_cast %scan3A_89 : i32 to index
      %get3A_128 = arith.constant 32 : index
      %get3A_129 = tpu.vector_load %arg17[%get3A_127, %get3A_128] {strides = array<i32>} : memref<128x64xf32, #tpu.memory_space<vmem>>, vector<16xf32>,
      %get3A_130 = arith.index_cast %scan3A_89 : i32 to index
      %get3A_131 = arith.constant 32 : index
      %get3A_132 = tpu.vector_load %arg19[%get3A_130, %get3A_131] {strides = array<i32>} : memref<128x64xf32, #tpu.memory_space<vmem>>, vector<16xf32>,
      %get3A_133 = arith.index_cast %scan3A_89 : i32 to index
      %get3A_134 = arith.constant 32 : index
      %get3A_135 = tpu.vector_load %arg18[%get3A_133, %get3A_134] {strides = array<i32>} : memref<128x64xf32, #tpu.memory_space<vmem>>, vector<16xf32>,
      %add3A_136 = arith.addf %get3A_129, %get3A_132 : vector<16xf32>
      %swap3A_137 = arith.index_cast %scan3A_89 : i32 to index
      %swap3A_138 = arith.constant 32 : index
      %swap3A_139 = tpu.vector_load %arg20[%swap3A_137, %swap3A_138] {strides = array<i32>} : memref<128x64xf32, #tpu.memory_space<vmem>>, vector<16xf32>,
      tpu.vector_store %arg20[%swap3A_137, %swap3A_138], %add3A_136 {strides = array<i32>} : memref<128x64xf32, #tpu.memory_space<vmem>>, vector<16xf32>,
      %sub3A_140 = arith.subf %get3A_132, %get3A_135 : vector<16xf32>
      %swap3A_141 = arith.index_cast %scan3A_89 : i32 to index
      %swap3A_142 = arith.constant 32 : index
      %swap3A_143 = tpu.vector_load %arg21[%swap3A_141, %swap3A_142] {strides = array<i32>} : memref<128x64xf32, #tpu.memory_space<vmem>>, vector<16xf32>,
      tpu.vector_store %arg21[%swap3A_141, %swap3A_142], %sub3A_140 {strides = array<i32>} : memref<128x64xf32, #tpu.memory_space<vmem>>, vector<16xf32>,
      %sub3A_144 = arith.subf %add3A_136, %get3A_135 : vector<16xf32>
      %mul3A_145 = arith.mulf %sub3A_144, %sub3A_144 : vector<16xf32>
      %add3A_146 = arith.addf %add3A_126, %mul3A_145 : vector<16xf32>
      %get3A_147 = arith.index_cast %scan3A_89 : i32 to index
      %get3A_148 = arith.constant 48 : index
      %get3A_149 = tpu.vector_load %arg17[%get3A_147, %get3A_148] {strides = array<i32>} : memref<128x64xf32, #tpu.memory_space<vmem>>, vector<16xf32>,
      %get3A_150 = arith.index_cast %scan3A_89 : i32 to index
      %get3A_151 = arith.constant 48 : index
      %get3A_152 = tpu.vector_load %arg19[%get3A_150, %get3A_151] {strides = array<i32>} : memref<128x64xf32, #tpu.memory_space<vmem>>, vector<16xf32>,
      %get3A_153 = arith.index_cast %scan3A_89 : i32 to index
      %get3A_154 = arith.constant 48 : index
      %get3A_155 = tpu.vector_load %arg18[%get3A_153, %get3A_154] {strides = array<i32>} : memref<128x64xf32, #tpu.memory_space<vmem>>, vector<16xf32>,
      %add3A_156 = arith.addf %get3A_149, %get3A_152 : vector<16xf32>
      %swap3A_157 = arith.index_cast %scan3A_89 : i32 to index
      %swap3A_158 = arith.constant 48 : index
      %swap3A_159 = tpu.vector_load %arg20[%swap3A_157, %swap3A_158] {strides = array<i32>} : memref<128x64xf32, #tpu.memory_space<vmem>>, vector<16xf32>,
      tpu.vector_store %arg20[%swap3A_157, %swap3A_158], %add3A_156 {strides = array<i32>} : memref<128x64xf32, #tpu.memory_space<vmem>>, vector<16xf32>,
      %sub3A_160 = arith.subf %get3A_152, %get3A_155 : vector<16xf32>
      %swap3A_161 = arith.index_cast %scan3A_89 : i32 to index
      %swap3A_162 = arith.constant 48 : index
      %swap3A_163 = tpu.vector_load %arg21[%swap3A_161, %swap3A_162] {strides = array<i32>} : memref<128x64xf32, #tpu.memory_space<vmem>>, vector<16xf32>,
      tpu.vector_store %arg21[%swap3A_161, %swap3A_162], %sub3A_160 {strides = array<i32>} : memref<128x64xf32, #tpu.memory_space<vmem>>, vector<16xf32>,
      %sub3A_164 = arith.subf %add3A_156, %get3A_155 : vector<16xf32>
      %mul3A_165 = arith.mulf %sub3A_164, %sub3A_164 : vector<16xf32>
      %add3A_166 = arith.addf %add3A_146, %mul3A_165 : vector<16xf32>
      %swap3A_167 = arith.index_cast %scan3A_89 : i32 to index
      %swap3A_168 = arith.constant 0 : index
      %swap3A_169 = tpu.vector_load %arg26[%swap3A_167, %swap3A_168] {strides = array<i32>} : memref<128x16xf32, #tpu.memory_space<vmem>>, vector<16xf32>,
      tpu.vector_store %arg26[%swap3A_167, %swap3A_168], %add3A_166 {strides = array<i32>} : memref<128x16xf32, #tpu.memory_space<vmem>>, vector<16xf32>,
    }
    %scan3A_24 = arith.constant 128 : i32
    %iota3A = tpu.iota {dimensions = array<i32: 0>} : vector<16xi32>
    %shift_right_arithmetic3A = arith.constant 0 : i32
    %shift_right_arithmetic3A_25 = vector.broadcast %shift_right_arithmetic3A : i32 to vector<16xi32>
    %shift_right_arithmetic3A_26 = arith.shrsi %iota3A, %shift_right_arithmetic3A_25 : vector<16xi32>
    %and3A = arith.constant 1 : i32
    %and3A_27 = vector.broadcast %and3A : i32 to vector<16xi32>
    %and3A_28 = arith.andi %shift_right_arithmetic3A_26, %and3A_27 : vector<16xi32>
    %eq3A = arith.constant 1 : i32
    %eq3A_29 = vector.broadcast %eq3A : i32 to vector<16xi32>
    %eq3A_30 = arith.cmpi eq, %and3A_28, %eq3A_29 : vector<16xi32>
    %shift_right_arithmetic3A_31 = arith.constant 1 : i32
    %shift_right_arithmetic3A_32 = vector.broadcast %shift_right_arithmetic3A_31 : i32 to vector<16xi32>
    %shift_right_arithmetic3A_33 = arith.shrsi %iota3A, %shift_right_arithmetic3A_32 : vector<16xi32>
    %and3A_34 = arith.constant 1 : i32
    %and3A_35 = vector.broadcast %and3A_34 : i32 to vector<16xi32>
    %and3A_36 = arith.andi %shift_right_arithmetic3A_33, %and3A_35 : vector<16xi32>
    %eq3A_37 = arith.constant 1 : i32
    %eq3A_38 = vector.broadcast %eq3A_37 : i32 to vector<16xi32>
    %eq3A_39 = arith.cmpi eq, %and3A_36, %eq3A_38 : vector<16xi32>
    %shift_right_arithmetic3A_40 = arith.constant 2 : i32
    %shift_right_arithmetic3A_41 = vector.broadcast %shift_right_arithmetic3A_40 : i32 to vector<16xi32>
    %shift_right_arithmetic3A_42 = arith.shrsi %iota3A, %shift_right_arithmetic3A_41 : vector<16xi32>
    %and3A_43 = arith.constant 1 : i32
    %and3A_44 = vector.broadcast %and3A_43 : i32 to vector<16xi32>
    %and3A_45 = arith.andi %shift_right_arithmetic3A_42, %and3A_44 : vector<16xi32>
    %eq3A_46 = arith.constant 1 : i32
    %eq3A_47 = vector.broadcast %eq3A_46 : i32 to vector<16xi32>
    %eq3A_48 = arith.cmpi eq, %and3A_45, %eq3A_47 : vector<16xi32>
    %shift_right_arithmetic3A_49 = arith.constant 3 : i32
    %shift_right_arithmetic3A_50 = vector.broadcast %shift_right_arithmetic3A_49 : i32 to vector<16xi32>
    %shift_right_arithmetic3A_51 = arith.shrsi %iota3A, %shift_right_arithmetic3A_50 : vector<16xi32>
    %and3A_52 = arith.constant 1 : i32
    %and3A_53 = vector.broadcast %and3A_52 : i32 to vector<16xi32>
    %and3A_54 = arith.andi %shift_right_arithmetic3A_51, %and3A_53 : vector<16xi32>
    %eq3A_55 = arith.constant 1 : i32
    %eq3A_56 = vector.broadcast %eq3A_55 : i32 to vector<16xi32>
    %eq3A_57 = arith.cmpi eq, %and3A_54, %eq3A_56 : vector<16xi32>
    %xor3A = arith.constant 1 : i32
    %xor3A_58 = vector.broadcast %xor3A : i32 to vector<16xi32>
    %xor3A_59 = arith.xori %iota3A, %xor3A_58 : vector<16xi32>
    %xor3A_60 = arith.constant 2 : i32
    %xor3A_61 = vector.broadcast %xor3A_60 : i32 to vector<16xi32>
    %xor3A_62 = arith.xori %iota3A, %xor3A_61 : vector<16xi32>
    %xor3A_63 = arith.constant 4 : i32
    %xor3A_64 = vector.broadcast %xor3A_63 : i32 to vector<16xi32>
    %xor3A_65 = arith.xori %iota3A, %xor3A_64 : vector<16xi32>
    %xor3A_66 = arith.constant 8 : i32
    %xor3A_67 = vector.broadcast %xor3A_66 : i32 to vector<16xi32>
    %xor3A_68 = arith.xori %iota3A, %xor3A_67 : vector<16xi32>
    %dma_start3A_69 = arith.constant 0 : i32
    %dma_start3A_70 = arith.constant 0 : i32
    %dma_start3A_71 = tpu.memref_slice %arg15[%dma_start3A_69, %dma_start3A_70] : memref<128x50xi32, #tpu.memory_space<vmem>> -> memref<1x50xi32, #tpu.memory_space<vmem>>
    %dma_start3A_72 = tpu.memref_squeeze %dma_start3A_71 : memref<1x50xi32, #tpu.memory_space<vmem>> -> memref<50xi32, #tpu.memory_space<vmem>>
    %dma_start3A_73 = arith.constant 0 : i32
    %dma_start3A_74 = arith.constant 0 : i32
    %dma_start3A_75 = tpu.memref_slice %arg7[%dma_start3A_73, %dma_start3A_74] : memref<100000x64xf32, #tpu.memory_space<hbm>> -> memref<100000x64xf32, #tpu.memory_space<hbm>>
    tpu.enqueue_indirect_dma source(%dma_start3A_75 : memref<100000x64xf32, #tpu.memory_space<hbm>>) target(%arg22 : memref<50x64xf32, #tpu.memory_space<vmem>>) offsets(%dma_start3A_72 : memref<50xi32, #tpu.memory_space<vmem>>) semaphore(%arg32 : memref<!tpu.dma_semaphore, #tpu.memory_space<semaphore_mem>>)
    %dma_start3A_76 = arith.constant 0 : i32
    %dma_start3A_77 = arith.constant 0 : i32
    %dma_start3A_78 = tpu.memref_slice %arg16[%dma_start3A_76, %dma_start3A_77] : memref<128x50xi32, #tpu.memory_space<vmem>> -> memref<1x50xi32, #tpu.memory_space<vmem>>
    %dma_start3A_79 = tpu.memref_squeeze %dma_start3A_78 : memref<1x50xi32, #tpu.memory_space<vmem>> -> memref<50xi32, #tpu.memory_space<vmem>>
    %dma_start3A_80 = arith.constant 0 : i32
    %dma_start3A_81 = arith.constant 0 : i32
    %dma_start3A_82 = tpu.memref_slice %arg7[%dma_start3A_80, %dma_start3A_81] : memref<100000x64xf32, #tpu.memory_space<hbm>> -> memref<100000x64xf32, #tpu.memory_space<hbm>>
    tpu.enqueue_indirect_dma source(%dma_start3A_82 : memref<100000x64xf32, #tpu.memory_space<hbm>>) target(%arg24 : memref<50x64xf32, #tpu.memory_space<vmem>>) offsets(%dma_start3A_79 : memref<50xi32, #tpu.memory_space<vmem>>) semaphore(%arg34 : memref<!tpu.dma_semaphore, #tpu.memory_space<semaphore_mem>>)
    %scan3A_83 = arith.constant 0 : i32
    %scan3A_84 = arith.constant 0 : i32
    %scan3A_85 = arith.constant 64 : i32
    %scan3A_86 = arith.addi %scan3A_84, %scan3A_85 : i32
    %scan3A_87 = arith.constant 1 : i32
    scf.for %scan3A_89 = %scan3A_84 to %scan3A_86 step %scan3A_87  : i32 {
      %mul3A_90 = arith.constant 2 : i32
      %mul3A_91 = arith.muli %scan3A_89, %mul3A_90 : i32
      %add3A_92 = arith.constant 1 : i32
      %add3A_93 = arith.addi %mul3A_91, %add3A_92 : i32
      %dma_start3A_94 = arith.constant 0 : i32
      %dma_start3A_95 = tpu.memref_slice %arg15[%add3A_93, %dma_start3A_94] : memref<128x50xi32, #tpu.memory_space<vmem>> -> memref<1x50xi32, #tpu.memory_space<vmem>>
      %dma_start3A_96 = tpu.memref_squeeze %dma_start3A_95 : memref<1x50xi32, #tpu.memory_space<vmem>> -> memref<50xi32, #tpu.memory_space<vmem>>
      %dma_start3A_97 = arith.constant 0 : i32
      %dma_start3A_98 = arith.constant 0 : i32
      %dma_start3A_99 = tpu.memref_slice %arg7[%dma_start3A_97, %dma_start3A_98] : memref<100000x64xf32, #tpu.memory_space<hbm>> -> memref<100000x64xf32, #tpu.memory_space<hbm>>
      tpu.enqueue_indirect_dma source(%dma_start3A_99 : memref<100000x64xf32, #tpu.memory_space<hbm>>) target(%arg23 : memref<50x64xf32, #tpu.memory_space<vmem>>) offsets(%dma_start3A_96 : memref<50xi32, #tpu.memory_space<vmem>>) semaphore(%arg33 : memref<!tpu.dma_semaphore, #tpu.memory_space<semaphore_mem>>)
      %dma_start3A_100 = arith.constant 0 : i32
      %dma_start3A_101 = tpu.memref_slice %arg16[%add3A_93, %dma_start3A_100] : memref<128x50xi32, #tpu.memory_space<vmem>> -> memref<1x50xi32, #tpu.memory_space<vmem>>
      %dma_start3A_102 = tpu.memref_squeeze %dma_start3A_101 : memref<1x50xi32, #tpu.memory_space<vmem>> -> memref<50xi32, #tpu.memory_space<vmem>>
      %dma_start3A_103 = arith.constant 0 : i32
      %dma_start3A_104 = arith.constant 0 : i32
      %dma_start3A_105 = tpu.memref_slice %arg7[%dma_start3A_103, %dma_start3A_104] : memref<100000x64xf32, #tpu.memory_space<hbm>> -> memref<100000x64xf32, #tpu.memory_space<hbm>>
      tpu.enqueue_indirect_dma source(%dma_start3A_105 : memref<100000x64xf32, #tpu.memory_space<hbm>>) target(%arg25 : memref<50x64xf32, #tpu.memory_space<vmem>>) offsets(%dma_start3A_102 : memref<50xi32, #tpu.memory_space<vmem>>) semaphore(%arg35 : memref<!tpu.dma_semaphore, #tpu.memory_space<semaphore_mem>>)
      %dma_wait3A_106 = arith.constant 0 : i32
      %dma_wait3A_107 = tpu.memref_slice %arg15[%mul3A_91, %dma_wait3A_106] : memref<128x50xi32, #tpu.memory_space<vmem>> -> memref<1x50xi32, #tpu.memory_space<vmem>>
      %dma_wait3A_108 = tpu.memref_squeeze %dma_wait3A_107 : memref<1x50xi32, #tpu.memory_space<vmem>> -> memref<50xi32, #tpu.memory_space<vmem>>
      %dma_wait3A_109 = arith.constant 0 : i32
      %dma_wait3A_110 = arith.constant 0 : i32
      %dma_wait3A_111 = tpu.memref_slice %arg7[%dma_wait3A_109, %dma_wait3A_110] : memref<100000x64xf32, #tpu.memory_space<hbm>> -> memref<100000x64xf32, #tpu.memory_space<hbm>>
      tpu.wait_indirect_dma semaphore(%arg32 : memref<!tpu.dma_semaphore, #tpu.memory_space<semaphore_mem>>) src(%dma_wait3A_111 : memref<100000x64xf32, #tpu.memory_space<hbm>>) dst(%arg22 : memref<50x64xf32, #tpu.memory_space<vmem>>)
      %dma_wait3A_112 = arith.constant 0 : i32
      %dma_wait3A_113 = tpu.memref_slice %arg16[%mul3A_91, %dma_wait3A_112] : memref<128x50xi32, #tpu.memory_space<vmem>> -> memref<1x50xi32, #tpu.memory_space<vmem>>
      %dma_wait3A_114 = tpu.memref_squeeze %dma_wait3A_113 : memref<1x50xi32, #tpu.memory_space<vmem>> -> memref<50xi32, #tpu.memory_space<vmem>>
      %dma_wait3A_115 = arith.constant 0 : i32
      %dma_wait3A_116 = arith.constant 0 : i32
      %dma_wait3A_117 = tpu.memref_slice %arg7[%dma_wait3A_115, %dma_wait3A_116] : memref<100000x64xf32, #tpu.memory_space<hbm>> -> memref<100000x64xf32, #tpu.memory_space<hbm>>
      tpu.wait_indirect_dma semaphore(%arg34 : memref<!tpu.dma_semaphore, #tpu.memory_space<semaphore_mem>>) src(%dma_wait3A_117 : memref<100000x64xf32, #tpu.memory_space<hbm>>) dst(%arg24 : memref<50x64xf32, #tpu.memory_space<vmem>>)
      %get3A = arith.index_cast %mul3A_91 : i32 to index
      %get3A_118 = arith.constant 0 : index
      %get3A_119 = tpu.vector_load %arg21[%get3A, %get3A_118] {strides = array<i32>} : memref<128x64xf32, #tpu.memory_space<vmem>>, vector<16xf32>,
      %get3A_120 = arith.index_cast %mul3A_91 : i32 to index
      %get3A_121 = arith.constant 16 : index
      %get3A_122 = tpu.vector_load %arg21[%get3A_120, %get3A_121] {strides = array<i32>} : memref<128x64xf32, #tpu.memory_space<vmem>>, vector<16xf32>,
      %get3A_123 = arith.index_cast %mul3A_91 : i32 to index
      %get3A_124 = arith.constant 32 : index
      %get3A_125 = tpu.vector_load %arg21[%get3A_123, %get3A_124] {strides = array<i32>} : memref<128x64xf32, #tpu.memory_space<vmem>>, vector<16xf32>,
      %get3A_126 = arith.index_cast %mul3A_91 : i32 to index
      %get3A_127 = arith.constant 48 : index
      %get3A_128 = tpu.vector_load %arg21[%get3A_126, %get3A_127] {strides = array<i32>} : memref<128x64xf32, #tpu.memory_space<vmem>>, vector<16xf32>,
      %get3A_129 = arith.index_cast %mul3A_91 : i32 to index
      %get3A_130 = arith.constant 0 : index
      %get3A_131 = tpu.vector_load %arg20[%get3A_129, %get3A_130] {strides = array<i32>} : memref<128x64xf32, #tpu.memory_space<vmem>>, vector<16xf32>,
      %get3A_132 = arith.index_cast %mul3A_91 : i32 to index
      %get3A_133 = arith.constant 16 : index
      %get3A_134 = tpu.vector_load %arg20[%get3A_132, %get3A_133] {strides = array<i32>} : memref<128x64xf32, #tpu.memory_space<vmem>>, vector<16xf32>,
      %get3A_135 = arith.index_cast %mul3A_91 : i32 to index
      %get3A_136 = arith.constant 32 : index
      %get3A_137 = tpu.vector_load %arg20[%get3A_135, %get3A_136] {strides = array<i32>} : memref<128x64xf32, #tpu.memory_space<vmem>>, vector<16xf32>,
      %get3A_138 = arith.index_cast %mul3A_91 : i32 to index
      %get3A_139 = arith.constant 48 : index
      %get3A_140 = tpu.vector_load %arg20[%get3A_138, %get3A_139] {strides = array<i32>} : memref<128x64xf32, #tpu.memory_space<vmem>>, vector<16xf32>,
      %scan3A_141 = arith.constant 0 : i32
      %scan3A_142 = arith.constant 0 : i32
      %scan3A_143 = arith.constant 3 : i32
      %scan3A_144 = arith.addi %scan3A_142, %scan3A_143 : i32
      %scan3A_145 = arith.constant 1 : i32
      scf.for %scan3A_628 = %scan3A_142 to %scan3A_144 step %scan3A_145  : i32 {
        %mul3A_629 = arith.constant 16 : i32
        %mul3A_630 = arith.muli %scan3A_628, %mul3A_629 : i32
        %add3A_631 = arith.constant 0 : i32
        %add3A_632 = arith.addi %mul3A_630, %add3A_631 : i32
        %get3A_633 = arith.index_cast %add3A_632 : i32 to index
        %get3A_634 = arith.constant 0 : index
        %get3A_635 = tpu.vector_load %arg22[%get3A_633, %get3A_634] {strides = array<i32>} : memref<50x64xf32, #tpu.memory_space<vmem>>, vector<16xf32>,
        %get3A_636 = arith.index_cast %add3A_632 : i32 to index
        %get3A_637 = arith.constant 0 : index
        %get3A_638 = tpu.vector_load %arg24[%get3A_636, %get3A_637] {strides = array<i32>} : memref<50x64xf32, #tpu.memory_space<vmem>>, vector<16xf32>,
        %add3A_639 = arith.addf %get3A_635, %get3A_119 : vector<16xf32>
        %sub3A_640 = arith.subf %get3A_131, %get3A_638 : vector<16xf32>
        %mul3A_641 = arith.mulf %add3A_639, %add3A_639 : vector<16xf32>
        %mul3A_642 = arith.mulf %sub3A_640, %sub3A_640 : vector<16xf32>
        %get3A_643 = arith.index_cast %add3A_632 : i32 to index
        %get3A_644 = arith.constant 16 : index
        %get3A_645 = tpu.vector_load %arg22[%get3A_643, %get3A_644] {strides = array<i32>} : memref<50x64xf32, #tpu.memory_space<vmem>>, vector<16xf32>,
        %get3A_646 = arith.index_cast %add3A_632 : i32 to index
        %get3A_647 = arith.constant 16 : index
        %get3A_648 = tpu.vector_load %arg24[%get3A_646, %get3A_647] {strides = array<i32>} : memref<50x64xf32, #tpu.memory_space<vmem>>, vector<16xf32>,
        %add3A_649 = arith.addf %get3A_645, %get3A_122 : vector<16xf32>
        %sub3A_650 = arith.subf %get3A_134, %get3A_648 : vector<16xf32>
        %mul3A_651 = arith.mulf %add3A_649, %add3A_649 : vector<16xf32>
        %mul3A_652 = arith.mulf %sub3A_650, %sub3A_650 : vector<16xf32>
        %add3A_653 = arith.addf %mul3A_641, %mul3A_651 : vector<16xf32>
        %add3A_654 = arith.addf %mul3A_642, %mul3A_652 : vector<16xf32>
        %get3A_655 = arith.index_cast %add3A_632 : i32 to index
        %get3A_656 = arith.constant 32 : index
        %get3A_657 = tpu.vector_load %arg22[%get3A_655, %get3A_656] {strides = array<i32>} : memref<50x64xf32, #tpu.memory_space<vmem>>, vector<16xf32>,
        %get3A_658 = arith.index_cast %add3A_632 : i32 to index
        %get3A_659 = arith.constant 32 : index
        %get3A_660 = tpu.vector_load %arg24[%get3A_658, %get3A_659] {strides = array<i32>} : memref<50x64xf32, #tpu.memory_space<vmem>>, vector<16xf32>,
        %add3A_661 = arith.addf %get3A_657, %get3A_125 : vector<16xf32>
        %sub3A_662 = arith.subf %get3A_137, %get3A_660 : vector<16xf32>
        %mul3A_663 = arith.mulf %add3A_661, %add3A_661 : vector<16xf32>
        %mul3A_664 = arith.mulf %sub3A_662, %sub3A_662 : vector<16xf32>
        %add3A_665 = arith.addf %add3A_653, %mul3A_663 : vector<16xf32>
        %add3A_666 = arith.addf %add3A_654, %mul3A_664 : vector<16xf32>
        %get3A_667 = arith.index_cast %add3A_632 : i32 to index
        %get3A_668 = arith.constant 48 : index
        %get3A_669 = tpu.vector_load %arg22[%get3A_667, %get3A_668] {strides = array<i32>} : memref<50x64xf32, #tpu.memory_space<vmem>>, vector<16xf32>,
        %get3A_670 = arith.index_cast %add3A_632 : i32 to index
        %get3A_671 = arith.constant 48 : index
        %get3A_672 = tpu.vector_load %arg24[%get3A_670, %get3A_671] {strides = array<i32>} : memref<50x64xf32, #tpu.memory_space<vmem>>, vector<16xf32>,
        %add3A_673 = arith.addf %get3A_669, %get3A_128 : vector<16xf32>
        %sub3A_674 = arith.subf %get3A_140, %get3A_672 : vector<16xf32>
        %mul3A_675 = arith.mulf %add3A_673, %add3A_673 : vector<16xf32>
        %mul3A_676 = arith.mulf %sub3A_674, %sub3A_674 : vector<16xf32>
        %add3A_677 = arith.addf %add3A_665, %mul3A_675 : vector<16xf32>
        %add3A_678 = arith.addf %add3A_666, %mul3A_676 : vector<16xf32>
        %mul3A_679 = arith.constant 16 : i32
        %mul3A_680 = arith.muli %scan3A_628, %mul3A_679 : i32
        %add3A_681 = arith.constant 1 : i32
        %add3A_682 = arith.addi %mul3A_680, %add3A_681 : i32
        %get3A_683 = arith.index_cast %add3A_682 : i32 to index
        %get3A_684 = arith.constant 0 : index
        %get3A_685 = tpu.vector_load %arg22[%get3A_683, %get3A_684] {strides = array<i32>} : memref<50x64xf32, #tpu.memory_space<vmem>>, vector<16xf32>,
        %get3A_686 = arith.index_cast %add3A_682 : i32 to index
        %get3A_687 = arith.constant 0 : index
        %get3A_688 = tpu.vector_load %arg24[%get3A_686, %get3A_687] {strides = array<i32>} : memref<50x64xf32, #tpu.memory_space<vmem>>, vector<16xf32>,
        %add3A_689 = arith.addf %get3A_685, %get3A_119 : vector<16xf32>
        %sub3A_690 = arith.subf %get3A_131, %get3A_688 : vector<16xf32>
        %mul3A_691 = arith.mulf %add3A_689, %add3A_689 : vector<16xf32>
        %mul3A_692 = arith.mulf %sub3A_690, %sub3A_690 : vector<16xf32>
        %get3A_693 = arith.index_cast %add3A_682 : i32 to index
        %get3A_694 = arith.constant 16 : index
        %get3A_695 = tpu.vector_load %arg22[%get3A_693, %get3A_694] {strides = array<i32>} : memref<50x64xf32, #tpu.memory_space<vmem>>, vector<16xf32>,
        %get3A_696 = arith.index_cast %add3A_682 : i32 to index
        %get3A_697 = arith.constant 16 : index
        %get3A_698 = tpu.vector_load %arg24[%get3A_696, %get3A_697] {strides = array<i32>} : memref<50x64xf32, #tpu.memory_space<vmem>>, vector<16xf32>,
        %add3A_699 = arith.addf %get3A_695, %get3A_122 : vector<16xf32>
        %sub3A_700 = arith.subf %get3A_134, %get3A_698 : vector<16xf32>
        %mul3A_701 = arith.mulf %add3A_699, %add3A_699 : vector<16xf32>
        %mul3A_702 = arith.mulf %sub3A_700, %sub3A_700 : vector<16xf32>
        %add3A_703 = arith.addf %mul3A_691, %mul3A_701 : vector<16xf32>
        %add3A_704 = arith.addf %mul3A_692, %mul3A_702 : vector<16xf32>
        %get3A_705 = arith.index_cast %add3A_682 : i32 to index
        %get3A_706 = arith.constant 32 : index
        %get3A_707 = tpu.vector_load %arg22[%get3A_705, %get3A_706] {strides = array<i32>} : memref<50x64xf32, #tpu.memory_space<vmem>>, vector<16xf32>,
        %get3A_708 = arith.index_cast %add3A_682 : i32 to index
        %get3A_709 = arith.constant 32 : index
        %get3A_710 = tpu.vector_load %arg24[%get3A_708, %get3A_709] {strides = array<i32>} : memref<50x64xf32, #tpu.memory_space<vmem>>, vector<16xf32>,
        %add3A_711 = arith.addf %get3A_707, %get3A_125 : vector<16xf32>
        %sub3A_712 = arith.subf %get3A_137, %get3A_710 : vector<16xf32>
        %mul3A_713 = arith.mulf %add3A_711, %add3A_711 : vector<16xf32>
        %mul3A_714 = arith.mulf %sub3A_712, %sub3A_712 : vector<16xf32>
        %add3A_715 = arith.addf %add3A_703, %mul3A_713 : vector<16xf32>
        %add3A_716 = arith.addf %add3A_704, %mul3A_714 : vector<16xf32>
        %get3A_717 = arith.index_cast %add3A_682 : i32 to index
        %get3A_718 = arith.constant 48 : index
        %get3A_719 = tpu.vector_load %arg22[%get3A_717, %get3A_718] {strides = array<i32>} : memref<50x64xf32, #tpu.memory_space<vmem>>, vector<16xf32>,
        %get3A_720 = arith.index_cast %add3A_682 : i32 to index
        %get3A_721 = arith.constant 48 : index
        %get3A_722 = tpu.vector_load %arg24[%get3A_720, %get3A_721] {strides = array<i32>} : memref<50x64xf32, #tpu.memory_space<vmem>>, vector<16xf32>,
        %add3A_723 = arith.addf %get3A_719, %get3A_128 : vector<16xf32>
        %sub3A_724 = arith.subf %get3A_140, %get3A_722 : vector<16xf32>
        %mul3A_725 = arith.mulf %add3A_723, %add3A_723 : vector<16xf32>
        %mul3A_726 = arith.mulf %sub3A_724, %sub3A_724 : vector<16xf32>
        %add3A_727 = arith.addf %add3A_715, %mul3A_725 : vector<16xf32>
        %add3A_728 = arith.addf %add3A_716, %mul3A_726 : vector<16xf32>
        %select_n3A_729 = arith.select %eq3A_30, %add3A_727, %add3A_677 : vector<16xi1>, vector<16xf32>
        %select_n3A_730 = arith.select %eq3A_30, %add3A_677, %add3A_727 : vector<16xi1>, vector<16xf32>
        %lt3A_731 = arith.constant 0 : i32
        %lt3A_732 = vector.broadcast %lt3A_731 : i32 to vector<16xi32>
        %lt3A_733 = arith.cmpi slt, %xor3A_59, %lt3A_732 : vector<16xi32>
        %add3A_734 = arith.constant 16 : i32
        %add3A_735 = vector.broadcast %add3A_734 : i32 to vector<16xi32>
        %add3A_736 = arith.addi %xor3A_59, %add3A_735 : vector<16xi32>
        %select_n3A_737 = arith.select %lt3A_733, %add3A_736, %xor3A_59 : vector<16xi1>, vector<16xi32>
        %reshape3A_738 = vector.shape_cast %select_n3A_737 : vector<16xi32> to vector<16x1xi32>
        %gather3A_739 = vector.shape_cast %reshape3A_738 : vector<16x1xi32> to vector<16xi32>
        %gather3A_740 = tpu.dynamic_gather %select_n3A_730[%gather3A_739] in [0] : vector<16xf32>, vector<16xi32> -> vector<16xf32>
        %add3A_741 = arith.addf %select_n3A_729, %gather3A_740 : vector<16xf32>
        %select_n3A_742 = arith.select %eq3A_30, %add3A_728, %add3A_678 : vector<16xi1>, vector<16xf32>
        %select_n3A_743 = arith.select %eq3A_30, %add3A_678, %add3A_728 : vector<16xi1>, vector<16xf32>
        %lt3A_744 = arith.constant 0 : i32
        %lt3A_745 = vector.broadcast %lt3A_744 : i32 to vector<16xi32>
        %lt3A_746 = arith.cmpi slt, %xor3A_59, %lt3A_745 : vector<16xi32>
        %add3A_747 = arith.constant 16 : i32
        %add3A_748 = vector.broadcast %add3A_747 : i32 to vector<16xi32>
        %add3A_749 = arith.addi %xor3A_59, %add3A_748 : vector<16xi32>
        %select_n3A_750 = arith.select %lt3A_746, %add3A_749, %xor3A_59 : vector<16xi1>, vector<16xi32>
        %reshape3A_751 = vector.shape_cast %select_n3A_750 : vector<16xi32> to vector<16x1xi32>
        %gather3A_752 = vector.shape_cast %reshape3A_751 : vector<16x1xi32> to vector<16xi32>
        %gather3A_753 = tpu.dynamic_gather %select_n3A_743[%gather3A_752] in [0] : vector<16xf32>, vector<16xi32> -> vector<16xf32>
        %add3A_754 = arith.addf %select_n3A_742, %gather3A_753 : vector<16xf32>
        %mul3A_755 = arith.constant 16 : i32
        %mul3A_756 = arith.muli %scan3A_628, %mul3A_755 : i32
        %add3A_757 = arith.constant 2 : i32
        %add3A_758 = arith.addi %mul3A_756, %add3A_757 : i32
        %get3A_759 = arith.index_cast %add3A_758 : i32 to index
        %get3A_760 = arith.constant 0 : index
        %get3A_761 = tpu.vector_load %arg22[%get3A_759, %get3A_760] {strides = array<i32>} : memref<50x64xf32, #tpu.memory_space<vmem>>, vector<16xf32>,
        %get3A_762 = arith.index_cast %add3A_758 : i32 to index
        %get3A_763 = arith.constant 0 : index
        %get3A_764 = tpu.vector_load %arg24[%get3A_762, %get3A_763] {strides = array<i32>} : memref<50x64xf32, #tpu.memory_space<vmem>>, vector<16xf32>,
        %add3A_765 = arith.addf %get3A_761, %get3A_119 : vector<16xf32>
        %sub3A_766 = arith.subf %get3A_131, %get3A_764 : vector<16xf32>
        %mul3A_767 = arith.mulf %add3A_765, %add3A_765 : vector<16xf32>
        %mul3A_768 = arith.mulf %sub3A_766, %sub3A_766 : vector<16xf32>
        %get3A_769 = arith.index_cast %add3A_758 : i32 to index
        %get3A_770 = arith.constant 16 : index
        %get3A_771 = tpu.vector_load %arg22[%get3A_769, %get3A_770] {strides = array<i32>} : memref<50x64xf32, #tpu.memory_space<vmem>>, vector<16xf32>,
        %get3A_772 = arith.index_cast %add3A_758 : i32 to index
        %get3A_773 = arith.constant 16 : index
        %get3A_774 = tpu.vector_load %arg24[%get3A_772, %get3A_773] {strides = array<i32>} : memref<50x64xf32, #tpu.memory_space<vmem>>, vector<16xf32>,
        %add3A_775 = arith.addf %get3A_771, %get3A_122 : vector<16xf32>
        %sub3A_776 = arith.subf %get3A_134, %get3A_774 : vector<16xf32>
        %mul3A_777 = arith.mulf %add3A_775, %add3A_775 : vector<16xf32>
        %mul3A_778 = arith.mulf %sub3A_776, %sub3A_776 : vector<16xf32>
        %add3A_779 = arith.addf %mul3A_767, %mul3A_777 : vector<16xf32>
        %add3A_780 = arith.addf %mul3A_768, %mul3A_778 : vector<16xf32>
        %get3A_781 = arith.index_cast %add3A_758 : i32 to index
        %get3A_782 = arith.constant 32 : index
        %get3A_783 = tpu.vector_load %arg22[%get3A_781, %get3A_782] {strides = array<i32>} : memref<50x64xf32, #tpu.memory_space<vmem>>, vector<16xf32>,
        %get3A_784 = arith.index_cast %add3A_758 : i32 to index
        %get3A_785 = arith.constant 32 : index
        %get3A_786 = tpu.vector_load %arg24[%get3A_784, %get3A_785] {strides = array<i32>} : memref<50x64xf32, #tpu.memory_space<vmem>>, vector<16xf32>,
        %add3A_787 = arith.addf %get3A_783, %get3A_125 : vector<16xf32>
        %sub3A_788 = arith.subf %get3A_137, %get3A_786 : vector<16xf32>
        %mul3A_789 = arith.mulf %add3A_787, %add3A_787 : vector<16xf32>
        %mul3A_790 = arith.mulf %sub3A_788, %sub3A_788 : vector<16xf32>
        %add3A_791 = arith.addf %add3A_779, %mul3A_789 : vector<16xf32>
        %add3A_792 = arith.addf %add3A_780, %mul3A_790 : vector<16xf32>
        %get3A_793 = arith.index_cast %add3A_758 : i32 to index
        %get3A_794 = arith.constant 48 : index
        %get3A_795 = tpu.vector_load %arg22[%get3A_793, %get3A_794] {strides = array<i32>} : memref<50x64xf32, #tpu.memory_space<vmem>>, vector<16xf32>,
        %get3A_796 = arith.index_cast %add3A_758 : i32 to index
        %get3A_797 = arith.constant 48 : index
        %get3A_798 = tpu.vector_load %arg24[%get3A_796, %get3A_797] {strides = array<i32>} : memref<50x64xf32, #tpu.memory_space<vmem>>, vector<16xf32>,
        %add3A_799 = arith.addf %get3A_795, %get3A_128 : vector<16xf32>
        %sub3A_800 = arith.subf %get3A_140, %get3A_798 : vector<16xf32>
        %mul3A_801 = arith.mulf %add3A_799, %add3A_799 : vector<16xf32>
        %mul3A_802 = arith.mulf %sub3A_800, %sub3A_800 : vector<16xf32>
        %add3A_803 = arith.addf %add3A_791, %mul3A_801 : vector<16xf32>
        %add3A_804 = arith.addf %add3A_792, %mul3A_802 : vector<16xf32>
        %mul3A_805 = arith.constant 16 : i32
        %mul3A_806 = arith.muli %scan3A_628, %mul3A_805 : i32
        %add3A_807 = arith.constant 3 : i32
        %add3A_808 = arith.addi %mul3A_806, %add3A_807 : i32
        %get3A_809 = arith.index_cast %add3A_808 : i32 to index
        %get3A_810 = arith.constant 0 : index
        %get3A_811 = tpu.vector_load %arg22[%get3A_809, %get3A_810] {strides = array<i32>} : memref<50x64xf32, #tpu.memory_space<vmem>>, vector<16xf32>,
        %get3A_812 = arith.index_cast %add3A_808 : i32 to index
        %get3A_813 = arith.constant 0 : index
        %get3A_814 = tpu.vector_load %arg24[%get3A_812, %get3A_813] {strides = array<i32>} : memref<50x64xf32, #tpu.memory_space<vmem>>, vector<16xf32>,
        %add3A_815 = arith.addf %get3A_811, %get3A_119 : vector<16xf32>
        %sub3A_816 = arith.subf %get3A_131, %get3A_814 : vector<16xf32>
        %mul3A_817 = arith.mulf %add3A_815, %add3A_815 : vector<16xf32>
        %mul3A_818 = arith.mulf %sub3A_816, %sub3A_816 : vector<16xf32>
        %get3A_819 = arith.index_cast %add3A_808 : i32 to index
        %get3A_820 = arith.constant 16 : index
        %get3A_821 = tpu.vector_load %arg22[%get3A_819, %get3A_820] {strides = array<i32>} : memref<50x64xf32, #tpu.memory_space<vmem>>, vector<16xf32>,
        %get3A_822 = arith.index_cast %add3A_808 : i32 to index
        %get3A_823 = arith.constant 16 : index
        %get3A_824 = tpu.vector_load %arg24[%get3A_822, %get3A_823] {strides = array<i32>} : memref<50x64xf32, #tpu.memory_space<vmem>>, vector<16xf32>,
        %add3A_825 = arith.addf %get3A_821, %get3A_122 : vector<16xf32>
        %sub3A_826 = arith.subf %get3A_134, %get3A_824 : vector<16xf32>
        %mul3A_827 = arith.mulf %add3A_825, %add3A_825 : vector<16xf32>
        %mul3A_828 = arith.mulf %sub3A_826, %sub3A_826 : vector<16xf32>
        %add3A_829 = arith.addf %mul3A_817, %mul3A_827 : vector<16xf32>
        %add3A_830 = arith.addf %mul3A_818, %mul3A_828 : vector<16xf32>
        %get3A_831 = arith.index_cast %add3A_808 : i32 to index
        %get3A_832 = arith.constant 32 : index
        %get3A_833 = tpu.vector_load %arg22[%get3A_831, %get3A_832] {strides = array<i32>} : memref<50x64xf32, #tpu.memory_space<vmem>>, vector<16xf32>,
        %get3A_834 = arith.index_cast %add3A_808 : i32 to index
        %get3A_835 = arith.constant 32 : index
        %get3A_836 = tpu.vector_load %arg24[%get3A_834, %get3A_835] {strides = array<i32>} : memref<50x64xf32, #tpu.memory_space<vmem>>, vector<16xf32>,
        %add3A_837 = arith.addf %get3A_833, %get3A_125 : vector<16xf32>
        %sub3A_838 = arith.subf %get3A_137, %get3A_836 : vector<16xf32>
        %mul3A_839 = arith.mulf %add3A_837, %add3A_837 : vector<16xf32>
        %mul3A_840 = arith.mulf %sub3A_838, %sub3A_838 : vector<16xf32>
        %add3A_841 = arith.addf %add3A_829, %mul3A_839 : vector<16xf32>
        %add3A_842 = arith.addf %add3A_830, %mul3A_840 : vector<16xf32>
        %get3A_843 = arith.index_cast %add3A_808 : i32 to index
        %get3A_844 = arith.constant 48 : index
        %get3A_845 = tpu.vector_load %arg22[%get3A_843, %get3A_844] {strides = array<i32>} : memref<50x64xf32, #tpu.memory_space<vmem>>, vector<16xf32>,
        %get3A_846 = arith.index_cast %add3A_808 : i32 to index
        %get3A_847 = arith.constant 48 : index
        %get3A_848 = tpu.vector_load %arg24[%get3A_846, %get3A_847] {strides = array<i32>} : memref<50x64xf32, #tpu.memory_space<vmem>>, vector<16xf32>,
        %add3A_849 = arith.addf %get3A_845, %get3A_128 : vector<16xf32>
        %sub3A_850 = arith.subf %get3A_140, %get3A_848 : vector<16xf32>
        %mul3A_851 = arith.mulf %add3A_849, %add3A_849 : vector<16xf32>
        %mul3A_852 = arith.mulf %sub3A_850, %sub3A_850 : vector<16xf32>
        %add3A_853 = arith.addf %add3A_841, %mul3A_851 : vector<16xf32>
        %add3A_854 = arith.addf %add3A_842, %mul3A_852 : vector<16xf32>
        %select_n3A_855 = arith.select %eq3A_30, %add3A_853, %add3A_803 : vector<16xi1>, vector<16xf32>
        %select_n3A_856 = arith.select %eq3A_30, %add3A_803, %add3A_853 : vector<16xi1>, vector<16xf32>
        %lt3A_857 = arith.constant 0 : i32
        %lt3A_858 = vector.broadcast %lt3A_857 : i32 to vector<16xi32>
        %lt3A_859 = arith.cmpi slt, %xor3A_59, %lt3A_858 : vector<16xi32>
        %add3A_860 = arith.constant 16 : i32
        %add3A_861 = vector.broadcast %add3A_860 : i32 to vector<16xi32>
        %add3A_862 = arith.addi %xor3A_59, %add3A_861 : vector<16xi32>
        %select_n3A_863 = arith.select %lt3A_859, %add3A_862, %xor3A_59 : vector<16xi1>, vector<16xi32>
        %reshape3A_864 = vector.shape_cast %select_n3A_863 : vector<16xi32> to vector<16x1xi32>
        %gather3A_865 = vector.shape_cast %reshape3A_864 : vector<16x1xi32> to vector<16xi32>
        %gather3A_866 = tpu.dynamic_gather %select_n3A_856[%gather3A_865] in [0] : vector<16xf32>, vector<16xi32> -> vector<16xf32>
        %add3A_867 = arith.addf %select_n3A_855, %gather3A_866 : vector<16xf32>
        %select_n3A_868 = arith.select %eq3A_39, %add3A_867, %add3A_741 : vector<16xi1>, vector<16xf32>
        %select_n3A_869 = arith.select %eq3A_39, %add3A_741, %add3A_867 : vector<16xi1>, vector<16xf32>
        %lt3A_870 = arith.constant 0 : i32
        %lt3A_871 = vector.broadcast %lt3A_870 : i32 to vector<16xi32>
        %lt3A_872 = arith.cmpi slt, %xor3A_62, %lt3A_871 : vector<16xi32>
        %add3A_873 = arith.constant 16 : i32
        %add3A_874 = vector.broadcast %add3A_873 : i32 to vector<16xi32>
        %add3A_875 = arith.addi %xor3A_62, %add3A_874 : vector<16xi32>
        %select_n3A_876 = arith.select %lt3A_872, %add3A_875, %xor3A_62 : vector<16xi1>, vector<16xi32>
        %reshape3A_877 = vector.shape_cast %select_n3A_876 : vector<16xi32> to vector<16x1xi32>
        %gather3A_878 = vector.shape_cast %reshape3A_877 : vector<16x1xi32> to vector<16xi32>
        %gather3A_879 = tpu.dynamic_gather %select_n3A_869[%gather3A_878] in [0] : vector<16xf32>, vector<16xi32> -> vector<16xf32>
        %add3A_880 = arith.addf %select_n3A_868, %gather3A_879 : vector<16xf32>
        %select_n3A_881 = arith.select %eq3A_30, %add3A_854, %add3A_804 : vector<16xi1>, vector<16xf32>
        %select_n3A_882 = arith.select %eq3A_30, %add3A_804, %add3A_854 : vector<16xi1>, vector<16xf32>
        %lt3A_883 = arith.constant 0 : i32
        %lt3A_884 = vector.broadcast %lt3A_883 : i32 to vector<16xi32>
        %lt3A_885 = arith.cmpi slt, %xor3A_59, %lt3A_884 : vector<16xi32>
        %add3A_886 = arith.constant 16 : i32
        %add3A_887 = vector.broadcast %add3A_886 : i32 to vector<16xi32>
        %add3A_888 = arith.addi %xor3A_59, %add3A_887 : vector<16xi32>
        %select_n3A_889 = arith.select %lt3A_885, %add3A_888, %xor3A_59 : vector<16xi1>, vector<16xi32>
        %reshape3A_890 = vector.shape_cast %select_n3A_889 : vector<16xi32> to vector<16x1xi32>
        %gather3A_891 = vector.shape_cast %reshape3A_890 : vector<16x1xi32> to vector<16xi32>
        %gather3A_892 = tpu.dynamic_gather %select_n3A_882[%gather3A_891] in [0] : vector<16xf32>, vector<16xi32> -> vector<16xf32>
        %add3A_893 = arith.addf %select_n3A_881, %gather3A_892 : vector<16xf32>
        %select_n3A_894 = arith.select %eq3A_39, %add3A_893, %add3A_754 : vector<16xi1>, vector<16xf32>
        %select_n3A_895 = arith.select %eq3A_39, %add3A_754, %add3A_893 : vector<16xi1>, vector<16xf32>
        %lt3A_896 = arith.constant 0 : i32
        %lt3A_897 = vector.broadcast %lt3A_896 : i32 to vector<16xi32>
        %lt3A_898 = arith.cmpi slt, %xor3A_62, %lt3A_897 : vector<16xi32>
        %add3A_899 = arith.constant 16 : i32
        %add3A_900 = vector.broadcast %add3A_899 : i32 to vector<16xi32>
        %add3A_901 = arith.addi %xor3A_62, %add3A_900 : vector<16xi32>
        %select_n3A_902 = arith.select %lt3A_898, %add3A_901, %xor3A_62 : vector<16xi1>, vector<16xi32>
        %reshape3A_903 = vector.shape_cast %select_n3A_902 : vector<16xi32> to vector<16x1xi32>
        %gather3A_904 = vector.shape_cast %reshape3A_903 : vector<16x1xi32> to vector<16xi32>
        %gather3A_905 = tpu.dynamic_gather %select_n3A_895[%gather3A_904] in [0] : vector<16xf32>, vector<16xi32> -> vector<16xf32>
        %add3A_906 = arith.addf %select_n3A_894, %gather3A_905 : vector<16xf32>
        %mul3A_907 = arith.constant 16 : i32
        %mul3A_908 = arith.muli %scan3A_628, %mul3A_907 : i32
        %add3A_909 = arith.constant 4 : i32
        %add3A_910 = arith.addi %mul3A_908, %add3A_909 : i32
        %get3A_911 = arith.index_cast %add3A_910 : i32 to index
        %get3A_912 = arith.constant 0 : index
        %get3A_913 = tpu.vector_load %arg22[%get3A_911, %get3A_912] {strides = array<i32>} : memref<50x64xf32, #tpu.memory_space<vmem>>, vector<16xf32>,
        %get3A_914 = arith.index_cast %add3A_910 : i32 to index
        %get3A_915 = arith.constant 0 : index
        %get3A_916 = tpu.vector_load %arg24[%get3A_914, %get3A_915] {strides = array<i32>} : memref<50x64xf32, #tpu.memory_space<vmem>>, vector<16xf32>,
        %add3A_917 = arith.addf %get3A_913, %get3A_119 : vector<16xf32>
        %sub3A_918 = arith.subf %get3A_131, %get3A_916 : vector<16xf32>
        %mul3A_919 = arith.mulf %add3A_917, %add3A_917 : vector<16xf32>
        %mul3A_920 = arith.mulf %sub3A_918, %sub3A_918 : vector<16xf32>
        %get3A_921 = arith.index_cast %add3A_910 : i32 to index
        %get3A_922 = arith.constant 16 : index
        %get3A_923 = tpu.vector_load %arg22[%get3A_921, %get3A_922] {strides = array<i32>} : memref<50x64xf32, #tpu.memory_space<vmem>>, vector<16xf32>,
        %get3A_924 = arith.index_cast %add3A_910 : i32 to index
        %get3A_925 = arith.constant 16 : index
        %get3A_926 = tpu.vector_load %arg24[%get3A_924, %get3A_925] {strides = array<i32>} : memref<50x64xf32, #tpu.memory_space<vmem>>, vector<16xf32>,
        %add3A_927 = arith.addf %get3A_923, %get3A_122 : vector<16xf32>
        %sub3A_928 = arith.subf %get3A_134, %get3A_926 : vector<16xf32>
        %mul3A_929 = arith.mulf %add3A_927, %add3A_927 : vector<16xf32>
        %mul3A_930 = arith.mulf %sub3A_928, %sub3A_928 : vector<16xf32>
        %add3A_931 = arith.addf %mul3A_919, %mul3A_929 : vector<16xf32>
        %add3A_932 = arith.addf %mul3A_920, %mul3A_930 : vector<16xf32>
        %get3A_933 = arith.index_cast %add3A_910 : i32 to index
        %get3A_934 = arith.constant 32 : index
        %get3A_935 = tpu.vector_load %arg22[%get3A_933, %get3A_934] {strides = array<i32>} : memref<50x64xf32, #tpu.memory_space<vmem>>, vector<16xf32>,
        %get3A_936 = arith.index_cast %add3A_910 : i32 to index
        %get3A_937 = arith.constant 32 : index
        %get3A_938 = tpu.vector_load %arg24[%get3A_936, %get3A_937] {strides = array<i32>} : memref<50x64xf32, #tpu.memory_space<vmem>>, vector<16xf32>,
        %add3A_939 = arith.addf %get3A_935, %get3A_125 : vector<16xf32>
        %sub3A_940 = arith.subf %get3A_137, %get3A_938 : vector<16xf32>
        %mul3A_941 = arith.mulf %add3A_939, %add3A_939 : vector<16xf32>
        %mul3A_942 = arith.mulf %sub3A_940, %sub3A_940 : vector<16xf32>
        %add3A_943 = arith.addf %add3A_931, %mul3A_941 : vector<16xf32>
        %add3A_944 = arith.addf %add3A_932, %mul3A_942 : vector<16xf32>
        %get3A_945 = arith.index_cast %add3A_910 : i32 to index
        %get3A_946 = arith.constant 48 : index
        %get3A_947 = tpu.vector_load %arg22[%get3A_945, %get3A_946] {strides = array<i32>} : memref<50x64xf32, #tpu.memory_space<vmem>>, vector<16xf32>,
        %get3A_948 = arith.index_cast %add3A_910 : i32 to index
        %get3A_949 = arith.constant 48 : index
        %get3A_950 = tpu.vector_load %arg24[%get3A_948, %get3A_949] {strides = array<i32>} : memref<50x64xf32, #tpu.memory_space<vmem>>, vector<16xf32>,
        %add3A_951 = arith.addf %get3A_947, %get3A_128 : vector<16xf32>
        %sub3A_952 = arith.subf %get3A_140, %get3A_950 : vector<16xf32>
        %mul3A_953 = arith.mulf %add3A_951, %add3A_951 : vector<16xf32>
        %mul3A_954 = arith.mulf %sub3A_952, %sub3A_952 : vector<16xf32>
        %add3A_955 = arith.addf %add3A_943, %mul3A_953 : vector<16xf32>
        %add3A_956 = arith.addf %add3A_944, %mul3A_954 : vector<16xf32>
        %mul3A_957 = arith.constant 16 : i32
        %mul3A_958 = arith.muli %scan3A_628, %mul3A_957 : i32
        %add3A_959 = arith.constant 5 : i32
        %add3A_960 = arith.addi %mul3A_958, %add3A_959 : i32
        %get3A_961 = arith.index_cast %add3A_960 : i32 to index
        %get3A_962 = arith.constant 0 : index
        %get3A_963 = tpu.vector_load %arg22[%get3A_961, %get3A_962] {strides = array<i32>} : memref<50x64xf32, #tpu.memory_space<vmem>>, vector<16xf32>,
        %get3A_964 = arith.index_cast %add3A_960 : i32 to index
        %get3A_965 = arith.constant 0 : index
        %get3A_966 = tpu.vector_load %arg24[%get3A_964, %get3A_965] {strides = array<i32>} : memref<50x64xf32, #tpu.memory_space<vmem>>, vector<16xf32>,
        %add3A_967 = arith.addf %get3A_963, %get3A_119 : vector<16xf32>
        %sub3A_968 = arith.subf %get3A_131, %get3A_966 : vector<16xf32>
        %mul3A_969 = arith.mulf %add3A_967, %add3A_967 : vector<16xf32>
        %mul3A_970 = arith.mulf %sub3A_968, %sub3A_968 : vector<16xf32>
        %get3A_971 = arith.index_cast %add3A_960 : i32 to index
        %get3A_972 = arith.constant 16 : index
        %get3A_973 = tpu.vector_load %arg22[%get3A_971, %get3A_972] {strides = array<i32>} : memref<50x64xf32, #tpu.memory_space<vmem>>, vector<16xf32>,
        %get3A_974 = arith.index_cast %add3A_960 : i32 to index
        %get3A_975 = arith.constant 16 : index
        %get3A_976 = tpu.vector_load %arg24[%get3A_974, %get3A_975] {strides = array<i32>} : memref<50x64xf32, #tpu.memory_space<vmem>>, vector<16xf32>,
        %add3A_977 = arith.addf %get3A_973, %get3A_122 : vector<16xf32>
        %sub3A_978 = arith.subf %get3A_134, %get3A_976 : vector<16xf32>
        %mul3A_979 = arith.mulf %add3A_977, %add3A_977 : vector<16xf32>
        %mul3A_980 = arith.mulf %sub3A_978, %sub3A_978 : vector<16xf32>
        %add3A_981 = arith.addf %mul3A_969, %mul3A_979 : vector<16xf32>
        %add3A_982 = arith.addf %mul3A_970, %mul3A_980 : vector<16xf32>
        %get3A_983 = arith.index_cast %add3A_960 : i32 to index
        %get3A_984 = arith.constant 32 : index
        %get3A_985 = tpu.vector_load %arg22[%get3A_983, %get3A_984] {strides = array<i32>} : memref<50x64xf32, #tpu.memory_space<vmem>>, vector<16xf32>,
        %get3A_986 = arith.index_cast %add3A_960 : i32 to index
        %get3A_987 = arith.constant 32 : index
        %get3A_988 = tpu.vector_load %arg24[%get3A_986, %get3A_987] {strides = array<i32>} : memref<50x64xf32, #tpu.memory_space<vmem>>, vector<16xf32>,
        %add3A_989 = arith.addf %get3A_985, %get3A_125 : vector<16xf32>
        %sub3A_990 = arith.subf %get3A_137, %get3A_988 : vector<16xf32>
        %mul3A_991 = arith.mulf %add3A_989, %add3A_989 : vector<16xf32>
        %mul3A_992 = arith.mulf %sub3A_990, %sub3A_990 : vector<16xf32>
        %add3A_993 = arith.addf %add3A_981, %mul3A_991 : vector<16xf32>
        %add3A_994 = arith.addf %add3A_982, %mul3A_992 : vector<16xf32>
        %get3A_995 = arith.index_cast %add3A_960 : i32 to index
        %get3A_996 = arith.constant 48 : index
        %get3A_997 = tpu.vector_load %arg22[%get3A_995, %get3A_996] {strides = array<i32>} : memref<50x64xf32, #tpu.memory_space<vmem>>, vector<16xf32>,
        %get3A_998 = arith.index_cast %add3A_960 : i32 to index
        %get3A_999 = arith.constant 48 : index
        %get3A_1000 = tpu.vector_load %arg24[%get3A_998, %get3A_999] {strides = array<i32>} : memref<50x64xf32, #tpu.memory_space<vmem>>, vector<16xf32>,
        %add3A_1001 = arith.addf %get3A_997, %get3A_128 : vector<16xf32>
        %sub3A_1002 = arith.subf %get3A_140, %get3A_1000 : vector<16xf32>
        %mul3A_1003 = arith.mulf %add3A_1001, %add3A_1001 : vector<16xf32>
        %mul3A_1004 = arith.mulf %sub3A_1002, %sub3A_1002 : vector<16xf32>
        %add3A_1005 = arith.addf %add3A_993, %mul3A_1003 : vector<16xf32>
        %add3A_1006 = arith.addf %add3A_994, %mul3A_1004 : vector<16xf32>
        %select_n3A_1007 = arith.select %eq3A_30, %add3A_1005, %add3A_955 : vector<16xi1>, vector<16xf32>
        %select_n3A_1008 = arith.select %eq3A_30, %add3A_955, %add3A_1005 : vector<16xi1>, vector<16xf32>
        %lt3A_1009 = arith.constant 0 : i32
        %lt3A_1010 = vector.broadcast %lt3A_1009 : i32 to vector<16xi32>
        %lt3A_1011 = arith.cmpi slt, %xor3A_59, %lt3A_1010 : vector<16xi32>
        %add3A_1012 = arith.constant 16 : i32
        %add3A_1013 = vector.broadcast %add3A_1012 : i32 to vector<16xi32>
        %add3A_1014 = arith.addi %xor3A_59, %add3A_1013 : vector<16xi32>
        %select_n3A_1015 = arith.select %lt3A_1011, %add3A_1014, %xor3A_59 : vector<16xi1>, vector<16xi32>
        %reshape3A_1016 = vector.shape_cast %select_n3A_1015 : vector<16xi32> to vector<16x1xi32>
        %gather3A_1017 = vector.shape_cast %reshape3A_1016 : vector<16x1xi32> to vector<16xi32>
        %gather3A_1018 = tpu.dynamic_gather %select_n3A_1008[%gather3A_1017] in [0] : vector<16xf32>, vector<16xi32> -> vector<16xf32>
        %add3A_1019 = arith.addf %select_n3A_1007, %gather3A_1018 : vector<16xf32>
        %select_n3A_1020 = arith.select %eq3A_30, %add3A_1006, %add3A_956 : vector<16xi1>, vector<16xf32>
        %select_n3A_1021 = arith.select %eq3A_30, %add3A_956, %add3A_1006 : vector<16xi1>, vector<16xf32>
        %lt3A_1022 = arith.constant 0 : i32
        %lt3A_1023 = vector.broadcast %lt3A_1022 : i32 to vector<16xi32>
        %lt3A_1024 = arith.cmpi slt, %xor3A_59, %lt3A_1023 : vector<16xi32>
        %add3A_1025 = arith.constant 16 : i32
        %add3A_1026 = vector.broadcast %add3A_1025 : i32 to vector<16xi32>
        %add3A_1027 = arith.addi %xor3A_59, %add3A_1026 : vector<16xi32>
        %select_n3A_1028 = arith.select %lt3A_1024, %add3A_1027, %xor3A_59 : vector<16xi1>, vector<16xi32>
        %reshape3A_1029 = vector.shape_cast %select_n3A_1028 : vector<16xi32> to vector<16x1xi32>
        %gather3A_1030 = vector.shape_cast %reshape3A_1029 : vector<16x1xi32> to vector<16xi32>
        %gather3A_1031 = tpu.dynamic_gather %select_n3A_1021[%gather3A_1030] in [0] : vector<16xf32>, vector<16xi32> -> vector<16xf32>
        %add3A_1032 = arith.addf %select_n3A_1020, %gather3A_1031 : vector<16xf32>
        %mul3A_1033 = arith.constant 16 : i32
        %mul3A_1034 = arith.muli %scan3A_628, %mul3A_1033 : i32
        %add3A_1035 = arith.constant 6 : i32
        %add3A_1036 = arith.addi %mul3A_1034, %add3A_1035 : i32
        %get3A_1037 = arith.index_cast %add3A_1036 : i32 to index
        %get3A_1038 = arith.constant 0 : index
        %get3A_1039 = tpu.vector_load %arg22[%get3A_1037, %get3A_1038] {strides = array<i32>} : memref<50x64xf32, #tpu.memory_space<vmem>>, vector<16xf32>,
        %get3A_1040 = arith.index_cast %add3A_1036 : i32 to index
        %get3A_1041 = arith.constant 0 : index
        %get3A_1042 = tpu.vector_load %arg24[%get3A_1040, %get3A_1041] {strides = array<i32>} : memref<50x64xf32, #tpu.memory_space<vmem>>, vector<16xf32>,
        %add3A_1043 = arith.addf %get3A_1039, %get3A_119 : vector<16xf32>
        %sub3A_1044 = arith.subf %get3A_131, %get3A_1042 : vector<16xf32>
        %mul3A_1045 = arith.mulf %add3A_1043, %add3A_1043 : vector<16xf32>
        %mul3A_1046 = arith.mulf %sub3A_1044, %sub3A_1044 : vector<16xf32>
        %get3A_1047 = arith.index_cast %add3A_1036 : i32 to index
        %get3A_1048 = arith.constant 16 : index
        %get3A_1049 = tpu.vector_load %arg22[%get3A_1047, %get3A_1048] {strides = array<i32>} : memref<50x64xf32, #tpu.memory_space<vmem>>, vector<16xf32>,
        %get3A_1050 = arith.index_cast %add3A_1036 : i32 to index
        %get3A_1051 = arith.constant 16 : index
        %get3A_1052 = tpu.vector_load %arg24[%get3A_1050, %get3A_1051] {strides = array<i32>} : memref<50x64xf32, #tpu.memory_space<vmem>>, vector<16xf32>,
        %add3A_1053 = arith.addf %get3A_1049, %get3A_122 : vector<16xf32>
        %sub3A_1054 = arith.subf %get3A_134, %get3A_1052 : vector<16xf32>
        %mul3A_1055 = arith.mulf %add3A_1053, %add3A_1053 : vector<16xf32>
        %mul3A_1056 = arith.mulf %sub3A_1054, %sub3A_1054 : vector<16xf32>
        %add3A_1057 = arith.addf %mul3A_1045, %mul3A_1055 : vector<16xf32>
        %add3A_1058 = arith.addf %mul3A_1046, %mul3A_1056 : vector<16xf32>
        %get3A_1059 = arith.index_cast %add3A_1036 : i32 to index
        %get3A_1060 = arith.constant 32 : index
        %get3A_1061 = tpu.vector_load %arg22[%get3A_1059, %get3A_1060] {strides = array<i32>} : memref<50x64xf32, #tpu.memory_space<vmem>>, vector<16xf32>,
        %get3A_1062 = arith.index_cast %add3A_1036 : i32 to index
        %get3A_1063 = arith.constant 32 : index
        %get3A_1064 = tpu.vector_load %arg24[%get3A_1062, %get3A_1063] {strides = array<i32>} : memref<50x64xf32, #tpu.memory_space<vmem>>, vector<16xf32>,
        %add3A_1065 = arith.addf %get3A_1061, %get3A_125 : vector<16xf32>
        %sub3A_1066 = arith.subf %get3A_137, %get3A_1064 : vector<16xf32>
        %mul3A_1067 = arith.mulf %add3A_1065, %add3A_1065 : vector<16xf32>
        %mul3A_1068 = arith.mulf %sub3A_1066, %sub3A_1066 : vector<16xf32>
        %add3A_1069 = arith.addf %add3A_1057, %mul3A_1067 : vector<16xf32>
        %add3A_1070 = arith.addf %add3A_1058, %mul3A_1068 : vector<16xf32>
        %get3A_1071 = arith.index_cast %add3A_1036 : i32 to index
        %get3A_1072 = arith.constant 48 : index
        %get3A_1073 = tpu.vector_load %arg22[%get3A_1071, %get3A_1072] {strides = array<i32>} : memref<50x64xf32, #tpu.memory_space<vmem>>, vector<16xf32>,
        %get3A_1074 = arith.index_cast %add3A_1036 : i32 to index
        %get3A_1075 = arith.constant 48 : index
        %get3A_1076 = tpu.vector_load %arg24[%get3A_1074, %get3A_1075] {strides = array<i32>} : memref<50x64xf32, #tpu.memory_space<vmem>>, vector<16xf32>,
        %add3A_1077 = arith.addf %get3A_1073, %get3A_128 : vector<16xf32>
        %sub3A_1078 = arith.subf %get3A_140, %get3A_1076 : vector<16xf32>
        %mul3A_1079 = arith.mulf %add3A_1077, %add3A_1077 : vector<16xf32>
        %mul3A_1080 = arith.mulf %sub3A_1078, %sub3A_1078 : vector<16xf32>
        %add3A_1081 = arith.addf %add3A_1069, %mul3A_1079 : vector<16xf32>
        %add3A_1082 = arith.addf %add3A_1070, %mul3A_1080 : vector<16xf32>
        %mul3A_1083 = arith.constant 16 : i32
        %mul3A_1084 = arith.muli %scan3A_628, %mul3A_1083 : i32
        %add3A_1085 = arith.constant 7 : i32
        %add3A_1086 = arith.addi %mul3A_1084, %add3A_1085 : i32
        %get3A_1087 = arith.index_cast %add3A_1086 : i32 to index
        %get3A_1088 = arith.constant 0 : index
        %get3A_1089 = tpu.vector_load %arg22[%get3A_1087, %get3A_1088] {strides = array<i32>} : memref<50x64xf32, #tpu.memory_space<vmem>>, vector<16xf32>,
        %get3A_1090 = arith.index_cast %add3A_1086 : i32 to index
        %get3A_1091 = arith.constant 0 : index
        %get3A_1092 = tpu.vector_load %arg24[%get3A_1090, %get3A_1091] {strides = array<i32>} : memref<50x64xf32, #tpu.memory_space<vmem>>, vector<16xf32>,
        %add3A_1093 = arith.addf %get3A_1089, %get3A_119 : vector<16xf32>
        %sub3A_1094 = arith.subf %get3A_131, %get3A_1092 : vector<16xf32>
        %mul3A_1095 = arith.mulf %add3A_1093, %add3A_1093 : vector<16xf32>
        %mul3A_1096 = arith.mulf %sub3A_1094, %sub3A_1094 : vector<16xf32>
        %get3A_1097 = arith.index_cast %add3A_1086 : i32 to index
        %get3A_1098 = arith.constant 16 : index
        %get3A_1099 = tpu.vector_load %arg22[%get3A_1097, %get3A_1098] {strides = array<i32>} : memref<50x64xf32, #tpu.memory_space<vmem>>, vector<16xf32>,
        %get3A_1100 = arith.index_cast %add3A_1086 : i32 to index
        %get3A_1101 = arith.constant 16 : index
        %get3A_1102 = tpu.vector_load %arg24[%get3A_1100, %get3A_1101] {strides = array<i32>} : memref<50x64xf32, #tpu.memory_space<vmem>>, vector<16xf32>,
        %add3A_1103 = arith.addf %get3A_1099, %get3A_122 : vector<16xf32>
        %sub3A_1104 = arith.subf %get3A_134, %get3A_1102 : vector<16xf32>
        %mul3A_1105 = arith.mulf %add3A_1103, %add3A_1103 : vector<16xf32>
        %mul3A_1106 = arith.mulf %sub3A_1104, %sub3A_1104 : vector<16xf32>
        %add3A_1107 = arith.addf %mul3A_1095, %mul3A_1105 : vector<16xf32>
        %add3A_1108 = arith.addf %mul3A_1096, %mul3A_1106 : vector<16xf32>
        %get3A_1109 = arith.index_cast %add3A_1086 : i32 to index
        %get3A_1110 = arith.constant 32 : index
        %get3A_1111 = tpu.vector_load %arg22[%get3A_1109, %get3A_1110] {strides = array<i32>} : memref<50x64xf32, #tpu.memory_space<vmem>>, vector<16xf32>,
        %get3A_1112 = arith.index_cast %add3A_1086 : i32 to index
        %get3A_1113 = arith.constant 32 : index
        %get3A_1114 = tpu.vector_load %arg24[%get3A_1112, %get3A_1113] {strides = array<i32>} : memref<50x64xf32, #tpu.memory_space<vmem>>, vector<16xf32>,
        %add3A_1115 = arith.addf %get3A_1111, %get3A_125 : vector<16xf32>
        %sub3A_1116 = arith.subf %get3A_137, %get3A_1114 : vector<16xf32>
        %mul3A_1117 = arith.mulf %add3A_1115, %add3A_1115 : vector<16xf32>
        %mul3A_1118 = arith.mulf %sub3A_1116, %sub3A_1116 : vector<16xf32>
        %add3A_1119 = arith.addf %add3A_1107, %mul3A_1117 : vector<16xf32>
        %add3A_1120 = arith.addf %add3A_1108, %mul3A_1118 : vector<16xf32>
        %get3A_1121 = arith.index_cast %add3A_1086 : i32 to index
        %get3A_1122 = arith.constant 48 : index
        %get3A_1123 = tpu.vector_load %arg22[%get3A_1121, %get3A_1122] {strides = array<i32>} : memref<50x64xf32, #tpu.memory_space<vmem>>, vector<16xf32>,
        %get3A_1124 = arith.index_cast %add3A_1086 : i32 to index
        %get3A_1125 = arith.constant 48 : index
        %get3A_1126 = tpu.vector_load %arg24[%get3A_1124, %get3A_1125] {strides = array<i32>} : memref<50x64xf32, #tpu.memory_space<vmem>>, vector<16xf32>,
        %add3A_1127 = arith.addf %get3A_1123, %get3A_128 : vector<16xf32>
        %sub3A_1128 = arith.subf %get3A_140, %get3A_1126 : vector<16xf32>
        %mul3A_1129 = arith.mulf %add3A_1127, %add3A_1127 : vector<16xf32>
        %mul3A_1130 = arith.mulf %sub3A_1128, %sub3A_1128 : vector<16xf32>
        %add3A_1131 = arith.addf %add3A_1119, %mul3A_1129 : vector<16xf32>
        %add3A_1132 = arith.addf %add3A_1120, %mul3A_1130 : vector<16xf32>
        %select_n3A_1133 = arith.select %eq3A_30, %add3A_1131, %add3A_1081 : vector<16xi1>, vector<16xf32>
        %select_n3A_1134 = arith.select %eq3A_30, %add3A_1081, %add3A_1131 : vector<16xi1>, vector<16xf32>
        %lt3A_1135 = arith.constant 0 : i32
        %lt3A_1136 = vector.broadcast %lt3A_1135 : i32 to vector<16xi32>
        %lt3A_1137 = arith.cmpi slt, %xor3A_59, %lt3A_1136 : vector<16xi32>
        %add3A_1138 = arith.constant 16 : i32
        %add3A_1139 = vector.broadcast %add3A_1138 : i32 to vector<16xi32>
        %add3A_1140 = arith.addi %xor3A_59, %add3A_1139 : vector<16xi32>
        %select_n3A_1141 = arith.select %lt3A_1137, %add3A_1140, %xor3A_59 : vector<16xi1>, vector<16xi32>
        %reshape3A_1142 = vector.shape_cast %select_n3A_1141 : vector<16xi32> to vector<16x1xi32>
        %gather3A_1143 = vector.shape_cast %reshape3A_1142 : vector<16x1xi32> to vector<16xi32>
        %gather3A_1144 = tpu.dynamic_gather %select_n3A_1134[%gather3A_1143] in [0] : vector<16xf32>, vector<16xi32> -> vector<16xf32>
        %add3A_1145 = arith.addf %select_n3A_1133, %gather3A_1144 : vector<16xf32>
        %select_n3A_1146 = arith.select %eq3A_39, %add3A_1145, %add3A_1019 : vector<16xi1>, vector<16xf32>
        %select_n3A_1147 = arith.select %eq3A_39, %add3A_1019, %add3A_1145 : vector<16xi1>, vector<16xf32>
        %lt3A_1148 = arith.constant 0 : i32
        %lt3A_1149 = vector.broadcast %lt3A_1148 : i32 to vector<16xi32>
        %lt3A_1150 = arith.cmpi slt, %xor3A_62, %lt3A_1149 : vector<16xi32>
        %add3A_1151 = arith.constant 16 : i32
        %add3A_1152 = vector.broadcast %add3A_1151 : i32 to vector<16xi32>
        %add3A_1153 = arith.addi %xor3A_62, %add3A_1152 : vector<16xi32>
        %select_n3A_1154 = arith.select %lt3A_1150, %add3A_1153, %xor3A_62 : vector<16xi1>, vector<16xi32>
        %reshape3A_1155 = vector.shape_cast %select_n3A_1154 : vector<16xi32> to vector<16x1xi32>
        %gather3A_1156 = vector.shape_cast %reshape3A_1155 : vector<16x1xi32> to vector<16xi32>
        %gather3A_1157 = tpu.dynamic_gather %select_n3A_1147[%gather3A_1156] in [0] : vector<16xf32>, vector<16xi32> -> vector<16xf32>
        %add3A_1158 = arith.addf %select_n3A_1146, %gather3A_1157 : vector<16xf32>
        %select_n3A_1159 = arith.select %eq3A_48, %add3A_1158, %add3A_880 : vector<16xi1>, vector<16xf32>
        %select_n3A_1160 = arith.select %eq3A_48, %add3A_880, %add3A_1158 : vector<16xi1>, vector<16xf32>
        %lt3A_1161 = arith.constant 0 : i32
        %lt3A_1162 = vector.broadcast %lt3A_1161 : i32 to vector<16xi32>
        %lt3A_1163 = arith.cmpi slt, %xor3A_65, %lt3A_1162 : vector<16xi32>
        %add3A_1164 = arith.constant 16 : i32
        %add3A_1165 = vector.broadcast %add3A_1164 : i32 to vector<16xi32>
        %add3A_1166 = arith.addi %xor3A_65, %add3A_1165 : vector<16xi32>
        %select_n3A_1167 = arith.select %lt3A_1163, %add3A_1166, %xor3A_65 : vector<16xi1>, vector<16xi32>
        %reshape3A_1168 = vector.shape_cast %select_n3A_1167 : vector<16xi32> to vector<16x1xi32>
        %gather3A_1169 = vector.shape_cast %reshape3A_1168 : vector<16x1xi32> to vector<16xi32>
        %gather3A_1170 = tpu.dynamic_gather %select_n3A_1160[%gather3A_1169] in [0] : vector<16xf32>, vector<16xi32> -> vector<16xf32>
        %add3A_1171 = arith.addf %select_n3A_1159, %gather3A_1170 : vector<16xf32>
        %select_n3A_1172 = arith.select %eq3A_30, %add3A_1132, %add3A_1082 : vector<16xi1>, vector<16xf32>
        %select_n3A_1173 = arith.select %eq3A_30, %add3A_1082, %add3A_1132 : vector<16xi1>, vector<16xf32>
        %lt3A_1174 = arith.constant 0 : i32
        %lt3A_1175 = vector.broadcast %lt3A_1174 : i32 to vector<16xi32>
        %lt3A_1176 = arith.cmpi slt, %xor3A_59, %lt3A_1175 : vector<16xi32>
        %add3A_1177 = arith.constant 16 : i32
        %add3A_1178 = vector.broadcast %add3A_1177 : i32 to vector<16xi32>
        %add3A_1179 = arith.addi %xor3A_59, %add3A_1178 : vector<16xi32>
        %select_n3A_1180 = arith.select %lt3A_1176, %add3A_1179, %xor3A_59 : vector<16xi1>, vector<16xi32>
        %reshape3A_1181 = vector.shape_cast %select_n3A_1180 : vector<16xi32> to vector<16x1xi32>
        %gather3A_1182 = vector.shape_cast %reshape3A_1181 : vector<16x1xi32> to vector<16xi32>
        %gather3A_1183 = tpu.dynamic_gather %select_n3A_1173[%gather3A_1182] in [0] : vector<16xf32>, vector<16xi32> -> vector<16xf32>
        %add3A_1184 = arith.addf %select_n3A_1172, %gather3A_1183 : vector<16xf32>
        %select_n3A_1185 = arith.select %eq3A_39, %add3A_1184, %add3A_1032 : vector<16xi1>, vector<16xf32>
        %select_n3A_1186 = arith.select %eq3A_39, %add3A_1032, %add3A_1184 : vector<16xi1>, vector<16xf32>
        %lt3A_1187 = arith.constant 0 : i32
        %lt3A_1188 = vector.broadcast %lt3A_1187 : i32 to vector<16xi32>
        %lt3A_1189 = arith.cmpi slt, %xor3A_62, %lt3A_1188 : vector<16xi32>
        %add3A_1190 = arith.constant 16 : i32
        %add3A_1191 = vector.broadcast %add3A_1190 : i32 to vector<16xi32>
        %add3A_1192 = arith.addi %xor3A_62, %add3A_1191 : vector<16xi32>
        %select_n3A_1193 = arith.select %lt3A_1189, %add3A_1192, %xor3A_62 : vector<16xi1>, vector<16xi32>
        %reshape3A_1194 = vector.shape_cast %select_n3A_1193 : vector<16xi32> to vector<16x1xi32>
        %gather3A_1195 = vector.shape_cast %reshape3A_1194 : vector<16x1xi32> to vector<16xi32>
        %gather3A_1196 = tpu.dynamic_gather %select_n3A_1186[%gather3A_1195] in [0] : vector<16xf32>, vector<16xi32> -> vector<16xf32>
        %add3A_1197 = arith.addf %select_n3A_1185, %gather3A_1196 : vector<16xf32>
        %select_n3A_1198 = arith.select %eq3A_48, %add3A_1197, %add3A_906 : vector<16xi1>, vector<16xf32>
        %select_n3A_1199 = arith.select %eq3A_48, %add3A_906, %add3A_1197 : vector<16xi1>, vector<16xf32>
        %lt3A_1200 = arith.constant 0 : i32
        %lt3A_1201 = vector.broadcast %lt3A_1200 : i32 to vector<16xi32>
        %lt3A_1202 = arith.cmpi slt, %xor3A_65, %lt3A_1201 : vector<16xi32>
        %add3A_1203 = arith.constant 16 : i32
        %add3A_1204 = vector.broadcast %add3A_1203 : i32 to vector<16xi32>
        %add3A_1205 = arith.addi %xor3A_65, %add3A_1204 : vector<16xi32>
        %select_n3A_1206 = arith.select %lt3A_1202, %add3A_1205, %xor3A_65 : vector<16xi1>, vector<16xi32>
        %reshape3A_1207 = vector.shape_cast %select_n3A_1206 : vector<16xi32> to vector<16x1xi32>
        %gather3A_1208 = vector.shape_cast %reshape3A_1207 : vector<16x1xi32> to vector<16xi32>
        %gather3A_1209 = tpu.dynamic_gather %select_n3A_1199[%gather3A_1208] in [0] : vector<16xf32>, vector<16xi32> -> vector<16xf32>
        %add3A_1210 = arith.addf %select_n3A_1198, %gather3A_1209 : vector<16xf32>
        %mul3A_1211 = arith.constant 16 : i32
        %mul3A_1212 = arith.muli %scan3A_628, %mul3A_1211 : i32
        %add3A_1213 = arith.constant 8 : i32
        %add3A_1214 = arith.addi %mul3A_1212, %add3A_1213 : i32
        %get3A_1215 = arith.index_cast %add3A_1214 : i32 to index
        %get3A_1216 = arith.constant 0 : index
        %get3A_1217 = tpu.vector_load %arg22[%get3A_1215, %get3A_1216] {strides = array<i32>} : memref<50x64xf32, #tpu.memory_space<vmem>>, vector<16xf32>,
        %get3A_1218 = arith.index_cast %add3A_1214 : i32 to index
        %get3A_1219 = arith.constant 0 : index
        %get3A_1220 = tpu.vector_load %arg24[%get3A_1218, %get3A_1219] {strides = array<i32>} : memref<50x64xf32, #tpu.memory_space<vmem>>, vector<16xf32>,
        %add3A_1221 = arith.addf %get3A_1217, %get3A_119 : vector<16xf32>
        %sub3A_1222 = arith.subf %get3A_131, %get3A_1220 : vector<16xf32>
        %mul3A_1223 = arith.mulf %add3A_1221, %add3A_1221 : vector<16xf32>
        %mul3A_1224 = arith.mulf %sub3A_1222, %sub3A_1222 : vector<16xf32>
        %get3A_1225 = arith.index_cast %add3A_1214 : i32 to index
        %get3A_1226 = arith.constant 16 : index
        %get3A_1227 = tpu.vector_load %arg22[%get3A_1225, %get3A_1226] {strides = array<i32>} : memref<50x64xf32, #tpu.memory_space<vmem>>, vector<16xf32>,
        %get3A_1228 = arith.index_cast %add3A_1214 : i32 to index
        %get3A_1229 = arith.constant 16 : index
        %get3A_1230 = tpu.vector_load %arg24[%get3A_1228, %get3A_1229] {strides = array<i32>} : memref<50x64xf32, #tpu.memory_space<vmem>>, vector<16xf32>,
        %add3A_1231 = arith.addf %get3A_1227, %get3A_122 : vector<16xf32>
        %sub3A_1232 = arith.subf %get3A_134, %get3A_1230 : vector<16xf32>
        %mul3A_1233 = arith.mulf %add3A_1231, %add3A_1231 : vector<16xf32>
        %mul3A_1234 = arith.mulf %sub3A_1232, %sub3A_1232 : vector<16xf32>
        %add3A_1235 = arith.addf %mul3A_1223, %mul3A_1233 : vector<16xf32>
        %add3A_1236 = arith.addf %mul3A_1224, %mul3A_1234 : vector<16xf32>
        %get3A_1237 = arith.index_cast %add3A_1214 : i32 to index
        %get3A_1238 = arith.constant 32 : index
        %get3A_1239 = tpu.vector_load %arg22[%get3A_1237, %get3A_1238] {strides = array<i32>} : memref<50x64xf32, #tpu.memory_space<vmem>>, vector<16xf32>,
        %get3A_1240 = arith.index_cast %add3A_1214 : i32 to index
        %get3A_1241 = arith.constant 32 : index
        %get3A_1242 = tpu.vector_load %arg24[%get3A_1240, %get3A_1241] {strides = array<i32>} : memref<50x64xf32, #tpu.memory_space<vmem>>, vector<16xf32>,
        %add3A_1243 = arith.addf %get3A_1239, %get3A_125 : vector<16xf32>
        %sub3A_1244 = arith.subf %get3A_137, %get3A_1242 : vector<16xf32>
        %mul3A_1245 = arith.mulf %add3A_1243, %add3A_1243 : vector<16xf32>
        %mul3A_1246 = arith.mulf %sub3A_1244, %sub3A_1244 : vector<16xf32>
        %add3A_1247 = arith.addf %add3A_1235, %mul3A_1245 : vector<16xf32>
        %add3A_1248 = arith.addf %add3A_1236, %mul3A_1246 : vector<16xf32>
        %get3A_1249 = arith.index_cast %add3A_1214 : i32 to index
        %get3A_1250 = arith.constant 48 : index
        %get3A_1251 = tpu.vector_load %arg22[%get3A_1249, %get3A_1250] {strides = array<i32>} : memref<50x64xf32, #tpu.memory_space<vmem>>, vector<16xf32>,
        %get3A_1252 = arith.index_cast %add3A_1214 : i32 to index
        %get3A_1253 = arith.constant 48 : index
        %get3A_1254 = tpu.vector_load %arg24[%get3A_1252, %get3A_1253] {strides = array<i32>} : memref<50x64xf32, #tpu.memory_space<vmem>>, vector<16xf32>,
        %add3A_1255 = arith.addf %get3A_1251, %get3A_128 : vector<16xf32>
        %sub3A_1256 = arith.subf %get3A_140, %get3A_1254 : vector<16xf32>
        %mul3A_1257 = arith.mulf %add3A_1255, %add3A_1255 : vector<16xf32>
        %mul3A_1258 = arith.mulf %sub3A_1256, %sub3A_1256 : vector<16xf32>
        %add3A_1259 = arith.addf %add3A_1247, %mul3A_1257 : vector<16xf32>
        %add3A_1260 = arith.addf %add3A_1248, %mul3A_1258 : vector<16xf32>
        %mul3A_1261 = arith.constant 16 : i32
        %mul3A_1262 = arith.muli %scan3A_628, %mul3A_1261 : i32
        %add3A_1263 = arith.constant 9 : i32
        %add3A_1264 = arith.addi %mul3A_1262, %add3A_1263 : i32
        %get3A_1265 = arith.index_cast %add3A_1264 : i32 to index
        %get3A_1266 = arith.constant 0 : index
        %get3A_1267 = tpu.vector_load %arg22[%get3A_1265, %get3A_1266] {strides = array<i32>} : memref<50x64xf32, #tpu.memory_space<vmem>>, vector<16xf32>,
        %get3A_1268 = arith.index_cast %add3A_1264 : i32 to index
        %get3A_1269 = arith.constant 0 : index
        %get3A_1270 = tpu.vector_load %arg24[%get3A_1268, %get3A_1269] {strides = array<i32>} : memref<50x64xf32, #tpu.memory_space<vmem>>, vector<16xf32>,
        %add3A_1271 = arith.addf %get3A_1267, %get3A_119 : vector<16xf32>
        %sub3A_1272 = arith.subf %get3A_131, %get3A_1270 : vector<16xf32>
        %mul3A_1273 = arith.mulf %add3A_1271, %add3A_1271 : vector<16xf32>
        %mul3A_1274 = arith.mulf %sub3A_1272, %sub3A_1272 : vector<16xf32>
        %get3A_1275 = arith.index_cast %add3A_1264 : i32 to index
        %get3A_1276 = arith.constant 16 : index
        %get3A_1277 = tpu.vector_load %arg22[%get3A_1275, %get3A_1276] {strides = array<i32>} : memref<50x64xf32, #tpu.memory_space<vmem>>, vector<16xf32>,
        %get3A_1278 = arith.index_cast %add3A_1264 : i32 to index
        %get3A_1279 = arith.constant 16 : index
        %get3A_1280 = tpu.vector_load %arg24[%get3A_1278, %get3A_1279] {strides = array<i32>} : memref<50x64xf32, #tpu.memory_space<vmem>>, vector<16xf32>,
        %add3A_1281 = arith.addf %get3A_1277, %get3A_122 : vector<16xf32>
        %sub3A_1282 = arith.subf %get3A_134, %get3A_1280 : vector<16xf32>
        %mul3A_1283 = arith.mulf %add3A_1281, %add3A_1281 : vector<16xf32>
        %mul3A_1284 = arith.mulf %sub3A_1282, %sub3A_1282 : vector<16xf32>
        %add3A_1285 = arith.addf %mul3A_1273, %mul3A_1283 : vector<16xf32>
        %add3A_1286 = arith.addf %mul3A_1274, %mul3A_1284 : vector<16xf32>
        %get3A_1287 = arith.index_cast %add3A_1264 : i32 to index
        %get3A_1288 = arith.constant 32 : index
        %get3A_1289 = tpu.vector_load %arg22[%get3A_1287, %get3A_1288] {strides = array<i32>} : memref<50x64xf32, #tpu.memory_space<vmem>>, vector<16xf32>,
        %get3A_1290 = arith.index_cast %add3A_1264 : i32 to index
        %get3A_1291 = arith.constant 32 : index
        %get3A_1292 = tpu.vector_load %arg24[%get3A_1290, %get3A_1291] {strides = array<i32>} : memref<50x64xf32, #tpu.memory_space<vmem>>, vector<16xf32>,
        %add3A_1293 = arith.addf %get3A_1289, %get3A_125 : vector<16xf32>
        %sub3A_1294 = arith.subf %get3A_137, %get3A_1292 : vector<16xf32>
        %mul3A_1295 = arith.mulf %add3A_1293, %add3A_1293 : vector<16xf32>
        %mul3A_1296 = arith.mulf %sub3A_1294, %sub3A_1294 : vector<16xf32>
        %add3A_1297 = arith.addf %add3A_1285, %mul3A_1295 : vector<16xf32>
        %add3A_1298 = arith.addf %add3A_1286, %mul3A_1296 : vector<16xf32>
        %get3A_1299 = arith.index_cast %add3A_1264 : i32 to index
        %get3A_1300 = arith.constant 48 : index
        %get3A_1301 = tpu.vector_load %arg22[%get3A_1299, %get3A_1300] {strides = array<i32>} : memref<50x64xf32, #tpu.memory_space<vmem>>, vector<16xf32>,
        %get3A_1302 = arith.index_cast %add3A_1264 : i32 to index
        %get3A_1303 = arith.constant 48 : index
        %get3A_1304 = tpu.vector_load %arg24[%get3A_1302, %get3A_1303] {strides = array<i32>} : memref<50x64xf32, #tpu.memory_space<vmem>>, vector<16xf32>,
        %add3A_1305 = arith.addf %get3A_1301, %get3A_128 : vector<16xf32>
        %sub3A_1306 = arith.subf %get3A_140, %get3A_1304 : vector<16xf32>
        %mul3A_1307 = arith.mulf %add3A_1305, %add3A_1305 : vector<16xf32>
        %mul3A_1308 = arith.mulf %sub3A_1306, %sub3A_1306 : vector<16xf32>
        %add3A_1309 = arith.addf %add3A_1297, %mul3A_1307 : vector<16xf32>
        %add3A_1310 = arith.addf %add3A_1298, %mul3A_1308 : vector<16xf32>
        %select_n3A_1311 = arith.select %eq3A_30, %add3A_1309, %add3A_1259 : vector<16xi1>, vector<16xf32>
        %select_n3A_1312 = arith.select %eq3A_30, %add3A_1259, %add3A_1309 : vector<16xi1>, vector<16xf32>
        %lt3A_1313 = arith.constant 0 : i32
        %lt3A_1314 = vector.broadcast %lt3A_1313 : i32 to vector<16xi32>
        %lt3A_1315 = arith.cmpi slt, %xor3A_59, %lt3A_1314 : vector<16xi32>
        %add3A_1316 = arith.constant 16 : i32
        %add3A_1317 = vector.broadcast %add3A_1316 : i32 to vector<16xi32>
        %add3A_1318 = arith.addi %xor3A_59, %add3A_1317 : vector<16xi32>
        %select_n3A_1319 = arith.select %lt3A_1315, %add3A_1318, %xor3A_59 : vector<16xi1>, vector<16xi32>
        %reshape3A_1320 = vector.shape_cast %select_n3A_1319 : vector<16xi32> to vector<16x1xi32>
        %gather3A_1321 = vector.shape_cast %reshape3A_1320 : vector<16x1xi32> to vector<16xi32>
        %gather3A_1322 = tpu.dynamic_gather %select_n3A_1312[%gather3A_1321] in [0] : vector<16xf32>, vector<16xi32> -> vector<16xf32>
        %add3A_1323 = arith.addf %select_n3A_1311, %gather3A_1322 : vector<16xf32>
        %select_n3A_1324 = arith.select %eq3A_30, %add3A_1310, %add3A_1260 : vector<16xi1>, vector<16xf32>
        %select_n3A_1325 = arith.select %eq3A_30, %add3A_1260, %add3A_1310 : vector<16xi1>, vector<16xf32>
        %lt3A_1326 = arith.constant 0 : i32
        %lt3A_1327 = vector.broadcast %lt3A_1326 : i32 to vector<16xi32>
        %lt3A_1328 = arith.cmpi slt, %xor3A_59, %lt3A_1327 : vector<16xi32>
        %add3A_1329 = arith.constant 16 : i32
        %add3A_1330 = vector.broadcast %add3A_1329 : i32 to vector<16xi32>
        %add3A_1331 = arith.addi %xor3A_59, %add3A_1330 : vector<16xi32>
        %select_n3A_1332 = arith.select %lt3A_1328, %add3A_1331, %xor3A_59 : vector<16xi1>, vector<16xi32>
        %reshape3A_1333 = vector.shape_cast %select_n3A_1332 : vector<16xi32> to vector<16x1xi32>
        %gather3A_1334 = vector.shape_cast %reshape3A_1333 : vector<16x1xi32> to vector<16xi32>
        %gather3A_1335 = tpu.dynamic_gather %select_n3A_1325[%gather3A_1334] in [0] : vector<16xf32>, vector<16xi32> -> vector<16xf32>
        %add3A_1336 = arith.addf %select_n3A_1324, %gather3A_1335 : vector<16xf32>
        %mul3A_1337 = arith.constant 16 : i32
        %mul3A_1338 = arith.muli %scan3A_628, %mul3A_1337 : i32
        %add3A_1339 = arith.constant 10 : i32
        %add3A_1340 = arith.addi %mul3A_1338, %add3A_1339 : i32
        %get3A_1341 = arith.index_cast %add3A_1340 : i32 to index
        %get3A_1342 = arith.constant 0 : index
        %get3A_1343 = tpu.vector_load %arg22[%get3A_1341, %get3A_1342] {strides = array<i32>} : memref<50x64xf32, #tpu.memory_space<vmem>>, vector<16xf32>,
        %get3A_1344 = arith.index_cast %add3A_1340 : i32 to index
        %get3A_1345 = arith.constant 0 : index
        %get3A_1346 = tpu.vector_load %arg24[%get3A_1344, %get3A_1345] {strides = array<i32>} : memref<50x64xf32, #tpu.memory_space<vmem>>, vector<16xf32>,
        %add3A_1347 = arith.addf %get3A_1343, %get3A_119 : vector<16xf32>
        %sub3A_1348 = arith.subf %get3A_131, %get3A_1346 : vector<16xf32>
        %mul3A_1349 = arith.mulf %add3A_1347, %add3A_1347 : vector<16xf32>
        %mul3A_1350 = arith.mulf %sub3A_1348, %sub3A_1348 : vector<16xf32>
        %get3A_1351 = arith.index_cast %add3A_1340 : i32 to index
        %get3A_1352 = arith.constant 16 : index
        %get3A_1353 = tpu.vector_load %arg22[%get3A_1351, %get3A_1352] {strides = array<i32>} : memref<50x64xf32, #tpu.memory_space<vmem>>, vector<16xf32>,
        %get3A_1354 = arith.index_cast %add3A_1340 : i32 to index
        %get3A_1355 = arith.constant 16 : index
        %get3A_1356 = tpu.vector_load %arg24[%get3A_1354, %get3A_1355] {strides = array<i32>} : memref<50x64xf32, #tpu.memory_space<vmem>>, vector<16xf32>,
        %add3A_1357 = arith.addf %get3A_1353, %get3A_122 : vector<16xf32>
        %sub3A_1358 = arith.subf %get3A_134, %get3A_1356 : vector<16xf32>
        %mul3A_1359 = arith.mulf %add3A_1357, %add3A_1357 : vector<16xf32>
        %mul3A_1360 = arith.mulf %sub3A_1358, %sub3A_1358 : vector<16xf32>
        %add3A_1361 = arith.addf %mul3A_1349, %mul3A_1359 : vector<16xf32>
        %add3A_1362 = arith.addf %mul3A_1350, %mul3A_1360 : vector<16xf32>
        %get3A_1363 = arith.index_cast %add3A_1340 : i32 to index
        %get3A_1364 = arith.constant 32 : index
        %get3A_1365 = tpu.vector_load %arg22[%get3A_1363, %get3A_1364] {strides = array<i32>} : memref<50x64xf32, #tpu.memory_space<vmem>>, vector<16xf32>,
        %get3A_1366 = arith.index_cast %add3A_1340 : i32 to index
        %get3A_1367 = arith.constant 32 : index
        %get3A_1368 = tpu.vector_load %arg24[%get3A_1366, %get3A_1367] {strides = array<i32>} : memref<50x64xf32, #tpu.memory_space<vmem>>, vector<16xf32>,
        %add3A_1369 = arith.addf %get3A_1365, %get3A_125 : vector<16xf32>
        %sub3A_1370 = arith.subf %get3A_137, %get3A_1368 : vector<16xf32>
        %mul3A_1371 = arith.mulf %add3A_1369, %add3A_1369 : vector<16xf32>
        %mul3A_1372 = arith.mulf %sub3A_1370, %sub3A_1370 : vector<16xf32>
        %add3A_1373 = arith.addf %add3A_1361, %mul3A_1371 : vector<16xf32>
        %add3A_1374 = arith.addf %add3A_1362, %mul3A_1372 : vector<16xf32>
        %get3A_1375 = arith.index_cast %add3A_1340 : i32 to index
        %get3A_1376 = arith.constant 48 : index
        %get3A_1377 = tpu.vector_load %arg22[%get3A_1375, %get3A_1376] {strides = array<i32>} : memref<50x64xf32, #tpu.memory_space<vmem>>, vector<16xf32>,
        %get3A_1378 = arith.index_cast %add3A_1340 : i32 to index
        %get3A_1379 = arith.constant 48 : index
        %get3A_1380 = tpu.vector_load %arg24[%get3A_1378, %get3A_1379] {strides = array<i32>} : memref<50x64xf32, #tpu.memory_space<vmem>>, vector<16xf32>,
        %add3A_1381 = arith.addf %get3A_1377, %get3A_128 : vector<16xf32>
        %sub3A_1382 = arith.subf %get3A_140, %get3A_1380 : vector<16xf32>
        %mul3A_1383 = arith.mulf %add3A_1381, %add3A_1381 : vector<16xf32>
        %mul3A_1384 = arith.mulf %sub3A_1382, %sub3A_1382 : vector<16xf32>
        %add3A_1385 = arith.addf %add3A_1373, %mul3A_1383 : vector<16xf32>
        %add3A_1386 = arith.addf %add3A_1374, %mul3A_1384 : vector<16xf32>
        %mul3A_1387 = arith.constant 16 : i32
        %mul3A_1388 = arith.muli %scan3A_628, %mul3A_1387 : i32
        %add3A_1389 = arith.constant 11 : i32
        %add3A_1390 = arith.addi %mul3A_1388, %add3A_1389 : i32
        %get3A_1391 = arith.index_cast %add3A_1390 : i32 to index
        %get3A_1392 = arith.constant 0 : index
        %get3A_1393 = tpu.vector_load %arg22[%get3A_1391, %get3A_1392] {strides = array<i32>} : memref<50x64xf32, #tpu.memory_space<vmem>>, vector<16xf32>,
        %get3A_1394 = arith.index_cast %add3A_1390 : i32 to index
        %get3A_1395 = arith.constant 0 : index
        %get3A_1396 = tpu.vector_load %arg24[%get3A_1394, %get3A_1395] {strides = array<i32>} : memref<50x64xf32, #tpu.memory_space<vmem>>, vector<16xf32>,
        %add3A_1397 = arith.addf %get3A_1393, %get3A_119 : vector<16xf32>
        %sub3A_1398 = arith.subf %get3A_131, %get3A_1396 : vector<16xf32>
        %mul3A_1399 = arith.mulf %add3A_1397, %add3A_1397 : vector<16xf32>
        %mul3A_1400 = arith.mulf %sub3A_1398, %sub3A_1398 : vector<16xf32>
        %get3A_1401 = arith.index_cast %add3A_1390 : i32 to index
        %get3A_1402 = arith.constant 16 : index
        %get3A_1403 = tpu.vector_load %arg22[%get3A_1401, %get3A_1402] {strides = array<i32>} : memref<50x64xf32, #tpu.memory_space<vmem>>, vector<16xf32>,
        %get3A_1404 = arith.index_cast %add3A_1390 : i32 to index
        %get3A_1405 = arith.constant 16 : index
        %get3A_1406 = tpu.vector_load %arg24[%get3A_1404, %get3A_1405] {strides = array<i32>} : memref<50x64xf32, #tpu.memory_space<vmem>>, vector<16xf32>,
        %add3A_1407 = arith.addf %get3A_1403, %get3A_122 : vector<16xf32>
        %sub3A_1408 = arith.subf %get3A_134, %get3A_1406 : vector<16xf32>
        %mul3A_1409 = arith.mulf %add3A_1407, %add3A_1407 : vector<16xf32>
        %mul3A_1410 = arith.mulf %sub3A_1408, %sub3A_1408 : vector<16xf32>
        %add3A_1411 = arith.addf %mul3A_1399, %mul3A_1409 : vector<16xf32>
        %add3A_1412 = arith.addf %mul3A_1400, %mul3A_1410 : vector<16xf32>
        %get3A_1413 = arith.index_cast %add3A_1390 : i32 to index
        %get3A_1414 = arith.constant 32 : index
        %get3A_1415 = tpu.vector_load %arg22[%get3A_1413, %get3A_1414] {strides = array<i32>} : memref<50x64xf32, #tpu.memory_space<vmem>>, vector<16xf32>,
        %get3A_1416 = arith.index_cast %add3A_1390 : i32 to index
        %get3A_1417 = arith.constant 32 : index
        %get3A_1418 = tpu.vector_load %arg24[%get3A_1416, %get3A_1417] {strides = array<i32>} : memref<50x64xf32, #tpu.memory_space<vmem>>, vector<16xf32>,
        %add3A_1419 = arith.addf %get3A_1415, %get3A_125 : vector<16xf32>
        %sub3A_1420 = arith.subf %get3A_137, %get3A_1418 : vector<16xf32>
        %mul3A_1421 = arith.mulf %add3A_1419, %add3A_1419 : vector<16xf32>
        %mul3A_1422 = arith.mulf %sub3A_1420, %sub3A_1420 : vector<16xf32>
        %add3A_1423 = arith.addf %add3A_1411, %mul3A_1421 : vector<16xf32>
        %add3A_1424 = arith.addf %add3A_1412, %mul3A_1422 : vector<16xf32>
        %get3A_1425 = arith.index_cast %add3A_1390 : i32 to index
        %get3A_1426 = arith.constant 48 : index
        %get3A_1427 = tpu.vector_load %arg22[%get3A_1425, %get3A_1426] {strides = array<i32>} : memref<50x64xf32, #tpu.memory_space<vmem>>, vector<16xf32>,
        %get3A_1428 = arith.index_cast %add3A_1390 : i32 to index
        %get3A_1429 = arith.constant 48 : index
        %get3A_1430 = tpu.vector_load %arg24[%get3A_1428, %get3A_1429] {strides = array<i32>} : memref<50x64xf32, #tpu.memory_space<vmem>>, vector<16xf32>,
        %add3A_1431 = arith.addf %get3A_1427, %get3A_128 : vector<16xf32>
        %sub3A_1432 = arith.subf %get3A_140, %get3A_1430 : vector<16xf32>
        %mul3A_1433 = arith.mulf %add3A_1431, %add3A_1431 : vector<16xf32>
        %mul3A_1434 = arith.mulf %sub3A_1432, %sub3A_1432 : vector<16xf32>
        %add3A_1435 = arith.addf %add3A_1423, %mul3A_1433 : vector<16xf32>
        %add3A_1436 = arith.addf %add3A_1424, %mul3A_1434 : vector<16xf32>
        %select_n3A_1437 = arith.select %eq3A_30, %add3A_1435, %add3A_1385 : vector<16xi1>, vector<16xf32>
        %select_n3A_1438 = arith.select %eq3A_30, %add3A_1385, %add3A_1435 : vector<16xi1>, vector<16xf32>
        %lt3A_1439 = arith.constant 0 : i32
        %lt3A_1440 = vector.broadcast %lt3A_1439 : i32 to vector<16xi32>
        %lt3A_1441 = arith.cmpi slt, %xor3A_59, %lt3A_1440 : vector<16xi32>
        %add3A_1442 = arith.constant 16 : i32
        %add3A_1443 = vector.broadcast %add3A_1442 : i32 to vector<16xi32>
        %add3A_1444 = arith.addi %xor3A_59, %add3A_1443 : vector<16xi32>
        %select_n3A_1445 = arith.select %lt3A_1441, %add3A_1444, %xor3A_59 : vector<16xi1>, vector<16xi32>
        %reshape3A_1446 = vector.shape_cast %select_n3A_1445 : vector<16xi32> to vector<16x1xi32>
        %gather3A_1447 = vector.shape_cast %reshape3A_1446 : vector<16x1xi32> to vector<16xi32>
        %gather3A_1448 = tpu.dynamic_gather %select_n3A_1438[%gather3A_1447] in [0] : vector<16xf32>, vector<16xi32> -> vector<16xf32>
        %add3A_1449 = arith.addf %select_n3A_1437, %gather3A_1448 : vector<16xf32>
        %select_n3A_1450 = arith.select %eq3A_39, %add3A_1449, %add3A_1323 : vector<16xi1>, vector<16xf32>
        %select_n3A_1451 = arith.select %eq3A_39, %add3A_1323, %add3A_1449 : vector<16xi1>, vector<16xf32>
        %lt3A_1452 = arith.constant 0 : i32
        %lt3A_1453 = vector.broadcast %lt3A_1452 : i32 to vector<16xi32>
        %lt3A_1454 = arith.cmpi slt, %xor3A_62, %lt3A_1453 : vector<16xi32>
        %add3A_1455 = arith.constant 16 : i32
        %add3A_1456 = vector.broadcast %add3A_1455 : i32 to vector<16xi32>
        %add3A_1457 = arith.addi %xor3A_62, %add3A_1456 : vector<16xi32>
        %select_n3A_1458 = arith.select %lt3A_1454, %add3A_1457, %xor3A_62 : vector<16xi1>, vector<16xi32>
        %reshape3A_1459 = vector.shape_cast %select_n3A_1458 : vector<16xi32> to vector<16x1xi32>
        %gather3A_1460 = vector.shape_cast %reshape3A_1459 : vector<16x1xi32> to vector<16xi32>
        %gather3A_1461 = tpu.dynamic_gather %select_n3A_1451[%gather3A_1460] in [0] : vector<16xf32>, vector<16xi32> -> vector<16xf32>
        %add3A_1462 = arith.addf %select_n3A_1450, %gather3A_1461 : vector<16xf32>
        %select_n3A_1463 = arith.select %eq3A_30, %add3A_1436, %add3A_1386 : vector<16xi1>, vector<16xf32>
        %select_n3A_1464 = arith.select %eq3A_30, %add3A_1386, %add3A_1436 : vector<16xi1>, vector<16xf32>
        %lt3A_1465 = arith.constant 0 : i32
        %lt3A_1466 = vector.broadcast %lt3A_1465 : i32 to vector<16xi32>
        %lt3A_1467 = arith.cmpi slt, %xor3A_59, %lt3A_1466 : vector<16xi32>
        %add3A_1468 = arith.constant 16 : i32
        %add3A_1469 = vector.broadcast %add3A_1468 : i32 to vector<16xi32>
        %add3A_1470 = arith.addi %xor3A_59, %add3A_1469 : vector<16xi32>
        %select_n3A_1471 = arith.select %lt3A_1467, %add3A_1470, %xor3A_59 : vector<16xi1>, vector<16xi32>
        %reshape3A_1472 = vector.shape_cast %select_n3A_1471 : vector<16xi32> to vector<16x1xi32>
        %gather3A_1473 = vector.shape_cast %reshape3A_1472 : vector<16x1xi32> to vector<16xi32>
        %gather3A_1474 = tpu.dynamic_gather %select_n3A_1464[%gather3A_1473] in [0] : vector<16xf32>, vector<16xi32> -> vector<16xf32>
        %add3A_1475 = arith.addf %select_n3A_1463, %gather3A_1474 : vector<16xf32>
        %select_n3A_1476 = arith.select %eq3A_39, %add3A_1475, %add3A_1336 : vector<16xi1>, vector<16xf32>
        %select_n3A_1477 = arith.select %eq3A_39, %add3A_1336, %add3A_1475 : vector<16xi1>, vector<16xf32>
        %lt3A_1478 = arith.constant 0 : i32
        %lt3A_1479 = vector.broadcast %lt3A_1478 : i32 to vector<16xi32>
        %lt3A_1480 = arith.cmpi slt, %xor3A_62, %lt3A_1479 : vector<16xi32>
        %add3A_1481 = arith.constant 16 : i32
        %add3A_1482 = vector.broadcast %add3A_1481 : i32 to vector<16xi32>
        %add3A_1483 = arith.addi %xor3A_62, %add3A_1482 : vector<16xi32>
        %select_n3A_1484 = arith.select %lt3A_1480, %add3A_1483, %xor3A_62 : vector<16xi1>, vector<16xi32>
        %reshape3A_1485 = vector.shape_cast %select_n3A_1484 : vector<16xi32> to vector<16x1xi32>
        %gather3A_1486 = vector.shape_cast %reshape3A_1485 : vector<16x1xi32> to vector<16xi32>
        %gather3A_1487 = tpu.dynamic_gather %select_n3A_1477[%gather3A_1486] in [0] : vector<16xf32>, vector<16xi32> -> vector<16xf32>
        %add3A_1488 = arith.addf %select_n3A_1476, %gather3A_1487 : vector<16xf32>
        %mul3A_1489 = arith.constant 16 : i32
        %mul3A_1490 = arith.muli %scan3A_628, %mul3A_1489 : i32
        %add3A_1491 = arith.constant 12 : i32
        %add3A_1492 = arith.addi %mul3A_1490, %add3A_1491 : i32
        %get3A_1493 = arith.index_cast %add3A_1492 : i32 to index
        %get3A_1494 = arith.constant 0 : index
        %get3A_1495 = tpu.vector_load %arg22[%get3A_1493, %get3A_1494] {strides = array<i32>} : memref<50x64xf32, #tpu.memory_space<vmem>>, vector<16xf32>,
        %get3A_1496 = arith.index_cast %add3A_1492 : i32 to index
        %get3A_1497 = arith.constant 0 : index
        %get3A_1498 = tpu.vector_load %arg24[%get3A_1496, %get3A_1497] {strides = array<i32>} : memref<50x64xf32, #tpu.memory_space<vmem>>, vector<16xf32>,
        %add3A_1499 = arith.addf %get3A_1495, %get3A_119 : vector<16xf32>
        %sub3A_1500 = arith.subf %get3A_131, %get3A_1498 : vector<16xf32>
        %mul3A_1501 = arith.mulf %add3A_1499, %add3A_1499 : vector<16xf32>
        %mul3A_1502 = arith.mulf %sub3A_1500, %sub3A_1500 : vector<16xf32>
        %get3A_1503 = arith.index_cast %add3A_1492 : i32 to index
        %get3A_1504 = arith.constant 16 : index
        %get3A_1505 = tpu.vector_load %arg22[%get3A_1503, %get3A_1504] {strides = array<i32>} : memref<50x64xf32, #tpu.memory_space<vmem>>, vector<16xf32>,
        %get3A_1506 = arith.index_cast %add3A_1492 : i32 to index
        %get3A_1507 = arith.constant 16 : index
        %get3A_1508 = tpu.vector_load %arg24[%get3A_1506, %get3A_1507] {strides = array<i32>} : memref<50x64xf32, #tpu.memory_space<vmem>>, vector<16xf32>,
        %add3A_1509 = arith.addf %get3A_1505, %get3A_122 : vector<16xf32>
        %sub3A_1510 = arith.subf %get3A_134, %get3A_1508 : vector<16xf32>
        %mul3A_1511 = arith.mulf %add3A_1509, %add3A_1509 : vector<16xf32>
        %mul3A_1512 = arith.mulf %sub3A_1510, %sub3A_1510 : vector<16xf32>
        %add3A_1513 = arith.addf %mul3A_1501, %mul3A_1511 : vector<16xf32>
        %add3A_1514 = arith.addf %mul3A_1502, %mul3A_1512 : vector<16xf32>
        %get3A_1515 = arith.index_cast %add3A_1492 : i32 to index
        %get3A_1516 = arith.constant 32 : index
        %get3A_1517 = tpu.vector_load %arg22[%get3A_1515, %get3A_1516] {strides = array<i32>} : memref<50x64xf32, #tpu.memory_space<vmem>>, vector<16xf32>,
        %get3A_1518 = arith.index_cast %add3A_1492 : i32 to index
        %get3A_1519 = arith.constant 32 : index
        %get3A_1520 = tpu.vector_load %arg24[%get3A_1518, %get3A_1519] {strides = array<i32>} : memref<50x64xf32, #tpu.memory_space<vmem>>, vector<16xf32>,
        %add3A_1521 = arith.addf %get3A_1517, %get3A_125 : vector<16xf32>
        %sub3A_1522 = arith.subf %get3A_137, %get3A_1520 : vector<16xf32>
        %mul3A_1523 = arith.mulf %add3A_1521, %add3A_1521 : vector<16xf32>
        %mul3A_1524 = arith.mulf %sub3A_1522, %sub3A_1522 : vector<16xf32>
        %add3A_1525 = arith.addf %add3A_1513, %mul3A_1523 : vector<16xf32>
        %add3A_1526 = arith.addf %add3A_1514, %mul3A_1524 : vector<16xf32>
        %get3A_1527 = arith.index_cast %add3A_1492 : i32 to index
        %get3A_1528 = arith.constant 48 : index
        %get3A_1529 = tpu.vector_load %arg22[%get3A_1527, %get3A_1528] {strides = array<i32>} : memref<50x64xf32, #tpu.memory_space<vmem>>, vector<16xf32>,
        %get3A_1530 = arith.index_cast %add3A_1492 : i32 to index
        %get3A_1531 = arith.constant 48 : index
        %get3A_1532 = tpu.vector_load %arg24[%get3A_1530, %get3A_1531] {strides = array<i32>} : memref<50x64xf32, #tpu.memory_space<vmem>>, vector<16xf32>,
        %add3A_1533 = arith.addf %get3A_1529, %get3A_128 : vector<16xf32>
        %sub3A_1534 = arith.subf %get3A_140, %get3A_1532 : vector<16xf32>
        %mul3A_1535 = arith.mulf %add3A_1533, %add3A_1533 : vector<16xf32>
        %mul3A_1536 = arith.mulf %sub3A_1534, %sub3A_1534 : vector<16xf32>
        %add3A_1537 = arith.addf %add3A_1525, %mul3A_1535 : vector<16xf32>
        %add3A_1538 = arith.addf %add3A_1526, %mul3A_1536 : vector<16xf32>
        %mul3A_1539 = arith.constant 16 : i32
        %mul3A_1540 = arith.muli %scan3A_628, %mul3A_1539 : i32
        %add3A_1541 = arith.constant 13 : i32
        %add3A_1542 = arith.addi %mul3A_1540, %add3A_1541 : i32
        %get3A_1543 = arith.index_cast %add3A_1542 : i32 to index
        %get3A_1544 = arith.constant 0 : index
        %get3A_1545 = tpu.vector_load %arg22[%get3A_1543, %get3A_1544] {strides = array<i32>} : memref<50x64xf32, #tpu.memory_space<vmem>>, vector<16xf32>,
        %get3A_1546 = arith.index_cast %add3A_1542 : i32 to index
        %get3A_1547 = arith.constant 0 : index
        %get3A_1548 = tpu.vector_load %arg24[%get3A_1546, %get3A_1547] {strides = array<i32>} : memref<50x64xf32, #tpu.memory_space<vmem>>, vector<16xf32>,
        %add3A_1549 = arith.addf %get3A_1545, %get3A_119 : vector<16xf32>
        %sub3A_1550 = arith.subf %get3A_131, %get3A_1548 : vector<16xf32>
        %mul3A_1551 = arith.mulf %add3A_1549, %add3A_1549 : vector<16xf32>
        %mul3A_1552 = arith.mulf %sub3A_1550, %sub3A_1550 : vector<16xf32>
        %get3A_1553 = arith.index_cast %add3A_1542 : i32 to index
        %get3A_1554 = arith.constant 16 : index
        %get3A_1555 = tpu.vector_load %arg22[%get3A_1553, %get3A_1554] {strides = array<i32>} : memref<50x64xf32, #tpu.memory_space<vmem>>, vector<16xf32>,
        %get3A_1556 = arith.index_cast %add3A_1542 : i32 to index
        %get3A_1557 = arith.constant 16 : index
        %get3A_1558 = tpu.vector_load %arg24[%get3A_1556, %get3A_1557] {strides = array<i32>} : memref<50x64xf32, #tpu.memory_space<vmem>>, vector<16xf32>,
        %add3A_1559 = arith.addf %get3A_1555, %get3A_122 : vector<16xf32>
        %sub3A_1560 = arith.subf %get3A_134, %get3A_1558 : vector<16xf32>
        %mul3A_1561 = arith.mulf %add3A_1559, %add3A_1559 : vector<16xf32>
        %mul3A_1562 = arith.mulf %sub3A_1560, %sub3A_1560 : vector<16xf32>
        %add3A_1563 = arith.addf %mul3A_1551, %mul3A_1561 : vector<16xf32>
        %add3A_1564 = arith.addf %mul3A_1552, %mul3A_1562 : vector<16xf32>
        %get3A_1565 = arith.index_cast %add3A_1542 : i32 to index
        %get3A_1566 = arith.constant 32 : index
        %get3A_1567 = tpu.vector_load %arg22[%get3A_1565, %get3A_1566] {strides = array<i32>} : memref<50x64xf32, #tpu.memory_space<vmem>>, vector<16xf32>,
        %get3A_1568 = arith.index_cast %add3A_1542 : i32 to index
        %get3A_1569 = arith.constant 32 : index
        %get3A_1570 = tpu.vector_load %arg24[%get3A_1568, %get3A_1569] {strides = array<i32>} : memref<50x64xf32, #tpu.memory_space<vmem>>, vector<16xf32>,
        %add3A_1571 = arith.addf %get3A_1567, %get3A_125 : vector<16xf32>
        %sub3A_1572 = arith.subf %get3A_137, %get3A_1570 : vector<16xf32>
        %mul3A_1573 = arith.mulf %add3A_1571, %add3A_1571 : vector<16xf32>
        %mul3A_1574 = arith.mulf %sub3A_1572, %sub3A_1572 : vector<16xf32>
        %add3A_1575 = arith.addf %add3A_1563, %mul3A_1573 : vector<16xf32>
        %add3A_1576 = arith.addf %add3A_1564, %mul3A_1574 : vector<16xf32>
        %get3A_1577 = arith.index_cast %add3A_1542 : i32 to index
        %get3A_1578 = arith.constant 48 : index
        %get3A_1579 = tpu.vector_load %arg22[%get3A_1577, %get3A_1578] {strides = array<i32>} : memref<50x64xf32, #tpu.memory_space<vmem>>, vector<16xf32>,
        %get3A_1580 = arith.index_cast %add3A_1542 : i32 to index
        %get3A_1581 = arith.constant 48 : index
        %get3A_1582 = tpu.vector_load %arg24[%get3A_1580, %get3A_1581] {strides = array<i32>} : memref<50x64xf32, #tpu.memory_space<vmem>>, vector<16xf32>,
        %add3A_1583 = arith.addf %get3A_1579, %get3A_128 : vector<16xf32>
        %sub3A_1584 = arith.subf %get3A_140, %get3A_1582 : vector<16xf32>
        %mul3A_1585 = arith.mulf %add3A_1583, %add3A_1583 : vector<16xf32>
        %mul3A_1586 = arith.mulf %sub3A_1584, %sub3A_1584 : vector<16xf32>
        %add3A_1587 = arith.addf %add3A_1575, %mul3A_1585 : vector<16xf32>
        %add3A_1588 = arith.addf %add3A_1576, %mul3A_1586 : vector<16xf32>
        %select_n3A_1589 = arith.select %eq3A_30, %add3A_1587, %add3A_1537 : vector<16xi1>, vector<16xf32>
        %select_n3A_1590 = arith.select %eq3A_30, %add3A_1537, %add3A_1587 : vector<16xi1>, vector<16xf32>
        %lt3A_1591 = arith.constant 0 : i32
        %lt3A_1592 = vector.broadcast %lt3A_1591 : i32 to vector<16xi32>
        %lt3A_1593 = arith.cmpi slt, %xor3A_59, %lt3A_1592 : vector<16xi32>
        %add3A_1594 = arith.constant 16 : i32
        %add3A_1595 = vector.broadcast %add3A_1594 : i32 to vector<16xi32>
        %add3A_1596 = arith.addi %xor3A_59, %add3A_1595 : vector<16xi32>
        %select_n3A_1597 = arith.select %lt3A_1593, %add3A_1596, %xor3A_59 : vector<16xi1>, vector<16xi32>
        %reshape3A_1598 = vector.shape_cast %select_n3A_1597 : vector<16xi32> to vector<16x1xi32>
        %gather3A_1599 = vector.shape_cast %reshape3A_1598 : vector<16x1xi32> to vector<16xi32>
        %gather3A_1600 = tpu.dynamic_gather %select_n3A_1590[%gather3A_1599] in [0] : vector<16xf32>, vector<16xi32> -> vector<16xf32>
        %add3A_1601 = arith.addf %select_n3A_1589, %gather3A_1600 : vector<16xf32>
        %select_n3A_1602 = arith.select %eq3A_30, %add3A_1588, %add3A_1538 : vector<16xi1>, vector<16xf32>
        %select_n3A_1603 = arith.select %eq3A_30, %add3A_1538, %add3A_1588 : vector<16xi1>, vector<16xf32>
        %lt3A_1604 = arith.constant 0 : i32
        %lt3A_1605 = vector.broadcast %lt3A_1604 : i32 to vector<16xi32>
        %lt3A_1606 = arith.cmpi slt, %xor3A_59, %lt3A_1605 : vector<16xi32>
        %add3A_1607 = arith.constant 16 : i32
        %add3A_1608 = vector.broadcast %add3A_1607 : i32 to vector<16xi32>
        %add3A_1609 = arith.addi %xor3A_59, %add3A_1608 : vector<16xi32>
        %select_n3A_1610 = arith.select %lt3A_1606, %add3A_1609, %xor3A_59 : vector<16xi1>, vector<16xi32>
        %reshape3A_1611 = vector.shape_cast %select_n3A_1610 : vector<16xi32> to vector<16x1xi32>
        %gather3A_1612 = vector.shape_cast %reshape3A_1611 : vector<16x1xi32> to vector<16xi32>
        %gather3A_1613 = tpu.dynamic_gather %select_n3A_1603[%gather3A_1612] in [0] : vector<16xf32>, vector<16xi32> -> vector<16xf32>
        %add3A_1614 = arith.addf %select_n3A_1602, %gather3A_1613 : vector<16xf32>
        %mul3A_1615 = arith.constant 16 : i32
        %mul3A_1616 = arith.muli %scan3A_628, %mul3A_1615 : i32
        %add3A_1617 = arith.constant 14 : i32
        %add3A_1618 = arith.addi %mul3A_1616, %add3A_1617 : i32
        %get3A_1619 = arith.index_cast %add3A_1618 : i32 to index
        %get3A_1620 = arith.constant 0 : index
        %get3A_1621 = tpu.vector_load %arg22[%get3A_1619, %get3A_1620] {strides = array<i32>} : memref<50x64xf32, #tpu.memory_space<vmem>>, vector<16xf32>,
        %get3A_1622 = arith.index_cast %add3A_1618 : i32 to index
        %get3A_1623 = arith.constant 0 : index
        %get3A_1624 = tpu.vector_load %arg24[%get3A_1622, %get3A_1623] {strides = array<i32>} : memref<50x64xf32, #tpu.memory_space<vmem>>, vector<16xf32>,
        %add3A_1625 = arith.addf %get3A_1621, %get3A_119 : vector<16xf32>
        %sub3A_1626 = arith.subf %get3A_131, %get3A_1624 : vector<16xf32>
        %mul3A_1627 = arith.mulf %add3A_1625, %add3A_1625 : vector<16xf32>
        %mul3A_1628 = arith.mulf %sub3A_1626, %sub3A_1626 : vector<16xf32>
        %get3A_1629 = arith.index_cast %add3A_1618 : i32 to index
        %get3A_1630 = arith.constant 16 : index
        %get3A_1631 = tpu.vector_load %arg22[%get3A_1629, %get3A_1630] {strides = array<i32>} : memref<50x64xf32, #tpu.memory_space<vmem>>, vector<16xf32>,
        %get3A_1632 = arith.index_cast %add3A_1618 : i32 to index
        %get3A_1633 = arith.constant 16 : index
        %get3A_1634 = tpu.vector_load %arg24[%get3A_1632, %get3A_1633] {strides = array<i32>} : memref<50x64xf32, #tpu.memory_space<vmem>>, vector<16xf32>,
        %add3A_1635 = arith.addf %get3A_1631, %get3A_122 : vector<16xf32>
        %sub3A_1636 = arith.subf %get3A_134, %get3A_1634 : vector<16xf32>
        %mul3A_1637 = arith.mulf %add3A_1635, %add3A_1635 : vector<16xf32>
        %mul3A_1638 = arith.mulf %sub3A_1636, %sub3A_1636 : vector<16xf32>
        %add3A_1639 = arith.addf %mul3A_1627, %mul3A_1637 : vector<16xf32>
        %add3A_1640 = arith.addf %mul3A_1628, %mul3A_1638 : vector<16xf32>
        %get3A_1641 = arith.index_cast %add3A_1618 : i32 to index
        %get3A_1642 = arith.constant 32 : index
        %get3A_1643 = tpu.vector_load %arg22[%get3A_1641, %get3A_1642] {strides = array<i32>} : memref<50x64xf32, #tpu.memory_space<vmem>>, vector<16xf32>,
        %get3A_1644 = arith.index_cast %add3A_1618 : i32 to index
        %get3A_1645 = arith.constant 32 : index
        %get3A_1646 = tpu.vector_load %arg24[%get3A_1644, %get3A_1645] {strides = array<i32>} : memref<50x64xf32, #tpu.memory_space<vmem>>, vector<16xf32>,
        %add3A_1647 = arith.addf %get3A_1643, %get3A_125 : vector<16xf32>
        %sub3A_1648 = arith.subf %get3A_137, %get3A_1646 : vector<16xf32>
        %mul3A_1649 = arith.mulf %add3A_1647, %add3A_1647 : vector<16xf32>
        %mul3A_1650 = arith.mulf %sub3A_1648, %sub3A_1648 : vector<16xf32>
        %add3A_1651 = arith.addf %add3A_1639, %mul3A_1649 : vector<16xf32>
        %add3A_1652 = arith.addf %add3A_1640, %mul3A_1650 : vector<16xf32>
        %get3A_1653 = arith.index_cast %add3A_1618 : i32 to index
        %get3A_1654 = arith.constant 48 : index
        %get3A_1655 = tpu.vector_load %arg22[%get3A_1653, %get3A_1654] {strides = array<i32>} : memref<50x64xf32, #tpu.memory_space<vmem>>, vector<16xf32>,
        %get3A_1656 = arith.index_cast %add3A_1618 : i32 to index
        %get3A_1657 = arith.constant 48 : index
        %get3A_1658 = tpu.vector_load %arg24[%get3A_1656, %get3A_1657] {strides = array<i32>} : memref<50x64xf32, #tpu.memory_space<vmem>>, vector<16xf32>,
        %add3A_1659 = arith.addf %get3A_1655, %get3A_128 : vector<16xf32>
        %sub3A_1660 = arith.subf %get3A_140, %get3A_1658 : vector<16xf32>
        %mul3A_1661 = arith.mulf %add3A_1659, %add3A_1659 : vector<16xf32>
        %mul3A_1662 = arith.mulf %sub3A_1660, %sub3A_1660 : vector<16xf32>
        %add3A_1663 = arith.addf %add3A_1651, %mul3A_1661 : vector<16xf32>
        %add3A_1664 = arith.addf %add3A_1652, %mul3A_1662 : vector<16xf32>
        %mul3A_1665 = arith.constant 16 : i32
        %mul3A_1666 = arith.muli %scan3A_628, %mul3A_1665 : i32
        %add3A_1667 = arith.constant 15 : i32
        %add3A_1668 = arith.addi %mul3A_1666, %add3A_1667 : i32
        %get3A_1669 = arith.index_cast %add3A_1668 : i32 to index
        %get3A_1670 = arith.constant 0 : index
        %get3A_1671 = tpu.vector_load %arg22[%get3A_1669, %get3A_1670] {strides = array<i32>} : memref<50x64xf32, #tpu.memory_space<vmem>>, vector<16xf32>,
        %get3A_1672 = arith.index_cast %add3A_1668 : i32 to index
        %get3A_1673 = arith.constant 0 : index
        %get3A_1674 = tpu.vector_load %arg24[%get3A_1672, %get3A_1673] {strides = array<i32>} : memref<50x64xf32, #tpu.memory_space<vmem>>, vector<16xf32>,
        %add3A_1675 = arith.addf %get3A_1671, %get3A_119 : vector<16xf32>
        %sub3A_1676 = arith.subf %get3A_131, %get3A_1674 : vector<16xf32>
        %mul3A_1677 = arith.mulf %add3A_1675, %add3A_1675 : vector<16xf32>
        %mul3A_1678 = arith.mulf %sub3A_1676, %sub3A_1676 : vector<16xf32>
        %get3A_1679 = arith.index_cast %add3A_1668 : i32 to index
        %get3A_1680 = arith.constant 16 : index
        %get3A_1681 = tpu.vector_load %arg22[%get3A_1679, %get3A_1680] {strides = array<i32>} : memref<50x64xf32, #tpu.memory_space<vmem>>, vector<16xf32>,
        %get3A_1682 = arith.index_cast %add3A_1668 : i32 to index
        %get3A_1683 = arith.constant 16 : index
        %get3A_1684 = tpu.vector_load %arg24[%get3A_1682, %get3A_1683] {strides = array<i32>} : memref<50x64xf32, #tpu.memory_space<vmem>>, vector<16xf32>,
        %add3A_1685 = arith.addf %get3A_1681, %get3A_122 : vector<16xf32>
        %sub3A_1686 = arith.subf %get3A_134, %get3A_1684 : vector<16xf32>
        %mul3A_1687 = arith.mulf %add3A_1685, %add3A_1685 : vector<16xf32>
        %mul3A_1688 = arith.mulf %sub3A_1686, %sub3A_1686 : vector<16xf32>
        %add3A_1689 = arith.addf %mul3A_1677, %mul3A_1687 : vector<16xf32>
        %add3A_1690 = arith.addf %mul3A_1678, %mul3A_1688 : vector<16xf32>
        %get3A_1691 = arith.index_cast %add3A_1668 : i32 to index
        %get3A_1692 = arith.constant 32 : index
        %get3A_1693 = tpu.vector_load %arg22[%get3A_1691, %get3A_1692] {strides = array<i32>} : memref<50x64xf32, #tpu.memory_space<vmem>>, vector<16xf32>,
        %get3A_1694 = arith.index_cast %add3A_1668 : i32 to index
        %get3A_1695 = arith.constant 32 : index
        %get3A_1696 = tpu.vector_load %arg24[%get3A_1694, %get3A_1695] {strides = array<i32>} : memref<50x64xf32, #tpu.memory_space<vmem>>, vector<16xf32>,
        %add3A_1697 = arith.addf %get3A_1693, %get3A_125 : vector<16xf32>
        %sub3A_1698 = arith.subf %get3A_137, %get3A_1696 : vector<16xf32>
        %mul3A_1699 = arith.mulf %add3A_1697, %add3A_1697 : vector<16xf32>
        %mul3A_1700 = arith.mulf %sub3A_1698, %sub3A_1698 : vector<16xf32>
        %add3A_1701 = arith.addf %add3A_1689, %mul3A_1699 : vector<16xf32>
        %add3A_1702 = arith.addf %add3A_1690, %mul3A_1700 : vector<16xf32>
        %get3A_1703 = arith.index_cast %add3A_1668 : i32 to index
        %get3A_1704 = arith.constant 48 : index
        %get3A_1705 = tpu.vector_load %arg22[%get3A_1703, %get3A_1704] {strides = array<i32>} : memref<50x64xf32, #tpu.memory_space<vmem>>, vector<16xf32>,
        %get3A_1706 = arith.index_cast %add3A_1668 : i32 to index
        %get3A_1707 = arith.constant 48 : index
        %get3A_1708 = tpu.vector_load %arg24[%get3A_1706, %get3A_1707] {strides = array<i32>} : memref<50x64xf32, #tpu.memory_space<vmem>>, vector<16xf32>,
        %add3A_1709 = arith.addf %get3A_1705, %get3A_128 : vector<16xf32>
        %sub3A_1710 = arith.subf %get3A_140, %get3A_1708 : vector<16xf32>
        %mul3A_1711 = arith.mulf %add3A_1709, %add3A_1709 : vector<16xf32>
        %mul3A_1712 = arith.mulf %sub3A_1710, %sub3A_1710 : vector<16xf32>
        %add3A_1713 = arith.addf %add3A_1701, %mul3A_1711 : vector<16xf32>
        %add3A_1714 = arith.addf %add3A_1702, %mul3A_1712 : vector<16xf32>
        %select_n3A_1715 = arith.select %eq3A_30, %add3A_1713, %add3A_1663 : vector<16xi1>, vector<16xf32>
        %select_n3A_1716 = arith.select %eq3A_30, %add3A_1663, %add3A_1713 : vector<16xi1>, vector<16xf32>
        %lt3A_1717 = arith.constant 0 : i32
        %lt3A_1718 = vector.broadcast %lt3A_1717 : i32 to vector<16xi32>
        %lt3A_1719 = arith.cmpi slt, %xor3A_59, %lt3A_1718 : vector<16xi32>
        %add3A_1720 = arith.constant 16 : i32
        %add3A_1721 = vector.broadcast %add3A_1720 : i32 to vector<16xi32>
        %add3A_1722 = arith.addi %xor3A_59, %add3A_1721 : vector<16xi32>
        %select_n3A_1723 = arith.select %lt3A_1719, %add3A_1722, %xor3A_59 : vector<16xi1>, vector<16xi32>
        %reshape3A_1724 = vector.shape_cast %select_n3A_1723 : vector<16xi32> to vector<16x1xi32>
        %gather3A_1725 = vector.shape_cast %reshape3A_1724 : vector<16x1xi32> to vector<16xi32>
        %gather3A_1726 = tpu.dynamic_gather %select_n3A_1716[%gather3A_1725] in [0] : vector<16xf32>, vector<16xi32> -> vector<16xf32>
        %add3A_1727 = arith.addf %select_n3A_1715, %gather3A_1726 : vector<16xf32>
        %select_n3A_1728 = arith.select %eq3A_39, %add3A_1727, %add3A_1601 : vector<16xi1>, vector<16xf32>
        %select_n3A_1729 = arith.select %eq3A_39, %add3A_1601, %add3A_1727 : vector<16xi1>, vector<16xf32>
        %lt3A_1730 = arith.constant 0 : i32
        %lt3A_1731 = vector.broadcast %lt3A_1730 : i32 to vector<16xi32>
        %lt3A_1732 = arith.cmpi slt, %xor3A_62, %lt3A_1731 : vector<16xi32>
        %add3A_1733 = arith.constant 16 : i32
        %add3A_1734 = vector.broadcast %add3A_1733 : i32 to vector<16xi32>
        %add3A_1735 = arith.addi %xor3A_62, %add3A_1734 : vector<16xi32>
        %select_n3A_1736 = arith.select %lt3A_1732, %add3A_1735, %xor3A_62 : vector<16xi1>, vector<16xi32>
        %reshape3A_1737 = vector.shape_cast %select_n3A_1736 : vector<16xi32> to vector<16x1xi32>
        %gather3A_1738 = vector.shape_cast %reshape3A_1737 : vector<16x1xi32> to vector<16xi32>
        %gather3A_1739 = tpu.dynamic_gather %select_n3A_1729[%gather3A_1738] in [0] : vector<16xf32>, vector<16xi32> -> vector<16xf32>
        %add3A_1740 = arith.addf %select_n3A_1728, %gather3A_1739 : vector<16xf32>
        %select_n3A_1741 = arith.select %eq3A_48, %add3A_1740, %add3A_1462 : vector<16xi1>, vector<16xf32>
        %select_n3A_1742 = arith.select %eq3A_48, %add3A_1462, %add3A_1740 : vector<16xi1>, vector<16xf32>
        %lt3A_1743 = arith.constant 0 : i32
        %lt3A_1744 = vector.broadcast %lt3A_1743 : i32 to vector<16xi32>
        %lt3A_1745 = arith.cmpi slt, %xor3A_65, %lt3A_1744 : vector<16xi32>
        %add3A_1746 = arith.constant 16 : i32
        %add3A_1747 = vector.broadcast %add3A_1746 : i32 to vector<16xi32>
        %add3A_1748 = arith.addi %xor3A_65, %add3A_1747 : vector<16xi32>
        %select_n3A_1749 = arith.select %lt3A_1745, %add3A_1748, %xor3A_65 : vector<16xi1>, vector<16xi32>
        %reshape3A_1750 = vector.shape_cast %select_n3A_1749 : vector<16xi32> to vector<16x1xi32>
        %gather3A_1751 = vector.shape_cast %reshape3A_1750 : vector<16x1xi32> to vector<16xi32>
        %gather3A_1752 = tpu.dynamic_gather %select_n3A_1742[%gather3A_1751] in [0] : vector<16xf32>, vector<16xi32> -> vector<16xf32>
        %add3A_1753 = arith.addf %select_n3A_1741, %gather3A_1752 : vector<16xf32>
        %select_n3A_1754 = arith.select %eq3A_57, %add3A_1753, %add3A_1171 : vector<16xi1>, vector<16xf32>
        %select_n3A_1755 = arith.select %eq3A_57, %add3A_1171, %add3A_1753 : vector<16xi1>, vector<16xf32>
        %lt3A_1756 = arith.constant 0 : i32
        %lt3A_1757 = vector.broadcast %lt3A_1756 : i32 to vector<16xi32>
        %lt3A_1758 = arith.cmpi slt, %xor3A_68, %lt3A_1757 : vector<16xi32>
        %add3A_1759 = arith.constant 16 : i32
        %add3A_1760 = vector.broadcast %add3A_1759 : i32 to vector<16xi32>
        %add3A_1761 = arith.addi %xor3A_68, %add3A_1760 : vector<16xi32>
        %select_n3A_1762 = arith.select %lt3A_1758, %add3A_1761, %xor3A_68 : vector<16xi1>, vector<16xi32>
        %reshape3A_1763 = vector.shape_cast %select_n3A_1762 : vector<16xi32> to vector<16x1xi32>
        %gather3A_1764 = vector.shape_cast %reshape3A_1763 : vector<16x1xi32> to vector<16xi32>
        %gather3A_1765 = tpu.dynamic_gather %select_n3A_1755[%gather3A_1764] in [0] : vector<16xf32>, vector<16xi32> -> vector<16xf32>
        %add3A_1766 = arith.addf %select_n3A_1754, %gather3A_1765 : vector<16xf32>
        %select_n3A_1767 = arith.select %eq3A_30, %add3A_1714, %add3A_1664 : vector<16xi1>, vector<16xf32>
        %select_n3A_1768 = arith.select %eq3A_30, %add3A_1664, %add3A_1714 : vector<16xi1>, vector<16xf32>
        %lt3A_1769 = arith.constant 0 : i32
        %lt3A_1770 = vector.broadcast %lt3A_1769 : i32 to vector<16xi32>
        %lt3A_1771 = arith.cmpi slt, %xor3A_59, %lt3A_1770 : vector<16xi32>
        %add3A_1772 = arith.constant 16 : i32
        %add3A_1773 = vector.broadcast %add3A_1772 : i32 to vector<16xi32>
        %add3A_1774 = arith.addi %xor3A_59, %add3A_1773 : vector<16xi32>
        %select_n3A_1775 = arith.select %lt3A_1771, %add3A_1774, %xor3A_59 : vector<16xi1>, vector<16xi32>
        %reshape3A_1776 = vector.shape_cast %select_n3A_1775 : vector<16xi32> to vector<16x1xi32>
        %gather3A_1777 = vector.shape_cast %reshape3A_1776 : vector<16x1xi32> to vector<16xi32>
        %gather3A_1778 = tpu.dynamic_gather %select_n3A_1768[%gather3A_1777] in [0] : vector<16xf32>, vector<16xi32> -> vector<16xf32>
        %add3A_1779 = arith.addf %select_n3A_1767, %gather3A_1778 : vector<16xf32>
        %select_n3A_1780 = arith.select %eq3A_39, %add3A_1779, %add3A_1614 : vector<16xi1>, vector<16xf32>
        %select_n3A_1781 = arith.select %eq3A_39, %add3A_1614, %add3A_1779 : vector<16xi1>, vector<16xf32>
        %lt3A_1782 = arith.constant 0 : i32
        %lt3A_1783 = vector.broadcast %lt3A_1782 : i32 to vector<16xi32>
        %lt3A_1784 = arith.cmpi slt, %xor3A_62, %lt3A_1783 : vector<16xi32>
        %add3A_1785 = arith.constant 16 : i32
        %add3A_1786 = vector.broadcast %add3A_1785 : i32 to vector<16xi32>
        %add3A_1787 = arith.addi %xor3A_62, %add3A_1786 : vector<16xi32>
        %select_n3A_1788 = arith.select %lt3A_1784, %add3A_1787, %xor3A_62 : vector<16xi1>, vector<16xi32>
        %reshape3A_1789 = vector.shape_cast %select_n3A_1788 : vector<16xi32> to vector<16x1xi32>
        %gather3A_1790 = vector.shape_cast %reshape3A_1789 : vector<16x1xi32> to vector<16xi32>
        %gather3A_1791 = tpu.dynamic_gather %select_n3A_1781[%gather3A_1790] in [0] : vector<16xf32>, vector<16xi32> -> vector<16xf32>
        %add3A_1792 = arith.addf %select_n3A_1780, %gather3A_1791 : vector<16xf32>
        %select_n3A_1793 = arith.select %eq3A_48, %add3A_1792, %add3A_1488 : vector<16xi1>, vector<16xf32>
        %select_n3A_1794 = arith.select %eq3A_48, %add3A_1488, %add3A_1792 : vector<16xi1>, vector<16xf32>
        %lt3A_1795 = arith.constant 0 : i32
        %lt3A_1796 = vector.broadcast %lt3A_1795 : i32 to vector<16xi32>
        %lt3A_1797 = arith.cmpi slt, %xor3A_65, %lt3A_1796 : vector<16xi32>
        %add3A_1798 = arith.constant 16 : i32
        %add3A_1799 = vector.broadcast %add3A_1798 : i32 to vector<16xi32>
        %add3A_1800 = arith.addi %xor3A_65, %add3A_1799 : vector<16xi32>
        %select_n3A_1801 = arith.select %lt3A_1797, %add3A_1800, %xor3A_65 : vector<16xi1>, vector<16xi32>
        %reshape3A_1802 = vector.shape_cast %select_n3A_1801 : vector<16xi32> to vector<16x1xi32>
        %gather3A_1803 = vector.shape_cast %reshape3A_1802 : vector<16x1xi32> to vector<16xi32>
        %gather3A_1804 = tpu.dynamic_gather %select_n3A_1794[%gather3A_1803] in [0] : vector<16xf32>, vector<16xi32> -> vector<16xf32>
        %add3A_1805 = arith.addf %select_n3A_1793, %gather3A_1804 : vector<16xf32>
        %select_n3A_1806 = arith.select %eq3A_57, %add3A_1805, %add3A_1210 : vector<16xi1>, vector<16xf32>
        %select_n3A_1807 = arith.select %eq3A_57, %add3A_1210, %add3A_1805 : vector<16xi1>, vector<16xf32>
        %lt3A_1808 = arith.constant 0 : i32
        %lt3A_1809 = vector.broadcast %lt3A_1808 : i32 to vector<16xi32>
        %lt3A_1810 = arith.cmpi slt, %xor3A_68, %lt3A_1809 : vector<16xi32>
        %add3A_1811 = arith.constant 16 : i32
        %add3A_1812 = vector.broadcast %add3A_1811 : i32 to vector<16xi32>
        %add3A_1813 = arith.addi %xor3A_68, %add3A_1812 : vector<16xi32>
        %select_n3A_1814 = arith.select %lt3A_1810, %add3A_1813, %xor3A_68 : vector<16xi1>, vector<16xi32>
        %reshape3A_1815 = vector.shape_cast %select_n3A_1814 : vector<16xi32> to vector<16x1xi32>
        %gather3A_1816 = vector.shape_cast %reshape3A_1815 : vector<16x1xi32> to vector<16xi32>
        %gather3A_1817 = tpu.dynamic_gather %select_n3A_1807[%gather3A_1816] in [0] : vector<16xf32>, vector<16xi32> -> vector<16xf32>
        %add3A_1818 = arith.addf %select_n3A_1806, %gather3A_1817 : vector<16xf32>
        %mul3A_1819 = arith.constant 16 : i32
        %mul3A_1820 = arith.muli %mul3A_1819, %scan3A_628 : i32
        %swap3A_1821 = arith.index_cast %mul3A_91 : i32 to index
        %swap3A_1822 = arith.index_cast %mul3A_1820 : i32 to index
        %swap3A_1823 = tpu.vector_load %arg27[%swap3A_1821, %swap3A_1822] {strides = array<i32>} : memref<128x64xf32, #tpu.memory_space<vmem>>, vector<16xf32>,
        tpu.vector_store %arg27[%swap3A_1821, %swap3A_1822], %add3A_1766 {strides = array<i32>} : memref<128x64xf32, #tpu.memory_space<vmem>>, vector<16xf32>,
        %mul3A_1824 = arith.constant 16 : i32
        %mul3A_1825 = arith.muli %mul3A_1824, %scan3A_628 : i32
        %swap3A_1826 = arith.index_cast %mul3A_91 : i32 to index
        %swap3A_1827 = arith.index_cast %mul3A_1825 : i32 to index
        %swap3A_1828 = tpu.vector_load %arg28[%swap3A_1826, %swap3A_1827] {strides = array<i32>} : memref<128x64xf32, #tpu.memory_space<vmem>>, vector<16xf32>,
        tpu.vector_store %arg28[%swap3A_1826, %swap3A_1827], %add3A_1818 {strides = array<i32>} : memref<128x64xf32, #tpu.memory_space<vmem>>, vector<16xf32>,
      }
      %scan3A_146 = arith.constant 3 : i32
      %get3A_147 = arith.constant 48 : i32
      %get3A_148 = arith.index_cast %get3A_147 : i32 to index
      %get3A_149 = arith.constant 0 : index
      %get3A_150 = tpu.vector_load %arg22[%get3A_148, %get3A_149] {strides = array<i32>} : memref<50x64xf32, #tpu.memory_space<vmem>>, vector<16xf32>,
      %get3A_151 = arith.constant 48 : i32
      %get3A_152 = arith.index_cast %get3A_151 : i32 to index
      %get3A_153 = arith.constant 0 : index
      %get3A_154 = tpu.vector_load %arg24[%get3A_152, %get3A_153] {strides = array<i32>} : memref<50x64xf32, #tpu.memory_space<vmem>>, vector<16xf32>,
      %add3A_155 = arith.addf %get3A_150, %get3A_119 : vector<16xf32>
      %sub3A = arith.subf %get3A_131, %get3A_154 : vector<16xf32>
      %mul3A_156 = arith.mulf %add3A_155, %add3A_155 : vector<16xf32>
      %mul3A_157 = arith.mulf %sub3A, %sub3A : vector<16xf32>
      %get3A_158 = arith.constant 48 : i32
      %get3A_159 = arith.index_cast %get3A_158 : i32 to index
      %get3A_160 = arith.constant 16 : index
      %get3A_161 = tpu.vector_load %arg22[%get3A_159, %get3A_160] {strides = array<i32>} : memref<50x64xf32, #tpu.memory_space<vmem>>, vector<16xf32>,
      %get3A_162 = arith.constant 48 : i32
      %get3A_163 = arith.index_cast %get3A_162 : i32 to index
      %get3A_164 = arith.constant 16 : index
      %get3A_165 = tpu.vector_load %arg24[%get3A_163, %get3A_164] {strides = array<i32>} : memref<50x64xf32, #tpu.memory_space<vmem>>, vector<16xf32>,
      %add3A_166 = arith.addf %get3A_161, %get3A_122 : vector<16xf32>
      %sub3A_167 = arith.subf %get3A_134, %get3A_165 : vector<16xf32>
      %mul3A_168 = arith.mulf %add3A_166, %add3A_166 : vector<16xf32>
      %mul3A_169 = arith.mulf %sub3A_167, %sub3A_167 : vector<16xf32>
      %add3A_170 = arith.addf %mul3A_156, %mul3A_168 : vector<16xf32>
      %add3A_171 = arith.addf %mul3A_157, %mul3A_169 : vector<16xf32>
      %get3A_172 = arith.constant 48 : i32
      %get3A_173 = arith.index_cast %get3A_172 : i32 to index
      %get3A_174 = arith.constant 32 : index
      %get3A_175 = tpu.vector_load %arg22[%get3A_173, %get3A_174] {strides = array<i32>} : memref<50x64xf32, #tpu.memory_space<vmem>>, vector<16xf32>,
      %get3A_176 = arith.constant 48 : i32
      %get3A_177 = arith.index_cast %get3A_176 : i32 to index
      %get3A_178 = arith.constant 32 : index
      %get3A_179 = tpu.vector_load %arg24[%get3A_177, %get3A_178] {strides = array<i32>} : memref<50x64xf32, #tpu.memory_space<vmem>>, vector<16xf32>,
      %add3A_180 = arith.addf %get3A_175, %get3A_125 : vector<16xf32>
      %sub3A_181 = arith.subf %get3A_137, %get3A_179 : vector<16xf32>
      %mul3A_182 = arith.mulf %add3A_180, %add3A_180 : vector<16xf32>
      %mul3A_183 = arith.mulf %sub3A_181, %sub3A_181 : vector<16xf32>
      %add3A_184 = arith.addf %add3A_170, %mul3A_182 : vector<16xf32>
      %add3A_185 = arith.addf %add3A_171, %mul3A_183 : vector<16xf32>
      %get3A_186 = arith.constant 48 : i32
      %get3A_187 = arith.index_cast %get3A_186 : i32 to index
      %get3A_188 = arith.constant 48 : index
      %get3A_189 = tpu.vector_load %arg22[%get3A_187, %get3A_188] {strides = array<i32>} : memref<50x64xf32, #tpu.memory_space<vmem>>, vector<16xf32>,
      %get3A_190 = arith.constant 48 : i32
      %get3A_191 = arith.index_cast %get3A_190 : i32 to index
      %get3A_192 = arith.constant 48 : index
      %get3A_193 = tpu.vector_load %arg24[%get3A_191, %get3A_192] {strides = array<i32>} : memref<50x64xf32, #tpu.memory_space<vmem>>, vector<16xf32>,
      %add3A_194 = arith.addf %get3A_189, %get3A_128 : vector<16xf32>
      %sub3A_195 = arith.subf %get3A_140, %get3A_193 : vector<16xf32>
      %mul3A_196 = arith.mulf %add3A_194, %add3A_194 : vector<16xf32>
      %mul3A_197 = arith.mulf %sub3A_195, %sub3A_195 : vector<16xf32>
      %add3A_198 = arith.addf %add3A_184, %mul3A_196 : vector<16xf32>
      %add3A_199 = arith.addf %add3A_185, %mul3A_197 : vector<16xf32>
      %get3A_200 = arith.constant 49 : i32
      %get3A_201 = arith.index_cast %get3A_200 : i32 to index
      %get3A_202 = arith.constant 0 : index
      %get3A_203 = tpu.vector_load %arg22[%get3A_201, %get3A_202] {strides = array<i32>} : memref<50x64xf32, #tpu.memory_space<vmem>>, vector<16xf32>,
      %get3A_204 = arith.constant 49 : i32
      %get3A_205 = arith.index_cast %get3A_204 : i32 to index
      %get3A_206 = arith.constant 0 : index
      %get3A_207 = tpu.vector_load %arg24[%get3A_205, %get3A_206] {strides = array<i32>} : memref<50x64xf32, #tpu.memory_space<vmem>>, vector<16xf32>,
      %add3A_208 = arith.addf %get3A_203, %get3A_119 : vector<16xf32>
      %sub3A_209 = arith.subf %get3A_131, %get3A_207 : vector<16xf32>
      %mul3A_210 = arith.mulf %add3A_208, %add3A_208 : vector<16xf32>
      %mul3A_211 = arith.mulf %sub3A_209, %sub3A_209 : vector<16xf32>
      %get3A_212 = arith.constant 49 : i32
      %get3A_213 = arith.index_cast %get3A_212 : i32 to index
      %get3A_214 = arith.constant 16 : index
      %get3A_215 = tpu.vector_load %arg22[%get3A_213, %get3A_214] {strides = array<i32>} : memref<50x64xf32, #tpu.memory_space<vmem>>, vector<16xf32>,
      %get3A_216 = arith.constant 49 : i32
      %get3A_217 = arith.index_cast %get3A_216 : i32 to index
      %get3A_218 = arith.constant 16 : index
      %get3A_219 = tpu.vector_load %arg24[%get3A_217, %get3A_218] {strides = array<i32>} : memref<50x64xf32, #tpu.memory_space<vmem>>, vector<16xf32>,
      %add3A_220 = arith.addf %get3A_215, %get3A_122 : vector<16xf32>
      %sub3A_221 = arith.subf %get3A_134, %get3A_219 : vector<16xf32>
      %mul3A_222 = arith.mulf %add3A_220, %add3A_220 : vector<16xf32>
      %mul3A_223 = arith.mulf %sub3A_221, %sub3A_221 : vector<16xf32>
      %add3A_224 = arith.addf %mul3A_210, %mul3A_222 : vector<16xf32>
      %add3A_225 = arith.addf %mul3A_211, %mul3A_223 : vector<16xf32>
      %get3A_226 = arith.constant 49 : i32
      %get3A_227 = arith.index_cast %get3A_226 : i32 to index
      %get3A_228 = arith.constant 32 : index
      %get3A_229 = tpu.vector_load %arg22[%get3A_227, %get3A_228] {strides = array<i32>} : memref<50x64xf32, #tpu.memory_space<vmem>>, vector<16xf32>,
      %get3A_230 = arith.constant 49 : i32
      %get3A_231 = arith.index_cast %get3A_230 : i32 to index
      %get3A_232 = arith.constant 32 : index
      %get3A_233 = tpu.vector_load %arg24[%get3A_231, %get3A_232] {strides = array<i32>} : memref<50x64xf32, #tpu.memory_space<vmem>>, vector<16xf32>,
      %add3A_234 = arith.addf %get3A_229, %get3A_125 : vector<16xf32>
      %sub3A_235 = arith.subf %get3A_137, %get3A_233 : vector<16xf32>
      %mul3A_236 = arith.mulf %add3A_234, %add3A_234 : vector<16xf32>
      %mul3A_237 = arith.mulf %sub3A_235, %sub3A_235 : vector<16xf32>
      %add3A_238 = arith.addf %add3A_224, %mul3A_236 : vector<16xf32>
      %add3A_239 = arith.addf %add3A_225, %mul3A_237 : vector<16xf32>
      %get3A_240 = arith.constant 49 : i32
      %get3A_241 = arith.index_cast %get3A_240 : i32 to index
      %get3A_242 = arith.constant 48 : index
      %get3A_243 = tpu.vector_load %arg22[%get3A_241, %get3A_242] {strides = array<i32>} : memref<50x64xf32, #tpu.memory_space<vmem>>, vector<16xf32>,
      %get3A_244 = arith.constant 49 : i32
      %get3A_245 = arith.index_cast %get3A_244 : i32 to index
      %get3A_246 = arith.constant 48 : index
      %get3A_247 = tpu.vector_load %arg24[%get3A_245, %get3A_246] {strides = array<i32>} : memref<50x64xf32, #tpu.memory_space<vmem>>, vector<16xf32>,
      %add3A_248 = arith.addf %get3A_243, %get3A_128 : vector<16xf32>
      %sub3A_249 = arith.subf %get3A_140, %get3A_247 : vector<16xf32>
      %mul3A_250 = arith.mulf %add3A_248, %add3A_248 : vector<16xf32>
      %mul3A_251 = arith.mulf %sub3A_249, %sub3A_249 : vector<16xf32>
      %add3A_252 = arith.addf %add3A_238, %mul3A_250 : vector<16xf32>
      %add3A_253 = arith.addf %add3A_239, %mul3A_251 : vector<16xf32>
      %select_n3A = arith.select %eq3A_30, %add3A_252, %add3A_198 : vector<16xi1>, vector<16xf32>
      %select_n3A_254 = arith.select %eq3A_30, %add3A_198, %add3A_252 : vector<16xi1>, vector<16xf32>
      %lt3A = arith.constant 0 : i32
      %lt3A_255 = vector.broadcast %lt3A : i32 to vector<16xi32>
      %lt3A_256 = arith.cmpi slt, %xor3A_59, %lt3A_255 : vector<16xi32>
      %add3A_257 = arith.constant 16 : i32
      %add3A_258 = vector.broadcast %add3A_257 : i32 to vector<16xi32>
      %add3A_259 = arith.addi %xor3A_59, %add3A_258 : vector<16xi32>
      %select_n3A_260 = arith.select %lt3A_256, %add3A_259, %xor3A_59 : vector<16xi1>, vector<16xi32>
      %reshape3A = vector.shape_cast %select_n3A_260 : vector<16xi32> to vector<16x1xi32>
      %gather3A = vector.shape_cast %reshape3A : vector<16x1xi32> to vector<16xi32>
      %gather3A_261 = tpu.dynamic_gather %select_n3A_254[%gather3A] in [0] : vector<16xf32>, vector<16xi32> -> vector<16xf32>
      %add3A_262 = arith.addf %select_n3A, %gather3A_261 : vector<16xf32>
      %select_n3A_263 = arith.select %eq3A_30, %add3A_253, %add3A_199 : vector<16xi1>, vector<16xf32>
      %select_n3A_264 = arith.select %eq3A_30, %add3A_199, %add3A_253 : vector<16xi1>, vector<16xf32>
      %lt3A_265 = arith.constant 0 : i32
      %lt3A_266 = vector.broadcast %lt3A_265 : i32 to vector<16xi32>
      %lt3A_267 = arith.cmpi slt, %xor3A_59, %lt3A_266 : vector<16xi32>
      %add3A_268 = arith.constant 16 : i32
      %add3A_269 = vector.broadcast %add3A_268 : i32 to vector<16xi32>
      %add3A_270 = arith.addi %xor3A_59, %add3A_269 : vector<16xi32>
      %select_n3A_271 = arith.select %lt3A_267, %add3A_270, %xor3A_59 : vector<16xi1>, vector<16xi32>
      %reshape3A_272 = vector.shape_cast %select_n3A_271 : vector<16xi32> to vector<16x1xi32>
      %gather3A_273 = vector.shape_cast %reshape3A_272 : vector<16x1xi32> to vector<16xi32>
      %gather3A_274 = tpu.dynamic_gather %select_n3A_264[%gather3A_273] in [0] : vector<16xf32>, vector<16xi32> -> vector<16xf32>
      %add3A_275 = arith.addf %select_n3A_263, %gather3A_274 : vector<16xf32>
      %select_n3A_276 = arith.select %eq3A_39, %broadcast_in_dim3A_19, %add3A_262 : vector<16xi1>, vector<16xf32>
      %select_n3A_277 = arith.select %eq3A_39, %add3A_262, %broadcast_in_dim3A_19 : vector<16xi1>, vector<16xf32>
      %lt3A_278 = arith.constant 0 : i32
      %lt3A_279 = vector.broadcast %lt3A_278 : i32 to vector<16xi32>
      %lt3A_280 = arith.cmpi slt, %xor3A_62, %lt3A_279 : vector<16xi32>
      %add3A_281 = arith.constant 16 : i32
      %add3A_282 = vector.broadcast %add3A_281 : i32 to vector<16xi32>
      %add3A_283 = arith.addi %xor3A_62, %add3A_282 : vector<16xi32>
      %select_n3A_284 = arith.select %lt3A_280, %add3A_283, %xor3A_62 : vector<16xi1>, vector<16xi32>
      %reshape3A_285 = vector.shape_cast %select_n3A_284 : vector<16xi32> to vector<16x1xi32>
      %gather3A_286 = vector.shape_cast %reshape3A_285 : vector<16x1xi32> to vector<16xi32>
      %gather3A_287 = tpu.dynamic_gather %select_n3A_277[%gather3A_286] in [0] : vector<16xf32>, vector<16xi32> -> vector<16xf32>
      %add3A_288 = arith.addf %select_n3A_276, %gather3A_287 : vector<16xf32>
      %select_n3A_289 = arith.select %eq3A_39, %broadcast_in_dim3A_19, %add3A_275 : vector<16xi1>, vector<16xf32>
      %select_n3A_290 = arith.select %eq3A_39, %add3A_275, %broadcast_in_dim3A_19 : vector<16xi1>, vector<16xf32>
      %lt3A_291 = arith.constant 0 : i32
      %lt3A_292 = vector.broadcast %lt3A_291 : i32 to vector<16xi32>
      %lt3A_293 = arith.cmpi slt, %xor3A_62, %lt3A_292 : vector<16xi32>
      %add3A_294 = arith.constant 16 : i32
      %add3A_295 = vector.broadcast %add3A_294 : i32 to vector<16xi32>
      %add3A_296 = arith.addi %xor3A_62, %add3A_295 : vector<16xi32>
      %select_n3A_297 = arith.select %lt3A_293, %add3A_296, %xor3A_62 : vector<16xi1>, vector<16xi32>
      %reshape3A_298 = vector.shape_cast %select_n3A_297 : vector<16xi32> to vector<16x1xi32>
      %gather3A_299 = vector.shape_cast %reshape3A_298 : vector<16x1xi32> to vector<16xi32>
      %gather3A_300 = tpu.dynamic_gather %select_n3A_290[%gather3A_299] in [0] : vector<16xf32>, vector<16xi32> -> vector<16xf32>
      %add3A_301 = arith.addf %select_n3A_289, %gather3A_300 : vector<16xf32>
      %select_n3A_302 = arith.select %eq3A_48, %broadcast_in_dim3A_19, %add3A_288 : vector<16xi1>, vector<16xf32>
      %select_n3A_303 = arith.select %eq3A_48, %add3A_288, %broadcast_in_dim3A_19 : vector<16xi1>, vector<16xf32>
      %lt3A_304 = arith.constant 0 : i32
      %lt3A_305 = vector.broadcast %lt3A_304 : i32 to vector<16xi32>
      %lt3A_306 = arith.cmpi slt, %xor3A_65, %lt3A_305 : vector<16xi32>
      %add3A_307 = arith.constant 16 : i32
      %add3A_308 = vector.broadcast %add3A_307 : i32 to vector<16xi32>
      %add3A_309 = arith.addi %xor3A_65, %add3A_308 : vector<16xi32>
      %select_n3A_310 = arith.select %lt3A_306, %add3A_309, %xor3A_65 : vector<16xi1>, vector<16xi32>
      %reshape3A_311 = vector.shape_cast %select_n3A_310 : vector<16xi32> to vector<16x1xi32>
      %gather3A_312 = vector.shape_cast %reshape3A_311 : vector<16x1xi32> to vector<16xi32>
      %gather3A_313 = tpu.dynamic_gather %select_n3A_303[%gather3A_312] in [0] : vector<16xf32>, vector<16xi32> -> vector<16xf32>
      %add3A_314 = arith.addf %select_n3A_302, %gather3A_313 : vector<16xf32>
      %select_n3A_315 = arith.select %eq3A_48, %broadcast_in_dim3A_19, %add3A_301 : vector<16xi1>, vector<16xf32>
      %select_n3A_316 = arith.select %eq3A_48, %add3A_301, %broadcast_in_dim3A_19 : vector<16xi1>, vector<16xf32>
      %lt3A_317 = arith.constant 0 : i32
      %lt3A_318 = vector.broadcast %lt3A_317 : i32 to vector<16xi32>
      %lt3A_319 = arith.cmpi slt, %xor3A_65, %lt3A_318 : vector<16xi32>
      %add3A_320 = arith.constant 16 : i32
      %add3A_321 = vector.broadcast %add3A_320 : i32 to vector<16xi32>
      %add3A_322 = arith.addi %xor3A_65, %add3A_321 : vector<16xi32>
      %select_n3A_323 = arith.select %lt3A_319, %add3A_322, %xor3A_65 : vector<16xi1>, vector<16xi32>
      %reshape3A_324 = vector.shape_cast %select_n3A_323 : vector<16xi32> to vector<16x1xi32>
      %gather3A_325 = vector.shape_cast %reshape3A_324 : vector<16x1xi32> to vector<16xi32>
      %gather3A_326 = tpu.dynamic_gather %select_n3A_316[%gather3A_325] in [0] : vector<16xf32>, vector<16xi32> -> vector<16xf32>
      %add3A_327 = arith.addf %select_n3A_315, %gather3A_326 : vector<16xf32>
      %select_n3A_328 = arith.select %eq3A_57, %broadcast_in_dim3A_19, %add3A_314 : vector<16xi1>, vector<16xf32>
      %select_n3A_329 = arith.select %eq3A_57, %add3A_314, %broadcast_in_dim3A_19 : vector<16xi1>, vector<16xf32>
      %lt3A_330 = arith.constant 0 : i32
      %lt3A_331 = vector.broadcast %lt3A_330 : i32 to vector<16xi32>
      %lt3A_332 = arith.cmpi slt, %xor3A_68, %lt3A_331 : vector<16xi32>
      %add3A_333 = arith.constant 16 : i32
      %add3A_334 = vector.broadcast %add3A_333 : i32 to vector<16xi32>
      %add3A_335 = arith.addi %xor3A_68, %add3A_334 : vector<16xi32>
      %select_n3A_336 = arith.select %lt3A_332, %add3A_335, %xor3A_68 : vector<16xi1>, vector<16xi32>
      %reshape3A_337 = vector.shape_cast %select_n3A_336 : vector<16xi32> to vector<16x1xi32>
      %gather3A_338 = vector.shape_cast %reshape3A_337 : vector<16x1xi32> to vector<16xi32>
      %gather3A_339 = tpu.dynamic_gather %select_n3A_329[%gather3A_338] in [0] : vector<16xf32>, vector<16xi32> -> vector<16xf32>
      %add3A_340 = arith.addf %select_n3A_328, %gather3A_339 : vector<16xf32>
      %select_n3A_341 = arith.select %eq3A_57, %broadcast_in_dim3A_19, %add3A_327 : vector<16xi1>, vector<16xf32>
      %select_n3A_342 = arith.select %eq3A_57, %add3A_327, %broadcast_in_dim3A_19 : vector<16xi1>, vector<16xf32>
      %lt3A_343 = arith.constant 0 : i32
      %lt3A_344 = vector.broadcast %lt3A_343 : i32 to vector<16xi32>
      %lt3A_345 = arith.cmpi slt, %xor3A_68, %lt3A_344 : vector<16xi32>
      %add3A_346 = arith.constant 16 : i32
      %add3A_347 = vector.broadcast %add3A_346 : i32 to vector<16xi32>
      %add3A_348 = arith.addi %xor3A_68, %add3A_347 : vector<16xi32>
      %select_n3A_349 = arith.select %lt3A_345, %add3A_348, %xor3A_68 : vector<16xi1>, vector<16xi32>
      %reshape3A_350 = vector.shape_cast %select_n3A_349 : vector<16xi32> to vector<16x1xi32>
      %gather3A_351 = vector.shape_cast %reshape3A_350 : vector<16x1xi32> to vector<16xi32>
      %gather3A_352 = tpu.dynamic_gather %select_n3A_342[%gather3A_351] in [0] : vector<16xf32>, vector<16xi32> -> vector<16xf32>
      %add3A_353 = arith.addf %select_n3A_341, %gather3A_352 : vector<16xf32>
      %swap3A = arith.index_cast %mul3A_91 : i32 to index
      %swap3A_354 = arith.constant 48 : index
      %swap3A_355 = tpu.vector_load %arg27[%swap3A, %swap3A_354] {strides = array<i32>} : memref<128x64xf32, #tpu.memory_space<vmem>>, vector<16xf32>,
      tpu.vector_store %arg27[%swap3A, %swap3A_354], %add3A_340 {strides = array<i32>} : memref<128x64xf32, #tpu.memory_space<vmem>>, vector<16xf32>,
      %swap3A_356 = arith.index_cast %mul3A_91 : i32 to index
      %swap3A_357 = arith.constant 48 : index
      %swap3A_358 = tpu.vector_load %arg28[%swap3A_356, %swap3A_357] {strides = array<i32>} : memref<128x64xf32, #tpu.memory_space<vmem>>, vector<16xf32>,
      tpu.vector_store %arg28[%swap3A_356, %swap3A_357], %add3A_353 {strides = array<i32>} : memref<128x64xf32, #tpu.memory_space<vmem>>, vector<16xf32>,
      %add3A_359 = arith.constant 2 : i32
      %add3A_360 = arith.addi %mul3A_91, %add3A_359 : i32
      %lt3A_361 = arith.constant 128 : i32
      %lt3A_362 = arith.cmpi slt, %add3A_360, %lt3A_361 : i32
      %convert_element_type3A = arith.extui %lt3A_362 : i1 to i32
      %cond3A = arith.constant 0 : i32
      %cond3A_363 = arith.cmpi ne, %convert_element_type3A, %cond3A : i32
      scf.if %cond3A_363 {
        %add3A_628 = arith.constant 2 : i32
        %add3A_629 = arith.addi %mul3A_91, %add3A_628 : i32
        %dma_start3A_630 = arith.constant 0 : i32
        %dma_start3A_631 = tpu.memref_slice %arg15[%add3A_629, %dma_start3A_630] : memref<128x50xi32, #tpu.memory_space<vmem>> -> memref<1x50xi32, #tpu.memory_space<vmem>>
        %dma_start3A_632 = tpu.memref_squeeze %dma_start3A_631 : memref<1x50xi32, #tpu.memory_space<vmem>> -> memref<50xi32, #tpu.memory_space<vmem>>
        %dma_start3A_633 = arith.constant 0 : i32
        %dma_start3A_634 = arith.constant 0 : i32
        %dma_start3A_635 = tpu.memref_slice %arg7[%dma_start3A_633, %dma_start3A_634] : memref<100000x64xf32, #tpu.memory_space<hbm>> -> memref<100000x64xf32, #tpu.memory_space<hbm>>
        tpu.enqueue_indirect_dma source(%dma_start3A_635 : memref<100000x64xf32, #tpu.memory_space<hbm>>) target(%arg22 : memref<50x64xf32, #tpu.memory_space<vmem>>) offsets(%dma_start3A_632 : memref<50xi32, #tpu.memory_space<vmem>>) semaphore(%arg32 : memref<!tpu.dma_semaphore, #tpu.memory_space<semaphore_mem>>)
        %dma_start3A_636 = arith.constant 0 : i32
        %dma_start3A_637 = tpu.memref_slice %arg16[%add3A_629, %dma_start3A_636] : memref<128x50xi32, #tpu.memory_space<vmem>> -> memref<1x50xi32, #tpu.memory_space<vmem>>
        %dma_start3A_638 = tpu.memref_squeeze %dma_start3A_637 : memref<1x50xi32, #tpu.memory_space<vmem>> -> memref<50xi32, #tpu.memory_space<vmem>>
        %dma_start3A_639 = arith.constant 0 : i32
        %dma_start3A_640 = arith.constant 0 : i32
        %dma_start3A_641 = tpu.memref_slice %arg7[%dma_start3A_639, %dma_start3A_640] : memref<100000x64xf32, #tpu.memory_space<hbm>> -> memref<100000x64xf32, #tpu.memory_space<hbm>>
        tpu.enqueue_indirect_dma source(%dma_start3A_641 : memref<100000x64xf32, #tpu.memory_space<hbm>>) target(%arg24 : memref<50x64xf32, #tpu.memory_space<vmem>>) offsets(%dma_start3A_638 : memref<50xi32, #tpu.memory_space<vmem>>) semaphore(%arg34 : memref<!tpu.dma_semaphore, #tpu.memory_space<semaphore_mem>>)
      } else {
      }
      %add3A_364 = arith.constant 1 : i32
      %add3A_365 = arith.addi %mul3A_91, %add3A_364 : i32
      %dma_wait3A_366 = arith.constant 0 : i32
      %dma_wait3A_367 = tpu.memref_slice %arg15[%add3A_365, %dma_wait3A_366] : memref<128x50xi32, #tpu.memory_space<vmem>> -> memref<1x50xi32, #tpu.memory_space<vmem>>
      %dma_wait3A_368 = tpu.memref_squeeze %dma_wait3A_367 : memref<1x50xi32, #tpu.memory_space<vmem>> -> memref<50xi32, #tpu.memory_space<vmem>>
      %dma_wait3A_369 = arith.constant 0 : i32
      %dma_wait3A_370 = arith.constant 0 : i32
      %dma_wait3A_371 = tpu.memref_slice %arg7[%dma_wait3A_369, %dma_wait3A_370] : memref<100000x64xf32, #tpu.memory_space<hbm>> -> memref<100000x64xf32, #tpu.memory_space<hbm>>
      tpu.wait_indirect_dma semaphore(%arg33 : memref<!tpu.dma_semaphore, #tpu.memory_space<semaphore_mem>>) src(%dma_wait3A_371 : memref<100000x64xf32, #tpu.memory_space<hbm>>) dst(%arg23 : memref<50x64xf32, #tpu.memory_space<vmem>>)
      %dma_wait3A_372 = arith.constant 0 : i32
      %dma_wait3A_373 = tpu.memref_slice %arg16[%add3A_365, %dma_wait3A_372] : memref<128x50xi32, #tpu.memory_space<vmem>> -> memref<1x50xi32, #tpu.memory_space<vmem>>
      %dma_wait3A_374 = tpu.memref_squeeze %dma_wait3A_373 : memref<1x50xi32, #tpu.memory_space<vmem>> -> memref<50xi32, #tpu.memory_space<vmem>>
      %dma_wait3A_375 = arith.constant 0 : i32
      %dma_wait3A_376 = arith.constant 0 : i32
      %dma_wait3A_377 = tpu.memref_slice %arg7[%dma_wait3A_375, %dma_wait3A_376] : memref<100000x64xf32, #tpu.memory_space<hbm>> -> memref<100000x64xf32, #tpu.memory_space<hbm>>
      tpu.wait_indirect_dma semaphore(%arg35 : memref<!tpu.dma_semaphore, #tpu.memory_space<semaphore_mem>>) src(%dma_wait3A_377 : memref<100000x64xf32, #tpu.memory_space<hbm>>) dst(%arg25 : memref<50x64xf32, #tpu.memory_space<vmem>>)
      %add3A_378 = arith.constant 1 : i32
      %add3A_379 = arith.addi %mul3A_91, %add3A_378 : i32
      %get3A_380 = arith.index_cast %add3A_379 : i32 to index
      %get3A_381 = arith.constant 0 : index
      %get3A_382 = tpu.vector_load %arg21[%get3A_380, %get3A_381] {strides = array<i32>} : memref<128x64xf32, #tpu.memory_space<vmem>>, vector<16xf32>,
      %get3A_383 = arith.index_cast %add3A_379 : i32 to index
      %get3A_384 = arith.constant 16 : index
      %get3A_385 = tpu.vector_load %arg21[%get3A_383, %get3A_384] {strides = array<i32>} : memref<128x64xf32, #tpu.memory_space<vmem>>, vector<16xf32>,
      %get3A_386 = arith.index_cast %add3A_379 : i32 to index
      %get3A_387 = arith.constant 32 : index
      %get3A_388 = tpu.vector_load %arg21[%get3A_386, %get3A_387] {strides = array<i32>} : memref<128x64xf32, #tpu.memory_space<vmem>>, vector<16xf32>,
      %get3A_389 = arith.index_cast %add3A_379 : i32 to index
      %get3A_390 = arith.constant 48 : index
      %get3A_391 = tpu.vector_load %arg21[%get3A_389, %get3A_390] {strides = array<i32>} : memref<128x64xf32, #tpu.memory_space<vmem>>, vector<16xf32>,
      %get3A_392 = arith.index_cast %add3A_379 : i32 to index
      %get3A_393 = arith.constant 0 : index
      %get3A_394 = tpu.vector_load %arg20[%get3A_392, %get3A_393] {strides = array<i32>} : memref<128x64xf32, #tpu.memory_space<vmem>>, vector<16xf32>,
      %get3A_395 = arith.index_cast %add3A_379 : i32 to index
      %get3A_396 = arith.constant 16 : index
      %get3A_397 = tpu.vector_load %arg20[%get3A_395, %get3A_396] {strides = array<i32>} : memref<128x64xf32, #tpu.memory_space<vmem>>, vector<16xf32>,
      %get3A_398 = arith.index_cast %add3A_379 : i32 to index
      %get3A_399 = arith.constant 32 : index
      %get3A_400 = tpu.vector_load %arg20[%get3A_398, %get3A_399] {strides = array<i32>} : memref<128x64xf32, #tpu.memory_space<vmem>>, vector<16xf32>,
      %get3A_401 = arith.index_cast %add3A_379 : i32 to index
      %get3A_402 = arith.constant 48 : index
      %get3A_403 = tpu.vector_load %arg20[%get3A_401, %get3A_402] {strides = array<i32>} : memref<128x64xf32, #tpu.memory_space<vmem>>, vector<16xf32>,
      %scan3A_404 = arith.constant 0 : i32
      %scan3A_405 = arith.constant 0 : i32
      %scan3A_406 = arith.constant 3 : i32
      %scan3A_407 = arith.addi %scan3A_405, %scan3A_406 : i32
      %scan3A_408 = arith.constant 1 : i32
      scf.for %scan3A_628 = %scan3A_405 to %scan3A_407 step %scan3A_408  : i32 {
        %mul3A_629 = arith.constant 16 : i32
        %mul3A_630 = arith.muli %scan3A_628, %mul3A_629 : i32
        %add3A_631 = arith.constant 0 : i32
        %add3A_632 = arith.addi %mul3A_630, %add3A_631 : i32
        %get3A_633 = arith.index_cast %add3A_632 : i32 to index
        %get3A_634 = arith.constant 0 : index
        %get3A_635 = tpu.vector_load %arg23[%get3A_633, %get3A_634] {strides = array<i32>} : memref<50x64xf32, #tpu.memory_space<vmem>>, vector<16xf32>,
        %get3A_636 = arith.index_cast %add3A_632 : i32 to index
        %get3A_637 = arith.constant 0 : index
        %get3A_638 = tpu.vector_load %arg25[%get3A_636, %get3A_637] {strides = array<i32>} : memref<50x64xf32, #tpu.memory_space<vmem>>, vector<16xf32>,
        %add3A_639 = arith.addf %get3A_635, %get3A_382 : vector<16xf32>
        %sub3A_640 = arith.subf %get3A_394, %get3A_638 : vector<16xf32>
        %mul3A_641 = arith.mulf %add3A_639, %add3A_639 : vector<16xf32>
        %mul3A_642 = arith.mulf %sub3A_640, %sub3A_640 : vector<16xf32>
        %get3A_643 = arith.index_cast %add3A_632 : i32 to index
        %get3A_644 = arith.constant 16 : index
        %get3A_645 = tpu.vector_load %arg23[%get3A_643, %get3A_644] {strides = array<i32>} : memref<50x64xf32, #tpu.memory_space<vmem>>, vector<16xf32>,
        %get3A_646 = arith.index_cast %add3A_632 : i32 to index
        %get3A_647 = arith.constant 16 : index
        %get3A_648 = tpu.vector_load %arg25[%get3A_646, %get3A_647] {strides = array<i32>} : memref<50x64xf32, #tpu.memory_space<vmem>>, vector<16xf32>,
        %add3A_649 = arith.addf %get3A_645, %get3A_385 : vector<16xf32>
        %sub3A_650 = arith.subf %get3A_397, %get3A_648 : vector<16xf32>
        %mul3A_651 = arith.mulf %add3A_649, %add3A_649 : vector<16xf32>
        %mul3A_652 = arith.mulf %sub3A_650, %sub3A_650 : vector<16xf32>
        %add3A_653 = arith.addf %mul3A_641, %mul3A_651 : vector<16xf32>
        %add3A_654 = arith.addf %mul3A_642, %mul3A_652 : vector<16xf32>
        %get3A_655 = arith.index_cast %add3A_632 : i32 to index
        %get3A_656 = arith.constant 32 : index
        %get3A_657 = tpu.vector_load %arg23[%get3A_655, %get3A_656] {strides = array<i32>} : memref<50x64xf32, #tpu.memory_space<vmem>>, vector<16xf32>,
        %get3A_658 = arith.index_cast %add3A_632 : i32 to index
        %get3A_659 = arith.constant 32 : index
        %get3A_660 = tpu.vector_load %arg25[%get3A_658, %get3A_659] {strides = array<i32>} : memref<50x64xf32, #tpu.memory_space<vmem>>, vector<16xf32>,
        %add3A_661 = arith.addf %get3A_657, %get3A_388 : vector<16xf32>
        %sub3A_662 = arith.subf %get3A_400, %get3A_660 : vector<16xf32>
        %mul3A_663 = arith.mulf %add3A_661, %add3A_661 : vector<16xf32>
        %mul3A_664 = arith.mulf %sub3A_662, %sub3A_662 : vector<16xf32>
        %add3A_665 = arith.addf %add3A_653, %mul3A_663 : vector<16xf32>
        %add3A_666 = arith.addf %add3A_654, %mul3A_664 : vector<16xf32>
        %get3A_667 = arith.index_cast %add3A_632 : i32 to index
        %get3A_668 = arith.constant 48 : index
        %get3A_669 = tpu.vector_load %arg23[%get3A_667, %get3A_668] {strides = array<i32>} : memref<50x64xf32, #tpu.memory_space<vmem>>, vector<16xf32>,
        %get3A_670 = arith.index_cast %add3A_632 : i32 to index
        %get3A_671 = arith.constant 48 : index
        %get3A_672 = tpu.vector_load %arg25[%get3A_670, %get3A_671] {strides = array<i32>} : memref<50x64xf32, #tpu.memory_space<vmem>>, vector<16xf32>,
        %add3A_673 = arith.addf %get3A_669, %get3A_391 : vector<16xf32>
        %sub3A_674 = arith.subf %get3A_403, %get3A_672 : vector<16xf32>
        %mul3A_675 = arith.mulf %add3A_673, %add3A_673 : vector<16xf32>
        %mul3A_676 = arith.mulf %sub3A_674, %sub3A_674 : vector<16xf32>
        %add3A_677 = arith.addf %add3A_665, %mul3A_675 : vector<16xf32>
        %add3A_678 = arith.addf %add3A_666, %mul3A_676 : vector<16xf32>
        %mul3A_679 = arith.constant 16 : i32
        %mul3A_680 = arith.muli %scan3A_628, %mul3A_679 : i32
        %add3A_681 = arith.constant 1 : i32
        %add3A_682 = arith.addi %mul3A_680, %add3A_681 : i32
        %get3A_683 = arith.index_cast %add3A_682 : i32 to index
        %get3A_684 = arith.constant 0 : index
        %get3A_685 = tpu.vector_load %arg23[%get3A_683, %get3A_684] {strides = array<i32>} : memref<50x64xf32, #tpu.memory_space<vmem>>, vector<16xf32>,
        %get3A_686 = arith.index_cast %add3A_682 : i32 to index
        %get3A_687 = arith.constant 0 : index
        %get3A_688 = tpu.vector_load %arg25[%get3A_686, %get3A_687] {strides = array<i32>} : memref<50x64xf32, #tpu.memory_space<vmem>>, vector<16xf32>,
        %add3A_689 = arith.addf %get3A_685, %get3A_382 : vector<16xf32>
        %sub3A_690 = arith.subf %get3A_394, %get3A_688 : vector<16xf32>
        %mul3A_691 = arith.mulf %add3A_689, %add3A_689 : vector<16xf32>
        %mul3A_692 = arith.mulf %sub3A_690, %sub3A_690 : vector<16xf32>
        %get3A_693 = arith.index_cast %add3A_682 : i32 to index
        %get3A_694 = arith.constant 16 : index
        %get3A_695 = tpu.vector_load %arg23[%get3A_693, %get3A_694] {strides = array<i32>} : memref<50x64xf32, #tpu.memory_space<vmem>>, vector<16xf32>,
        %get3A_696 = arith.index_cast %add3A_682 : i32 to index
        %get3A_697 = arith.constant 16 : index
        %get3A_698 = tpu.vector_load %arg25[%get3A_696, %get3A_697] {strides = array<i32>} : memref<50x64xf32, #tpu.memory_space<vmem>>, vector<16xf32>,
        %add3A_699 = arith.addf %get3A_695, %get3A_385 : vector<16xf32>
        %sub3A_700 = arith.subf %get3A_397, %get3A_698 : vector<16xf32>
        %mul3A_701 = arith.mulf %add3A_699, %add3A_699 : vector<16xf32>
        %mul3A_702 = arith.mulf %sub3A_700, %sub3A_700 : vector<16xf32>
        %add3A_703 = arith.addf %mul3A_691, %mul3A_701 : vector<16xf32>
        %add3A_704 = arith.addf %mul3A_692, %mul3A_702 : vector<16xf32>
        %get3A_705 = arith.index_cast %add3A_682 : i32 to index
        %get3A_706 = arith.constant 32 : index
        %get3A_707 = tpu.vector_load %arg23[%get3A_705, %get3A_706] {strides = array<i32>} : memref<50x64xf32, #tpu.memory_space<vmem>>, vector<16xf32>,
        %get3A_708 = arith.index_cast %add3A_682 : i32 to index
        %get3A_709 = arith.constant 32 : index
        %get3A_710 = tpu.vector_load %arg25[%get3A_708, %get3A_709] {strides = array<i32>} : memref<50x64xf32, #tpu.memory_space<vmem>>, vector<16xf32>,
        %add3A_711 = arith.addf %get3A_707, %get3A_388 : vector<16xf32>
        %sub3A_712 = arith.subf %get3A_400, %get3A_710 : vector<16xf32>
        %mul3A_713 = arith.mulf %add3A_711, %add3A_711 : vector<16xf32>
        %mul3A_714 = arith.mulf %sub3A_712, %sub3A_712 : vector<16xf32>
        %add3A_715 = arith.addf %add3A_703, %mul3A_713 : vector<16xf32>
        %add3A_716 = arith.addf %add3A_704, %mul3A_714 : vector<16xf32>
        %get3A_717 = arith.index_cast %add3A_682 : i32 to index
        %get3A_718 = arith.constant 48 : index
        %get3A_719 = tpu.vector_load %arg23[%get3A_717, %get3A_718] {strides = array<i32>} : memref<50x64xf32, #tpu.memory_space<vmem>>, vector<16xf32>,
        %get3A_720 = arith.index_cast %add3A_682 : i32 to index
        %get3A_721 = arith.constant 48 : index
        %get3A_722 = tpu.vector_load %arg25[%get3A_720, %get3A_721] {strides = array<i32>} : memref<50x64xf32, #tpu.memory_space<vmem>>, vector<16xf32>,
        %add3A_723 = arith.addf %get3A_719, %get3A_391 : vector<16xf32>
        %sub3A_724 = arith.subf %get3A_403, %get3A_722 : vector<16xf32>
        %mul3A_725 = arith.mulf %add3A_723, %add3A_723 : vector<16xf32>
        %mul3A_726 = arith.mulf %sub3A_724, %sub3A_724 : vector<16xf32>
        %add3A_727 = arith.addf %add3A_715, %mul3A_725 : vector<16xf32>
        %add3A_728 = arith.addf %add3A_716, %mul3A_726 : vector<16xf32>
        %select_n3A_729 = arith.select %eq3A_30, %add3A_727, %add3A_677 : vector<16xi1>, vector<16xf32>
        %select_n3A_730 = arith.select %eq3A_30, %add3A_677, %add3A_727 : vector<16xi1>, vector<16xf32>
        %lt3A_731 = arith.constant 0 : i32
        %lt3A_732 = vector.broadcast %lt3A_731 : i32 to vector<16xi32>
        %lt3A_733 = arith.cmpi slt, %xor3A_59, %lt3A_732 : vector<16xi32>
        %add3A_734 = arith.constant 16 : i32
        %add3A_735 = vector.broadcast %add3A_734 : i32 to vector<16xi32>
        %add3A_736 = arith.addi %xor3A_59, %add3A_735 : vector<16xi32>
        %select_n3A_737 = arith.select %lt3A_733, %add3A_736, %xor3A_59 : vector<16xi1>, vector<16xi32>
        %reshape3A_738 = vector.shape_cast %select_n3A_737 : vector<16xi32> to vector<16x1xi32>
        %gather3A_739 = vector.shape_cast %reshape3A_738 : vector<16x1xi32> to vector<16xi32>
        %gather3A_740 = tpu.dynamic_gather %select_n3A_730[%gather3A_739] in [0] : vector<16xf32>, vector<16xi32> -> vector<16xf32>
        %add3A_741 = arith.addf %select_n3A_729, %gather3A_740 : vector<16xf32>
        %select_n3A_742 = arith.select %eq3A_30, %add3A_728, %add3A_678 : vector<16xi1>, vector<16xf32>
        %select_n3A_743 = arith.select %eq3A_30, %add3A_678, %add3A_728 : vector<16xi1>, vector<16xf32>
        %lt3A_744 = arith.constant 0 : i32
        %lt3A_745 = vector.broadcast %lt3A_744 : i32 to vector<16xi32>
        %lt3A_746 = arith.cmpi slt, %xor3A_59, %lt3A_745 : vector<16xi32>
        %add3A_747 = arith.constant 16 : i32
        %add3A_748 = vector.broadcast %add3A_747 : i32 to vector<16xi32>
        %add3A_749 = arith.addi %xor3A_59, %add3A_748 : vector<16xi32>
        %select_n3A_750 = arith.select %lt3A_746, %add3A_749, %xor3A_59 : vector<16xi1>, vector<16xi32>
        %reshape3A_751 = vector.shape_cast %select_n3A_750 : vector<16xi32> to vector<16x1xi32>
        %gather3A_752 = vector.shape_cast %reshape3A_751 : vector<16x1xi32> to vector<16xi32>
        %gather3A_753 = tpu.dynamic_gather %select_n3A_743[%gather3A_752] in [0] : vector<16xf32>, vector<16xi32> -> vector<16xf32>
        %add3A_754 = arith.addf %select_n3A_742, %gather3A_753 : vector<16xf32>
        %mul3A_755 = arith.constant 16 : i32
        %mul3A_756 = arith.muli %scan3A_628, %mul3A_755 : i32
        %add3A_757 = arith.constant 2 : i32
        %add3A_758 = arith.addi %mul3A_756, %add3A_757 : i32
        %get3A_759 = arith.index_cast %add3A_758 : i32 to index
        %get3A_760 = arith.constant 0 : index
        %get3A_761 = tpu.vector_load %arg23[%get3A_759, %get3A_760] {strides = array<i32>} : memref<50x64xf32, #tpu.memory_space<vmem>>, vector<16xf32>,
        %get3A_762 = arith.index_cast %add3A_758 : i32 to index
        %get3A_763 = arith.constant 0 : index
        %get3A_764 = tpu.vector_load %arg25[%get3A_762, %get3A_763] {strides = array<i32>} : memref<50x64xf32, #tpu.memory_space<vmem>>, vector<16xf32>,
        %add3A_765 = arith.addf %get3A_761, %get3A_382 : vector<16xf32>
        %sub3A_766 = arith.subf %get3A_394, %get3A_764 : vector<16xf32>
        %mul3A_767 = arith.mulf %add3A_765, %add3A_765 : vector<16xf32>
        %mul3A_768 = arith.mulf %sub3A_766, %sub3A_766 : vector<16xf32>
        %get3A_769 = arith.index_cast %add3A_758 : i32 to index
        %get3A_770 = arith.constant 16 : index
        %get3A_771 = tpu.vector_load %arg23[%get3A_769, %get3A_770] {strides = array<i32>} : memref<50x64xf32, #tpu.memory_space<vmem>>, vector<16xf32>,
        %get3A_772 = arith.index_cast %add3A_758 : i32 to index
        %get3A_773 = arith.constant 16 : index
        %get3A_774 = tpu.vector_load %arg25[%get3A_772, %get3A_773] {strides = array<i32>} : memref<50x64xf32, #tpu.memory_space<vmem>>, vector<16xf32>,
        %add3A_775 = arith.addf %get3A_771, %get3A_385 : vector<16xf32>
        %sub3A_776 = arith.subf %get3A_397, %get3A_774 : vector<16xf32>
        %mul3A_777 = arith.mulf %add3A_775, %add3A_775 : vector<16xf32>
        %mul3A_778 = arith.mulf %sub3A_776, %sub3A_776 : vector<16xf32>
        %add3A_779 = arith.addf %mul3A_767, %mul3A_777 : vector<16xf32>
        %add3A_780 = arith.addf %mul3A_768, %mul3A_778 : vector<16xf32>
        %get3A_781 = arith.index_cast %add3A_758 : i32 to index
        %get3A_782 = arith.constant 32 : index
        %get3A_783 = tpu.vector_load %arg23[%get3A_781, %get3A_782] {strides = array<i32>} : memref<50x64xf32, #tpu.memory_space<vmem>>, vector<16xf32>,
        %get3A_784 = arith.index_cast %add3A_758 : i32 to index
        %get3A_785 = arith.constant 32 : index
        %get3A_786 = tpu.vector_load %arg25[%get3A_784, %get3A_785] {strides = array<i32>} : memref<50x64xf32, #tpu.memory_space<vmem>>, vector<16xf32>,
        %add3A_787 = arith.addf %get3A_783, %get3A_388 : vector<16xf32>
        %sub3A_788 = arith.subf %get3A_400, %get3A_786 : vector<16xf32>
        %mul3A_789 = arith.mulf %add3A_787, %add3A_787 : vector<16xf32>
        %mul3A_790 = arith.mulf %sub3A_788, %sub3A_788 : vector<16xf32>
        %add3A_791 = arith.addf %add3A_779, %mul3A_789 : vector<16xf32>
        %add3A_792 = arith.addf %add3A_780, %mul3A_790 : vector<16xf32>
        %get3A_793 = arith.index_cast %add3A_758 : i32 to index
        %get3A_794 = arith.constant 48 : index
        %get3A_795 = tpu.vector_load %arg23[%get3A_793, %get3A_794] {strides = array<i32>} : memref<50x64xf32, #tpu.memory_space<vmem>>, vector<16xf32>,
        %get3A_796 = arith.index_cast %add3A_758 : i32 to index
        %get3A_797 = arith.constant 48 : index
        %get3A_798 = tpu.vector_load %arg25[%get3A_796, %get3A_797] {strides = array<i32>} : memref<50x64xf32, #tpu.memory_space<vmem>>, vector<16xf32>,
        %add3A_799 = arith.addf %get3A_795, %get3A_391 : vector<16xf32>
        %sub3A_800 = arith.subf %get3A_403, %get3A_798 : vector<16xf32>
        %mul3A_801 = arith.mulf %add3A_799, %add3A_799 : vector<16xf32>
        %mul3A_802 = arith.mulf %sub3A_800, %sub3A_800 : vector<16xf32>
        %add3A_803 = arith.addf %add3A_791, %mul3A_801 : vector<16xf32>
        %add3A_804 = arith.addf %add3A_792, %mul3A_802 : vector<16xf32>
        %mul3A_805 = arith.constant 16 : i32
        %mul3A_806 = arith.muli %scan3A_628, %mul3A_805 : i32
        %add3A_807 = arith.constant 3 : i32
        %add3A_808 = arith.addi %mul3A_806, %add3A_807 : i32
        %get3A_809 = arith.index_cast %add3A_808 : i32 to index
        %get3A_810 = arith.constant 0 : index
        %get3A_811 = tpu.vector_load %arg23[%get3A_809, %get3A_810] {strides = array<i32>} : memref<50x64xf32, #tpu.memory_space<vmem>>, vector<16xf32>,
        %get3A_812 = arith.index_cast %add3A_808 : i32 to index
        %get3A_813 = arith.constant 0 : index
        %get3A_814 = tpu.vector_load %arg25[%get3A_812, %get3A_813] {strides = array<i32>} : memref<50x64xf32, #tpu.memory_space<vmem>>, vector<16xf32>,
        %add3A_815 = arith.addf %get3A_811, %get3A_382 : vector<16xf32>
        %sub3A_816 = arith.subf %get3A_394, %get3A_814 : vector<16xf32>
        %mul3A_817 = arith.mulf %add3A_815, %add3A_815 : vector<16xf32>
        %mul3A_818 = arith.mulf %sub3A_816, %sub3A_816 : vector<16xf32>
        %get3A_819 = arith.index_cast %add3A_808 : i32 to index
        %get3A_820 = arith.constant 16 : index
        %get3A_821 = tpu.vector_load %arg23[%get3A_819, %get3A_820] {strides = array<i32>} : memref<50x64xf32, #tpu.memory_space<vmem>>, vector<16xf32>,
        %get3A_822 = arith.index_cast %add3A_808 : i32 to index
        %get3A_823 = arith.constant 16 : index
        %get3A_824 = tpu.vector_load %arg25[%get3A_822, %get3A_823] {strides = array<i32>} : memref<50x64xf32, #tpu.memory_space<vmem>>, vector<16xf32>,
        %add3A_825 = arith.addf %get3A_821, %get3A_385 : vector<16xf32>
        %sub3A_826 = arith.subf %get3A_397, %get3A_824 : vector<16xf32>
        %mul3A_827 = arith.mulf %add3A_825, %add3A_825 : vector<16xf32>
        %mul3A_828 = arith.mulf %sub3A_826, %sub3A_826 : vector<16xf32>
        %add3A_829 = arith.addf %mul3A_817, %mul3A_827 : vector<16xf32>
        %add3A_830 = arith.addf %mul3A_818, %mul3A_828 : vector<16xf32>
        %get3A_831 = arith.index_cast %add3A_808 : i32 to index
        %get3A_832 = arith.constant 32 : index
        %get3A_833 = tpu.vector_load %arg23[%get3A_831, %get3A_832] {strides = array<i32>} : memref<50x64xf32, #tpu.memory_space<vmem>>, vector<16xf32>,
        %get3A_834 = arith.index_cast %add3A_808 : i32 to index
        %get3A_835 = arith.constant 32 : index
        %get3A_836 = tpu.vector_load %arg25[%get3A_834, %get3A_835] {strides = array<i32>} : memref<50x64xf32, #tpu.memory_space<vmem>>, vector<16xf32>,
        %add3A_837 = arith.addf %get3A_833, %get3A_388 : vector<16xf32>
        %sub3A_838 = arith.subf %get3A_400, %get3A_836 : vector<16xf32>
        %mul3A_839 = arith.mulf %add3A_837, %add3A_837 : vector<16xf32>
        %mul3A_840 = arith.mulf %sub3A_838, %sub3A_838 : vector<16xf32>
        %add3A_841 = arith.addf %add3A_829, %mul3A_839 : vector<16xf32>
        %add3A_842 = arith.addf %add3A_830, %mul3A_840 : vector<16xf32>
        %get3A_843 = arith.index_cast %add3A_808 : i32 to index
        %get3A_844 = arith.constant 48 : index
        %get3A_845 = tpu.vector_load %arg23[%get3A_843, %get3A_844] {strides = array<i32>} : memref<50x64xf32, #tpu.memory_space<vmem>>, vector<16xf32>,
        %get3A_846 = arith.index_cast %add3A_808 : i32 to index
        %get3A_847 = arith.constant 48 : index
        %get3A_848 = tpu.vector_load %arg25[%get3A_846, %get3A_847] {strides = array<i32>} : memref<50x64xf32, #tpu.memory_space<vmem>>, vector<16xf32>,
        %add3A_849 = arith.addf %get3A_845, %get3A_391 : vector<16xf32>
        %sub3A_850 = arith.subf %get3A_403, %get3A_848 : vector<16xf32>
        %mul3A_851 = arith.mulf %add3A_849, %add3A_849 : vector<16xf32>
        %mul3A_852 = arith.mulf %sub3A_850, %sub3A_850 : vector<16xf32>
        %add3A_853 = arith.addf %add3A_841, %mul3A_851 : vector<16xf32>
        %add3A_854 = arith.addf %add3A_842, %mul3A_852 : vector<16xf32>
        %select_n3A_855 = arith.select %eq3A_30, %add3A_853, %add3A_803 : vector<16xi1>, vector<16xf32>
        %select_n3A_856 = arith.select %eq3A_30, %add3A_803, %add3A_853 : vector<16xi1>, vector<16xf32>
        %lt3A_857 = arith.constant 0 : i32
        %lt3A_858 = vector.broadcast %lt3A_857 : i32 to vector<16xi32>
        %lt3A_859 = arith.cmpi slt, %xor3A_59, %lt3A_858 : vector<16xi32>
        %add3A_860 = arith.constant 16 : i32
        %add3A_861 = vector.broadcast %add3A_860 : i32 to vector<16xi32>
        %add3A_862 = arith.addi %xor3A_59, %add3A_861 : vector<16xi32>
        %select_n3A_863 = arith.select %lt3A_859, %add3A_862, %xor3A_59 : vector<16xi1>, vector<16xi32>
        %reshape3A_864 = vector.shape_cast %select_n3A_863 : vector<16xi32> to vector<16x1xi32>
        %gather3A_865 = vector.shape_cast %reshape3A_864 : vector<16x1xi32> to vector<16xi32>
        %gather3A_866 = tpu.dynamic_gather %select_n3A_856[%gather3A_865] in [0] : vector<16xf32>, vector<16xi32> -> vector<16xf32>
        %add3A_867 = arith.addf %select_n3A_855, %gather3A_866 : vector<16xf32>
        %select_n3A_868 = arith.select %eq3A_39, %add3A_867, %add3A_741 : vector<16xi1>, vector<16xf32>
        %select_n3A_869 = arith.select %eq3A_39, %add3A_741, %add3A_867 : vector<16xi1>, vector<16xf32>
        %lt3A_870 = arith.constant 0 : i32
        %lt3A_871 = vector.broadcast %lt3A_870 : i32 to vector<16xi32>
        %lt3A_872 = arith.cmpi slt, %xor3A_62, %lt3A_871 : vector<16xi32>
        %add3A_873 = arith.constant 16 : i32
        %add3A_874 = vector.broadcast %add3A_873 : i32 to vector<16xi32>
        %add3A_875 = arith.addi %xor3A_62, %add3A_874 : vector<16xi32>
        %select_n3A_876 = arith.select %lt3A_872, %add3A_875, %xor3A_62 : vector<16xi1>, vector<16xi32>
        %reshape3A_877 = vector.shape_cast %select_n3A_876 : vector<16xi32> to vector<16x1xi32>
        %gather3A_878 = vector.shape_cast %reshape3A_877 : vector<16x1xi32> to vector<16xi32>
        %gather3A_879 = tpu.dynamic_gather %select_n3A_869[%gather3A_878] in [0] : vector<16xf32>, vector<16xi32> -> vector<16xf32>
        %add3A_880 = arith.addf %select_n3A_868, %gather3A_879 : vector<16xf32>
        %select_n3A_881 = arith.select %eq3A_30, %add3A_854, %add3A_804 : vector<16xi1>, vector<16xf32>
        %select_n3A_882 = arith.select %eq3A_30, %add3A_804, %add3A_854 : vector<16xi1>, vector<16xf32>
        %lt3A_883 = arith.constant 0 : i32
        %lt3A_884 = vector.broadcast %lt3A_883 : i32 to vector<16xi32>
        %lt3A_885 = arith.cmpi slt, %xor3A_59, %lt3A_884 : vector<16xi32>
        %add3A_886 = arith.constant 16 : i32
        %add3A_887 = vector.broadcast %add3A_886 : i32 to vector<16xi32>
        %add3A_888 = arith.addi %xor3A_59, %add3A_887 : vector<16xi32>
        %select_n3A_889 = arith.select %lt3A_885, %add3A_888, %xor3A_59 : vector<16xi1>, vector<16xi32>
        %reshape3A_890 = vector.shape_cast %select_n3A_889 : vector<16xi32> to vector<16x1xi32>
        %gather3A_891 = vector.shape_cast %reshape3A_890 : vector<16x1xi32> to vector<16xi32>
        %gather3A_892 = tpu.dynamic_gather %select_n3A_882[%gather3A_891] in [0] : vector<16xf32>, vector<16xi32> -> vector<16xf32>
        %add3A_893 = arith.addf %select_n3A_881, %gather3A_892 : vector<16xf32>
        %select_n3A_894 = arith.select %eq3A_39, %add3A_893, %add3A_754 : vector<16xi1>, vector<16xf32>
        %select_n3A_895 = arith.select %eq3A_39, %add3A_754, %add3A_893 : vector<16xi1>, vector<16xf32>
        %lt3A_896 = arith.constant 0 : i32
        %lt3A_897 = vector.broadcast %lt3A_896 : i32 to vector<16xi32>
        %lt3A_898 = arith.cmpi slt, %xor3A_62, %lt3A_897 : vector<16xi32>
        %add3A_899 = arith.constant 16 : i32
        %add3A_900 = vector.broadcast %add3A_899 : i32 to vector<16xi32>
        %add3A_901 = arith.addi %xor3A_62, %add3A_900 : vector<16xi32>
        %select_n3A_902 = arith.select %lt3A_898, %add3A_901, %xor3A_62 : vector<16xi1>, vector<16xi32>
        %reshape3A_903 = vector.shape_cast %select_n3A_902 : vector<16xi32> to vector<16x1xi32>
        %gather3A_904 = vector.shape_cast %reshape3A_903 : vector<16x1xi32> to vector<16xi32>
        %gather3A_905 = tpu.dynamic_gather %select_n3A_895[%gather3A_904] in [0] : vector<16xf32>, vector<16xi32> -> vector<16xf32>
        %add3A_906 = arith.addf %select_n3A_894, %gather3A_905 : vector<16xf32>
        %mul3A_907 = arith.constant 16 : i32
        %mul3A_908 = arith.muli %scan3A_628, %mul3A_907 : i32
        %add3A_909 = arith.constant 4 : i32
        %add3A_910 = arith.addi %mul3A_908, %add3A_909 : i32
        %get3A_911 = arith.index_cast %add3A_910 : i32 to index
        %get3A_912 = arith.constant 0 : index
        %get3A_913 = tpu.vector_load %arg23[%get3A_911, %get3A_912] {strides = array<i32>} : memref<50x64xf32, #tpu.memory_space<vmem>>, vector<16xf32>,
        %get3A_914 = arith.index_cast %add3A_910 : i32 to index
        %get3A_915 = arith.constant 0 : index
        %get3A_916 = tpu.vector_load %arg25[%get3A_914, %get3A_915] {strides = array<i32>} : memref<50x64xf32, #tpu.memory_space<vmem>>, vector<16xf32>,
        %add3A_917 = arith.addf %get3A_913, %get3A_382 : vector<16xf32>
        %sub3A_918 = arith.subf %get3A_394, %get3A_916 : vector<16xf32>
        %mul3A_919 = arith.mulf %add3A_917, %add3A_917 : vector<16xf32>
        %mul3A_920 = arith.mulf %sub3A_918, %sub3A_918 : vector<16xf32>
        %get3A_921 = arith.index_cast %add3A_910 : i32 to index
        %get3A_922 = arith.constant 16 : index
        %get3A_923 = tpu.vector_load %arg23[%get3A_921, %get3A_922] {strides = array<i32>} : memref<50x64xf32, #tpu.memory_space<vmem>>, vector<16xf32>,
        %get3A_924 = arith.index_cast %add3A_910 : i32 to index
        %get3A_925 = arith.constant 16 : index
        %get3A_926 = tpu.vector_load %arg25[%get3A_924, %get3A_925] {strides = array<i32>} : memref<50x64xf32, #tpu.memory_space<vmem>>, vector<16xf32>,
        %add3A_927 = arith.addf %get3A_923, %get3A_385 : vector<16xf32>
        %sub3A_928 = arith.subf %get3A_397, %get3A_926 : vector<16xf32>
        %mul3A_929 = arith.mulf %add3A_927, %add3A_927 : vector<16xf32>
        %mul3A_930 = arith.mulf %sub3A_928, %sub3A_928 : vector<16xf32>
        %add3A_931 = arith.addf %mul3A_919, %mul3A_929 : vector<16xf32>
        %add3A_932 = arith.addf %mul3A_920, %mul3A_930 : vector<16xf32>
        %get3A_933 = arith.index_cast %add3A_910 : i32 to index
        %get3A_934 = arith.constant 32 : index
        %get3A_935 = tpu.vector_load %arg23[%get3A_933, %get3A_934] {strides = array<i32>} : memref<50x64xf32, #tpu.memory_space<vmem>>, vector<16xf32>,
        %get3A_936 = arith.index_cast %add3A_910 : i32 to index
        %get3A_937 = arith.constant 32 : index
        %get3A_938 = tpu.vector_load %arg25[%get3A_936, %get3A_937] {strides = array<i32>} : memref<50x64xf32, #tpu.memory_space<vmem>>, vector<16xf32>,
        %add3A_939 = arith.addf %get3A_935, %get3A_388 : vector<16xf32>
        %sub3A_940 = arith.subf %get3A_400, %get3A_938 : vector<16xf32>
        %mul3A_941 = arith.mulf %add3A_939, %add3A_939 : vector<16xf32>
        %mul3A_942 = arith.mulf %sub3A_940, %sub3A_940 : vector<16xf32>
        %add3A_943 = arith.addf %add3A_931, %mul3A_941 : vector<16xf32>
        %add3A_944 = arith.addf %add3A_932, %mul3A_942 : vector<16xf32>
        %get3A_945 = arith.index_cast %add3A_910 : i32 to index
        %get3A_946 = arith.constant 48 : index
        %get3A_947 = tpu.vector_load %arg23[%get3A_945, %get3A_946] {strides = array<i32>} : memref<50x64xf32, #tpu.memory_space<vmem>>, vector<16xf32>,
        %get3A_948 = arith.index_cast %add3A_910 : i32 to index
        %get3A_949 = arith.constant 48 : index
        %get3A_950 = tpu.vector_load %arg25[%get3A_948, %get3A_949] {strides = array<i32>} : memref<50x64xf32, #tpu.memory_space<vmem>>, vector<16xf32>,
        %add3A_951 = arith.addf %get3A_947, %get3A_391 : vector<16xf32>
        %sub3A_952 = arith.subf %get3A_403, %get3A_950 : vector<16xf32>
        %mul3A_953 = arith.mulf %add3A_951, %add3A_951 : vector<16xf32>
        %mul3A_954 = arith.mulf %sub3A_952, %sub3A_952 : vector<16xf32>
        %add3A_955 = arith.addf %add3A_943, %mul3A_953 : vector<16xf32>
        %add3A_956 = arith.addf %add3A_944, %mul3A_954 : vector<16xf32>
        %mul3A_957 = arith.constant 16 : i32
        %mul3A_958 = arith.muli %scan3A_628, %mul3A_957 : i32
        %add3A_959 = arith.constant 5 : i32
        %add3A_960 = arith.addi %mul3A_958, %add3A_959 : i32
        %get3A_961 = arith.index_cast %add3A_960 : i32 to index
        %get3A_962 = arith.constant 0 : index
        %get3A_963 = tpu.vector_load %arg23[%get3A_961, %get3A_962] {strides = array<i32>} : memref<50x64xf32, #tpu.memory_space<vmem>>, vector<16xf32>,
        %get3A_964 = arith.index_cast %add3A_960 : i32 to index
        %get3A_965 = arith.constant 0 : index
        %get3A_966 = tpu.vector_load %arg25[%get3A_964, %get3A_965] {strides = array<i32>} : memref<50x64xf32, #tpu.memory_space<vmem>>, vector<16xf32>,
        %add3A_967 = arith.addf %get3A_963, %get3A_382 : vector<16xf32>
        %sub3A_968 = arith.subf %get3A_394, %get3A_966 : vector<16xf32>
        %mul3A_969 = arith.mulf %add3A_967, %add3A_967 : vector<16xf32>
        %mul3A_970 = arith.mulf %sub3A_968, %sub3A_968 : vector<16xf32>
        %get3A_971 = arith.index_cast %add3A_960 : i32 to index
        %get3A_972 = arith.constant 16 : index
        %get3A_973 = tpu.vector_load %arg23[%get3A_971, %get3A_972] {strides = array<i32>} : memref<50x64xf32, #tpu.memory_space<vmem>>, vector<16xf32>,
        %get3A_974 = arith.index_cast %add3A_960 : i32 to index
        %get3A_975 = arith.constant 16 : index
        %get3A_976 = tpu.vector_load %arg25[%get3A_974, %get3A_975] {strides = array<i32>} : memref<50x64xf32, #tpu.memory_space<vmem>>, vector<16xf32>,
        %add3A_977 = arith.addf %get3A_973, %get3A_385 : vector<16xf32>
        %sub3A_978 = arith.subf %get3A_397, %get3A_976 : vector<16xf32>
        %mul3A_979 = arith.mulf %add3A_977, %add3A_977 : vector<16xf32>
        %mul3A_980 = arith.mulf %sub3A_978, %sub3A_978 : vector<16xf32>
        %add3A_981 = arith.addf %mul3A_969, %mul3A_979 : vector<16xf32>
        %add3A_982 = arith.addf %mul3A_970, %mul3A_980 : vector<16xf32>
        %get3A_983 = arith.index_cast %add3A_960 : i32 to index
        %get3A_984 = arith.constant 32 : index
        %get3A_985 = tpu.vector_load %arg23[%get3A_983, %get3A_984] {strides = array<i32>} : memref<50x64xf32, #tpu.memory_space<vmem>>, vector<16xf32>,
        %get3A_986 = arith.index_cast %add3A_960 : i32 to index
        %get3A_987 = arith.constant 32 : index
        %get3A_988 = tpu.vector_load %arg25[%get3A_986, %get3A_987] {strides = array<i32>} : memref<50x64xf32, #tpu.memory_space<vmem>>, vector<16xf32>,
        %add3A_989 = arith.addf %get3A_985, %get3A_388 : vector<16xf32>
        %sub3A_990 = arith.subf %get3A_400, %get3A_988 : vector<16xf32>
        %mul3A_991 = arith.mulf %add3A_989, %add3A_989 : vector<16xf32>
        %mul3A_992 = arith.mulf %sub3A_990, %sub3A_990 : vector<16xf32>
        %add3A_993 = arith.addf %add3A_981, %mul3A_991 : vector<16xf32>
        %add3A_994 = arith.addf %add3A_982, %mul3A_992 : vector<16xf32>
        %get3A_995 = arith.index_cast %add3A_960 : i32 to index
        %get3A_996 = arith.constant 48 : index
        %get3A_997 = tpu.vector_load %arg23[%get3A_995, %get3A_996] {strides = array<i32>} : memref<50x64xf32, #tpu.memory_space<vmem>>, vector<16xf32>,
        %get3A_998 = arith.index_cast %add3A_960 : i32 to index
        %get3A_999 = arith.constant 48 : index
        %get3A_1000 = tpu.vector_load %arg25[%get3A_998, %get3A_999] {strides = array<i32>} : memref<50x64xf32, #tpu.memory_space<vmem>>, vector<16xf32>,
        %add3A_1001 = arith.addf %get3A_997, %get3A_391 : vector<16xf32>
        %sub3A_1002 = arith.subf %get3A_403, %get3A_1000 : vector<16xf32>
        %mul3A_1003 = arith.mulf %add3A_1001, %add3A_1001 : vector<16xf32>
        %mul3A_1004 = arith.mulf %sub3A_1002, %sub3A_1002 : vector<16xf32>
        %add3A_1005 = arith.addf %add3A_993, %mul3A_1003 : vector<16xf32>
        %add3A_1006 = arith.addf %add3A_994, %mul3A_1004 : vector<16xf32>
        %select_n3A_1007 = arith.select %eq3A_30, %add3A_1005, %add3A_955 : vector<16xi1>, vector<16xf32>
        %select_n3A_1008 = arith.select %eq3A_30, %add3A_955, %add3A_1005 : vector<16xi1>, vector<16xf32>
        %lt3A_1009 = arith.constant 0 : i32
        %lt3A_1010 = vector.broadcast %lt3A_1009 : i32 to vector<16xi32>
        %lt3A_1011 = arith.cmpi slt, %xor3A_59, %lt3A_1010 : vector<16xi32>
        %add3A_1012 = arith.constant 16 : i32
        %add3A_1013 = vector.broadcast %add3A_1012 : i32 to vector<16xi32>
        %add3A_1014 = arith.addi %xor3A_59, %add3A_1013 : vector<16xi32>
        %select_n3A_1015 = arith.select %lt3A_1011, %add3A_1014, %xor3A_59 : vector<16xi1>, vector<16xi32>
        %reshape3A_1016 = vector.shape_cast %select_n3A_1015 : vector<16xi32> to vector<16x1xi32>
        %gather3A_1017 = vector.shape_cast %reshape3A_1016 : vector<16x1xi32> to vector<16xi32>
        %gather3A_1018 = tpu.dynamic_gather %select_n3A_1008[%gather3A_1017] in [0] : vector<16xf32>, vector<16xi32> -> vector<16xf32>
        %add3A_1019 = arith.addf %select_n3A_1007, %gather3A_1018 : vector<16xf32>
        %select_n3A_1020 = arith.select %eq3A_30, %add3A_1006, %add3A_956 : vector<16xi1>, vector<16xf32>
        %select_n3A_1021 = arith.select %eq3A_30, %add3A_956, %add3A_1006 : vector<16xi1>, vector<16xf32>
        %lt3A_1022 = arith.constant 0 : i32
        %lt3A_1023 = vector.broadcast %lt3A_1022 : i32 to vector<16xi32>
        %lt3A_1024 = arith.cmpi slt, %xor3A_59, %lt3A_1023 : vector<16xi32>
        %add3A_1025 = arith.constant 16 : i32
        %add3A_1026 = vector.broadcast %add3A_1025 : i32 to vector<16xi32>
        %add3A_1027 = arith.addi %xor3A_59, %add3A_1026 : vector<16xi32>
        %select_n3A_1028 = arith.select %lt3A_1024, %add3A_1027, %xor3A_59 : vector<16xi1>, vector<16xi32>
        %reshape3A_1029 = vector.shape_cast %select_n3A_1028 : vector<16xi32> to vector<16x1xi32>
        %gather3A_1030 = vector.shape_cast %reshape3A_1029 : vector<16x1xi32> to vector<16xi32>
        %gather3A_1031 = tpu.dynamic_gather %select_n3A_1021[%gather3A_1030] in [0] : vector<16xf32>, vector<16xi32> -> vector<16xf32>
        %add3A_1032 = arith.addf %select_n3A_1020, %gather3A_1031 : vector<16xf32>
        %mul3A_1033 = arith.constant 16 : i32
        %mul3A_1034 = arith.muli %scan3A_628, %mul3A_1033 : i32
        %add3A_1035 = arith.constant 6 : i32
        %add3A_1036 = arith.addi %mul3A_1034, %add3A_1035 : i32
        %get3A_1037 = arith.index_cast %add3A_1036 : i32 to index
        %get3A_1038 = arith.constant 0 : index
        %get3A_1039 = tpu.vector_load %arg23[%get3A_1037, %get3A_1038] {strides = array<i32>} : memref<50x64xf32, #tpu.memory_space<vmem>>, vector<16xf32>,
        %get3A_1040 = arith.index_cast %add3A_1036 : i32 to index
        %get3A_1041 = arith.constant 0 : index
        %get3A_1042 = tpu.vector_load %arg25[%get3A_1040, %get3A_1041] {strides = array<i32>} : memref<50x64xf32, #tpu.memory_space<vmem>>, vector<16xf32>,
        %add3A_1043 = arith.addf %get3A_1039, %get3A_382 : vector<16xf32>
        %sub3A_1044 = arith.subf %get3A_394, %get3A_1042 : vector<16xf32>
        %mul3A_1045 = arith.mulf %add3A_1043, %add3A_1043 : vector<16xf32>
        %mul3A_1046 = arith.mulf %sub3A_1044, %sub3A_1044 : vector<16xf32>
        %get3A_1047 = arith.index_cast %add3A_1036 : i32 to index
        %get3A_1048 = arith.constant 16 : index
        %get3A_1049 = tpu.vector_load %arg23[%get3A_1047, %get3A_1048] {strides = array<i32>} : memref<50x64xf32, #tpu.memory_space<vmem>>, vector<16xf32>,
        %get3A_1050 = arith.index_cast %add3A_1036 : i32 to index
        %get3A_1051 = arith.constant 16 : index
        %get3A_1052 = tpu.vector_load %arg25[%get3A_1050, %get3A_1051] {strides = array<i32>} : memref<50x64xf32, #tpu.memory_space<vmem>>, vector<16xf32>,
        %add3A_1053 = arith.addf %get3A_1049, %get3A_385 : vector<16xf32>
        %sub3A_1054 = arith.subf %get3A_397, %get3A_1052 : vector<16xf32>
        %mul3A_1055 = arith.mulf %add3A_1053, %add3A_1053 : vector<16xf32>
        %mul3A_1056 = arith.mulf %sub3A_1054, %sub3A_1054 : vector<16xf32>
        %add3A_1057 = arith.addf %mul3A_1045, %mul3A_1055 : vector<16xf32>
        %add3A_1058 = arith.addf %mul3A_1046, %mul3A_1056 : vector<16xf32>
        %get3A_1059 = arith.index_cast %add3A_1036 : i32 to index
        %get3A_1060 = arith.constant 32 : index
        %get3A_1061 = tpu.vector_load %arg23[%get3A_1059, %get3A_1060] {strides = array<i32>} : memref<50x64xf32, #tpu.memory_space<vmem>>, vector<16xf32>,
        %get3A_1062 = arith.index_cast %add3A_1036 : i32 to index
        %get3A_1063 = arith.constant 32 : index
        %get3A_1064 = tpu.vector_load %arg25[%get3A_1062, %get3A_1063] {strides = array<i32>} : memref<50x64xf32, #tpu.memory_space<vmem>>, vector<16xf32>,
        %add3A_1065 = arith.addf %get3A_1061, %get3A_388 : vector<16xf32>
        %sub3A_1066 = arith.subf %get3A_400, %get3A_1064 : vector<16xf32>
        %mul3A_1067 = arith.mulf %add3A_1065, %add3A_1065 : vector<16xf32>
        %mul3A_1068 = arith.mulf %sub3A_1066, %sub3A_1066 : vector<16xf32>
        %add3A_1069 = arith.addf %add3A_1057, %mul3A_1067 : vector<16xf32>
        %add3A_1070 = arith.addf %add3A_1058, %mul3A_1068 : vector<16xf32>
        %get3A_1071 = arith.index_cast %add3A_1036 : i32 to index
        %get3A_1072 = arith.constant 48 : index
        %get3A_1073 = tpu.vector_load %arg23[%get3A_1071, %get3A_1072] {strides = array<i32>} : memref<50x64xf32, #tpu.memory_space<vmem>>, vector<16xf32>,
        %get3A_1074 = arith.index_cast %add3A_1036 : i32 to index
        %get3A_1075 = arith.constant 48 : index
        %get3A_1076 = tpu.vector_load %arg25[%get3A_1074, %get3A_1075] {strides = array<i32>} : memref<50x64xf32, #tpu.memory_space<vmem>>, vector<16xf32>,
        %add3A_1077 = arith.addf %get3A_1073, %get3A_391 : vector<16xf32>
        %sub3A_1078 = arith.subf %get3A_403, %get3A_1076 : vector<16xf32>
        %mul3A_1079 = arith.mulf %add3A_1077, %add3A_1077 : vector<16xf32>
        %mul3A_1080 = arith.mulf %sub3A_1078, %sub3A_1078 : vector<16xf32>
        %add3A_1081 = arith.addf %add3A_1069, %mul3A_1079 : vector<16xf32>
        %add3A_1082 = arith.addf %add3A_1070, %mul3A_1080 : vector<16xf32>
        %mul3A_1083 = arith.constant 16 : i32
        %mul3A_1084 = arith.muli %scan3A_628, %mul3A_1083 : i32
        %add3A_1085 = arith.constant 7 : i32
        %add3A_1086 = arith.addi %mul3A_1084, %add3A_1085 : i32
        %get3A_1087 = arith.index_cast %add3A_1086 : i32 to index
        %get3A_1088 = arith.constant 0 : index
        %get3A_1089 = tpu.vector_load %arg23[%get3A_1087, %get3A_1088] {strides = array<i32>} : memref<50x64xf32, #tpu.memory_space<vmem>>, vector<16xf32>,
        %get3A_1090 = arith.index_cast %add3A_1086 : i32 to index
        %get3A_1091 = arith.constant 0 : index
        %get3A_1092 = tpu.vector_load %arg25[%get3A_1090, %get3A_1091] {strides = array<i32>} : memref<50x64xf32, #tpu.memory_space<vmem>>, vector<16xf32>,
        %add3A_1093 = arith.addf %get3A_1089, %get3A_382 : vector<16xf32>
        %sub3A_1094 = arith.subf %get3A_394, %get3A_1092 : vector<16xf32>
        %mul3A_1095 = arith.mulf %add3A_1093, %add3A_1093 : vector<16xf32>
        %mul3A_1096 = arith.mulf %sub3A_1094, %sub3A_1094 : vector<16xf32>
        %get3A_1097 = arith.index_cast %add3A_1086 : i32 to index
        %get3A_1098 = arith.constant 16 : index
        %get3A_1099 = tpu.vector_load %arg23[%get3A_1097, %get3A_1098] {strides = array<i32>} : memref<50x64xf32, #tpu.memory_space<vmem>>, vector<16xf32>,
        %get3A_1100 = arith.index_cast %add3A_1086 : i32 to index
        %get3A_1101 = arith.constant 16 : index
        %get3A_1102 = tpu.vector_load %arg25[%get3A_1100, %get3A_1101] {strides = array<i32>} : memref<50x64xf32, #tpu.memory_space<vmem>>, vector<16xf32>,
        %add3A_1103 = arith.addf %get3A_1099, %get3A_385 : vector<16xf32>
        %sub3A_1104 = arith.subf %get3A_397, %get3A_1102 : vector<16xf32>
        %mul3A_1105 = arith.mulf %add3A_1103, %add3A_1103 : vector<16xf32>
        %mul3A_1106 = arith.mulf %sub3A_1104, %sub3A_1104 : vector<16xf32>
        %add3A_1107 = arith.addf %mul3A_1095, %mul3A_1105 : vector<16xf32>
        %add3A_1108 = arith.addf %mul3A_1096, %mul3A_1106 : vector<16xf32>
        %get3A_1109 = arith.index_cast %add3A_1086 : i32 to index
        %get3A_1110 = arith.constant 32 : index
        %get3A_1111 = tpu.vector_load %arg23[%get3A_1109, %get3A_1110] {strides = array<i32>} : memref<50x64xf32, #tpu.memory_space<vmem>>, vector<16xf32>,
        %get3A_1112 = arith.index_cast %add3A_1086 : i32 to index
        %get3A_1113 = arith.constant 32 : index
        %get3A_1114 = tpu.vector_load %arg25[%get3A_1112, %get3A_1113] {strides = array<i32>} : memref<50x64xf32, #tpu.memory_space<vmem>>, vector<16xf32>,
        %add3A_1115 = arith.addf %get3A_1111, %get3A_388 : vector<16xf32>
        %sub3A_1116 = arith.subf %get3A_400, %get3A_1114 : vector<16xf32>
        %mul3A_1117 = arith.mulf %add3A_1115, %add3A_1115 : vector<16xf32>
        %mul3A_1118 = arith.mulf %sub3A_1116, %sub3A_1116 : vector<16xf32>
        %add3A_1119 = arith.addf %add3A_1107, %mul3A_1117 : vector<16xf32>
        %add3A_1120 = arith.addf %add3A_1108, %mul3A_1118 : vector<16xf32>
        %get3A_1121 = arith.index_cast %add3A_1086 : i32 to index
        %get3A_1122 = arith.constant 48 : index
        %get3A_1123 = tpu.vector_load %arg23[%get3A_1121, %get3A_1122] {strides = array<i32>} : memref<50x64xf32, #tpu.memory_space<vmem>>, vector<16xf32>,
        %get3A_1124 = arith.index_cast %add3A_1086 : i32 to index
        %get3A_1125 = arith.constant 48 : index
        %get3A_1126 = tpu.vector_load %arg25[%get3A_1124, %get3A_1125] {strides = array<i32>} : memref<50x64xf32, #tpu.memory_space<vmem>>, vector<16xf32>,
        %add3A_1127 = arith.addf %get3A_1123, %get3A_391 : vector<16xf32>
        %sub3A_1128 = arith.subf %get3A_403, %get3A_1126 : vector<16xf32>
        %mul3A_1129 = arith.mulf %add3A_1127, %add3A_1127 : vector<16xf32>
        %mul3A_1130 = arith.mulf %sub3A_1128, %sub3A_1128 : vector<16xf32>
        %add3A_1131 = arith.addf %add3A_1119, %mul3A_1129 : vector<16xf32>
        %add3A_1132 = arith.addf %add3A_1120, %mul3A_1130 : vector<16xf32>
        %select_n3A_1133 = arith.select %eq3A_30, %add3A_1131, %add3A_1081 : vector<16xi1>, vector<16xf32>
        %select_n3A_1134 = arith.select %eq3A_30, %add3A_1081, %add3A_1131 : vector<16xi1>, vector<16xf32>
        %lt3A_1135 = arith.constant 0 : i32
        %lt3A_1136 = vector.broadcast %lt3A_1135 : i32 to vector<16xi32>
        %lt3A_1137 = arith.cmpi slt, %xor3A_59, %lt3A_1136 : vector<16xi32>
        %add3A_1138 = arith.constant 16 : i32
        %add3A_1139 = vector.broadcast %add3A_1138 : i32 to vector<16xi32>
        %add3A_1140 = arith.addi %xor3A_59, %add3A_1139 : vector<16xi32>
        %select_n3A_1141 = arith.select %lt3A_1137, %add3A_1140, %xor3A_59 : vector<16xi1>, vector<16xi32>
        %reshape3A_1142 = vector.shape_cast %select_n3A_1141 : vector<16xi32> to vector<16x1xi32>
        %gather3A_1143 = vector.shape_cast %reshape3A_1142 : vector<16x1xi32> to vector<16xi32>
        %gather3A_1144 = tpu.dynamic_gather %select_n3A_1134[%gather3A_1143] in [0] : vector<16xf32>, vector<16xi32> -> vector<16xf32>
        %add3A_1145 = arith.addf %select_n3A_1133, %gather3A_1144 : vector<16xf32>
        %select_n3A_1146 = arith.select %eq3A_39, %add3A_1145, %add3A_1019 : vector<16xi1>, vector<16xf32>
        %select_n3A_1147 = arith.select %eq3A_39, %add3A_1019, %add3A_1145 : vector<16xi1>, vector<16xf32>
        %lt3A_1148 = arith.constant 0 : i32
        %lt3A_1149 = vector.broadcast %lt3A_1148 : i32 to vector<16xi32>
        %lt3A_1150 = arith.cmpi slt, %xor3A_62, %lt3A_1149 : vector<16xi32>
        %add3A_1151 = arith.constant 16 : i32
        %add3A_1152 = vector.broadcast %add3A_1151 : i32 to vector<16xi32>
        %add3A_1153 = arith.addi %xor3A_62, %add3A_1152 : vector<16xi32>
        %select_n3A_1154 = arith.select %lt3A_1150, %add3A_1153, %xor3A_62 : vector<16xi1>, vector<16xi32>
        %reshape3A_1155 = vector.shape_cast %select_n3A_1154 : vector<16xi32> to vector<16x1xi32>
        %gather3A_1156 = vector.shape_cast %reshape3A_1155 : vector<16x1xi32> to vector<16xi32>
        %gather3A_1157 = tpu.dynamic_gather %select_n3A_1147[%gather3A_1156] in [0] : vector<16xf32>, vector<16xi32> -> vector<16xf32>
        %add3A_1158 = arith.addf %select_n3A_1146, %gather3A_1157 : vector<16xf32>
        %select_n3A_1159 = arith.select %eq3A_48, %add3A_1158, %add3A_880 : vector<16xi1>, vector<16xf32>
        %select_n3A_1160 = arith.select %eq3A_48, %add3A_880, %add3A_1158 : vector<16xi1>, vector<16xf32>
        %lt3A_1161 = arith.constant 0 : i32
        %lt3A_1162 = vector.broadcast %lt3A_1161 : i32 to vector<16xi32>
        %lt3A_1163 = arith.cmpi slt, %xor3A_65, %lt3A_1162 : vector<16xi32>
        %add3A_1164 = arith.constant 16 : i32
        %add3A_1165 = vector.broadcast %add3A_1164 : i32 to vector<16xi32>
        %add3A_1166 = arith.addi %xor3A_65, %add3A_1165 : vector<16xi32>
        %select_n3A_1167 = arith.select %lt3A_1163, %add3A_1166, %xor3A_65 : vector<16xi1>, vector<16xi32>
        %reshape3A_1168 = vector.shape_cast %select_n3A_1167 : vector<16xi32> to vector<16x1xi32>
        %gather3A_1169 = vector.shape_cast %reshape3A_1168 : vector<16x1xi32> to vector<16xi32>
        %gather3A_1170 = tpu.dynamic_gather %select_n3A_1160[%gather3A_1169] in [0] : vector<16xf32>, vector<16xi32> -> vector<16xf32>
        %add3A_1171 = arith.addf %select_n3A_1159, %gather3A_1170 : vector<16xf32>
        %select_n3A_1172 = arith.select %eq3A_30, %add3A_1132, %add3A_1082 : vector<16xi1>, vector<16xf32>
        %select_n3A_1173 = arith.select %eq3A_30, %add3A_1082, %add3A_1132 : vector<16xi1>, vector<16xf32>
        %lt3A_1174 = arith.constant 0 : i32
        %lt3A_1175 = vector.broadcast %lt3A_1174 : i32 to vector<16xi32>
        %lt3A_1176 = arith.cmpi slt, %xor3A_59, %lt3A_1175 : vector<16xi32>
        %add3A_1177 = arith.constant 16 : i32
        %add3A_1178 = vector.broadcast %add3A_1177 : i32 to vector<16xi32>
        %add3A_1179 = arith.addi %xor3A_59, %add3A_1178 : vector<16xi32>
        %select_n3A_1180 = arith.select %lt3A_1176, %add3A_1179, %xor3A_59 : vector<16xi1>, vector<16xi32>
        %reshape3A_1181 = vector.shape_cast %select_n3A_1180 : vector<16xi32> to vector<16x1xi32>
        %gather3A_1182 = vector.shape_cast %reshape3A_1181 : vector<16x1xi32> to vector<16xi32>
        %gather3A_1183 = tpu.dynamic_gather %select_n3A_1173[%gather3A_1182] in [0] : vector<16xf32>, vector<16xi32> -> vector<16xf32>
        %add3A_1184 = arith.addf %select_n3A_1172, %gather3A_1183 : vector<16xf32>
        %select_n3A_1185 = arith.select %eq3A_39, %add3A_1184, %add3A_1032 : vector<16xi1>, vector<16xf32>
        %select_n3A_1186 = arith.select %eq3A_39, %add3A_1032, %add3A_1184 : vector<16xi1>, vector<16xf32>
        %lt3A_1187 = arith.constant 0 : i32
        %lt3A_1188 = vector.broadcast %lt3A_1187 : i32 to vector<16xi32>
        %lt3A_1189 = arith.cmpi slt, %xor3A_62, %lt3A_1188 : vector<16xi32>
        %add3A_1190 = arith.constant 16 : i32
        %add3A_1191 = vector.broadcast %add3A_1190 : i32 to vector<16xi32>
        %add3A_1192 = arith.addi %xor3A_62, %add3A_1191 : vector<16xi32>
        %select_n3A_1193 = arith.select %lt3A_1189, %add3A_1192, %xor3A_62 : vector<16xi1>, vector<16xi32>
        %reshape3A_1194 = vector.shape_cast %select_n3A_1193 : vector<16xi32> to vector<16x1xi32>
        %gather3A_1195 = vector.shape_cast %reshape3A_1194 : vector<16x1xi32> to vector<16xi32>
        %gather3A_1196 = tpu.dynamic_gather %select_n3A_1186[%gather3A_1195] in [0] : vector<16xf32>, vector<16xi32> -> vector<16xf32>
        %add3A_1197 = arith.addf %select_n3A_1185, %gather3A_1196 : vector<16xf32>
        %select_n3A_1198 = arith.select %eq3A_48, %add3A_1197, %add3A_906 : vector<16xi1>, vector<16xf32>
        %select_n3A_1199 = arith.select %eq3A_48, %add3A_906, %add3A_1197 : vector<16xi1>, vector<16xf32>
        %lt3A_1200 = arith.constant 0 : i32
        %lt3A_1201 = vector.broadcast %lt3A_1200 : i32 to vector<16xi32>
        %lt3A_1202 = arith.cmpi slt, %xor3A_65, %lt3A_1201 : vector<16xi32>
        %add3A_1203 = arith.constant 16 : i32
        %add3A_1204 = vector.broadcast %add3A_1203 : i32 to vector<16xi32>
        %add3A_1205 = arith.addi %xor3A_65, %add3A_1204 : vector<16xi32>
        %select_n3A_1206 = arith.select %lt3A_1202, %add3A_1205, %xor3A_65 : vector<16xi1>, vector<16xi32>
        %reshape3A_1207 = vector.shape_cast %select_n3A_1206 : vector<16xi32> to vector<16x1xi32>
        %gather3A_1208 = vector.shape_cast %reshape3A_1207 : vector<16x1xi32> to vector<16xi32>
        %gather3A_1209 = tpu.dynamic_gather %select_n3A_1199[%gather3A_1208] in [0] : vector<16xf32>, vector<16xi32> -> vector<16xf32>
        %add3A_1210 = arith.addf %select_n3A_1198, %gather3A_1209 : vector<16xf32>
        %mul3A_1211 = arith.constant 16 : i32
        %mul3A_1212 = arith.muli %scan3A_628, %mul3A_1211 : i32
        %add3A_1213 = arith.constant 8 : i32
        %add3A_1214 = arith.addi %mul3A_1212, %add3A_1213 : i32
        %get3A_1215 = arith.index_cast %add3A_1214 : i32 to index
        %get3A_1216 = arith.constant 0 : index
        %get3A_1217 = tpu.vector_load %arg23[%get3A_1215, %get3A_1216] {strides = array<i32>} : memref<50x64xf32, #tpu.memory_space<vmem>>, vector<16xf32>,
        %get3A_1218 = arith.index_cast %add3A_1214 : i32 to index
        %get3A_1219 = arith.constant 0 : index
        %get3A_1220 = tpu.vector_load %arg25[%get3A_1218, %get3A_1219] {strides = array<i32>} : memref<50x64xf32, #tpu.memory_space<vmem>>, vector<16xf32>,
        %add3A_1221 = arith.addf %get3A_1217, %get3A_382 : vector<16xf32>
        %sub3A_1222 = arith.subf %get3A_394, %get3A_1220 : vector<16xf32>
        %mul3A_1223 = arith.mulf %add3A_1221, %add3A_1221 : vector<16xf32>
        %mul3A_1224 = arith.mulf %sub3A_1222, %sub3A_1222 : vector<16xf32>
        %get3A_1225 = arith.index_cast %add3A_1214 : i32 to index
        %get3A_1226 = arith.constant 16 : index
        %get3A_1227 = tpu.vector_load %arg23[%get3A_1225, %get3A_1226] {strides = array<i32>} : memref<50x64xf32, #tpu.memory_space<vmem>>, vector<16xf32>,
        %get3A_1228 = arith.index_cast %add3A_1214 : i32 to index
        %get3A_1229 = arith.constant 16 : index
        %get3A_1230 = tpu.vector_load %arg25[%get3A_1228, %get3A_1229] {strides = array<i32>} : memref<50x64xf32, #tpu.memory_space<vmem>>, vector<16xf32>,
        %add3A_1231 = arith.addf %get3A_1227, %get3A_385 : vector<16xf32>
        %sub3A_1232 = arith.subf %get3A_397, %get3A_1230 : vector<16xf32>
        %mul3A_1233 = arith.mulf %add3A_1231, %add3A_1231 : vector<16xf32>
        %mul3A_1234 = arith.mulf %sub3A_1232, %sub3A_1232 : vector<16xf32>
        %add3A_1235 = arith.addf %mul3A_1223, %mul3A_1233 : vector<16xf32>
        %add3A_1236 = arith.addf %mul3A_1224, %mul3A_1234 : vector<16xf32>
        %get3A_1237 = arith.index_cast %add3A_1214 : i32 to index
        %get3A_1238 = arith.constant 32 : index
        %get3A_1239 = tpu.vector_load %arg23[%get3A_1237, %get3A_1238] {strides = array<i32>} : memref<50x64xf32, #tpu.memory_space<vmem>>, vector<16xf32>,
        %get3A_1240 = arith.index_cast %add3A_1214 : i32 to index
        %get3A_1241 = arith.constant 32 : index
        %get3A_1242 = tpu.vector_load %arg25[%get3A_1240, %get3A_1241] {strides = array<i32>} : memref<50x64xf32, #tpu.memory_space<vmem>>, vector<16xf32>,
        %add3A_1243 = arith.addf %get3A_1239, %get3A_388 : vector<16xf32>
        %sub3A_1244 = arith.subf %get3A_400, %get3A_1242 : vector<16xf32>
        %mul3A_1245 = arith.mulf %add3A_1243, %add3A_1243 : vector<16xf32>
        %mul3A_1246 = arith.mulf %sub3A_1244, %sub3A_1244 : vector<16xf32>
        %add3A_1247 = arith.addf %add3A_1235, %mul3A_1245 : vector<16xf32>
        %add3A_1248 = arith.addf %add3A_1236, %mul3A_1246 : vector<16xf32>
        %get3A_1249 = arith.index_cast %add3A_1214 : i32 to index
        %get3A_1250 = arith.constant 48 : index
        %get3A_1251 = tpu.vector_load %arg23[%get3A_1249, %get3A_1250] {strides = array<i32>} : memref<50x64xf32, #tpu.memory_space<vmem>>, vector<16xf32>,
        %get3A_1252 = arith.index_cast %add3A_1214 : i32 to index
        %get3A_1253 = arith.constant 48 : index
        %get3A_1254 = tpu.vector_load %arg25[%get3A_1252, %get3A_1253] {strides = array<i32>} : memref<50x64xf32, #tpu.memory_space<vmem>>, vector<16xf32>,
        %add3A_1255 = arith.addf %get3A_1251, %get3A_391 : vector<16xf32>
        %sub3A_1256 = arith.subf %get3A_403, %get3A_1254 : vector<16xf32>
        %mul3A_1257 = arith.mulf %add3A_1255, %add3A_1255 : vector<16xf32>
        %mul3A_1258 = arith.mulf %sub3A_1256, %sub3A_1256 : vector<16xf32>
        %add3A_1259 = arith.addf %add3A_1247, %mul3A_1257 : vector<16xf32>
        %add3A_1260 = arith.addf %add3A_1248, %mul3A_1258 : vector<16xf32>
        %mul3A_1261 = arith.constant 16 : i32
        %mul3A_1262 = arith.muli %scan3A_628, %mul3A_1261 : i32
        %add3A_1263 = arith.constant 9 : i32
        %add3A_1264 = arith.addi %mul3A_1262, %add3A_1263 : i32
        %get3A_1265 = arith.index_cast %add3A_1264 : i32 to index
        %get3A_1266 = arith.constant 0 : index
        %get3A_1267 = tpu.vector_load %arg23[%get3A_1265, %get3A_1266] {strides = array<i32>} : memref<50x64xf32, #tpu.memory_space<vmem>>, vector<16xf32>,
        %get3A_1268 = arith.index_cast %add3A_1264 : i32 to index
        %get3A_1269 = arith.constant 0 : index
        %get3A_1270 = tpu.vector_load %arg25[%get3A_1268, %get3A_1269] {strides = array<i32>} : memref<50x64xf32, #tpu.memory_space<vmem>>, vector<16xf32>,
        %add3A_1271 = arith.addf %get3A_1267, %get3A_382 : vector<16xf32>
        %sub3A_1272 = arith.subf %get3A_394, %get3A_1270 : vector<16xf32>
        %mul3A_1273 = arith.mulf %add3A_1271, %add3A_1271 : vector<16xf32>
        %mul3A_1274 = arith.mulf %sub3A_1272, %sub3A_1272 : vector<16xf32>
        %get3A_1275 = arith.index_cast %add3A_1264 : i32 to index
        %get3A_1276 = arith.constant 16 : index
        %get3A_1277 = tpu.vector_load %arg23[%get3A_1275, %get3A_1276] {strides = array<i32>} : memref<50x64xf32, #tpu.memory_space<vmem>>, vector<16xf32>,
        %get3A_1278 = arith.index_cast %add3A_1264 : i32 to index
        %get3A_1279 = arith.constant 16 : index
        %get3A_1280 = tpu.vector_load %arg25[%get3A_1278, %get3A_1279] {strides = array<i32>} : memref<50x64xf32, #tpu.memory_space<vmem>>, vector<16xf32>,
        %add3A_1281 = arith.addf %get3A_1277, %get3A_385 : vector<16xf32>
        %sub3A_1282 = arith.subf %get3A_397, %get3A_1280 : vector<16xf32>
        %mul3A_1283 = arith.mulf %add3A_1281, %add3A_1281 : vector<16xf32>
        %mul3A_1284 = arith.mulf %sub3A_1282, %sub3A_1282 : vector<16xf32>
        %add3A_1285 = arith.addf %mul3A_1273, %mul3A_1283 : vector<16xf32>
        %add3A_1286 = arith.addf %mul3A_1274, %mul3A_1284 : vector<16xf32>
        %get3A_1287 = arith.index_cast %add3A_1264 : i32 to index
        %get3A_1288 = arith.constant 32 : index
        %get3A_1289 = tpu.vector_load %arg23[%get3A_1287, %get3A_1288] {strides = array<i32>} : memref<50x64xf32, #tpu.memory_space<vmem>>, vector<16xf32>,
        %get3A_1290 = arith.index_cast %add3A_1264 : i32 to index
        %get3A_1291 = arith.constant 32 : index
        %get3A_1292 = tpu.vector_load %arg25[%get3A_1290, %get3A_1291] {strides = array<i32>} : memref<50x64xf32, #tpu.memory_space<vmem>>, vector<16xf32>,
        %add3A_1293 = arith.addf %get3A_1289, %get3A_388 : vector<16xf32>
        %sub3A_1294 = arith.subf %get3A_400, %get3A_1292 : vector<16xf32>
        %mul3A_1295 = arith.mulf %add3A_1293, %add3A_1293 : vector<16xf32>
        %mul3A_1296 = arith.mulf %sub3A_1294, %sub3A_1294 : vector<16xf32>
        %add3A_1297 = arith.addf %add3A_1285, %mul3A_1295 : vector<16xf32>
        %add3A_1298 = arith.addf %add3A_1286, %mul3A_1296 : vector<16xf32>
        %get3A_1299 = arith.index_cast %add3A_1264 : i32 to index
        %get3A_1300 = arith.constant 48 : index
        %get3A_1301 = tpu.vector_load %arg23[%get3A_1299, %get3A_1300] {strides = array<i32>} : memref<50x64xf32, #tpu.memory_space<vmem>>, vector<16xf32>,
        %get3A_1302 = arith.index_cast %add3A_1264 : i32 to index
        %get3A_1303 = arith.constant 48 : index
        %get3A_1304 = tpu.vector_load %arg25[%get3A_1302, %get3A_1303] {strides = array<i32>} : memref<50x64xf32, #tpu.memory_space<vmem>>, vector<16xf32>,
        %add3A_1305 = arith.addf %get3A_1301, %get3A_391 : vector<16xf32>
        %sub3A_1306 = arith.subf %get3A_403, %get3A_1304 : vector<16xf32>
        %mul3A_1307 = arith.mulf %add3A_1305, %add3A_1305 : vector<16xf32>
        %mul3A_1308 = arith.mulf %sub3A_1306, %sub3A_1306 : vector<16xf32>
        %add3A_1309 = arith.addf %add3A_1297, %mul3A_1307 : vector<16xf32>
        %add3A_1310 = arith.addf %add3A_1298, %mul3A_1308 : vector<16xf32>
        %select_n3A_1311 = arith.select %eq3A_30, %add3A_1309, %add3A_1259 : vector<16xi1>, vector<16xf32>
        %select_n3A_1312 = arith.select %eq3A_30, %add3A_1259, %add3A_1309 : vector<16xi1>, vector<16xf32>
        %lt3A_1313 = arith.constant 0 : i32
        %lt3A_1314 = vector.broadcast %lt3A_1313 : i32 to vector<16xi32>
        %lt3A_1315 = arith.cmpi slt, %xor3A_59, %lt3A_1314 : vector<16xi32>
        %add3A_1316 = arith.constant 16 : i32
        %add3A_1317 = vector.broadcast %add3A_1316 : i32 to vector<16xi32>
        %add3A_1318 = arith.addi %xor3A_59, %add3A_1317 : vector<16xi32>
        %select_n3A_1319 = arith.select %lt3A_1315, %add3A_1318, %xor3A_59 : vector<16xi1>, vector<16xi32>
        %reshape3A_1320 = vector.shape_cast %select_n3A_1319 : vector<16xi32> to vector<16x1xi32>
        %gather3A_1321 = vector.shape_cast %reshape3A_1320 : vector<16x1xi32> to vector<16xi32>
        %gather3A_1322 = tpu.dynamic_gather %select_n3A_1312[%gather3A_1321] in [0] : vector<16xf32>, vector<16xi32> -> vector<16xf32>
        %add3A_1323 = arith.addf %select_n3A_1311, %gather3A_1322 : vector<16xf32>
        %select_n3A_1324 = arith.select %eq3A_30, %add3A_1310, %add3A_1260 : vector<16xi1>, vector<16xf32>
        %select_n3A_1325 = arith.select %eq3A_30, %add3A_1260, %add3A_1310 : vector<16xi1>, vector<16xf32>
        %lt3A_1326 = arith.constant 0 : i32
        %lt3A_1327 = vector.broadcast %lt3A_1326 : i32 to vector<16xi32>
        %lt3A_1328 = arith.cmpi slt, %xor3A_59, %lt3A_1327 : vector<16xi32>
        %add3A_1329 = arith.constant 16 : i32
        %add3A_1330 = vector.broadcast %add3A_1329 : i32 to vector<16xi32>
        %add3A_1331 = arith.addi %xor3A_59, %add3A_1330 : vector<16xi32>
        %select_n3A_1332 = arith.select %lt3A_1328, %add3A_1331, %xor3A_59 : vector<16xi1>, vector<16xi32>
        %reshape3A_1333 = vector.shape_cast %select_n3A_1332 : vector<16xi32> to vector<16x1xi32>
        %gather3A_1334 = vector.shape_cast %reshape3A_1333 : vector<16x1xi32> to vector<16xi32>
        %gather3A_1335 = tpu.dynamic_gather %select_n3A_1325[%gather3A_1334] in [0] : vector<16xf32>, vector<16xi32> -> vector<16xf32>
        %add3A_1336 = arith.addf %select_n3A_1324, %gather3A_1335 : vector<16xf32>
        %mul3A_1337 = arith.constant 16 : i32
        %mul3A_1338 = arith.muli %scan3A_628, %mul3A_1337 : i32
        %add3A_1339 = arith.constant 10 : i32
        %add3A_1340 = arith.addi %mul3A_1338, %add3A_1339 : i32
        %get3A_1341 = arith.index_cast %add3A_1340 : i32 to index
        %get3A_1342 = arith.constant 0 : index
        %get3A_1343 = tpu.vector_load %arg23[%get3A_1341, %get3A_1342] {strides = array<i32>} : memref<50x64xf32, #tpu.memory_space<vmem>>, vector<16xf32>,
        %get3A_1344 = arith.index_cast %add3A_1340 : i32 to index
        %get3A_1345 = arith.constant 0 : index
        %get3A_1346 = tpu.vector_load %arg25[%get3A_1344, %get3A_1345] {strides = array<i32>} : memref<50x64xf32, #tpu.memory_space<vmem>>, vector<16xf32>,
        %add3A_1347 = arith.addf %get3A_1343, %get3A_382 : vector<16xf32>
        %sub3A_1348 = arith.subf %get3A_394, %get3A_1346 : vector<16xf32>
        %mul3A_1349 = arith.mulf %add3A_1347, %add3A_1347 : vector<16xf32>
        %mul3A_1350 = arith.mulf %sub3A_1348, %sub3A_1348 : vector<16xf32>
        %get3A_1351 = arith.index_cast %add3A_1340 : i32 to index
        %get3A_1352 = arith.constant 16 : index
        %get3A_1353 = tpu.vector_load %arg23[%get3A_1351, %get3A_1352] {strides = array<i32>} : memref<50x64xf32, #tpu.memory_space<vmem>>, vector<16xf32>,
        %get3A_1354 = arith.index_cast %add3A_1340 : i32 to index
        %get3A_1355 = arith.constant 16 : index
        %get3A_1356 = tpu.vector_load %arg25[%get3A_1354, %get3A_1355] {strides = array<i32>} : memref<50x64xf32, #tpu.memory_space<vmem>>, vector<16xf32>,
        %add3A_1357 = arith.addf %get3A_1353, %get3A_385 : vector<16xf32>
        %sub3A_1358 = arith.subf %get3A_397, %get3A_1356 : vector<16xf32>
        %mul3A_1359 = arith.mulf %add3A_1357, %add3A_1357 : vector<16xf32>
        %mul3A_1360 = arith.mulf %sub3A_1358, %sub3A_1358 : vector<16xf32>
        %add3A_1361 = arith.addf %mul3A_1349, %mul3A_1359 : vector<16xf32>
        %add3A_1362 = arith.addf %mul3A_1350, %mul3A_1360 : vector<16xf32>
        %get3A_1363 = arith.index_cast %add3A_1340 : i32 to index
        %get3A_1364 = arith.constant 32 : index
        %get3A_1365 = tpu.vector_load %arg23[%get3A_1363, %get3A_1364] {strides = array<i32>} : memref<50x64xf32, #tpu.memory_space<vmem>>, vector<16xf32>,
        %get3A_1366 = arith.index_cast %add3A_1340 : i32 to index
        %get3A_1367 = arith.constant 32 : index
        %get3A_1368 = tpu.vector_load %arg25[%get3A_1366, %get3A_1367] {strides = array<i32>} : memref<50x64xf32, #tpu.memory_space<vmem>>, vector<16xf32>,
        %add3A_1369 = arith.addf %get3A_1365, %get3A_388 : vector<16xf32>
        %sub3A_1370 = arith.subf %get3A_400, %get3A_1368 : vector<16xf32>
        %mul3A_1371 = arith.mulf %add3A_1369, %add3A_1369 : vector<16xf32>
        %mul3A_1372 = arith.mulf %sub3A_1370, %sub3A_1370 : vector<16xf32>
        %add3A_1373 = arith.addf %add3A_1361, %mul3A_1371 : vector<16xf32>
        %add3A_1374 = arith.addf %add3A_1362, %mul3A_1372 : vector<16xf32>
        %get3A_1375 = arith.index_cast %add3A_1340 : i32 to index
        %get3A_1376 = arith.constant 48 : index
        %get3A_1377 = tpu.vector_load %arg23[%get3A_1375, %get3A_1376] {strides = array<i32>} : memref<50x64xf32, #tpu.memory_space<vmem>>, vector<16xf32>,
        %get3A_1378 = arith.index_cast %add3A_1340 : i32 to index
        %get3A_1379 = arith.constant 48 : index
        %get3A_1380 = tpu.vector_load %arg25[%get3A_1378, %get3A_1379] {strides = array<i32>} : memref<50x64xf32, #tpu.memory_space<vmem>>, vector<16xf32>,
        %add3A_1381 = arith.addf %get3A_1377, %get3A_391 : vector<16xf32>
        %sub3A_1382 = arith.subf %get3A_403, %get3A_1380 : vector<16xf32>
        %mul3A_1383 = arith.mulf %add3A_1381, %add3A_1381 : vector<16xf32>
        %mul3A_1384 = arith.mulf %sub3A_1382, %sub3A_1382 : vector<16xf32>
        %add3A_1385 = arith.addf %add3A_1373, %mul3A_1383 : vector<16xf32>
        %add3A_1386 = arith.addf %add3A_1374, %mul3A_1384 : vector<16xf32>
        %mul3A_1387 = arith.constant 16 : i32
        %mul3A_1388 = arith.muli %scan3A_628, %mul3A_1387 : i32
        %add3A_1389 = arith.constant 11 : i32
        %add3A_1390 = arith.addi %mul3A_1388, %add3A_1389 : i32
        %get3A_1391 = arith.index_cast %add3A_1390 : i32 to index
        %get3A_1392 = arith.constant 0 : index
        %get3A_1393 = tpu.vector_load %arg23[%get3A_1391, %get3A_1392] {strides = array<i32>} : memref<50x64xf32, #tpu.memory_space<vmem>>, vector<16xf32>,
        %get3A_1394 = arith.index_cast %add3A_1390 : i32 to index
        %get3A_1395 = arith.constant 0 : index
        %get3A_1396 = tpu.vector_load %arg25[%get3A_1394, %get3A_1395] {strides = array<i32>} : memref<50x64xf32, #tpu.memory_space<vmem>>, vector<16xf32>,
        %add3A_1397 = arith.addf %get3A_1393, %get3A_382 : vector<16xf32>
        %sub3A_1398 = arith.subf %get3A_394, %get3A_1396 : vector<16xf32>
        %mul3A_1399 = arith.mulf %add3A_1397, %add3A_1397 : vector<16xf32>
        %mul3A_1400 = arith.mulf %sub3A_1398, %sub3A_1398 : vector<16xf32>
        %get3A_1401 = arith.index_cast %add3A_1390 : i32 to index
        %get3A_1402 = arith.constant 16 : index
        %get3A_1403 = tpu.vector_load %arg23[%get3A_1401, %get3A_1402] {strides = array<i32>} : memref<50x64xf32, #tpu.memory_space<vmem>>, vector<16xf32>,
        %get3A_1404 = arith.index_cast %add3A_1390 : i32 to index
        %get3A_1405 = arith.constant 16 : index
        %get3A_1406 = tpu.vector_load %arg25[%get3A_1404, %get3A_1405] {strides = array<i32>} : memref<50x64xf32, #tpu.memory_space<vmem>>, vector<16xf32>,
        %add3A_1407 = arith.addf %get3A_1403, %get3A_385 : vector<16xf32>
        %sub3A_1408 = arith.subf %get3A_397, %get3A_1406 : vector<16xf32>
        %mul3A_1409 = arith.mulf %add3A_1407, %add3A_1407 : vector<16xf32>
        %mul3A_1410 = arith.mulf %sub3A_1408, %sub3A_1408 : vector<16xf32>
        %add3A_1411 = arith.addf %mul3A_1399, %mul3A_1409 : vector<16xf32>
        %add3A_1412 = arith.addf %mul3A_1400, %mul3A_1410 : vector<16xf32>
        %get3A_1413 = arith.index_cast %add3A_1390 : i32 to index
        %get3A_1414 = arith.constant 32 : index
        %get3A_1415 = tpu.vector_load %arg23[%get3A_1413, %get3A_1414] {strides = array<i32>} : memref<50x64xf32, #tpu.memory_space<vmem>>, vector<16xf32>,
        %get3A_1416 = arith.index_cast %add3A_1390 : i32 to index
        %get3A_1417 = arith.constant 32 : index
        %get3A_1418 = tpu.vector_load %arg25[%get3A_1416, %get3A_1417] {strides = array<i32>} : memref<50x64xf32, #tpu.memory_space<vmem>>, vector<16xf32>,
        %add3A_1419 = arith.addf %get3A_1415, %get3A_388 : vector<16xf32>
        %sub3A_1420 = arith.subf %get3A_400, %get3A_1418 : vector<16xf32>
        %mul3A_1421 = arith.mulf %add3A_1419, %add3A_1419 : vector<16xf32>
        %mul3A_1422 = arith.mulf %sub3A_1420, %sub3A_1420 : vector<16xf32>
        %add3A_1423 = arith.addf %add3A_1411, %mul3A_1421 : vector<16xf32>
        %add3A_1424 = arith.addf %add3A_1412, %mul3A_1422 : vector<16xf32>
        %get3A_1425 = arith.index_cast %add3A_1390 : i32 to index
        %get3A_1426 = arith.constant 48 : index
        %get3A_1427 = tpu.vector_load %arg23[%get3A_1425, %get3A_1426] {strides = array<i32>} : memref<50x64xf32, #tpu.memory_space<vmem>>, vector<16xf32>,
        %get3A_1428 = arith.index_cast %add3A_1390 : i32 to index
        %get3A_1429 = arith.constant 48 : index
        %get3A_1430 = tpu.vector_load %arg25[%get3A_1428, %get3A_1429] {strides = array<i32>} : memref<50x64xf32, #tpu.memory_space<vmem>>, vector<16xf32>,
        %add3A_1431 = arith.addf %get3A_1427, %get3A_391 : vector<16xf32>
        %sub3A_1432 = arith.subf %get3A_403, %get3A_1430 : vector<16xf32>
        %mul3A_1433 = arith.mulf %add3A_1431, %add3A_1431 : vector<16xf32>
        %mul3A_1434 = arith.mulf %sub3A_1432, %sub3A_1432 : vector<16xf32>
        %add3A_1435 = arith.addf %add3A_1423, %mul3A_1433 : vector<16xf32>
        %add3A_1436 = arith.addf %add3A_1424, %mul3A_1434 : vector<16xf32>
        %select_n3A_1437 = arith.select %eq3A_30, %add3A_1435, %add3A_1385 : vector<16xi1>, vector<16xf32>
        %select_n3A_1438 = arith.select %eq3A_30, %add3A_1385, %add3A_1435 : vector<16xi1>, vector<16xf32>
        %lt3A_1439 = arith.constant 0 : i32
        %lt3A_1440 = vector.broadcast %lt3A_1439 : i32 to vector<16xi32>
        %lt3A_1441 = arith.cmpi slt, %xor3A_59, %lt3A_1440 : vector<16xi32>
        %add3A_1442 = arith.constant 16 : i32
        %add3A_1443 = vector.broadcast %add3A_1442 : i32 to vector<16xi32>
        %add3A_1444 = arith.addi %xor3A_59, %add3A_1443 : vector<16xi32>
        %select_n3A_1445 = arith.select %lt3A_1441, %add3A_1444, %xor3A_59 : vector<16xi1>, vector<16xi32>
        %reshape3A_1446 = vector.shape_cast %select_n3A_1445 : vector<16xi32> to vector<16x1xi32>
        %gather3A_1447 = vector.shape_cast %reshape3A_1446 : vector<16x1xi32> to vector<16xi32>
        %gather3A_1448 = tpu.dynamic_gather %select_n3A_1438[%gather3A_1447] in [0] : vector<16xf32>, vector<16xi32> -> vector<16xf32>
        %add3A_1449 = arith.addf %select_n3A_1437, %gather3A_1448 : vector<16xf32>
        %select_n3A_1450 = arith.select %eq3A_39, %add3A_1449, %add3A_1323 : vector<16xi1>, vector<16xf32>
        %select_n3A_1451 = arith.select %eq3A_39, %add3A_1323, %add3A_1449 : vector<16xi1>, vector<16xf32>
        %lt3A_1452 = arith.constant 0 : i32
        %lt3A_1453 = vector.broadcast %lt3A_1452 : i32 to vector<16xi32>
        %lt3A_1454 = arith.cmpi slt, %xor3A_62, %lt3A_1453 : vector<16xi32>
        %add3A_1455 = arith.constant 16 : i32
        %add3A_1456 = vector.broadcast %add3A_1455 : i32 to vector<16xi32>
        %add3A_1457 = arith.addi %xor3A_62, %add3A_1456 : vector<16xi32>
        %select_n3A_1458 = arith.select %lt3A_1454, %add3A_1457, %xor3A_62 : vector<16xi1>, vector<16xi32>
        %reshape3A_1459 = vector.shape_cast %select_n3A_1458 : vector<16xi32> to vector<16x1xi32>
        %gather3A_1460 = vector.shape_cast %reshape3A_1459 : vector<16x1xi32> to vector<16xi32>
        %gather3A_1461 = tpu.dynamic_gather %select_n3A_1451[%gather3A_1460] in [0] : vector<16xf32>, vector<16xi32> -> vector<16xf32>
        %add3A_1462 = arith.addf %select_n3A_1450, %gather3A_1461 : vector<16xf32>
        %select_n3A_1463 = arith.select %eq3A_30, %add3A_1436, %add3A_1386 : vector<16xi1>, vector<16xf32>
        %select_n3A_1464 = arith.select %eq3A_30, %add3A_1386, %add3A_1436 : vector<16xi1>, vector<16xf32>
        %lt3A_1465 = arith.constant 0 : i32
        %lt3A_1466 = vector.broadcast %lt3A_1465 : i32 to vector<16xi32>
        %lt3A_1467 = arith.cmpi slt, %xor3A_59, %lt3A_1466 : vector<16xi32>
        %add3A_1468 = arith.constant 16 : i32
        %add3A_1469 = vector.broadcast %add3A_1468 : i32 to vector<16xi32>
        %add3A_1470 = arith.addi %xor3A_59, %add3A_1469 : vector<16xi32>
        %select_n3A_1471 = arith.select %lt3A_1467, %add3A_1470, %xor3A_59 : vector<16xi1>, vector<16xi32>
        %reshape3A_1472 = vector.shape_cast %select_n3A_1471 : vector<16xi32> to vector<16x1xi32>
        %gather3A_1473 = vector.shape_cast %reshape3A_1472 : vector<16x1xi32> to vector<16xi32>
        %gather3A_1474 = tpu.dynamic_gather %select_n3A_1464[%gather3A_1473] in [0] : vector<16xf32>, vector<16xi32> -> vector<16xf32>
        %add3A_1475 = arith.addf %select_n3A_1463, %gather3A_1474 : vector<16xf32>
        %select_n3A_1476 = arith.select %eq3A_39, %add3A_1475, %add3A_1336 : vector<16xi1>, vector<16xf32>
        %select_n3A_1477 = arith.select %eq3A_39, %add3A_1336, %add3A_1475 : vector<16xi1>, vector<16xf32>
        %lt3A_1478 = arith.constant 0 : i32
        %lt3A_1479 = vector.broadcast %lt3A_1478 : i32 to vector<16xi32>
        %lt3A_1480 = arith.cmpi slt, %xor3A_62, %lt3A_1479 : vector<16xi32>
        %add3A_1481 = arith.constant 16 : i32
        %add3A_1482 = vector.broadcast %add3A_1481 : i32 to vector<16xi32>
        %add3A_1483 = arith.addi %xor3A_62, %add3A_1482 : vector<16xi32>
        %select_n3A_1484 = arith.select %lt3A_1480, %add3A_1483, %xor3A_62 : vector<16xi1>, vector<16xi32>
        %reshape3A_1485 = vector.shape_cast %select_n3A_1484 : vector<16xi32> to vector<16x1xi32>
        %gather3A_1486 = vector.shape_cast %reshape3A_1485 : vector<16x1xi32> to vector<16xi32>
        %gather3A_1487 = tpu.dynamic_gather %select_n3A_1477[%gather3A_1486] in [0] : vector<16xf32>, vector<16xi32> -> vector<16xf32>
        %add3A_1488 = arith.addf %select_n3A_1476, %gather3A_1487 : vector<16xf32>
        %mul3A_1489 = arith.constant 16 : i32
        %mul3A_1490 = arith.muli %scan3A_628, %mul3A_1489 : i32
        %add3A_1491 = arith.constant 12 : i32
        %add3A_1492 = arith.addi %mul3A_1490, %add3A_1491 : i32
        %get3A_1493 = arith.index_cast %add3A_1492 : i32 to index
        %get3A_1494 = arith.constant 0 : index
        %get3A_1495 = tpu.vector_load %arg23[%get3A_1493, %get3A_1494] {strides = array<i32>} : memref<50x64xf32, #tpu.memory_space<vmem>>, vector<16xf32>,
        %get3A_1496 = arith.index_cast %add3A_1492 : i32 to index
        %get3A_1497 = arith.constant 0 : index
        %get3A_1498 = tpu.vector_load %arg25[%get3A_1496, %get3A_1497] {strides = array<i32>} : memref<50x64xf32, #tpu.memory_space<vmem>>, vector<16xf32>,
        %add3A_1499 = arith.addf %get3A_1495, %get3A_382 : vector<16xf32>
        %sub3A_1500 = arith.subf %get3A_394, %get3A_1498 : vector<16xf32>
        %mul3A_1501 = arith.mulf %add3A_1499, %add3A_1499 : vector<16xf32>
        %mul3A_1502 = arith.mulf %sub3A_1500, %sub3A_1500 : vector<16xf32>
        %get3A_1503 = arith.index_cast %add3A_1492 : i32 to index
        %get3A_1504 = arith.constant 16 : index
        %get3A_1505 = tpu.vector_load %arg23[%get3A_1503, %get3A_1504] {strides = array<i32>} : memref<50x64xf32, #tpu.memory_space<vmem>>, vector<16xf32>,
        %get3A_1506 = arith.index_cast %add3A_1492 : i32 to index
        %get3A_1507 = arith.constant 16 : index
        %get3A_1508 = tpu.vector_load %arg25[%get3A_1506, %get3A_1507] {strides = array<i32>} : memref<50x64xf32, #tpu.memory_space<vmem>>, vector<16xf32>,
        %add3A_1509 = arith.addf %get3A_1505, %get3A_385 : vector<16xf32>
        %sub3A_1510 = arith.subf %get3A_397, %get3A_1508 : vector<16xf32>
        %mul3A_1511 = arith.mulf %add3A_1509, %add3A_1509 : vector<16xf32>
        %mul3A_1512 = arith.mulf %sub3A_1510, %sub3A_1510 : vector<16xf32>
        %add3A_1513 = arith.addf %mul3A_1501, %mul3A_1511 : vector<16xf32>
        %add3A_1514 = arith.addf %mul3A_1502, %mul3A_1512 : vector<16xf32>
        %get3A_1515 = arith.index_cast %add3A_1492 : i32 to index
        %get3A_1516 = arith.constant 32 : index
        %get3A_1517 = tpu.vector_load %arg23[%get3A_1515, %get3A_1516] {strides = array<i32>} : memref<50x64xf32, #tpu.memory_space<vmem>>, vector<16xf32>,
        %get3A_1518 = arith.index_cast %add3A_1492 : i32 to index
        %get3A_1519 = arith.constant 32 : index
        %get3A_1520 = tpu.vector_load %arg25[%get3A_1518, %get3A_1519] {strides = array<i32>} : memref<50x64xf32, #tpu.memory_space<vmem>>, vector<16xf32>,
        %add3A_1521 = arith.addf %get3A_1517, %get3A_388 : vector<16xf32>
        %sub3A_1522 = arith.subf %get3A_400, %get3A_1520 : vector<16xf32>
        %mul3A_1523 = arith.mulf %add3A_1521, %add3A_1521 : vector<16xf32>
        %mul3A_1524 = arith.mulf %sub3A_1522, %sub3A_1522 : vector<16xf32>
        %add3A_1525 = arith.addf %add3A_1513, %mul3A_1523 : vector<16xf32>
        %add3A_1526 = arith.addf %add3A_1514, %mul3A_1524 : vector<16xf32>
        %get3A_1527 = arith.index_cast %add3A_1492 : i32 to index
        %get3A_1528 = arith.constant 48 : index
        %get3A_1529 = tpu.vector_load %arg23[%get3A_1527, %get3A_1528] {strides = array<i32>} : memref<50x64xf32, #tpu.memory_space<vmem>>, vector<16xf32>,
        %get3A_1530 = arith.index_cast %add3A_1492 : i32 to index
        %get3A_1531 = arith.constant 48 : index
        %get3A_1532 = tpu.vector_load %arg25[%get3A_1530, %get3A_1531] {strides = array<i32>} : memref<50x64xf32, #tpu.memory_space<vmem>>, vector<16xf32>,
        %add3A_1533 = arith.addf %get3A_1529, %get3A_391 : vector<16xf32>
        %sub3A_1534 = arith.subf %get3A_403, %get3A_1532 : vector<16xf32>
        %mul3A_1535 = arith.mulf %add3A_1533, %add3A_1533 : vector<16xf32>
        %mul3A_1536 = arith.mulf %sub3A_1534, %sub3A_1534 : vector<16xf32>
        %add3A_1537 = arith.addf %add3A_1525, %mul3A_1535 : vector<16xf32>
        %add3A_1538 = arith.addf %add3A_1526, %mul3A_1536 : vector<16xf32>
        %mul3A_1539 = arith.constant 16 : i32
        %mul3A_1540 = arith.muli %scan3A_628, %mul3A_1539 : i32
        %add3A_1541 = arith.constant 13 : i32
        %add3A_1542 = arith.addi %mul3A_1540, %add3A_1541 : i32
        %get3A_1543 = arith.index_cast %add3A_1542 : i32 to index
        %get3A_1544 = arith.constant 0 : index
        %get3A_1545 = tpu.vector_load %arg23[%get3A_1543, %get3A_1544] {strides = array<i32>} : memref<50x64xf32, #tpu.memory_space<vmem>>, vector<16xf32>,
        %get3A_1546 = arith.index_cast %add3A_1542 : i32 to index
        %get3A_1547 = arith.constant 0 : index
        %get3A_1548 = tpu.vector_load %arg25[%get3A_1546, %get3A_1547] {strides = array<i32>} : memref<50x64xf32, #tpu.memory_space<vmem>>, vector<16xf32>,
        %add3A_1549 = arith.addf %get3A_1545, %get3A_382 : vector<16xf32>
        %sub3A_1550 = arith.subf %get3A_394, %get3A_1548 : vector<16xf32>
        %mul3A_1551 = arith.mulf %add3A_1549, %add3A_1549 : vector<16xf32>
        %mul3A_1552 = arith.mulf %sub3A_1550, %sub3A_1550 : vector<16xf32>
        %get3A_1553 = arith.index_cast %add3A_1542 : i32 to index
        %get3A_1554 = arith.constant 16 : index
        %get3A_1555 = tpu.vector_load %arg23[%get3A_1553, %get3A_1554] {strides = array<i32>} : memref<50x64xf32, #tpu.memory_space<vmem>>, vector<16xf32>,
        %get3A_1556 = arith.index_cast %add3A_1542 : i32 to index
        %get3A_1557 = arith.constant 16 : index
        %get3A_1558 = tpu.vector_load %arg25[%get3A_1556, %get3A_1557] {strides = array<i32>} : memref<50x64xf32, #tpu.memory_space<vmem>>, vector<16xf32>,
        %add3A_1559 = arith.addf %get3A_1555, %get3A_385 : vector<16xf32>
        %sub3A_1560 = arith.subf %get3A_397, %get3A_1558 : vector<16xf32>
        %mul3A_1561 = arith.mulf %add3A_1559, %add3A_1559 : vector<16xf32>
        %mul3A_1562 = arith.mulf %sub3A_1560, %sub3A_1560 : vector<16xf32>
        %add3A_1563 = arith.addf %mul3A_1551, %mul3A_1561 : vector<16xf32>
        %add3A_1564 = arith.addf %mul3A_1552, %mul3A_1562 : vector<16xf32>
        %get3A_1565 = arith.index_cast %add3A_1542 : i32 to index
        %get3A_1566 = arith.constant 32 : index
        %get3A_1567 = tpu.vector_load %arg23[%get3A_1565, %get3A_1566] {strides = array<i32>} : memref<50x64xf32, #tpu.memory_space<vmem>>, vector<16xf32>,
        %get3A_1568 = arith.index_cast %add3A_1542 : i32 to index
        %get3A_1569 = arith.constant 32 : index
        %get3A_1570 = tpu.vector_load %arg25[%get3A_1568, %get3A_1569] {strides = array<i32>} : memref<50x64xf32, #tpu.memory_space<vmem>>, vector<16xf32>,
        %add3A_1571 = arith.addf %get3A_1567, %get3A_388 : vector<16xf32>
        %sub3A_1572 = arith.subf %get3A_400, %get3A_1570 : vector<16xf32>
        %mul3A_1573 = arith.mulf %add3A_1571, %add3A_1571 : vector<16xf32>
        %mul3A_1574 = arith.mulf %sub3A_1572, %sub3A_1572 : vector<16xf32>
        %add3A_1575 = arith.addf %add3A_1563, %mul3A_1573 : vector<16xf32>
        %add3A_1576 = arith.addf %add3A_1564, %mul3A_1574 : vector<16xf32>
        %get3A_1577 = arith.index_cast %add3A_1542 : i32 to index
        %get3A_1578 = arith.constant 48 : index
        %get3A_1579 = tpu.vector_load %arg23[%get3A_1577, %get3A_1578] {strides = array<i32>} : memref<50x64xf32, #tpu.memory_space<vmem>>, vector<16xf32>,
        %get3A_1580 = arith.index_cast %add3A_1542 : i32 to index
        %get3A_1581 = arith.constant 48 : index
        %get3A_1582 = tpu.vector_load %arg25[%get3A_1580, %get3A_1581] {strides = array<i32>} : memref<50x64xf32, #tpu.memory_space<vmem>>, vector<16xf32>,
        %add3A_1583 = arith.addf %get3A_1579, %get3A_391 : vector<16xf32>
        %sub3A_1584 = arith.subf %get3A_403, %get3A_1582 : vector<16xf32>
        %mul3A_1585 = arith.mulf %add3A_1583, %add3A_1583 : vector<16xf32>
        %mul3A_1586 = arith.mulf %sub3A_1584, %sub3A_1584 : vector<16xf32>
        %add3A_1587 = arith.addf %add3A_1575, %mul3A_1585 : vector<16xf32>
        %add3A_1588 = arith.addf %add3A_1576, %mul3A_1586 : vector<16xf32>
        %select_n3A_1589 = arith.select %eq3A_30, %add3A_1587, %add3A_1537 : vector<16xi1>, vector<16xf32>
        %select_n3A_1590 = arith.select %eq3A_30, %add3A_1537, %add3A_1587 : vector<16xi1>, vector<16xf32>
        %lt3A_1591 = arith.constant 0 : i32
        %lt3A_1592 = vector.broadcast %lt3A_1591 : i32 to vector<16xi32>
        %lt3A_1593 = arith.cmpi slt, %xor3A_59, %lt3A_1592 : vector<16xi32>
        %add3A_1594 = arith.constant 16 : i32
        %add3A_1595 = vector.broadcast %add3A_1594 : i32 to vector<16xi32>
        %add3A_1596 = arith.addi %xor3A_59, %add3A_1595 : vector<16xi32>
        %select_n3A_1597 = arith.select %lt3A_1593, %add3A_1596, %xor3A_59 : vector<16xi1>, vector<16xi32>
        %reshape3A_1598 = vector.shape_cast %select_n3A_1597 : vector<16xi32> to vector<16x1xi32>
        %gather3A_1599 = vector.shape_cast %reshape3A_1598 : vector<16x1xi32> to vector<16xi32>
        %gather3A_1600 = tpu.dynamic_gather %select_n3A_1590[%gather3A_1599] in [0] : vector<16xf32>, vector<16xi32> -> vector<16xf32>
        %add3A_1601 = arith.addf %select_n3A_1589, %gather3A_1600 : vector<16xf32>
        %select_n3A_1602 = arith.select %eq3A_30, %add3A_1588, %add3A_1538 : vector<16xi1>, vector<16xf32>
        %select_n3A_1603 = arith.select %eq3A_30, %add3A_1538, %add3A_1588 : vector<16xi1>, vector<16xf32>
        %lt3A_1604 = arith.constant 0 : i32
        %lt3A_1605 = vector.broadcast %lt3A_1604 : i32 to vector<16xi32>
        %lt3A_1606 = arith.cmpi slt, %xor3A_59, %lt3A_1605 : vector<16xi32>
        %add3A_1607 = arith.constant 16 : i32
        %add3A_1608 = vector.broadcast %add3A_1607 : i32 to vector<16xi32>
        %add3A_1609 = arith.addi %xor3A_59, %add3A_1608 : vector<16xi32>
        %select_n3A_1610 = arith.select %lt3A_1606, %add3A_1609, %xor3A_59 : vector<16xi1>, vector<16xi32>
        %reshape3A_1611 = vector.shape_cast %select_n3A_1610 : vector<16xi32> to vector<16x1xi32>
        %gather3A_1612 = vector.shape_cast %reshape3A_1611 : vector<16x1xi32> to vector<16xi32>
        %gather3A_1613 = tpu.dynamic_gather %select_n3A_1603[%gather3A_1612] in [0] : vector<16xf32>, vector<16xi32> -> vector<16xf32>
        %add3A_1614 = arith.addf %select_n3A_1602, %gather3A_1613 : vector<16xf32>
        %mul3A_1615 = arith.constant 16 : i32
        %mul3A_1616 = arith.muli %scan3A_628, %mul3A_1615 : i32
        %add3A_1617 = arith.constant 14 : i32
        %add3A_1618 = arith.addi %mul3A_1616, %add3A_1617 : i32
        %get3A_1619 = arith.index_cast %add3A_1618 : i32 to index
        %get3A_1620 = arith.constant 0 : index
        %get3A_1621 = tpu.vector_load %arg23[%get3A_1619, %get3A_1620] {strides = array<i32>} : memref<50x64xf32, #tpu.memory_space<vmem>>, vector<16xf32>,
        %get3A_1622 = arith.index_cast %add3A_1618 : i32 to index
        %get3A_1623 = arith.constant 0 : index
        %get3A_1624 = tpu.vector_load %arg25[%get3A_1622, %get3A_1623] {strides = array<i32>} : memref<50x64xf32, #tpu.memory_space<vmem>>, vector<16xf32>,
        %add3A_1625 = arith.addf %get3A_1621, %get3A_382 : vector<16xf32>
        %sub3A_1626 = arith.subf %get3A_394, %get3A_1624 : vector<16xf32>
        %mul3A_1627 = arith.mulf %add3A_1625, %add3A_1625 : vector<16xf32>
        %mul3A_1628 = arith.mulf %sub3A_1626, %sub3A_1626 : vector<16xf32>
        %get3A_1629 = arith.index_cast %add3A_1618 : i32 to index
        %get3A_1630 = arith.constant 16 : index
        %get3A_1631 = tpu.vector_load %arg23[%get3A_1629, %get3A_1630] {strides = array<i32>} : memref<50x64xf32, #tpu.memory_space<vmem>>, vector<16xf32>,
        %get3A_1632 = arith.index_cast %add3A_1618 : i32 to index
        %get3A_1633 = arith.constant 16 : index
        %get3A_1634 = tpu.vector_load %arg25[%get3A_1632, %get3A_1633] {strides = array<i32>} : memref<50x64xf32, #tpu.memory_space<vmem>>, vector<16xf32>,
        %add3A_1635 = arith.addf %get3A_1631, %get3A_385 : vector<16xf32>
        %sub3A_1636 = arith.subf %get3A_397, %get3A_1634 : vector<16xf32>
        %mul3A_1637 = arith.mulf %add3A_1635, %add3A_1635 : vector<16xf32>
        %mul3A_1638 = arith.mulf %sub3A_1636, %sub3A_1636 : vector<16xf32>
        %add3A_1639 = arith.addf %mul3A_1627, %mul3A_1637 : vector<16xf32>
        %add3A_1640 = arith.addf %mul3A_1628, %mul3A_1638 : vector<16xf32>
        %get3A_1641 = arith.index_cast %add3A_1618 : i32 to index
        %get3A_1642 = arith.constant 32 : index
        %get3A_1643 = tpu.vector_load %arg23[%get3A_1641, %get3A_1642] {strides = array<i32>} : memref<50x64xf32, #tpu.memory_space<vmem>>, vector<16xf32>,
        %get3A_1644 = arith.index_cast %add3A_1618 : i32 to index
        %get3A_1645 = arith.constant 32 : index
        %get3A_1646 = tpu.vector_load %arg25[%get3A_1644, %get3A_1645] {strides = array<i32>} : memref<50x64xf32, #tpu.memory_space<vmem>>, vector<16xf32>,
        %add3A_1647 = arith.addf %get3A_1643, %get3A_388 : vector<16xf32>
        %sub3A_1648 = arith.subf %get3A_400, %get3A_1646 : vector<16xf32>
        %mul3A_1649 = arith.mulf %add3A_1647, %add3A_1647 : vector<16xf32>
        %mul3A_1650 = arith.mulf %sub3A_1648, %sub3A_1648 : vector<16xf32>
        %add3A_1651 = arith.addf %add3A_1639, %mul3A_1649 : vector<16xf32>
        %add3A_1652 = arith.addf %add3A_1640, %mul3A_1650 : vector<16xf32>
        %get3A_1653 = arith.index_cast %add3A_1618 : i32 to index
        %get3A_1654 = arith.constant 48 : index
        %get3A_1655 = tpu.vector_load %arg23[%get3A_1653, %get3A_1654] {strides = array<i32>} : memref<50x64xf32, #tpu.memory_space<vmem>>, vector<16xf32>,
        %get3A_1656 = arith.index_cast %add3A_1618 : i32 to index
        %get3A_1657 = arith.constant 48 : index
        %get3A_1658 = tpu.vector_load %arg25[%get3A_1656, %get3A_1657] {strides = array<i32>} : memref<50x64xf32, #tpu.memory_space<vmem>>, vector<16xf32>,
        %add3A_1659 = arith.addf %get3A_1655, %get3A_391 : vector<16xf32>
        %sub3A_1660 = arith.subf %get3A_403, %get3A_1658 : vector<16xf32>
        %mul3A_1661 = arith.mulf %add3A_1659, %add3A_1659 : vector<16xf32>
        %mul3A_1662 = arith.mulf %sub3A_1660, %sub3A_1660 : vector<16xf32>
        %add3A_1663 = arith.addf %add3A_1651, %mul3A_1661 : vector<16xf32>
        %add3A_1664 = arith.addf %add3A_1652, %mul3A_1662 : vector<16xf32>
        %mul3A_1665 = arith.constant 16 : i32
        %mul3A_1666 = arith.muli %scan3A_628, %mul3A_1665 : i32
        %add3A_1667 = arith.constant 15 : i32
        %add3A_1668 = arith.addi %mul3A_1666, %add3A_1667 : i32
        %get3A_1669 = arith.index_cast %add3A_1668 : i32 to index
        %get3A_1670 = arith.constant 0 : index
        %get3A_1671 = tpu.vector_load %arg23[%get3A_1669, %get3A_1670] {strides = array<i32>} : memref<50x64xf32, #tpu.memory_space<vmem>>, vector<16xf32>,
        %get3A_1672 = arith.index_cast %add3A_1668 : i32 to index
        %get3A_1673 = arith.constant 0 : index
        %get3A_1674 = tpu.vector_load %arg25[%get3A_1672, %get3A_1673] {strides = array<i32>} : memref<50x64xf32, #tpu.memory_space<vmem>>, vector<16xf32>,
        %add3A_1675 = arith.addf %get3A_1671, %get3A_382 : vector<16xf32>
        %sub3A_1676 = arith.subf %get3A_394, %get3A_1674 : vector<16xf32>
        %mul3A_1677 = arith.mulf %add3A_1675, %add3A_1675 : vector<16xf32>
        %mul3A_1678 = arith.mulf %sub3A_1676, %sub3A_1676 : vector<16xf32>
        %get3A_1679 = arith.index_cast %add3A_1668 : i32 to index
        %get3A_1680 = arith.constant 16 : index
        %get3A_1681 = tpu.vector_load %arg23[%get3A_1679, %get3A_1680] {strides = array<i32>} : memref<50x64xf32, #tpu.memory_space<vmem>>, vector<16xf32>,
        %get3A_1682 = arith.index_cast %add3A_1668 : i32 to index
        %get3A_1683 = arith.constant 16 : index
        %get3A_1684 = tpu.vector_load %arg25[%get3A_1682, %get3A_1683] {strides = array<i32>} : memref<50x64xf32, #tpu.memory_space<vmem>>, vector<16xf32>,
        %add3A_1685 = arith.addf %get3A_1681, %get3A_385 : vector<16xf32>
        %sub3A_1686 = arith.subf %get3A_397, %get3A_1684 : vector<16xf32>
        %mul3A_1687 = arith.mulf %add3A_1685, %add3A_1685 : vector<16xf32>
        %mul3A_1688 = arith.mulf %sub3A_1686, %sub3A_1686 : vector<16xf32>
        %add3A_1689 = arith.addf %mul3A_1677, %mul3A_1687 : vector<16xf32>
        %add3A_1690 = arith.addf %mul3A_1678, %mul3A_1688 : vector<16xf32>
        %get3A_1691 = arith.index_cast %add3A_1668 : i32 to index
        %get3A_1692 = arith.constant 32 : index
        %get3A_1693 = tpu.vector_load %arg23[%get3A_1691, %get3A_1692] {strides = array<i32>} : memref<50x64xf32, #tpu.memory_space<vmem>>, vector<16xf32>,
        %get3A_1694 = arith.index_cast %add3A_1668 : i32 to index
        %get3A_1695 = arith.constant 32 : index
        %get3A_1696 = tpu.vector_load %arg25[%get3A_1694, %get3A_1695] {strides = array<i32>} : memref<50x64xf32, #tpu.memory_space<vmem>>, vector<16xf32>,
        %add3A_1697 = arith.addf %get3A_1693, %get3A_388 : vector<16xf32>
        %sub3A_1698 = arith.subf %get3A_400, %get3A_1696 : vector<16xf32>
        %mul3A_1699 = arith.mulf %add3A_1697, %add3A_1697 : vector<16xf32>
        %mul3A_1700 = arith.mulf %sub3A_1698, %sub3A_1698 : vector<16xf32>
        %add3A_1701 = arith.addf %add3A_1689, %mul3A_1699 : vector<16xf32>
        %add3A_1702 = arith.addf %add3A_1690, %mul3A_1700 : vector<16xf32>
        %get3A_1703 = arith.index_cast %add3A_1668 : i32 to index
        %get3A_1704 = arith.constant 48 : index
        %get3A_1705 = tpu.vector_load %arg23[%get3A_1703, %get3A_1704] {strides = array<i32>} : memref<50x64xf32, #tpu.memory_space<vmem>>, vector<16xf32>,
        %get3A_1706 = arith.index_cast %add3A_1668 : i32 to index
        %get3A_1707 = arith.constant 48 : index
        %get3A_1708 = tpu.vector_load %arg25[%get3A_1706, %get3A_1707] {strides = array<i32>} : memref<50x64xf32, #tpu.memory_space<vmem>>, vector<16xf32>,
        %add3A_1709 = arith.addf %get3A_1705, %get3A_391 : vector<16xf32>
        %sub3A_1710 = arith.subf %get3A_403, %get3A_1708 : vector<16xf32>
        %mul3A_1711 = arith.mulf %add3A_1709, %add3A_1709 : vector<16xf32>
        %mul3A_1712 = arith.mulf %sub3A_1710, %sub3A_1710 : vector<16xf32>
        %add3A_1713 = arith.addf %add3A_1701, %mul3A_1711 : vector<16xf32>
        %add3A_1714 = arith.addf %add3A_1702, %mul3A_1712 : vector<16xf32>
        %select_n3A_1715 = arith.select %eq3A_30, %add3A_1713, %add3A_1663 : vector<16xi1>, vector<16xf32>
        %select_n3A_1716 = arith.select %eq3A_30, %add3A_1663, %add3A_1713 : vector<16xi1>, vector<16xf32>
        %lt3A_1717 = arith.constant 0 : i32
        %lt3A_1718 = vector.broadcast %lt3A_1717 : i32 to vector<16xi32>
        %lt3A_1719 = arith.cmpi slt, %xor3A_59, %lt3A_1718 : vector<16xi32>
        %add3A_1720 = arith.constant 16 : i32
        %add3A_1721 = vector.broadcast %add3A_1720 : i32 to vector<16xi32>
        %add3A_1722 = arith.addi %xor3A_59, %add3A_1721 : vector<16xi32>
        %select_n3A_1723 = arith.select %lt3A_1719, %add3A_1722, %xor3A_59 : vector<16xi1>, vector<16xi32>
        %reshape3A_1724 = vector.shape_cast %select_n3A_1723 : vector<16xi32> to vector<16x1xi32>
        %gather3A_1725 = vector.shape_cast %reshape3A_1724 : vector<16x1xi32> to vector<16xi32>
        %gather3A_1726 = tpu.dynamic_gather %select_n3A_1716[%gather3A_1725] in [0] : vector<16xf32>, vector<16xi32> -> vector<16xf32>
        %add3A_1727 = arith.addf %select_n3A_1715, %gather3A_1726 : vector<16xf32>
        %select_n3A_1728 = arith.select %eq3A_39, %add3A_1727, %add3A_1601 : vector<16xi1>, vector<16xf32>
        %select_n3A_1729 = arith.select %eq3A_39, %add3A_1601, %add3A_1727 : vector<16xi1>, vector<16xf32>
        %lt3A_1730 = arith.constant 0 : i32
        %lt3A_1731 = vector.broadcast %lt3A_1730 : i32 to vector<16xi32>
        %lt3A_1732 = arith.cmpi slt, %xor3A_62, %lt3A_1731 : vector<16xi32>
        %add3A_1733 = arith.constant 16 : i32
        %add3A_1734 = vector.broadcast %add3A_1733 : i32 to vector<16xi32>
        %add3A_1735 = arith.addi %xor3A_62, %add3A_1734 : vector<16xi32>
        %select_n3A_1736 = arith.select %lt3A_1732, %add3A_1735, %xor3A_62 : vector<16xi1>, vector<16xi32>
        %reshape3A_1737 = vector.shape_cast %select_n3A_1736 : vector<16xi32> to vector<16x1xi32>
        %gather3A_1738 = vector.shape_cast %reshape3A_1737 : vector<16x1xi32> to vector<16xi32>
        %gather3A_1739 = tpu.dynamic_gather %select_n3A_1729[%gather3A_1738] in [0] : vector<16xf32>, vector<16xi32> -> vector<16xf32>
        %add3A_1740 = arith.addf %select_n3A_1728, %gather3A_1739 : vector<16xf32>
        %select_n3A_1741 = arith.select %eq3A_48, %add3A_1740, %add3A_1462 : vector<16xi1>, vector<16xf32>
        %select_n3A_1742 = arith.select %eq3A_48, %add3A_1462, %add3A_1740 : vector<16xi1>, vector<16xf32>
        %lt3A_1743 = arith.constant 0 : i32
        %lt3A_1744 = vector.broadcast %lt3A_1743 : i32 to vector<16xi32>
        %lt3A_1745 = arith.cmpi slt, %xor3A_65, %lt3A_1744 : vector<16xi32>
        %add3A_1746 = arith.constant 16 : i32
        %add3A_1747 = vector.broadcast %add3A_1746 : i32 to vector<16xi32>
        %add3A_1748 = arith.addi %xor3A_65, %add3A_1747 : vector<16xi32>
        %select_n3A_1749 = arith.select %lt3A_1745, %add3A_1748, %xor3A_65 : vector<16xi1>, vector<16xi32>
        %reshape3A_1750 = vector.shape_cast %select_n3A_1749 : vector<16xi32> to vector<16x1xi32>
        %gather3A_1751 = vector.shape_cast %reshape3A_1750 : vector<16x1xi32> to vector<16xi32>
        %gather3A_1752 = tpu.dynamic_gather %select_n3A_1742[%gather3A_1751] in [0] : vector<16xf32>, vector<16xi32> -> vector<16xf32>
        %add3A_1753 = arith.addf %select_n3A_1741, %gather3A_1752 : vector<16xf32>
        %select_n3A_1754 = arith.select %eq3A_57, %add3A_1753, %add3A_1171 : vector<16xi1>, vector<16xf32>
        %select_n3A_1755 = arith.select %eq3A_57, %add3A_1171, %add3A_1753 : vector<16xi1>, vector<16xf32>
        %lt3A_1756 = arith.constant 0 : i32
        %lt3A_1757 = vector.broadcast %lt3A_1756 : i32 to vector<16xi32>
        %lt3A_1758 = arith.cmpi slt, %xor3A_68, %lt3A_1757 : vector<16xi32>
        %add3A_1759 = arith.constant 16 : i32
        %add3A_1760 = vector.broadcast %add3A_1759 : i32 to vector<16xi32>
        %add3A_1761 = arith.addi %xor3A_68, %add3A_1760 : vector<16xi32>
        %select_n3A_1762 = arith.select %lt3A_1758, %add3A_1761, %xor3A_68 : vector<16xi1>, vector<16xi32>
        %reshape3A_1763 = vector.shape_cast %select_n3A_1762 : vector<16xi32> to vector<16x1xi32>
        %gather3A_1764 = vector.shape_cast %reshape3A_1763 : vector<16x1xi32> to vector<16xi32>
        %gather3A_1765 = tpu.dynamic_gather %select_n3A_1755[%gather3A_1764] in [0] : vector<16xf32>, vector<16xi32> -> vector<16xf32>
        %add3A_1766 = arith.addf %select_n3A_1754, %gather3A_1765 : vector<16xf32>
        %select_n3A_1767 = arith.select %eq3A_30, %add3A_1714, %add3A_1664 : vector<16xi1>, vector<16xf32>
        %select_n3A_1768 = arith.select %eq3A_30, %add3A_1664, %add3A_1714 : vector<16xi1>, vector<16xf32>
        %lt3A_1769 = arith.constant 0 : i32
        %lt3A_1770 = vector.broadcast %lt3A_1769 : i32 to vector<16xi32>
        %lt3A_1771 = arith.cmpi slt, %xor3A_59, %lt3A_1770 : vector<16xi32>
        %add3A_1772 = arith.constant 16 : i32
        %add3A_1773 = vector.broadcast %add3A_1772 : i32 to vector<16xi32>
        %add3A_1774 = arith.addi %xor3A_59, %add3A_1773 : vector<16xi32>
        %select_n3A_1775 = arith.select %lt3A_1771, %add3A_1774, %xor3A_59 : vector<16xi1>, vector<16xi32>
        %reshape3A_1776 = vector.shape_cast %select_n3A_1775 : vector<16xi32> to vector<16x1xi32>
        %gather3A_1777 = vector.shape_cast %reshape3A_1776 : vector<16x1xi32> to vector<16xi32>
        %gather3A_1778 = tpu.dynamic_gather %select_n3A_1768[%gather3A_1777] in [0] : vector<16xf32>, vector<16xi32> -> vector<16xf32>
        %add3A_1779 = arith.addf %select_n3A_1767, %gather3A_1778 : vector<16xf32>
        %select_n3A_1780 = arith.select %eq3A_39, %add3A_1779, %add3A_1614 : vector<16xi1>, vector<16xf32>
        %select_n3A_1781 = arith.select %eq3A_39, %add3A_1614, %add3A_1779 : vector<16xi1>, vector<16xf32>
        %lt3A_1782 = arith.constant 0 : i32
        %lt3A_1783 = vector.broadcast %lt3A_1782 : i32 to vector<16xi32>
        %lt3A_1784 = arith.cmpi slt, %xor3A_62, %lt3A_1783 : vector<16xi32>
        %add3A_1785 = arith.constant 16 : i32
        %add3A_1786 = vector.broadcast %add3A_1785 : i32 to vector<16xi32>
        %add3A_1787 = arith.addi %xor3A_62, %add3A_1786 : vector<16xi32>
        %select_n3A_1788 = arith.select %lt3A_1784, %add3A_1787, %xor3A_62 : vector<16xi1>, vector<16xi32>
        %reshape3A_1789 = vector.shape_cast %select_n3A_1788 : vector<16xi32> to vector<16x1xi32>
        %gather3A_1790 = vector.shape_cast %reshape3A_1789 : vector<16x1xi32> to vector<16xi32>
        %gather3A_1791 = tpu.dynamic_gather %select_n3A_1781[%gather3A_1790] in [0] : vector<16xf32>, vector<16xi32> -> vector<16xf32>
        %add3A_1792 = arith.addf %select_n3A_1780, %gather3A_1791 : vector<16xf32>
        %select_n3A_1793 = arith.select %eq3A_48, %add3A_1792, %add3A_1488 : vector<16xi1>, vector<16xf32>
        %select_n3A_1794 = arith.select %eq3A_48, %add3A_1488, %add3A_1792 : vector<16xi1>, vector<16xf32>
        %lt3A_1795 = arith.constant 0 : i32
        %lt3A_1796 = vector.broadcast %lt3A_1795 : i32 to vector<16xi32>
        %lt3A_1797 = arith.cmpi slt, %xor3A_65, %lt3A_1796 : vector<16xi32>
        %add3A_1798 = arith.constant 16 : i32
        %add3A_1799 = vector.broadcast %add3A_1798 : i32 to vector<16xi32>
        %add3A_1800 = arith.addi %xor3A_65, %add3A_1799 : vector<16xi32>
        %select_n3A_1801 = arith.select %lt3A_1797, %add3A_1800, %xor3A_65 : vector<16xi1>, vector<16xi32>
        %reshape3A_1802 = vector.shape_cast %select_n3A_1801 : vector<16xi32> to vector<16x1xi32>
        %gather3A_1803 = vector.shape_cast %reshape3A_1802 : vector<16x1xi32> to vector<16xi32>
        %gather3A_1804 = tpu.dynamic_gather %select_n3A_1794[%gather3A_1803] in [0] : vector<16xf32>, vector<16xi32> -> vector<16xf32>
        %add3A_1805 = arith.addf %select_n3A_1793, %gather3A_1804 : vector<16xf32>
        %select_n3A_1806 = arith.select %eq3A_57, %add3A_1805, %add3A_1210 : vector<16xi1>, vector<16xf32>
        %select_n3A_1807 = arith.select %eq3A_57, %add3A_1210, %add3A_1805 : vector<16xi1>, vector<16xf32>
        %lt3A_1808 = arith.constant 0 : i32
        %lt3A_1809 = vector.broadcast %lt3A_1808 : i32 to vector<16xi32>
        %lt3A_1810 = arith.cmpi slt, %xor3A_68, %lt3A_1809 : vector<16xi32>
        %add3A_1811 = arith.constant 16 : i32
        %add3A_1812 = vector.broadcast %add3A_1811 : i32 to vector<16xi32>
        %add3A_1813 = arith.addi %xor3A_68, %add3A_1812 : vector<16xi32>
        %select_n3A_1814 = arith.select %lt3A_1810, %add3A_1813, %xor3A_68 : vector<16xi1>, vector<16xi32>
        %reshape3A_1815 = vector.shape_cast %select_n3A_1814 : vector<16xi32> to vector<16x1xi32>
        %gather3A_1816 = vector.shape_cast %reshape3A_1815 : vector<16x1xi32> to vector<16xi32>
        %gather3A_1817 = tpu.dynamic_gather %select_n3A_1807[%gather3A_1816] in [0] : vector<16xf32>, vector<16xi32> -> vector<16xf32>
        %add3A_1818 = arith.addf %select_n3A_1806, %gather3A_1817 : vector<16xf32>
        %mul3A_1819 = arith.constant 16 : i32
        %mul3A_1820 = arith.muli %mul3A_1819, %scan3A_628 : i32
        %swap3A_1821 = arith.index_cast %add3A_379 : i32 to index
        %swap3A_1822 = arith.index_cast %mul3A_1820 : i32 to index
        %swap3A_1823 = tpu.vector_load %arg27[%swap3A_1821, %swap3A_1822] {strides = array<i32>} : memref<128x64xf32, #tpu.memory_space<vmem>>, vector<16xf32>,
        tpu.vector_store %arg27[%swap3A_1821, %swap3A_1822], %add3A_1766 {strides = array<i32>} : memref<128x64xf32, #tpu.memory_space<vmem>>, vector<16xf32>,
        %mul3A_1824 = arith.constant 16 : i32
        %mul3A_1825 = arith.muli %mul3A_1824, %scan3A_628 : i32
        %swap3A_1826 = arith.index_cast %add3A_379 : i32 to index
        %swap3A_1827 = arith.index_cast %mul3A_1825 : i32 to index
        %swap3A_1828 = tpu.vector_load %arg28[%swap3A_1826, %swap3A_1827] {strides = array<i32>} : memref<128x64xf32, #tpu.memory_space<vmem>>, vector<16xf32>,
        tpu.vector_store %arg28[%swap3A_1826, %swap3A_1827], %add3A_1818 {strides = array<i32>} : memref<128x64xf32, #tpu.memory_space<vmem>>, vector<16xf32>,
      }
      %scan3A_409 = arith.constant 3 : i32
      %get3A_410 = arith.constant 48 : i32
      %get3A_411 = arith.index_cast %get3A_410 : i32 to index
      %get3A_412 = arith.constant 0 : index
      %get3A_413 = tpu.vector_load %arg23[%get3A_411, %get3A_412] {strides = array<i32>} : memref<50x64xf32, #tpu.memory_space<vmem>>, vector<16xf32>,
      %get3A_414 = arith.constant 48 : i32
      %get3A_415 = arith.index_cast %get3A_414 : i32 to index
      %get3A_416 = arith.constant 0 : index
      %get3A_417 = tpu.vector_load %arg25[%get3A_415, %get3A_416] {strides = array<i32>} : memref<50x64xf32, #tpu.memory_space<vmem>>, vector<16xf32>,
      %add3A_418 = arith.addf %get3A_413, %get3A_382 : vector<16xf32>
      %sub3A_419 = arith.subf %get3A_394, %get3A_417 : vector<16xf32>
      %mul3A_420 = arith.mulf %add3A_418, %add3A_418 : vector<16xf32>
      %mul3A_421 = arith.mulf %sub3A_419, %sub3A_419 : vector<16xf32>
      %get3A_422 = arith.constant 48 : i32
      %get3A_423 = arith.index_cast %get3A_422 : i32 to index
      %get3A_424 = arith.constant 16 : index
      %get3A_425 = tpu.vector_load %arg23[%get3A_423, %get3A_424] {strides = array<i32>} : memref<50x64xf32, #tpu.memory_space<vmem>>, vector<16xf32>,
      %get3A_426 = arith.constant 48 : i32
      %get3A_427 = arith.index_cast %get3A_426 : i32 to index
      %get3A_428 = arith.constant 16 : index
      %get3A_429 = tpu.vector_load %arg25[%get3A_427, %get3A_428] {strides = array<i32>} : memref<50x64xf32, #tpu.memory_space<vmem>>, vector<16xf32>,
      %add3A_430 = arith.addf %get3A_425, %get3A_385 : vector<16xf32>
      %sub3A_431 = arith.subf %get3A_397, %get3A_429 : vector<16xf32>
      %mul3A_432 = arith.mulf %add3A_430, %add3A_430 : vector<16xf32>
      %mul3A_433 = arith.mulf %sub3A_431, %sub3A_431 : vector<16xf32>
      %add3A_434 = arith.addf %mul3A_420, %mul3A_432 : vector<16xf32>
      %add3A_435 = arith.addf %mul3A_421, %mul3A_433 : vector<16xf32>
      %get3A_436 = arith.constant 48 : i32
      %get3A_437 = arith.index_cast %get3A_436 : i32 to index
      %get3A_438 = arith.constant 32 : index
      %get3A_439 = tpu.vector_load %arg23[%get3A_437, %get3A_438] {strides = array<i32>} : memref<50x64xf32, #tpu.memory_space<vmem>>, vector<16xf32>,
      %get3A_440 = arith.constant 48 : i32
      %get3A_441 = arith.index_cast %get3A_440 : i32 to index
      %get3A_442 = arith.constant 32 : index
      %get3A_443 = tpu.vector_load %arg25[%get3A_441, %get3A_442] {strides = array<i32>} : memref<50x64xf32, #tpu.memory_space<vmem>>, vector<16xf32>,
      %add3A_444 = arith.addf %get3A_439, %get3A_388 : vector<16xf32>
      %sub3A_445 = arith.subf %get3A_400, %get3A_443 : vector<16xf32>
      %mul3A_446 = arith.mulf %add3A_444, %add3A_444 : vector<16xf32>
      %mul3A_447 = arith.mulf %sub3A_445, %sub3A_445 : vector<16xf32>
      %add3A_448 = arith.addf %add3A_434, %mul3A_446 : vector<16xf32>
      %add3A_449 = arith.addf %add3A_435, %mul3A_447 : vector<16xf32>
      %get3A_450 = arith.constant 48 : i32
      %get3A_451 = arith.index_cast %get3A_450 : i32 to index
      %get3A_452 = arith.constant 48 : index
      %get3A_453 = tpu.vector_load %arg23[%get3A_451, %get3A_452] {strides = array<i32>} : memref<50x64xf32, #tpu.memory_space<vmem>>, vector<16xf32>,
      %get3A_454 = arith.constant 48 : i32
      %get3A_455 = arith.index_cast %get3A_454 : i32 to index
      %get3A_456 = arith.constant 48 : index
      %get3A_457 = tpu.vector_load %arg25[%get3A_455, %get3A_456] {strides = array<i32>} : memref<50x64xf32, #tpu.memory_space<vmem>>, vector<16xf32>,
      %add3A_458 = arith.addf %get3A_453, %get3A_391 : vector<16xf32>
      %sub3A_459 = arith.subf %get3A_403, %get3A_457 : vector<16xf32>
      %mul3A_460 = arith.mulf %add3A_458, %add3A_458 : vector<16xf32>
      %mul3A_461 = arith.mulf %sub3A_459, %sub3A_459 : vector<16xf32>
      %add3A_462 = arith.addf %add3A_448, %mul3A_460 : vector<16xf32>
      %add3A_463 = arith.addf %add3A_449, %mul3A_461 : vector<16xf32>
      %get3A_464 = arith.constant 49 : i32
      %get3A_465 = arith.index_cast %get3A_464 : i32 to index
      %get3A_466 = arith.constant 0 : index
      %get3A_467 = tpu.vector_load %arg23[%get3A_465, %get3A_466] {strides = array<i32>} : memref<50x64xf32, #tpu.memory_space<vmem>>, vector<16xf32>,
      %get3A_468 = arith.constant 49 : i32
      %get3A_469 = arith.index_cast %get3A_468 : i32 to index
      %get3A_470 = arith.constant 0 : index
      %get3A_471 = tpu.vector_load %arg25[%get3A_469, %get3A_470] {strides = array<i32>} : memref<50x64xf32, #tpu.memory_space<vmem>>, vector<16xf32>,
      %add3A_472 = arith.addf %get3A_467, %get3A_382 : vector<16xf32>
      %sub3A_473 = arith.subf %get3A_394, %get3A_471 : vector<16xf32>
      %mul3A_474 = arith.mulf %add3A_472, %add3A_472 : vector<16xf32>
      %mul3A_475 = arith.mulf %sub3A_473, %sub3A_473 : vector<16xf32>
      %get3A_476 = arith.constant 49 : i32
      %get3A_477 = arith.index_cast %get3A_476 : i32 to index
      %get3A_478 = arith.constant 16 : index
      %get3A_479 = tpu.vector_load %arg23[%get3A_477, %get3A_478] {strides = array<i32>} : memref<50x64xf32, #tpu.memory_space<vmem>>, vector<16xf32>,
      %get3A_480 = arith.constant 49 : i32
      %get3A_481 = arith.index_cast %get3A_480 : i32 to index
      %get3A_482 = arith.constant 16 : index
      %get3A_483 = tpu.vector_load %arg25[%get3A_481, %get3A_482] {strides = array<i32>} : memref<50x64xf32, #tpu.memory_space<vmem>>, vector<16xf32>,
      %add3A_484 = arith.addf %get3A_479, %get3A_385 : vector<16xf32>
      %sub3A_485 = arith.subf %get3A_397, %get3A_483 : vector<16xf32>
      %mul3A_486 = arith.mulf %add3A_484, %add3A_484 : vector<16xf32>
      %mul3A_487 = arith.mulf %sub3A_485, %sub3A_485 : vector<16xf32>
      %add3A_488 = arith.addf %mul3A_474, %mul3A_486 : vector<16xf32>
      %add3A_489 = arith.addf %mul3A_475, %mul3A_487 : vector<16xf32>
      %get3A_490 = arith.constant 49 : i32
      %get3A_491 = arith.index_cast %get3A_490 : i32 to index
      %get3A_492 = arith.constant 32 : index
      %get3A_493 = tpu.vector_load %arg23[%get3A_491, %get3A_492] {strides = array<i32>} : memref<50x64xf32, #tpu.memory_space<vmem>>, vector<16xf32>,
      %get3A_494 = arith.constant 49 : i32
      %get3A_495 = arith.index_cast %get3A_494 : i32 to index
      %get3A_496 = arith.constant 32 : index
      %get3A_497 = tpu.vector_load %arg25[%get3A_495, %get3A_496] {strides = array<i32>} : memref<50x64xf32, #tpu.memory_space<vmem>>, vector<16xf32>,
      %add3A_498 = arith.addf %get3A_493, %get3A_388 : vector<16xf32>
      %sub3A_499 = arith.subf %get3A_400, %get3A_497 : vector<16xf32>
      %mul3A_500 = arith.mulf %add3A_498, %add3A_498 : vector<16xf32>
      %mul3A_501 = arith.mulf %sub3A_499, %sub3A_499 : vector<16xf32>
      %add3A_502 = arith.addf %add3A_488, %mul3A_500 : vector<16xf32>
      %add3A_503 = arith.addf %add3A_489, %mul3A_501 : vector<16xf32>
      %get3A_504 = arith.constant 49 : i32
      %get3A_505 = arith.index_cast %get3A_504 : i32 to index
      %get3A_506 = arith.constant 48 : index
      %get3A_507 = tpu.vector_load %arg23[%get3A_505, %get3A_506] {strides = array<i32>} : memref<50x64xf32, #tpu.memory_space<vmem>>, vector<16xf32>,
      %get3A_508 = arith.constant 49 : i32
      %get3A_509 = arith.index_cast %get3A_508 : i32 to index
      %get3A_510 = arith.constant 48 : index
      %get3A_511 = tpu.vector_load %arg25[%get3A_509, %get3A_510] {strides = array<i32>} : memref<50x64xf32, #tpu.memory_space<vmem>>, vector<16xf32>,
      %add3A_512 = arith.addf %get3A_507, %get3A_391 : vector<16xf32>
      %sub3A_513 = arith.subf %get3A_403, %get3A_511 : vector<16xf32>
      %mul3A_514 = arith.mulf %add3A_512, %add3A_512 : vector<16xf32>
      %mul3A_515 = arith.mulf %sub3A_513, %sub3A_513 : vector<16xf32>
      %add3A_516 = arith.addf %add3A_502, %mul3A_514 : vector<16xf32>
      %add3A_517 = arith.addf %add3A_503, %mul3A_515 : vector<16xf32>
      %select_n3A_518 = arith.select %eq3A_30, %add3A_516, %add3A_462 : vector<16xi1>, vector<16xf32>
      %select_n3A_519 = arith.select %eq3A_30, %add3A_462, %add3A_516 : vector<16xi1>, vector<16xf32>
      %lt3A_520 = arith.constant 0 : i32
      %lt3A_521 = vector.broadcast %lt3A_520 : i32 to vector<16xi32>
      %lt3A_522 = arith.cmpi slt, %xor3A_59, %lt3A_521 : vector<16xi32>
      %add3A_523 = arith.constant 16 : i32
      %add3A_524 = vector.broadcast %add3A_523 : i32 to vector<16xi32>
      %add3A_525 = arith.addi %xor3A_59, %add3A_524 : vector<16xi32>
      %select_n3A_526 = arith.select %lt3A_522, %add3A_525, %xor3A_59 : vector<16xi1>, vector<16xi32>
      %reshape3A_527 = vector.shape_cast %select_n3A_526 : vector<16xi32> to vector<16x1xi32>
      %gather3A_528 = vector.shape_cast %reshape3A_527 : vector<16x1xi32> to vector<16xi32>
      %gather3A_529 = tpu.dynamic_gather %select_n3A_519[%gather3A_528] in [0] : vector<16xf32>, vector<16xi32> -> vector<16xf32>
      %add3A_530 = arith.addf %select_n3A_518, %gather3A_529 : vector<16xf32>
      %select_n3A_531 = arith.select %eq3A_30, %add3A_517, %add3A_463 : vector<16xi1>, vector<16xf32>
      %select_n3A_532 = arith.select %eq3A_30, %add3A_463, %add3A_517 : vector<16xi1>, vector<16xf32>
      %lt3A_533 = arith.constant 0 : i32
      %lt3A_534 = vector.broadcast %lt3A_533 : i32 to vector<16xi32>
      %lt3A_535 = arith.cmpi slt, %xor3A_59, %lt3A_534 : vector<16xi32>
      %add3A_536 = arith.constant 16 : i32
      %add3A_537 = vector.broadcast %add3A_536 : i32 to vector<16xi32>
      %add3A_538 = arith.addi %xor3A_59, %add3A_537 : vector<16xi32>
      %select_n3A_539 = arith.select %lt3A_535, %add3A_538, %xor3A_59 : vector<16xi1>, vector<16xi32>
      %reshape3A_540 = vector.shape_cast %select_n3A_539 : vector<16xi32> to vector<16x1xi32>
      %gather3A_541 = vector.shape_cast %reshape3A_540 : vector<16x1xi32> to vector<16xi32>
      %gather3A_542 = tpu.dynamic_gather %select_n3A_532[%gather3A_541] in [0] : vector<16xf32>, vector<16xi32> -> vector<16xf32>
      %add3A_543 = arith.addf %select_n3A_531, %gather3A_542 : vector<16xf32>
      %select_n3A_544 = arith.select %eq3A_39, %broadcast_in_dim3A_19, %add3A_530 : vector<16xi1>, vector<16xf32>
      %select_n3A_545 = arith.select %eq3A_39, %add3A_530, %broadcast_in_dim3A_19 : vector<16xi1>, vector<16xf32>
      %lt3A_546 = arith.constant 0 : i32
      %lt3A_547 = vector.broadcast %lt3A_546 : i32 to vector<16xi32>
      %lt3A_548 = arith.cmpi slt, %xor3A_62, %lt3A_547 : vector<16xi32>
      %add3A_549 = arith.constant 16 : i32
      %add3A_550 = vector.broadcast %add3A_549 : i32 to vector<16xi32>
      %add3A_551 = arith.addi %xor3A_62, %add3A_550 : vector<16xi32>
      %select_n3A_552 = arith.select %lt3A_548, %add3A_551, %xor3A_62 : vector<16xi1>, vector<16xi32>
      %reshape3A_553 = vector.shape_cast %select_n3A_552 : vector<16xi32> to vector<16x1xi32>
      %gather3A_554 = vector.shape_cast %reshape3A_553 : vector<16x1xi32> to vector<16xi32>
      %gather3A_555 = tpu.dynamic_gather %select_n3A_545[%gather3A_554] in [0] : vector<16xf32>, vector<16xi32> -> vector<16xf32>
      %add3A_556 = arith.addf %select_n3A_544, %gather3A_555 : vector<16xf32>
      %select_n3A_557 = arith.select %eq3A_39, %broadcast_in_dim3A_19, %add3A_543 : vector<16xi1>, vector<16xf32>
      %select_n3A_558 = arith.select %eq3A_39, %add3A_543, %broadcast_in_dim3A_19 : vector<16xi1>, vector<16xf32>
      %lt3A_559 = arith.constant 0 : i32
      %lt3A_560 = vector.broadcast %lt3A_559 : i32 to vector<16xi32>
      %lt3A_561 = arith.cmpi slt, %xor3A_62, %lt3A_560 : vector<16xi32>
      %add3A_562 = arith.constant 16 : i32
      %add3A_563 = vector.broadcast %add3A_562 : i32 to vector<16xi32>
      %add3A_564 = arith.addi %xor3A_62, %add3A_563 : vector<16xi32>
      %select_n3A_565 = arith.select %lt3A_561, %add3A_564, %xor3A_62 : vector<16xi1>, vector<16xi32>
      %reshape3A_566 = vector.shape_cast %select_n3A_565 : vector<16xi32> to vector<16x1xi32>
      %gather3A_567 = vector.shape_cast %reshape3A_566 : vector<16x1xi32> to vector<16xi32>
      %gather3A_568 = tpu.dynamic_gather %select_n3A_558[%gather3A_567] in [0] : vector<16xf32>, vector<16xi32> -> vector<16xf32>
      %add3A_569 = arith.addf %select_n3A_557, %gather3A_568 : vector<16xf32>
      %select_n3A_570 = arith.select %eq3A_48, %broadcast_in_dim3A_19, %add3A_556 : vector<16xi1>, vector<16xf32>
      %select_n3A_571 = arith.select %eq3A_48, %add3A_556, %broadcast_in_dim3A_19 : vector<16xi1>, vector<16xf32>
      %lt3A_572 = arith.constant 0 : i32
      %lt3A_573 = vector.broadcast %lt3A_572 : i32 to vector<16xi32>
      %lt3A_574 = arith.cmpi slt, %xor3A_65, %lt3A_573 : vector<16xi32>
      %add3A_575 = arith.constant 16 : i32
      %add3A_576 = vector.broadcast %add3A_575 : i32 to vector<16xi32>
      %add3A_577 = arith.addi %xor3A_65, %add3A_576 : vector<16xi32>
      %select_n3A_578 = arith.select %lt3A_574, %add3A_577, %xor3A_65 : vector<16xi1>, vector<16xi32>
      %reshape3A_579 = vector.shape_cast %select_n3A_578 : vector<16xi32> to vector<16x1xi32>
      %gather3A_580 = vector.shape_cast %reshape3A_579 : vector<16x1xi32> to vector<16xi32>
      %gather3A_581 = tpu.dynamic_gather %select_n3A_571[%gather3A_580] in [0] : vector<16xf32>, vector<16xi32> -> vector<16xf32>
      %add3A_582 = arith.addf %select_n3A_570, %gather3A_581 : vector<16xf32>
      %select_n3A_583 = arith.select %eq3A_48, %broadcast_in_dim3A_19, %add3A_569 : vector<16xi1>, vector<16xf32>
      %select_n3A_584 = arith.select %eq3A_48, %add3A_569, %broadcast_in_dim3A_19 : vector<16xi1>, vector<16xf32>
      %lt3A_585 = arith.constant 0 : i32
      %lt3A_586 = vector.broadcast %lt3A_585 : i32 to vector<16xi32>
      %lt3A_587 = arith.cmpi slt, %xor3A_65, %lt3A_586 : vector<16xi32>
      %add3A_588 = arith.constant 16 : i32
      %add3A_589 = vector.broadcast %add3A_588 : i32 to vector<16xi32>
      %add3A_590 = arith.addi %xor3A_65, %add3A_589 : vector<16xi32>
      %select_n3A_591 = arith.select %lt3A_587, %add3A_590, %xor3A_65 : vector<16xi1>, vector<16xi32>
      %reshape3A_592 = vector.shape_cast %select_n3A_591 : vector<16xi32> to vector<16x1xi32>
      %gather3A_593 = vector.shape_cast %reshape3A_592 : vector<16x1xi32> to vector<16xi32>
      %gather3A_594 = tpu.dynamic_gather %select_n3A_584[%gather3A_593] in [0] : vector<16xf32>, vector<16xi32> -> vector<16xf32>
      %add3A_595 = arith.addf %select_n3A_583, %gather3A_594 : vector<16xf32>
      %select_n3A_596 = arith.select %eq3A_57, %broadcast_in_dim3A_19, %add3A_582 : vector<16xi1>, vector<16xf32>
      %select_n3A_597 = arith.select %eq3A_57, %add3A_582, %broadcast_in_dim3A_19 : vector<16xi1>, vector<16xf32>
      %lt3A_598 = arith.constant 0 : i32
      %lt3A_599 = vector.broadcast %lt3A_598 : i32 to vector<16xi32>
      %lt3A_600 = arith.cmpi slt, %xor3A_68, %lt3A_599 : vector<16xi32>
      %add3A_601 = arith.constant 16 : i32
      %add3A_602 = vector.broadcast %add3A_601 : i32 to vector<16xi32>
      %add3A_603 = arith.addi %xor3A_68, %add3A_602 : vector<16xi32>
      %select_n3A_604 = arith.select %lt3A_600, %add3A_603, %xor3A_68 : vector<16xi1>, vector<16xi32>
      %reshape3A_605 = vector.shape_cast %select_n3A_604 : vector<16xi32> to vector<16x1xi32>
      %gather3A_606 = vector.shape_cast %reshape3A_605 : vector<16x1xi32> to vector<16xi32>
      %gather3A_607 = tpu.dynamic_gather %select_n3A_597[%gather3A_606] in [0] : vector<16xf32>, vector<16xi32> -> vector<16xf32>
      %add3A_608 = arith.addf %select_n3A_596, %gather3A_607 : vector<16xf32>
      %select_n3A_609 = arith.select %eq3A_57, %broadcast_in_dim3A_19, %add3A_595 : vector<16xi1>, vector<16xf32>
      %select_n3A_610 = arith.select %eq3A_57, %add3A_595, %broadcast_in_dim3A_19 : vector<16xi1>, vector<16xf32>
      %lt3A_611 = arith.constant 0 : i32
      %lt3A_612 = vector.broadcast %lt3A_611 : i32 to vector<16xi32>
      %lt3A_613 = arith.cmpi slt, %xor3A_68, %lt3A_612 : vector<16xi32>
      %add3A_614 = arith.constant 16 : i32
      %add3A_615 = vector.broadcast %add3A_614 : i32 to vector<16xi32>
      %add3A_616 = arith.addi %xor3A_68, %add3A_615 : vector<16xi32>
      %select_n3A_617 = arith.select %lt3A_613, %add3A_616, %xor3A_68 : vector<16xi1>, vector<16xi32>
      %reshape3A_618 = vector.shape_cast %select_n3A_617 : vector<16xi32> to vector<16x1xi32>
      %gather3A_619 = vector.shape_cast %reshape3A_618 : vector<16x1xi32> to vector<16xi32>
      %gather3A_620 = tpu.dynamic_gather %select_n3A_610[%gather3A_619] in [0] : vector<16xf32>, vector<16xi32> -> vector<16xf32>
      %add3A_621 = arith.addf %select_n3A_609, %gather3A_620 : vector<16xf32>
      %swap3A_622 = arith.index_cast %add3A_379 : i32 to index
      %swap3A_623 = arith.constant 48 : index
      %swap3A_624 = tpu.vector_load %arg27[%swap3A_622, %swap3A_623] {strides = array<i32>} : memref<128x64xf32, #tpu.memory_space<vmem>>, vector<16xf32>,
      tpu.vector_store %arg27[%swap3A_622, %swap3A_623], %add3A_608 {strides = array<i32>} : memref<128x64xf32, #tpu.memory_space<vmem>>, vector<16xf32>,
      %swap3A_625 = arith.index_cast %add3A_379 : i32 to index
      %swap3A_626 = arith.constant 48 : index
      %swap3A_627 = tpu.vector_load %arg28[%swap3A_625, %swap3A_626] {strides = array<i32>} : memref<128x64xf32, #tpu.memory_space<vmem>>, vector<16xf32>,
      tpu.vector_store %arg28[%swap3A_625, %swap3A_626], %add3A_621 {strides = array<i32>} : memref<128x64xf32, #tpu.memory_space<vmem>>, vector<16xf32>,
    }
    %scan3A_88 = arith.constant 64 : i32
    "tpu.region"() ({
      %run_scoped3A = tpu.sem_alloc : memref<!tpu.dma_semaphore, #tpu.memory_space<semaphore_mem>>
      %dma_start3A_89 = arith.constant 0 : i32
      %dma_start3A_90 = tpu.memref_slice %arg9[%mul3A_2, %dma_start3A_89] : memref<4096x16xf32, #tpu.memory_space<hbm>> -> memref<128x16xf32, #tpu.memory_space<hbm>>
      %dma_start3A_91 = arith.constant 0 : i32
      %dma_start3A_92 = tpu.memref_slice %arg9[%mul3A_2, %dma_start3A_91] : memref<4096x16xf32, #tpu.memory_space<hbm>> -> memref<128x16xf32, #tpu.memory_space<hbm>>
      tpu.enqueue_dma source(%arg26 : memref<128x16xf32, #tpu.memory_space<vmem>>) target(%dma_start3A_92 : memref<128x16xf32, #tpu.memory_space<hbm>>) target_semaphore(%run_scoped3A : memref<!tpu.dma_semaphore, #tpu.memory_space<semaphore_mem>>)
      %dma_wait3A_93 = arith.constant 0 : i32
      %dma_wait3A_94 = tpu.memref_slice %arg9[%mul3A_2, %dma_wait3A_93] : memref<4096x16xf32, #tpu.memory_space<hbm>> -> memref<128x16xf32, #tpu.memory_space<hbm>>
      %dma_wait3A_95 = arith.constant 0 : i32
      %dma_wait3A_96 = tpu.memref_slice %arg9[%mul3A_2, %dma_wait3A_95] : memref<4096x16xf32, #tpu.memory_space<hbm>> -> memref<128x16xf32, #tpu.memory_space<hbm>>
      tpu.wait_dma2 semaphore(%run_scoped3A : memref<!tpu.dma_semaphore, #tpu.memory_space<semaphore_mem>>) src(%arg26 : memref<128x16xf32, #tpu.memory_space<vmem>>) dst(%dma_wait3A_96 : memref<128x16xf32, #tpu.memory_space<hbm>>)
      tpu.yield
    }) : () -> ()
    "tpu.region"() ({
      %run_scoped3A = tpu.sem_alloc : memref<!tpu.dma_semaphore, #tpu.memory_space<semaphore_mem>>
      %dma_start3A_89 = arith.constant 0 : i32
      %dma_start3A_90 = tpu.memref_slice %arg10[%mul3A_2, %dma_start3A_89] : memref<4096x64xf32, #tpu.memory_space<hbm>> -> memref<128x64xf32, #tpu.memory_space<hbm>>
      %dma_start3A_91 = arith.constant 0 : i32
      %dma_start3A_92 = tpu.memref_slice %arg10[%mul3A_2, %dma_start3A_91] : memref<4096x64xf32, #tpu.memory_space<hbm>> -> memref<128x64xf32, #tpu.memory_space<hbm>>
      tpu.enqueue_dma source(%arg27 : memref<128x64xf32, #tpu.memory_space<vmem>>) target(%dma_start3A_92 : memref<128x64xf32, #tpu.memory_space<hbm>>) target_semaphore(%run_scoped3A : memref<!tpu.dma_semaphore, #tpu.memory_space<semaphore_mem>>)
      %dma_wait3A_93 = arith.constant 0 : i32
      %dma_wait3A_94 = tpu.memref_slice %arg10[%mul3A_2, %dma_wait3A_93] : memref<4096x64xf32, #tpu.memory_space<hbm>> -> memref<128x64xf32, #tpu.memory_space<hbm>>
      %dma_wait3A_95 = arith.constant 0 : i32
      %dma_wait3A_96 = tpu.memref_slice %arg10[%mul3A_2, %dma_wait3A_95] : memref<4096x64xf32, #tpu.memory_space<hbm>> -> memref<128x64xf32, #tpu.memory_space<hbm>>
      tpu.wait_dma2 semaphore(%run_scoped3A : memref<!tpu.dma_semaphore, #tpu.memory_space<semaphore_mem>>) src(%arg27 : memref<128x64xf32, #tpu.memory_space<vmem>>) dst(%dma_wait3A_96 : memref<128x64xf32, #tpu.memory_space<hbm>>)
      tpu.yield
    }) : () -> ()
    "tpu.region"() ({
      %run_scoped3A = tpu.sem_alloc : memref<!tpu.dma_semaphore, #tpu.memory_space<semaphore_mem>>
      %dma_start3A_89 = arith.constant 0 : i32
      %dma_start3A_90 = tpu.memref_slice %arg11[%mul3A_2, %dma_start3A_89] : memref<4096x64xf32, #tpu.memory_space<hbm>> -> memref<128x64xf32, #tpu.memory_space<hbm>>
      %dma_start3A_91 = arith.constant 0 : i32
      %dma_start3A_92 = tpu.memref_slice %arg11[%mul3A_2, %dma_start3A_91] : memref<4096x64xf32, #tpu.memory_space<hbm>> -> memref<128x64xf32, #tpu.memory_space<hbm>>
      tpu.enqueue_dma source(%arg28 : memref<128x64xf32, #tpu.memory_space<vmem>>) target(%dma_start3A_92 : memref<128x64xf32, #tpu.memory_space<hbm>>) target_semaphore(%run_scoped3A : memref<!tpu.dma_semaphore, #tpu.memory_space<semaphore_mem>>)
      %dma_wait3A_93 = arith.constant 0 : i32
      %dma_wait3A_94 = tpu.memref_slice %arg11[%mul3A_2, %dma_wait3A_93] : memref<4096x64xf32, #tpu.memory_space<hbm>> -> memref<128x64xf32, #tpu.memory_space<hbm>>
      %dma_wait3A_95 = arith.constant 0 : i32
      %dma_wait3A_96 = tpu.memref_slice %arg11[%mul3A_2, %dma_wait3A_95] : memref<4096x64xf32, #tpu.memory_space<hbm>> -> memref<128x64xf32, #tpu.memory_space<hbm>>
      tpu.wait_dma2 semaphore(%run_scoped3A : memref<!tpu.dma_semaphore, #tpu.memory_space<semaphore_mem>>) src(%arg28 : memref<128x64xf32, #tpu.memory_space<vmem>>) dst(%dma_wait3A_96 : memref<128x64xf32, #tpu.memory_space<hbm>>)
      tpu.yield
    }) : () -> ()
    return
  }
}

module attributes {stable_mosaic.version = 14 : i64} {
  func.func @_tc_body(%arg0: memref<1x1xf32, #tpu.memory_space<smem>>, %arg1: memref<4096x16xf32, #tpu.memory_space<vmem>>, %arg2: memref<4096x64xf32, #tpu.memory_space<vmem>>, %arg3: memref<4096x64xf32, #tpu.memory_space<vmem>>, %arg4: memref<1x1xf32, #tpu.memory_space<smem>>) attributes {dimension_semantics = [], scalar_prefetch = 0 : i64, scratch_operands = 0 : i64, tpu.core_type = #tpu.core_type<tc>} {
    %get3A = arith.constant 0 : index
    %get3A_0 = arith.constant 0 : index
    %get3A_1 = memref.load %arg0[%get3A, %get3A_0] : memref<1x1xf32, #tpu.memory_space<smem>>
    %get3A_2 = arith.constant 0 : index
    %get3A_3 = arith.constant 0 : index
    %get3A_4 = vector.load %arg1[%get3A_2, %get3A_3] : memref<4096x16xf32, #tpu.memory_space<vmem>>, vector<4096x16xf32>
    %reduce_sum3A = arith.constant dense<0.000000e+00> : vector<4096xf32>
    %reduce_sum3A_5 = vector.multi_reduction <add>, %get3A_4, %reduce_sum3A [1] : vector<4096x16xf32> to vector<4096xf32>
    %broadcast_in_dim3A = vector.shape_cast %reduce_sum3A_5 : vector<4096xf32> to vector<4096x1xf32>
    %sqrt3A = math.sqrt %broadcast_in_dim3A : vector<4096x1xf32>
    %get3A_6 = arith.constant 0 : index
    %get3A_7 = arith.constant 0 : index
    %get3A_8 = vector.load %arg2[%get3A_6, %get3A_7] : memref<4096x64xf32, #tpu.memory_space<vmem>>, vector<4096x64xf32>
    %sqrt3A_9 = math.sqrt %get3A_8 : vector<4096x64xf32>
    %get3A_10 = arith.constant 0 : index
    %get3A_11 = arith.constant 0 : index
    %get3A_12 = vector.load %arg3[%get3A_10, %get3A_11] : memref<4096x64xf32, #tpu.memory_space<vmem>>, vector<4096x64xf32>
    %sqrt3A_13 = math.sqrt %get3A_12 : vector<4096x64xf32>
    %mul3A = arith.constant 2.000000e+00 : f32
    %mul3A_14 = vector.broadcast %mul3A : f32 to vector<4096x1xf32>
    %mul3A_15 = arith.mulf %mul3A_14, %sqrt3A : vector<4096x1xf32>
    %add3A = vector.broadcast %get3A_1 : f32 to vector<4096x1xf32>
    %add3A_16 = arith.addf %add3A, %mul3A_15 : vector<4096x1xf32>
    %sub3A = vector.broadcast %add3A_16 : vector<4096x1xf32> to vector<4096x64xf32>
    %sub3A_17 = arith.subf %sub3A, %sqrt3A_9 : vector<4096x64xf32>
    %sub3A_18 = arith.subf %sub3A_17, %sqrt3A_13 : vector<4096x64xf32>
    %iota3A = tpu.iota {dimensions = array<i32: 1>} : vector<4096x64xi32>
    %lt3A = arith.constant 50 : i32
    %lt3A_19 = vector.broadcast %lt3A : i32 to vector<4096x64xi32>
    %lt3A_20 = arith.cmpi slt, %iota3A, %lt3A_19 : vector<4096x64xi32>
    %max3A = arith.constant 0.000000e+00 : f32
    %max3A_21 = vector.broadcast %max3A : f32 to vector<4096x64xf32>
    %max3A_22 = arith.maximumf %sub3A_18, %max3A_21 : vector<4096x64xf32>
    %jit3A = arith.constant 0.000000e+00 : f32
    %broadcast_in_dim3A_23 = vector.broadcast %jit3A : f32 to vector<4096x64xf32>
    %select_n3A = arith.select %lt3A_20, %max3A_22, %broadcast_in_dim3A_23 : vector<4096x64xi1>, vector<4096x64xf32>
    %reduce_sum3A_24 = vector.shape_cast %select_n3A : vector<4096x64xf32> to vector<1x4096x64xf32>
    %reduce_sum3A_25 = arith.constant dense<0.000000e+00> : vector<1xf32>
    %reduce_sum3A_26 = vector.multi_reduction <add>, %reduce_sum3A_24, %reduce_sum3A_25 [1, 2] : vector<1x4096x64xf32> to vector<1xf32>
    %reduce_sum3A_27 = vector.shape_cast %reduce_sum3A_26 : vector<1xf32> to vector<1x1x1xf32>
    %reduce_sum3A_28 = vector.extract %reduce_sum3A_27[0, 0, 0] : f32 from vector<1x1x1xf32>
    %swap3A = arith.constant 0 : index
    %swap3A_29 = arith.constant 0 : index
    %swap3A_30 = memref.load %arg4[%swap3A, %swap3A_29] : memref<1x1xf32, #tpu.memory_space<smem>>
    memref.store %reduce_sum3A_28, %arg4[%swap3A, %swap3A_29] : memref<1x1xf32, #tpu.memory_space<smem>>
    return
  }
}

</mosaic_0001>

<sc_bundles>
// kernel: kernel.4.cloned.1.call-start
scs
__scs_entry_jumppad:
0x0: {  	(pc) =	sbr.rel $0x88, $3  }
0x1: {  	(tag) =	ssettag $0x0;
	lr =	simm.s32 $0x1  }
0x2: {  	[smem:$0x3F99] =	sst lr;
	_ =	strace $0xD0000000  }
0x3: {  	_ = 	snop  }
0x4: {  	_ = 	snop  }
0x5: {  	_ = 	snop  }
0x6: {  	_ = 	snop  }
0x7: {  	_ = 	snop  }
__scs_overlays_trampoline_lowered:
0x8: {  	[smem:$0x3FA8] =	sst s0  }
0x9: {  	[smem:$0x3FA9] =	sst s1  }
0xa: {  	[smem:$0x3FAA] =	sst s2  }
0xb: {  	[smem:$0x3FAB] =	sst s3  }
0xc: {  	[smem:$0x3FAC] =	sst s4  }
0xd: {  	[smem:$0x3FAD] =	sst s5  }
0xe: {  	[smem:$0x3FAE] =	sst s6  }
0xf: {  	[smem:$0x3FAF] =	sst s7  }
0x10: {  	[smem:$0x3FB0] =	sst s8  }
0x11: {  	[smem:$0x3FB1] =	sst s9;
	s0 =	simm.s32 @!p0 $0x0  }
0x12: {  	s1 =	sld [smem:$0x3F97];
	s0 =	simm.s32 @p0 $0x1  }
0x13: {  	[smem:$0x3FB2] =	sst s0;
	s0 =	simm.s32 @!p1 $0x0  }
0x14: {  	s2 =	sld [smem:$0x3F96];
	s0 =	simm.s32 @p1 $0x1  }
0x15: {  	[smem:$0x3FB3] =	sst s0;
	s0 =	simm.s32 @!p2 $0x0  }
0x16: {  	s3 =	sld [smem:$0x3FDB];
	s0 =	simm.s32 @p2 $0x1  }
0x17: {  	s4 =	simm.s32 $0x1BF5;
	[smem:$0x3FB5] =	sst s0  }
0x18: {  	s0 =	sld [smem:$0x3F98];
	_ =	swait.ge [sflag:s4], $0x0  }
0x19: {  	s7 =	sld [smem:$0x3F99]  }
0x1a: {  	s8 =	sadd.s32 $0xFFFFE003, lr  }
0x1b: {  	s9 =	sadd.s32 $0xFFFFFEF7, lr;
	s5 =	simm.s32 $0xFFFFFFFF;
	p2 =	slt.u32 s8, $0xFFFFF086  }
0x1c: {  	p1 =	slt.u32 s9, $0xF7A;
	s5 =	simm.s32 @!p2 $0x0  }
0x1d: {  	s5 =	simm.s32 @p1 $0x1;
	p0 =	seq.s32 s7, s2  }
0x1e: {  	s7 =	smul.u32 @!p0 $0xF7A, s2;
	p2 =	seq.s32 @!p0 s5, $0x0  }
0x1f: {  	s9 =	smul.u32 $0xF7A, s1;
	s8 =	simm.s32 @!p0 $0x1BF5;
	p2 =	por !p2, p0  }
0x20: {  	[sflag:s8] =	ssyncset.s32 @!p0 $0xFFFFF086;
	s6 =	sadd.s32 @!p0 s3, s7;
	s7 =	simm.s32 @!p0 $0x108  }
0x21: {  	s3 =	sadd.s32 s3, s9;
	s6 =	sadd.s32 @!p0 $0x88, s6;
	s7 =	simm.s32 @p2 $0x1082  }
0x22: {  	[simem:s7], [sflag:s8] =	dma.local @!p0 [hbm:s6], $0xF7A  }
0x23: {  	s9 =	sor.u32 $0xD0000000, s2;
	s6 =	simm.s32 $0x108;
	_ =	swait.ge @!p0 [sflag:s8], $0x0  }
0x24: {  	s3 =	sadd.s32 $0x88, s3;
	s6 =	simm.s32 @!p1 $0x1082;
	[sflag:s4] =	ssyncset.s32 $0xFFFFF086  }
0x25: {  	[simem:s6], [sflag:s4] =	dma.local [hbm:s3], $0xF7A  }
0x26: {  	[smem:$0x3F99] =	sst s1;
	(tag) =	ssettag s2;
	_ =	strace s9  }
0x27: {  	s1 =	sld [smem:$0x3FA9]  }
0x28: {  	s2 =	sld [smem:$0x3FAA]  }
0x29: {  	s4 =	sld [smem:$0x3FAC]  }
0x2a: {  	p0 =	seq.s32 s5, $0x0;
	s5 =	sld [smem:$0x3FAD]  }
0x2b: {  	s6 =	sld [smem:$0x3FAE]  }
0x2c: {  	s7 =	sld [smem:$0x3FAF]  }
0x2d: {  	s3 =	simm.s32 $0x108;
	s8 =	sld [smem:$0x3FB0]  }
0x2e: {  	s3 =	simm.s32 @!p0 $0x1082;
	s9 =	sld [smem:$0x3FB1]  }
0x2f: {  	lr =	sadd.s32 s0, s3;
	s0 =	sld [smem:$0x3FA8]  }
0x30: {  	s3 =	sld [smem:$0x3FAB]  }
0x31: {  	[smem:$0x3FB4] =	sst s10  }
0x32: {  	s10 =	sld [smem:$0x3FB2];
	_ =	sdelay $0x3  }
0x33: {  	p0 =	seq.s32 s10, $0x1;
	s10 =	sld [smem:$0x3FB4];
	_ =	sdelay $0x3  }
0x34: {  	[smem:$0x3FB4] =	sst s10  }
0x35: {  	s10 =	sld [smem:$0x3FB3];
	_ =	sdelay $0x3  }
0x36: {  	p1 =	seq.s32 s10, $0x1;
	s10 =	sld [smem:$0x3FB4];
	_ =	sdelay $0x3  }
0x37: {  	[smem:$0x3FB4] =	sst s10  }
0x38: {  	s10 =	sld [smem:$0x3FB5]  }
0x39: {  	_ = 	snop;
	(pc) =	sbr.ind lr, $3  }
0x3a: {  	_ = 	snop  }
0x3b: {  	_ = 	snop  }
0x3c: {  	p2 =	seq.s32 s10, $0x1;
	s10 =	sld [smem:$0x3FB4]  }
0x3d: {  	_ =	shalt  }
0x3e: {  	_ =	shalt  }
0x3f: {  	_ =	shalt  }
0x40: {  	_ =	shalt  }
0x41: {  	_ =	shalt  }
0x42: {  	_ =	shalt  }
0x43: {  	_ =	shalt  }
0x44: {  	_ =	shalt  }
0x45: {  	_ =	shalt  }
0x46: {  	_ =	shalt  }
0x47: {  	_ =	shalt  }
0x48: {  	_ =	shalt  }
0x49: {  	_ =	shalt  }
0x4a: {  	_ =	shalt  }
0x4b: {  	_ =	shalt  }
0x4c: {  	_ =	shalt  }
0x4d: {  	_ =	shalt  }
0x4e: {  	_ =	shalt  }
0x4f: {  	_ =	shalt  }
0x50: {  	_ =	shalt  }
0x51: {  	_ =	shalt  }
0x52: {  	_ =	shalt  }
0x53: {  	_ =	shalt  }
0x54: {  	_ =	shalt  }
0x55: {  	_ =	shalt  }
0x56: {  	_ =	shalt  }
0x57: {  	_ =	shalt  }
0x58: {  	_ =	shalt  }
0x59: {  	_ =	shalt  }
0x5a: {  	_ =	shalt  }
0x5b: {  	_ =	shalt  }
0x5c: {  	_ =	shalt  }
0x5d: {  	_ =	shalt  }
0x5e: {  	_ =	shalt  }
0x5f: {  	_ =	shalt  }
0x60: {  	_ =	shalt  }
0x61: {  	_ =	shalt  }
0x62: {  	_ =	shalt  }
0x63: {  	_ =	shalt  }
0x64: {  	_ =	shalt  }
0x65: {  	_ =	shalt  }
0x66: {  	_ =	shalt  }
0x67: {  	_ =	shalt  }
0x68: {  	_ =	shalt  }
0x69: {  	_ =	shalt  }
0x6a: {  	_ =	shalt  }
0x6b: {  	_ =	shalt  }
0x6c: {  	_ =	shalt  }
0x6d: {  	_ =	shalt  }
0x6e: {  	_ =	shalt  }
0x6f: {  	_ =	shalt  }
0x70: {  	_ =	shalt  }
0x71: {  	_ =	shalt  }
0x72: {  	_ =	shalt  }
0x73: {  	_ =	shalt  }
0x74: {  	_ =	shalt  }
0x75: {  	_ =	shalt  }
0x76: {  	_ =	shalt  }
0x77: {  	_ =	shalt  }
0x78: {  	_ =	shalt  }
0x79: {  	_ =	shalt  }
0x7a: {  	_ =	shalt  }
0x7b: {  	_ =	shalt  }
0x7c: {  	_ =	shalt  }
0x7d: {  	_ =	shalt  }
0x7e: {  	_ =	shalt  }
0x7f: {  	_ =	shalt  }
0x80: {  	_ =	shalt  }
0x81: {  	_ =	shalt  }
0x82: {  	_ =	shalt  }
0x83: {  	_ =	shalt  }
0x84: {  	_ =	shalt  }
0x85: {  	_ =	shalt  }
0x86: {  	_ =	shalt  }
0x87: {  	_ =	shalt  }
.Lfunc_end0:
.L_simem_size_0:
called_computation_lowered:
.L_overlay_start_0:
0x88: {  	s2 =	sld [smem:$0x3FD9]  }
0x89: {  	s3 =	sld [smem:$0x3FFE];
	_ =	sdelay $0x1  }
0x8a: {  	s1 =	srdreg.scid  }
0x8b: {  	s0 =	sand.u32 $0x1, s1  }
0x8c: {  	s17 =	sshll.u32 s0, $0xA;
	s2 =	sadd.s32 s3, s2  }
0x8d: {  	s2 =	sadd.s32 s2, s17  }
0x8e: {  	[smem:$0x3FC0] =	sst s2  }
0x8f: {  	_ = 	snop  }
0x90: {  	s2 =	sld [smem:$0x3FC9]  }
0x91: {  	s18 =	sld [smem:$0x3FC8]  }
0x92: {  	s4 =	sld [smem:$0x3FC7];
	(tm) =	ssettm $0x1  }
0x93: {  	s5 =	sld [smem:$0x3FFB];
	_ =	sdelay $0x3  }
0x94: {  	_ =	strace s5  }
0x95: {  	s5 =	sld [smem:$0x3FFC];
	_ =	sdelay $0x3  }
0x96: {  	_ =	strace s5  }
0x97: {  	s5 =	sld [smem:$0x3FFD];
	_ =	sdelay $0x3  }
0x98: {  	_ =	strace s5  }
0x99: {  	_ =	strace $0x8FFFFFFF  }
0x9a: {  	s19 =	sld [smem:$0x3FDB];
	_ =	sdelay $0x1  }
0x9b: {  	s6 =	simm.s32 $_scs_section_size  }
0x9c: {  	s7 =	simm.s32 $_size__tile_overlayer_lowered;
	s8 =	simm.s32 $_tile_overlayer_lowered  }
0x9d: {  	s22 =	simm.s32 $0x1BFF;
	s21 =	sshll.u32 s8, $0x1;
	s5 =	sadd.s32 s6, s19  }
0x9e: {  	s9 =	simm.s32 $0x0;
	s20 =	sshll.u32 s7, $0x1;
	s7 =	sadd.s32 s21, s5  }
0x9f: {  	[timem:s9], [sflag:s22] =	dma.local [hbm:s7], s20  }
0xa0: {  	_ =	swait.ge [sflag:s22], s20  }
0xa1: {  	s6 =	ssub.s32 $0x0, s20;
	[sflag:s22] =	ssyncset.done $0x0  }
0xa2: {  	[sflag:s22] =	ssyncadd.s32 s6;
	_ =	sdelay $0x1  }
0xa3: {  	s23 =	simm.s32 $0x1B8B  }
0xa4: {  	_ =	swait.ge [sflag:s23], $0x1  }
0xa5: {  	[sflag:s23] =	ssyncset.done $0x0  }
0xa6: {  	s25 =	simm.s32 $0x1B8E;
	s24 =	sld [smem:$0x3FFE];
	[sflag:s23] =	ssyncadd.s32 $0xFFFFFFFF  }
0xa7: {  	s26 =	simm.s32 $execute0_lowered;
	[smem:$0x3FD2] =	sst s25  }
0xa8: {  	s7 =	sshll.u32 s26, $0x1;
	_ =	strace $0x80000046;
	[dreg:$0x1] =	wrdreg $0xFFFFFFFF  }
0xa9: {  	s28 =	simm.s32 $_size_execute0_lowered;
	s5 =	sadd.s32 s5, s7;
	[dreg:$0x0] =	wrdreg $0x0  }
0xaa: {  	s7 =	sshll.u32 s28, $0x1;
	[dreg:$0x2] =	wrdreg s5  }
0xab: {  	[dreg:$0x3] =	wrdreg s7  }
0xac: {  	[dreg:$0x4] =	wrdreg $0xC0  }
0xad: {  	_ =	task [dreg:s9], $0x5FFFF  }
0xae: {  	[dreg:$0x1] =	wrdreg $0xFFFFFFFF  }
0xaf: {  	[dreg:$0x0] =	wrdreg $0x60  }
0xb0: {  	[dreg:$0x2] =	wrdreg s2  }
0xb1: {  	[dreg:$0x3] =	wrdreg s18  }
0xb2: {  	[dreg:$0x4] =	wrdreg s4  }
0xb3: {  	[dreg:$0x5] =	wrdreg s24  }
0xb4: {  	[dreg:$0x6] =	wrdreg $0x9  }
0xb5: {  	_ =	task.clear_ibuf [dreg:s9], $0x7FFFF;
	_ =	strace $0x90000046  }
0xb6: {  	s29 =	simm.s32 $0x9;
	_ =	strace $0x80000048  }
0xb7: {  	_ =	swait.ge [sflag:s29], $0x1  }
0xb8: {  	[sflag:s29] =	ssyncadd.s32 $0xFFFFFFFF  }
0xb9: {  	_ =	strace $0x90000048  }
0xba: {  	_ =	sfence  }
0xbb: {  	s30 =	sld [smem:$0x0];
	_ =	sdelay $0x2  }
0xbc: {  	s31 =	sshll.u32 s1, $0xD;
	s1 =	sshrl.u32 s1, $0x2  }
0xbd: {  	s3 =	sand.u32 $0x4000, s31;
	s1 =	sadd.s32 s1, s30  }
0xbe: {  	s0 =	sor.u32 s3, s0;
	s1 =	sshll.u32 s1, $0x11  }
0xbf: {  	s0 =	sor.u32 s1, s0  }
0xc0: {  	s0 =	sadd.s32 $0x8F2B, s0  }
0xc1: {  	[sflag:s0] =	ssyncadd.remote.s32 $0x1  }
0xc2: {  	_ =	sfence.sel $0xFFFF  }
0xc3: {  	[dreg:$0x0] =	wrdreg $0xFFFFFFFF;
	(pc) =	sbr.abs _section_cstart, $3  }
0xc4: {  	[dreg:$0x1] =	wrdreg $0xFFFFFFFF  }
0xc5: {  	_ =	task.clear_ibuf [dreg:s9], $0x2FFFF;
	_ =	strace $0x9FFFFFFF  }
0xc6: {  	(tm) =	ssettm $0x7FFFFFFF  }
0xc7: {  	_ =	shalt  }
tec
execute0_lowered:
.L_overlay_start_1:
0x0: {  	(tag) =	ssettag $0x1  }
0x1: {  	vm0 =	vcmask $0xB08  }
0x2: {  	vm1 =	vcmask $0x300;
	s0 =	rddreg [dreg:$0x0];
	v0 =	vimm.s32 $0xEFCDAB89;
	v1 =	vimm.s32 $0x67452301  }
0x3: {  	s4 =	rddreg [dreg:$0x1];
	v2 =	vimm.s32 $0xDCFE98BA;
	v3 =	vimm.s32 $0xBA98FEDC;
	v4 =	vimm.s32 $0x32107654  }
0x4: {  	s1 =	srdreg.scid;
	s5 =	rddreg [dreg:$0x2];
	vm2 =	vcmask $0x700;
	vm0 =	vmor vm1, vm0;
	vm1 =	vcmask $0x1310  }
0x5: {  	s2 =	stileid.u32;
	s6 =	rddreg [dreg:$0x3];
	s14 =	simm.s32 $0x8;
	v0 =	vunpack.c.l.s4.s8 v0;
	v1 =	vunpack.c.l.s4.s8 v1;
	v3 =	vunpack.c.l.s4.s8 v3  }
0x6: {  	s15 =	simm.s32 $0x80;
	s29 =	simm.s32 $0xE600;
	s30 =	simm.s32 $0xFF00;
	v4 =	vunpack.c.l.s4.s8 v4;
	vm0 =	vmor vm0, vm1;
	vm1 =	vcmask $0x1B18  }
0x7: {  	s31 =	simm.s32 $0x4;
	s19 =	simm.s32 $0x7;
	s1 =	sand.u32 $0x1, s1;
	vm0 =	vmor vm0, vm1;
	v0 =	vunpack.c.0.s8.s32 v0;
	v1 =	vunpack.c.0.s8.s32 v1  }
0x8: {  	s28 =	simm.s32 $0x0;
	s2 =	sshll.u32 s2, $0x8;
	s3 =	sshll.u32 s1, $0x7;
	vm1 =	vcmask $0x2320;
	v3 =	vunpack.c.0.s8.s32 v3;
	v4 =	vunpack.c.0.s8.s32 v4  }
0x9: {  	s8 =	sadd.s32 $0xF200, s6;
	s1 =	ssub.s32 $0x2, s1;
	s7 =	sor.u32 s3, s2;
	v0 =	vcombine.low v1, v0;
	v1 =	vunpack.c.l.s4.s8 v2;
	v2 =	vimm.s32 $0x54761032  }
0xa: {  	s2 =	simm.s32 $0x0;
	s11 =	sshrl.u32 s1, $0x1;
	vm0 =	vmor vm0, vm1;
	vm1 =	vcmask $0x2B28;
	s3 =	smul.u32 $0x7, s7;
	v2 =	vunpack.c.l.s4.s8 v2  }
0xb: {  	vm3 =	vcmask $0xF00;
	[smem:$0x7FF] =	sst s2;
	s22 =	sshll.u32 s7, $0x1;
	s23 =	sshll.u32 s7, $0x3;
	vm0 =	vmor vm0, vm1;
	vm1 =	vcmask $0x3330  }
0xc: {  	s1 =	ssub.s32 s1, s11;
	s7 =	sshrl.u32 s7, $0x3;
	_ =	strace $0x80000047;
	v3 =	vcombine.low v4, v3;
	v1 =	vunpack.c.0.s8.s32 v1;
	v2 =	vunpack.c.0.s8.s32 v2  }
0xd: {  	[dreg:$0x5] =	wrdreg s8;
	s10 =	sadd.s32 s22, s6;
	s0 =	sadd.s32 s0, s7;
	v4 =	vimm.s32 $0x76543210;
	vm0 =	vmor vm0, vm1;
	vm1 =	vcmask $0x3B38  }
0xe: {  	s24 =	sadd.s32 s4, s7;
	s25 =	sadd.s32 s5, s7;
	s13 =	smax.u32 s1, $0x1;
	v4 =	vunpack.c.l.s4.s8 v4;
	v1 =	vcombine.low v2, v1;
	v2 =	vimm.s32 $0xFEDCBA98  }
0xf: {  	s22 =	simm.s32 $0x1;
	s1 =	simm.s32 $0x6;
	[dreg:$0x6] =	wrdreg s0;
	vm0 =	vmor vm0, vm1;
	vm1 =	vcmask $0x1710;
	v2 =	vunpack.c.l.s4.s8 v2  }
0x10: {  	s9 =	sadd.s32 s3, s6;
	s3 =	sadd.s32 $0x187C00, s6;
	[dreg:$0x7] =	wrdreg s24;
	v0 =	vand.u32 $0xF, v0;
	vm1 =	vmor vm2, vm1;
	vm2 =	vcmask $0x2720  }
0x11: {  	s6 =	sadd.s32 s23, s6;
	[dreg:$0x8] =	wrdreg s25;
	s10 =	sadd.s32 $0x21200, s10;
	vm1 =	vmor vm1, vm2;
	vm2 =	vcmask $0x3730;
	v2 =	vunpack.c.0.s8.s32 v2  }
0x12: {  	s23 =	simm.s32 $0x2;
	s24 =	simm.s32 $0x3;
	s25 =	simm.s32 $0x32;
	v4 =	vunpack.c.0.s8.s32 v4;
	vm1 =	vmor vm1, vm2;
	vm2 =	vcmask $0x2F20  }
0x13: {  	s0 =	simm.s32 $0x5;
	s26 =	sadd.s32 $0x8200, s9;
	s9 =	sadd.s32 $0x1200, s9;
	vm2 =	vmor vm3, vm2;
	vm3 =	vmmov $0xff;
	v5 =	vand.u32 $0xF, v2  }
0x14: {  	s11 =	sadd.s32 $0x19200, s6;
	s12 =	sadd.s32 $0x11200, s6;
	[dreg:$0x9] =	wrdreg s26;
	v1 =	vand.u32 $0xF, v1;
	v2 =	vand.u32 $0xF, v3;
	v3 =	vcombine.low v5, v4  }
.LBB2_1:
0x15: {  	s4 =	rddreg [dreg:$0x6]  }
0x16: {  	[tilespmem:s2], [sflag:$0x8] =	stream.linear.gather [hbm4b:s4+s2], $0x80, $0x38;
	[tilespmem:$0x15380] =	vst v63  }
0x17: {  	_ =	swait.ge [sflag:s14], $0x80  }
0x18: {  	[sflag:s14] =	ssyncset.done $0x0  }
0x19: {  	s7 =	rddreg [dreg:$0x7];
	[sflag:s14] =	ssyncadd.s32 $0xFFFFFF80  }
0x1a: {  	[tilespmem:s15], [sflag:$0x8] =	stream.linear.gather [hbm4b:s7+s2], $0x80, $0x38;
	[tilespmem:$0x15380] =	vst v63  }
0x1b: {  	_ =	swait.ge [sflag:s14], $0x80  }
0x1c: {  	[sflag:s14] =	ssyncset.done $0x0  }
0x1d: {  	s5 =	simm.s32 $0x100;
	s8 =	rddreg [dreg:$0x8];
	[sflag:s14] =	ssyncadd.s32 $0xFFFFFF80  }
0x1e: {  	[tilespmem:s5], [sflag:$0x8] =	stream.linear.gather [hbm4b:s8+s2], $0x80, $0x38;
	[tilespmem:$0x15380] =	vst v63  }
0x1f: {  	_ =	swait.ge [sflag:s14], $0x80  }
0x20: {  	[sflag:s14] =	ssyncset.done $0x0  }
0x21: {  	s6 =	simm.s32 $0x180;
	s16 =	rddreg [dreg:$0x9];
	[sflag:s14] =	ssyncadd.s32 $0xFFFFFF80  }
0x22: {  	[tilespmem:s6], [sflag:$0x8] =	stream.linear.gather [hbm4b:s16+s2], $0x1C00, $0x38;
	[tilespmem:$0x15380] =	vst v63  }
0x23: {  	_ =	swait.ge [sflag:s14], $0x1C00  }
0x24: {  	[sflag:s14] =	ssyncset.done $0x0  }
0x25: {  	s17 =	simm.s32 $0x1D80;
	[sflag:s14] =	ssyncadd.s32 $0xFFFFE400  }
0x26: {  	[tilespmem:s17], [sflag:$0x8] =	stream.linear.gather [hbm4b:s9+s2], $0x1C00, $0x38;
	[tilespmem:$0x15380] =	vst v63  }
0x27: {  	_ =	swait.ge [sflag:s14], $0x1C00  }
0x28: {  	[sflag:s14] =	ssyncset.done $0x0  }
0x29: {  	s18 =	simm.s32 $0x3980;
	[sflag:s14] =	ssyncadd.s32 $0xFFFFE400  }
0x2a: {  	[tilespmem:s18], [sflag:$0x1] =	stream.indirect.gather [hbm4b:s3+s15], $0x40, s2, s15, $0xb8;
	[tilespmem:$0x15380] =	vst v63  }
0x2b: {  	s20 =	simm.s32 $0x5980  }
0x2c: {  	[tilespmem:s20], [sflag:$0x2] =	stream.indirect.gather [hbm4b:s3+s15], $0x40, s5, s15, $0xb8;
	[tilespmem:$0x15380] =	vst v63  }
0x2d: {  	s26 =	simm.s32 $0x7980;
	s21 =	rddreg [dreg:$0x5]  }
0x2e: {  	[tilespmem:s26], [sflag:$0x3] =	stream.indirect.gather [hbm4b:s21+s15], $0x40, s15, s15, $0xb8;
	[tilespmem:$0x15380] =	vst v63  }
0x2f: {  	_ =	swait.ge [sflag:s22], $0x2000  }
0x30: {  	[sflag:s22] =	ssyncset.done $0x0  }
0x31: {  	[sflag:s22] =	ssyncadd.s32 $0xFFFFE000  }
0x32: {  	_ =	swait.ge [sflag:s23], $0x2000  }
0x33: {  	[sflag:s23] =	ssyncset.done $0x0  }
0x34: {  	[sflag:s23] =	ssyncadd.s32 $0xFFFFE000  }
0x35: {  	_ =	swait.ge [sflag:s24], $0x2000  }
0x36: {  	[sflag:s24] =	ssyncset.done $0x0  }
0x37: {  	s18 =	simm.s32 $0x0;
	[sflag:s24] =	ssyncadd.s32 $0xFFFFE000  }
0x38: {  	v4 =	vld [tilespmem:s18+$0x39B0]  }
0x39: {  	v6 =	vld [tilespmem:s18+$0x79A0]  }
0x3a: {  	v8 =	vld [tilespmem:s18+$0x39A0]  }
0x3b: {  	v9 =	vld [tilespmem:s18+$0x3980]  }
0x3c: {  	s4 =	simm.s32 $0x10BB0;
	s7 =	simm.s32 $0x80;
	s16 =	simm.s32 $0x10B90;
	v5 =	vld [tilespmem:s18+$0x7990]  }
0x3d: {  	s6 =	simm.s32 $0x10BA0;
	s17 =	simm.s32 $0x40;
	s5 =	simm.s32 $0xC0;
	v10 =	vld [tilespmem:s18+$0x3990]  }
0x3e: {  	s20 =	simm.s32 $0x10B80;
	s21 =	simm.s32 $0x400;
	s26 =	simm.s32 $0x10BB0;
	v7 =	vld [tilespmem:s18+$0x7980]  }
.LBB2_2:
0x3f: {  	p0 =	sne.s32 s21, $0x7F00  }
0x40: {  	s26 =	sadd.s32 $0x10, s26;
	v11 =	vld [tilespmem:s18+$0x5990];
	s8 =	smov.u32 s21;
	s21 =	sadd.s32 $0x100, s21  }
0x41: {  	v12 =	vld [tilespmem:s18+$0x5980]  }
0x42: {  	v13 =	vld [tilespmem:s18+$0x59A0]  }
0x43: {  	v10 =	vadd.f32 v5, v10;
	v14 =	vld [tilespmem:s18+$0x79B0]  }
0x44: {  	v9 =	vadd.f32 v7, v9  }
0x45: {  	v8 =	vadd.f32 v6, v8;
	[tilespmem:s18+$0x9990] =	vst v10;
	v10 =	vsub.f32 v10, v11;
	v15 =	vld [tilespmem:s18+$0x59B0]  }
0x46: {  	s8 =	sshra.s32 s8, $0x2;
	[tilespmem:s18+$0x9980] =	vst v9;
	v7 =	vsub.f32 v7, v12;
	v9 =	vsub.f32 v9, v12  }
0x47: {  	[tilespmem:s18+$0x99A0] =	vst v8;
	v6 =	vsub.f32 v6, v13;
	v8 =	vsub.f32 v8, v13  }
0x48: {  	v10 =	vmul.f32 v10, v10;
	v9 =	vmul.f32 v9, v9;
	v4 =	vadd.f32 v14, v4  }
0x49: {  	v5 =	vsub.f32 v5, v11;
	[tilespmem:s18+$0xB9A0] =	vst v6  }
0x4a: {  	v8 =	vmul.f32 v8, v8;
	v6 =	vadd.f32 v10, v9;
	[tilespmem:s18+$0x99B0] =	vst v4;
	v4 =	vsub.f32 v4, v15  }
0x4b: {  	[tilespmem:s18+$0xB990] =	vst v5  }
0x4c: {  	v5 =	vadd.f32 v8, v6;
	v6 =	vsub.f32 v14, v15;
	v4 =	vmul.f32 v4, v4;
	_ =	sdelay $0x1  }
0x4d: {  	[tilespmem:s18+$0xB9B0] =	vst v6;
	v4 =	vadd.f32 v4, v5  }
0x4e: {  	[tilespmem:s18+$0xB980] =	vst v7;
	s18 =	smov.u32 s17;
	s17 =	smov.u32 s7;
	s7 =	smov.u32 s5  }
0x4f: {  	[tilespmem:s20+$0x0] =	vst v4;
	s20 =	smov.u32 s16;
	s16 =	smov.u32 s6;
	s6 =	smov.u32 s4  }
0x50: {  	s5 =	smov.u32 s8;
	s4 =	smov.u32 s26;
	v4 =	vld [tilespmem:s18+$0x39B0]  }
0x51: {  	v6 =	vld [tilespmem:s18+$0x79A0]  }
.Ltmp0:
0x52: {  	v8 =	vld [tilespmem:s18+$0x39A0];
	(pc) =	sbr.rel @p0 .LBB2_2-.Ltmp0, $4  }
0x53: {  	v9 =	vld [tilespmem:s18+$0x3980]  }
0x54: {  	v5 =	vld [tilespmem:s18+$0x7990]  }
0x55: {  	v10 =	vld [tilespmem:s18+$0x3990]  }
0x56: {  	v7 =	vld [tilespmem:s18+$0x7980]  }
0x57: {  	v11 =	vld [tilespmem:s18+$0x5990]  }
0x58: {  	v12 =	vld [tilespmem:s18+$0x5980]  }
0x59: {  	v13 =	vld [tilespmem:s18+$0x59A0]  }
0x5a: {  	v14 =	vld [tilespmem:s18+$0x79B0]  }
0x5b: {  	v10 =	vadd.f32 v5, v10;
	v9 =	vadd.f32 v7, v9  }
0x5c: {  	v8 =	vadd.f32 v6, v8;
	v15 =	vld [tilespmem:s18+$0x59B0]  }
0x5d: {  	[tilespmem:s18+$0x9990] =	vst v10;
	v10 =	vsub.f32 v10, v11;
	v16 =	vsub.f32 v9, v12  }
0x5e: {  	v17 =	vsub.f32 v8, v13  }
0x5f: {  	v4 =	vadd.f32 v14, v4;
	v10 =	vmul.f32 v10, v10;
	v16 =	vmul.f32 v16, v16  }
0x60: {  	[tilespmem:s18+$0x99A0] =	vst v8;
	v61 =	vsub.f32 v6, v13  }
0x61: {  	[tilespmem:s18+$0x9980] =	vst v9;
	v63 =	vmul.f32 v17, v17;
	v13 =	vsub.f32 v4, v15;
	v62 =	vadd.f32 v10, v16  }
0x62: {  	v5 =	vsub.f32 v5, v11;
	[tilespmem:s18+$0xB9A0] =	vst v61  }
0x63: {  	v18 =	vsub.f32 v7, v12;
	[tilespmem:s18+$0x99B0] =	vst v4;
	v17 =	vmul.f32 v13, v13;
	v4 =	vadd.f32 v63, v62  }
0x64: {  	[tilespmem:s18+$0xB990] =	vst v5;
	v16 =	vsub.f32 v14, v15  }
0x65: {  	[tilespmem:s18+$0xB980] =	vst v18;
	v4 =	vadd.f32 v17, v4  }
0x66: {  	[tilespmem:s18+$0xB9B0] =	vst v16  }
0x67: {  	[tilespmem:s20+$0x0] =	vst v4  }
0x68: {  	v4 =	vld [tilespmem:s17+$0x39B0]  }
0x69: {  	v5 =	vld [tilespmem:s17+$0x79A0]  }
0x6a: {  	v6 =	vld [tilespmem:s17+$0x39A0]  }
0x6b: {  	v7 =	vld [tilespmem:s17+$0x7990]  }
0x6c: {  	v19 =	vld [tilespmem:s17+$0x3990]  }
0x6d: {  	v20 =	vld [tilespmem:s17+$0x3980]  }
0x6e: {  	v21 =	vld [tilespmem:s17+$0x7980]  }
0x6f: {  	v22 =	vld [tilespmem:s17+$0x5990]  }
0x70: {  	v23 =	vld [tilespmem:s17+$0x5980]  }
0x71: {  	v25 =	vld [tilespmem:s17+$0x79B0]  }
0x72: {  	v24 =	vld [tilespmem:s17+$0x59A0]  }
0x73: {  	v8 =	vadd.f32 v7, v19;
	v9 =	vadd.f32 v21, v20  }
0x74: {  	v26 =	vld [tilespmem:s17+$0x59B0];
	v6 =	vadd.f32 v5, v6  }
0x75: {  	[tilespmem:s17+$0x9990] =	vst v8;
	v8 =	vsub.f32 v8, v22;
	v27 =	vsub.f32 v9, v23  }
0x76: {  	v4 =	vadd.f32 v25, v4  }
0x77: {  	v28 =	vsub.f32 v6, v24;
	v16 =	vmul.f32 v27, v27;
	v8 =	vmul.f32 v8, v8  }
0x78: {  	v5 =	vsub.f32 v5, v24;
	[tilespmem:s17+$0x9980] =	vst v9  }
0x79: {  	[tilespmem:s17+$0x99A0] =	vst v6;
	v31 =	vsub.f32 v4, v26;
	v30 =	vmul.f32 v28, v28;
	v29 =	vadd.f32 v8, v16  }
0x7a: {  	v7 =	vsub.f32 v7, v22;
	[tilespmem:s17+$0xB9A0] =	vst v5  }
0x7b: {  	v33 =	vsub.f32 v21, v23;
	[tilespmem:s17+$0x99B0] =	vst v4;
	v32 =	vmul.f32 v31, v31;
	v4 =	vadd.f32 v30, v29  }
0x7c: {  	v5 =	vsub.f32 v25, v26;
	[tilespmem:s17+$0xB990] =	vst v7  }
0x7d: {  	[tilespmem:s17+$0xB980] =	vst v33;
	v4 =	vadd.f32 v32, v4  }
0x7e: {  	[tilespmem:s17+$0xB9B0] =	vst v5  }
0x7f: {  	[tilespmem:s16+$0x0] =	vst v4  }
0x80: {  	v4 =	vld [tilespmem:s7+$0x39B0]  }
0x81: {  	v5 =	vld [tilespmem:s7+$0x79A0]  }
0x82: {  	v34 =	vld [tilespmem:s7+$0x39A0]  }
0x83: {  	v7 =	vld [tilespmem:s7+$0x7990]  }
0x84: {  	v8 =	vld [tilespmem:s7+$0x3990]  }
0x85: {  	v35 =	vld [tilespmem:s7+$0x3980]  }
0x86: {  	v36 =	vld [tilespmem:s7+$0x7980]  }
0x87: {  	v37 =	vld [tilespmem:s7+$0x5990]  }
0x88: {  	v38 =	vld [tilespmem:s7+$0x5980]  }
0x89: {  	v40 =	vld [tilespmem:s7+$0x79B0]  }
0x8a: {  	v39 =	vld [tilespmem:s7+$0x59A0]  }
0x8b: {  	v8 =	vadd.f32 v7, v8;
	v9 =	vadd.f32 v36, v35  }
0x8c: {  	v41 =	vld [tilespmem:s7+$0x59B0];
	v6 =	vadd.f32 v5, v34  }
0x8d: {  	[tilespmem:s7+$0x9990] =	vst v8;
	v8 =	vsub.f32 v8, v37;
	v42 =	vsub.f32 v9, v38  }
0x8e: {  	v4 =	vadd.f32 v40, v4  }
0x8f: {  	v43 =	vsub.f32 v6, v39;
	v16 =	vmul.f32 v42, v42;
	v8 =	vmul.f32 v8, v8  }
0x90: {  	v5 =	vsub.f32 v5, v39;
	[tilespmem:s7+$0x9980] =	vst v9  }
0x91: {  	[tilespmem:s7+$0x99A0] =	vst v6;
	v46 =	vsub.f32 v4, v41;
	v45 =	vmul.f32 v43, v43;
	v44 =	vadd.f32 v8, v16  }
0x92: {  	v7 =	vsub.f32 v7, v37;
	[tilespmem:s7+$0xB9A0] =	vst v5  }
0x93: {  	v48 =	vsub.f32 v36, v38;
	[tilespmem:s7+$0x99B0] =	vst v4;
	v47 =	vmul.f32 v46, v46;
	v4 =	vadd.f32 v45, v44  }
0x94: {  	v5 =	vsub.f32 v40, v41;
	[tilespmem:s7+$0xB990] =	vst v7  }
0x95: {  	[tilespmem:s7+$0xB980] =	vst v48;
	v4 =	vadd.f32 v47, v4  }
0x96: {  	[tilespmem:s7+$0xB9B0] =	vst v5  }
0x97: {  	[tilespmem:s6+$0x0] =	vst v4  }
0x98: {  	v4 =	vld [tilespmem:s5+$0x39B0]  }
0x99: {  	v5 =	vld [tilespmem:s5+$0x79A0]  }
0x9a: {  	v49 =	vld [tilespmem:s5+$0x39A0]  }
0x9b: {  	v7 =	vld [tilespmem:s5+$0x7990]  }
0x9c: {  	v8 =	vld [tilespmem:s5+$0x3990]  }
0x9d: {  	v50 =	vld [tilespmem:s5+$0x3980]  }
0x9e: {  	v51 =	vld [tilespmem:s5+$0x7980]  }
0x9f: {  	v52 =	vld [tilespmem:s5+$0x5990]  }
0xa0: {  	v53 =	vld [tilespmem:s5+$0x5980]  }
0xa1: {  	v55 =	vld [tilespmem:s5+$0x79B0]  }
0xa2: {  	v54 =	vld [tilespmem:s5+$0x59A0]  }
0xa3: {  	v8 =	vadd.f32 v7, v8;
	v9 =	vadd.f32 v51, v50  }
0xa4: {  	v56 =	vld [tilespmem:s5+$0x59B0];
	v6 =	vadd.f32 v5, v49  }
0xa5: {  	[tilespmem:s5+$0x9990] =	vst v8;
	v8 =	vsub.f32 v8, v52;
	v57 =	vsub.f32 v9, v53  }
0xa6: {  	v4 =	vadd.f32 v55, v4  }
0xa7: {  	v58 =	vsub.f32 v6, v54;
	v16 =	vmul.f32 v57, v57;
	v8 =	vmul.f32 v8, v8  }
0xa8: {  	v5 =	vsub.f32 v5, v54;
	[tilespmem:s5+$0x9980] =	vst v9  }
0xa9: {  	[tilespmem:s5+$0x99A0] =	vst v6;
	v61 =	vsub.f32 v4, v56;
	v60 =	vmul.f32 v58, v58;
	v59 =	vadd.f32 v8, v16  }
0xaa: {  	v7 =	vsub.f32 v7, v52;
	[tilespmem:s5+$0xB9A0] =	vst v5  }
0xab: {  	v63 =	vsub.f32 v51, v53;
	[tilespmem:s5+$0x99B0] =	vst v4;
	v62 =	vmul.f32 v61, v61;
	v4 =	vadd.f32 v60, v59  }
0xac: {  	v5 =	vsub.f32 v55, v56;
	[tilespmem:s5+$0xB990] =	vst v7  }
0xad: {  	[tilespmem:s5+$0xB980] =	vst v63;
	v4 =	vadd.f32 v62, v4  }
0xae: {  	[tilespmem:s5+$0xB9B0] =	vst v5  }
0xaf: {  	s21 =	simm.s32 $0x1D80;
	s18 =	simm.s32 $0x180;
	s20 =	simm.s32 $0xD980;
	[tilespmem:s4+$0x0] =	vst v4  }
0xb0: {  	[tilespmem:s20], [sflag:$0x4] =	stream.indirect.gather [hbm4b:s3+s25], $0x40, s18, s25, $0xb8;
	[tilespmem:$0x15380] =	vst v63  }
0xb1: {  	s26 =	simm.s32 $0xF280;
	s16 =	simm.s32 $0x133C0;
	s4 =	simm.s32 $0x113C0  }
0xb2: {  	[tilespmem:s26], [sflag:$0x6] =	stream.indirect.gather [hbm4b:s3+s25], $0x40, s21, s25, $0xb8;
	[tilespmem:$0x15380] =	vst v63  }
0xb3: {  	s20 =	simm.s32 $0x0;
	s21 =	simm.s32 $0x11380;
	s26 =	simm.s32 $0x13380  }
.LBB2_4:
0xb4: {  	s17 =	sshllo.u32 s20, $0x1  }
0xb5: {  	s5 =	smul.u32 $0x38, s17;
	_ =	sdelay $0x1  }
0xb6: {  	s6 =	sadd.s32 $0x180, s5  }
0xb7: {  	[tilespmem:s29], [sflag:$0x5] =	stream.indirect.gather [hbm4b:s3+s25], $0x40, s6, s25, $0xb8;
	[tilespmem:$0x15380] =	vst v63  }
0xb8: {  	s5 =	sadd.s32 $0x1D80, s5  }
0xb9: {  	[tilespmem:s30], [sflag:$0x7] =	stream.indirect.gather [hbm4b:s3+s25], $0x40, s5, s25, $0xb8;
	[tilespmem:$0x15380] =	vst v63  }
0xba: {  	_ =	swait.ge [sflag:s31], $0xC80  }
0xbb: {  	[sflag:s31] =	ssyncset.done $0x0  }
0xbc: {  	[sflag:s31] =	ssyncadd.s32 $0xFFFFF380  }
0xbd: {  	_ =	swait.ge [sflag:s1], $0xC80  }
0xbe: {  	[sflag:s1] =	ssyncset.done $0x0  }
0xbf: {  	s8 =	sshll.u32 s20, $0x7;
	[sflag:s1] =	ssyncadd.s32 $0xFFFFF380  }
0xc0: {  	v11 =	vld [tilespmem:s8+$0xB980]  }
0xc1: {  	v10 =	vld [tilespmem:s8+$0xB990]  }
0xc2: {  	v6 =	vld [tilespmem:s8+$0xB9A0]  }
0xc3: {  	v4 =	vld [tilespmem:s8+$0xB9B0]  }
0xc4: {  	v9 =	vld [tilespmem:s8+$0x9980]  }
0xc5: {  	v8 =	vld [tilespmem:s8+$0x9990]  }
0xc6: {  	s7 =	simm.s32 $0x0;
	v7 =	vld [tilespmem:s8+$0x99A0]  }
0xc7: {  	v12 =	vmov s21;
	v13 =	vmov s26;
	s18 =	sor.u32 $0x30, s8;
	s6 =	simm.s32 $0xF480;
	s5 =	simm.s32 $0xDB80;
	v5 =	vld [tilespmem:s8+$0x99B0]  }
.LBB2_5:
0xc8: {  	v14 =	vld [tilespmem:s5+$0xFFFFFE00]  }
0xc9: {  	v15 =	vld [tilespmem:s6+$0xFFFFFE00]  }
0xca: {  	v16 =	vld [tilespmem:s5+$0xFFFFFE10]  }
0xcb: {  	v17 =	vld [tilespmem:s6+$0xFFFFFE10]  }
0xcc: {  	v18 =	vld [tilespmem:s5+$0xFFFFFE20]  }
0xcd: {  	v19 =	vld [tilespmem:s6+$0xFFFFFE20]  }
0xce: {  	v20 =	vld [tilespmem:s5+$0xFFFFFE30]  }
0xcf: {  	v21 =	vld [tilespmem:s5+$0xFFFFFE40]  }
0xd0: {  	v22 =	vld [tilespmem:s5+$0xFFFFFE50]  }
0xd1: {  	v23 =	vld [tilespmem:s6+$0xFFFFFE40]  }
0xd2: {  	v24 =	vld [tilespmem:s5+$0xFFFFFE60]  }
0xd3: {  	v53 =	vld [tilespmem:s5+$0xFFFFFE70]  }
0xd4: {  	v25 =	vld [tilespmem:s6+$0xFFFFFE30]  }
0xd5: {  	v55 =	vld [tilespmem:s6+$0xFFFFFE60];
	v14 =	vadd.f32 v14, v11  }
0xd6: {  	v26 =	vld [tilespmem:s6+$0xFFFFFE70];
	v16 =	vadd.f32 v16, v10;
	v15 =	vsub.f32 v9, v15  }
0xd7: {  	v58 =	vld [tilespmem:s5+$0xFFFFFE80];
	v17 =	vsub.f32 v8, v17;
	v18 =	vadd.f32 v18, v6  }
0xd8: {  	v59 =	vld [tilespmem:s6+$0xFFFFFE80];
	v52 =	vsub.f32 v7, v19;
	v21 =	vadd.f32 v21, v11  }
0xd9: {  	v30 =	vld [tilespmem:s5+$0xFFFFFEC0];
	v22 =	vadd.f32 v22, v10;
	v54 =	vadd.f32 v20, v4  }
0xda: {  	v31 =	vld [tilespmem:s5+$0xFFFFFED0];
	v24 =	vadd.f32 v24, v6;
	v23 =	vsub.f32 v9, v23  }
0xdb: {  	v27 =	vld [tilespmem:s6+$0xFFFFFEC0];
	v19 =	vadd.f32 v53, v4;
	v57 =	vsub.f32 v5, v25  }
0xdc: {  	v40 =	vld [tilespmem:s6+$0xFFFFFEE0];
	v20 =	vsub.f32 v7, v55;
	v60 =	vsub.f32 v5, v26  }
0xdd: {  	v50 =	vld [tilespmem:s5+$0xFFFFFF00];
	v33 =	vadd.f32 v58, v11;
	v36 =	vsub.f32 v9, v59  }
0xde: {  	v63 =	vld [tilespmem:s6+$0xFFFFFE90];
	v25 =	vadd.f32 v30, v11;
	v14 =	vmul.f32 v14, v14;
	v16 =	vmul.f32 v16, v16  }
0xdf: {  	v26 =	vadd.f32 v31, v10;
	v15 =	vmul.f32 v15, v15;
	v17 =	vmul.f32 v17, v17  }
0xe0: {  	v51 =	vld [tilespmem:s6+$0xFFFFFE50];
	v42 =	vsub.f32 v9, v27;
	v18 =	vmul.f32 v18, v18;
	v21 =	vmul.f32 v21, v21  }
0xe1: {  	v49 =	vsub.f32 v7, v40;
	v53 =	vld [tilespmem:s5+$0xFFFFFF10];
	v22 =	vmul.f32 v22, v22;
	v56 =	vmul.f32 v24, v24  }
0xe2: {  	v58 =	vadd.f32 v50, v11;
	v31 =	vld [tilespmem:s6+$0xFFFFFFC0];
	v23 =	vmul.f32 v23, v23;
	v19 =	vmul.f32 v19, v19  }
0xe3: {  	v20 =	vmul.f32 v20, v20;
	v24 =	vsub.f32 v8, v63;
	v25 =	vmul.f32 v25, v25  }
0xe4: {  	v32 =	vld [tilespmem:s5+$0xFFFFFEA0];
	v26 =	vmul.f32 v26, v26;
	v14 =	vadd.f32 v16, v14;
	v15 =	vadd.f32 v17, v15  }
0xe5: {  	v61 =	vld [tilespmem:s5+$0xFFFFFE90];
	v28 =	vmul.f32 v60, v60;
	v16 =	vsub.f32 v8, v51;
	v21 =	vadd.f32 v22, v21  }
0xe6: {  	v37 =	vld [tilespmem:s5+$0xFFFFFEB0];
	v17 =	vmul.f32 v52, v52;
	v39 =	vadd.f32 v26, v25;
	v60 =	vadd.f32 v53, v10  }
0xe7: {  	v52 =	vld [tilespmem:s6+$0xFFFFFF00];
	v31 =	vsub.f32 v9, v31;
	v14 =	vadd.f32 v18, v14;
	v18 =	vmul.f32 v54, v54  }
0xe8: {  	v34 =	vld [tilespmem:s5+$0xFFFFFEE0];
	v16 =	vmul.f32 v16, v16;
	v21 =	vadd.f32 v56, v21;
	v15 =	vadd.f32 v17, v15  }
0xe9: {  	v38 =	vld [tilespmem:s5+$0xFFFFFEF0];
	v62 =	vmul.f32 v57, v57;
	v17 =	vadd.f32 v32, v6;
	v14 =	vadd.f32 v18, v14  }
0xea: {  	v46 =	vmul.f32 v42, v42;
	v53 =	vld [tilespmem:s5+$0xFFFFFFC0];
	v16 =	vadd.f32 v16, v23;
	v19 =	vadd.f32 v19, v21  }
0xeb: {  	v44 =	vld [tilespmem:s6+$0xFFFFFEF0];
	v24 =	vmul.f32 v24, v24;
	v15 =	vadd.f32 v62, v15;
	v21 =	vadd.f32 v61, v10  }
0xec: {  	v22 =	vmul.f32 v58, v58;
	v18 =	vadd.f32 v37, v4;
	v61 =	vld [tilespmem:s5+$0xFFFFFF30];
	v59 =	vsub.f32 v9, v52  }
0xed: {  	v62 =	vld [tilespmem:s5+$0xFFFFFF40];
	v16 =	vadd.f32 v20, v16;
	v29 =	vsel vm0, v19, v14;
	v14 =	vsel vm0, v14, v19  }
0xee: {  	v19 =	vmul.f32 v33, v33;
	v21 =	vmul.f32 v21, v21;
	v20 =	vadd.f32 v34, v6  }
0xef: {  	v41 =	vld [tilespmem:s6+$0xFFFFFEB0];
	v58 =	vadd.f32 v53, v11;
	v23 =	vperm.xlane v29, v0;
	v16 =	vadd.f32 v28, v16  }
0xf0: {  	v32 =	vld [tilespmem:s6+$0xFFFFFF40];
	v17 =	vmul.f32 v17, v17;
	v19 =	vadd.f32 v21, v19;
	v21 =	vsub.f32 v5, v44  }
0xf1: {  	v18 =	vmul.f32 v18, v18;
	v29 =	vld [tilespmem:s6+$0xFFFFFEA0];
	v14 =	vadd.f32 v14, v23;
	v23 =	vadd.f32 v38, v4  }
0xf2: {  	v55 =	vld [tilespmem:s5+$0xFFFFFF20];
	v20 =	vmul.f32 v20, v20;
	v40 =	vadd.f32 v62, v11;
	v25 =	vadd.f32 v61, v4  }
0xf3: {  	v28 =	vld [tilespmem:s6+$0xFFFFFED0];
	v35 =	vsel vm0, v15, v16;
	v15 =	vsel vm0, v16, v15;
	v17 =	vadd.f32 v17, v19  }
0xf4: {  	v54 =	vld [tilespmem:s6+$0xFFFFFF10];
	v16 =	vmul.f32 v36, v36;
	v20 =	vadd.f32 v20, v39;
	v19 =	vsub.f32 v5, v41  }
0xf5: {  	v37 =	vld [tilespmem:s6+$0xFFFFFF30];
	v21 =	vmul.f32 v21, v21;
	v41 =	vsub.f32 v9, v32;
	v15 =	vperm.xlane v15, v0  }
0xf6: {  	v33 =	vld [tilespmem:s5+$0xFFFFFF50];
	v23 =	vmul.f32 v23, v23;
	v25 =	vmul.f32 v25, v25;
	v45 =	vsub.f32 v7, v29  }
0xf7: {  	v32 =	vld [tilespmem:s5+$0xFFFFFFF0];
	v17 =	vadd.f32 v18, v17;
	v16 =	vadd.f32 v24, v16;
	v24 =	vmul.f32 v49, v49  }
0xf8: {  	v19 =	vmul.f32 v19, v19;
	v43 =	vsub.f32 v8, v28;
	v20 =	vadd.f32 v23, v20  }
0xf9: {  	v44 =	vld [tilespmem:s6+$0xFFFFFF70];
	v15 =	vadd.f32 v35, v15;
	v23 =	vadd.f32 v55, v6;
	v48 =	vmul.f32 v45, v45  }
0xfa: {  	v56 =	vld [tilespmem:s6+$0xFFFFFF20];
	v47 =	vmul.f32 v43, v43;
	v51 =	vsel vm0, v20, v17;
	v17 =	vsel vm0, v17, v20  }
0xfb: {  	v42 =	vld [tilespmem:s5+$0xFFFFFF70];
	v20 =	vsub.f32 v8, v54;
	v36 =	vmul.f32 v23, v23;
	v43 =	vadd.f32 v33, v10  }
0xfc: {  	v45 =	vld [tilespmem:s5+$0xFFFFFF80];
	v23 =	vsub.f32 v5, v37;
	v37 =	vadd.f32 v32, v4;
	v26 =	vperm.xlane v51, v0  }
0xfd: {  	v16 =	vadd.f32 v48, v16;
	v18 =	vadd.f32 v47, v46;
	v20 =	vmul.f32 v20, v20  }
0xfe: {  	v27 =	vmul.f32 v43, v43;
	v47 =	vsub.f32 v5, v44;
	v17 =	vadd.f32 v17, v26  }
0xff: {  	v35 =	vld [tilespmem:s6+$0xFFFFFF50];
	v23 =	vmul.f32 v23, v23;
	v16 =	vadd.f32 v19, v16;
	v19 =	vsub.f32 v7, v56  }
0x100: {  	v48 =	vld [tilespmem:s5+$0xFFFFFF90];
	v26 =	vadd.f32 v42, v4;
	v18 =	vadd.f32 v24, v18;
	v24 =	vmul.f32 v60, v60  }
0x101: {  	v51 =	vmul.f32 v47, v47;
	v55 =	vadd.f32 v45, v11;
	v57 =	vsel vm1, v14, v17  }
0x102: {  	v52 =	vld [tilespmem:s5+$0xFFFFFFA0];
	v14 =	vsel vm1, v17, v14;
	v17 =	vmul.f32 v59, v59;
	v19 =	vmul.f32 v19, v19  }
0x103: {  	v38 =	vld [tilespmem:s5+$0xFFFFFF60];
	v50 =	vmul.f32 v26, v26;
	v18 =	vadd.f32 v21, v18;
	v14 =	vperm.xlane v14, v1  }
0x104: {  	v56 =	vld [tilespmem:s5+$0xFFFFFFB0];
	v22 =	vadd.f32 v24, v22;
	v24 =	vsub.f32 v8, v35;
	v21 =	vmul.f32 v40, v40  }
0x105: {  	v39 =	vld [tilespmem:s6+$0xFFFFFF60];
	v28 =	vadd.f32 v48, v10;
	v40 =	vmul.f32 v31, v31;
	v17 =	vadd.f32 v20, v17  }
0x106: {  	v63 =	vsel vm0, v18, v16;
	v16 =	vsel vm0, v16, v18;
	v14 =	vadd.f32 v57, v14  }
0x107: {  	v46 =	vld [tilespmem:s6+$0xFFFFFF80];
	v20 =	vadd.f32 v36, v22;
	v22 =	vmul.f32 v41, v41;
	v24 =	vmul.f32 v24, v24  }
0x108: {  	v59 =	vld [tilespmem:s6+$0xFFFFFFD0];
	v18 =	vadd.f32 v38, v6;
	v21 =	vadd.f32 v27, v21;
	v28 =	vmul.f32 v28, v28  }
0x109: {  	v49 =	vld [tilespmem:s6+$0xFFFFFF90];
	v27 =	vadd.f32 v52, v6;
	v26 =	vadd.f32 v56, v4;
	v34 =	vperm.xlane v63, v0  }
0x10a: {  	v54 =	vld [tilespmem:s5+$0xFFFFFFD0];
	v17 =	vadd.f32 v19, v17;
	v19 =	vsub.f32 v7, v39;
	v39 =	vmul.f32 v37, v37  }
0x10b: {  	v57 =	vld [tilespmem:s5+$0xFFFFFFE0];
	v22 =	vadd.f32 v24, v22;
	v18 =	vmul.f32 v18, v18;
	v20 =	vadd.f32 v25, v20  }
0x10c: {  	v38 =	vld [tilespmem:s6+$0xFFFFFFF0];
	v24 =	vsub.f32 v9, v46;
	v27 =	vmul.f32 v27, v27;
	v16 =	vadd.f32 v16, v34  }
0x10d: {  	v63 =	vld [tilespmem:s6+$0xFFFFFFB0];
	v19 =	vmul.f32 v19, v19;
	v17 =	vadd.f32 v23, v17;
	v23 =	vsub.f32 v8, v59  }
0x10e: {  	v26 =	vmul.f32 v26, v26;
	v18 =	vadd.f32 v18, v21;
	v21 =	vsub.f32 v8, v49  }
0x10f: {  	v24 =	vmul.f32 v24, v24;
	v19 =	vadd.f32 v19, v22;
	v25 =	vsel vm1, v15, v16  }
0x110: {  	v47 =	vld [tilespmem:s6+$0x0];
	v15 =	vsel vm1, v16, v15;
	v16 =	vmul.f32 v55, v55;
	v22 =	vadd.f32 v54, v10  }
0x111: {  	v53 =	vld [tilespmem:s5+$0x20];
	v61 =	vadd.f32 v57, v6;
	v23 =	vmul.f32 v23, v23;
	v45 =	vsub.f32 v5, v38  }
0x112: {  	v60 =	vld [tilespmem:s6+$0xFFFFFFA0];
	v18 =	vadd.f32 v50, v18;
	v15 =	vperm.xlane v15, v1;
	v43 =	vsub.f32 v5, v63  }
0x113: {  	v62 =	vld [tilespmem:s6+$0xFFFFFFE0];
	v21 =	vmul.f32 v21, v21;
	v19 =	vadd.f32 v51, v19;
	v16 =	vadd.f32 v28, v16  }
0x114: {  	v33 =	vld [tilespmem:s6+$0xD0];
	v22 =	vmul.f32 v22, v22;
	v36 =	vmul.f32 v61, v61;
	v23 =	vadd.f32 v23, v40  }
0x115: {  	v56 =	vld [tilespmem:s6+$0x20];
	v51 =	vmul.f32 v45, v45;
	v61 =	vsub.f32 v9, v47;
	v30 =	vsel vm0, v20, v18  }
0x116: {  	v44 =	vld [tilespmem:s5+$0x0];
	v18 =	vsel vm0, v18, v20;
	v21 =	vadd.f32 v21, v24;
	v20 =	vmul.f32 v58, v58  }
0x117: {  	v50 =	vld [tilespmem:s5+$0x10];
	v24 =	vsub.f32 v7, v60;
	v48 =	vmul.f32 v43, v43;
	v15 =	vadd.f32 v25, v15  }
0x118: {  	v63 =	vld [tilespmem:s6+$0x40];
	v18 =	vperm.xlane v18, v0;
	v16 =	vadd.f32 v27, v16;
	v41 =	vsel vm0, v19, v17  }
0x119: {  	v52 =	vld [tilespmem:s6+$0x10];
	v27 =	vsub.f32 v7, v62;
	v17 =	vsel vm0, v17, v19;
	v20 =	vadd.f32 v22, v20  }
0x11a: {  	v58 =	vld [tilespmem:s5+$0x30];
	v42 =	vmul.f32 v24, v24;
	v24 =	vadd.f32 v53, v6;
	v22 =	vsub.f32 v7, v56  }
0x11b: {  	v60 =	vld [tilespmem:s6+$0x30];
	v35 =	vmul.f32 v61, v61;
	v16 =	vadd.f32 v26, v16;
	v18 =	vadd.f32 v30, v18  }
0x11c: {  	v62 =	vld [tilespmem:s5+$0x40];
	v28 =	vperm.xlane v41, v0;
	v26 =	vadd.f32 v44, v11;
	v59 =	vadd.f32 v50, v10  }
0x11d: {  	v41 =	vld [tilespmem:s6+$0x60];
	v27 =	vmul.f32 v27, v27;
	v47 =	vsub.f32 v9, v63;
	v20 =	vadd.f32 v36, v20  }
0x11e: {  	v44 =	vld [tilespmem:s5+$0x70];
	v21 =	vadd.f32 v42, v21;
	v17 =	vadd.f32 v17, v28;
	v24 =	vmul.f32 v24, v24  }
0x11f: {  	v63 =	vld [tilespmem:s5+$0xB0];
	v22 =	vmul.f32 v22, v22;
	v23 =	vadd.f32 v27, v23;
	v26 =	vmul.f32 v26, v26  }
0x120: {  	v50 =	vld [tilespmem:s6+$0x80];
	v28 =	vmul.f32 v59, v59;
	v42 =	vadd.f32 v58, v4;
	v43 =	vsub.f32 v5, v60  }
0x121: {  	v36 =	vld [tilespmem:s5+$0x50];
	v31 =	vmul.f32 v47, v47;
	v20 =	vadd.f32 v39, v20;
	v54 =	vadd.f32 v48, v21  }
0x122: {  	v60 =	vld [tilespmem:s5+$0xD0];
	v55 =	vadd.f32 v51, v23;
	v26 =	vadd.f32 v28, v26;
	v53 =	vmul.f32 v43, v43  }
0x123: {  	v39 =	vld [tilespmem:s5+$0x60];
	v46 =	vsel vm0, v20, v16;
	v16 =	vsel vm0, v16, v20;
	v20 =	vsub.f32 v8, v52  }
0x124: {  	v48 =	vld [tilespmem:s6+$0x70];
	v28 =	vadd.f32 v44, v4;
	v47 =	vadd.f32 v63, v4;
	v49 =	vperm.xlane v46, v0  }
0x125: {  	v37 =	vld [tilespmem:s6+$0x50];
	v27 =	vsel vm0, v55, v54;
	v24 =	vadd.f32 v24, v26;
	v46 =	vadd.f32 v62, v11  }
0x126: {  	v43 =	vld [tilespmem:s6+$0xA0];
	v19 =	vsel vm0, v54, v55;
	v30 =	vadd.f32 v36, v10;
	v26 =	vsub.f32 v7, v41  }
0x127: {  	v52 =	vld [tilespmem:s5+$0x90];
	v62 =	vsub.f32 v9, v50;
	v27 =	vperm.xlane v27, v0;
	v20 =	vmul.f32 v20, v20  }
0x128: {  	v58 =	vld [tilespmem:s5+$0xC0];
	v23 =	vadd.f32 v60, v10;
	v16 =	vadd.f32 v16, v49;
	v30 =	vmul.f32 v30, v30  }
0x129: {  	v21 =	vadd.f32 v39, v6;
	v26 =	vmul.f32 v26, v26;
	v51 =	vsub.f32 v5, v48  }
0x12a: {  	v39 =	vmul.f32 v62, v62;
	v19 =	vadd.f32 v27, v19;
	v20 =	vadd.f32 v20, v35  }
0x12b: {  	v27 =	vsub.f32 v8, v37;
	v23 =	vmul.f32 v23, v23;
	v25 =	vsub.f32 v7, v43  }
0x12c: {  	v49 =	vld [tilespmem:s5+$0x80];
	v57 =	vsel vm1, v16, v18;
	v16 =	vsel vm1, v18, v16;
	v36 =	vadd.f32 v52, v10  }
0x12d: {  	v54 =	vld [tilespmem:s6+$0x90];
	v18 =	vadd.f32 v58, v11;
	v52 =	vsub.f32 v8, v33;
	v40 =	vsel vm1, v17, v19  }
0x12e: {  	v34 =	vld [tilespmem:s6+$0x110];
	v17 =	vsel vm1, v19, v17;
	v27 =	vmul.f32 v27, v27;
	v19 =	vmul.f32 v42, v42  }
0x12f: {  	v41 =	vld [tilespmem:s5+$0xF0];
	v38 =	vperm.xlane v57, v1;
	v20 =	vadd.f32 v22, v20;
	v45 =	vperm.xlane v17, v1  }
0x130: {  	v57 =	vld [tilespmem:s5+$0xA0];
	v17 =	vmul.f32 v46, v46;
	v27 =	vadd.f32 v27, v31;
	v19 =	vadd.f32 v19, v24  }
0x131: {  	v62 =	vld [tilespmem:s5+$0x110];
	v18 =	vmul.f32 v18, v18;
	v20 =	vadd.f32 v53, v20;
	v61 =	vadd.f32 v49, v11  }
0x132: {  	v21 =	vmul.f32 v21, v21;
	v24 =	vsub.f32 v8, v54;
	v17 =	vadd.f32 v30, v17  }
0x133: {  	v28 =	vmul.f32 v28, v28;
	v37 =	vld [tilespmem:s5+$0xE0];
	v18 =	vadd.f32 v23, v18;
	v30 =	vsub.f32 v8, v34  }
0x134: {  	v49 =	vld [tilespmem:s6+$0xB0];
	v55 =	vadd.f32 v26, v27;
	v24 =	vmul.f32 v24, v24;
	v17 =	vadd.f32 v21, v17  }
0x135: {  	v53 =	vld [tilespmem:s6+$0xF0];
	v21 =	vmul.f32 v51, v51;
	v27 =	vadd.f32 v57, v6;
	v51 =	vadd.f32 v41, v4  }
0x136: {  	v25 =	vmul.f32 v25, v25;
	v41 =	vadd.f32 v62, v10;
	v24 =	vadd.f32 v24, v39  }
0x137: {  	v26 =	vmul.f32 v36, v36;
	v36 =	vld [tilespmem:s5+$0x120];
	v56 =	vadd.f32 v28, v17;
	v17 =	vadd.f32 v16, v38  }
0x138: {  	v57 =	vld [tilespmem:s5+$0x100];
	v30 =	vmul.f32 v30, v30;
	v16 =	vadd.f32 v40, v45;
	v21 =	vadd.f32 v21, v55  }
0x139: {  	v48 =	vld [tilespmem:s6+$0xE0];
	v38 =	vmul.f32 v61, v61;
	v44 =	vmul.f32 v27, v27;
	v45 =	vadd.f32 v37, v6  }
0x13a: {  	v39 =	vld [tilespmem:s5+$0x130];
	v54 =	vmul.f32 v51, v51;
	v58 =	vsub.f32 v5, v49;
	v60 =	vsub.f32 v5, v53  }
0x13b: {  	v40 =	vld [tilespmem:s6+$0xC0];
	v24 =	vadd.f32 v25, v24;
	v59 =	vsel vm0, v56, v19;
	v19 =	vsel vm0, v19, v56  }
0x13c: {  	v51 =	vld [tilespmem:s6+$0x160];
	v42 =	vsel vm0, v20, v21;
	v50 =	vmul.f32 v45, v45;
	v63 =	vmul.f32 v58, v58  }
0x13d: {  	v53 =	vld [tilespmem:s5+$0x170];
	v29 =	vadd.f32 v36, v6;
	v22 =	vperm.xlane v59, v0;
	v23 =	vadd.f32 v57, v11  }
0x13e: {  	v43 =	vld [tilespmem:s5+$0x140];
	v20 =	vsel vm0, v21, v20;
	v18 =	vadd.f32 v50, v18;
	v24 =	vadd.f32 v63, v24  }
0x13f: {  	v56 =	vmul.f32 v52, v52;
	v36 =	vld [tilespmem:s5+$0x190];
	v50 =	vadd.f32 v39, v4;
	v19 =	vadd.f32 v19, v22  }
0x140: {  	v35 =	vmul.f32 v60, v60;
	v59 =	vld [tilespmem:s6+$0x100];
	v22 =	vadd.f32 v26, v38;
	v28 =	vsub.f32 v9, v40  }
0x141: {  	v20 =	vperm.xlane v20, v0;
	v26 =	vsub.f32 v7, v48;
	v25 =	vsub.f32 v7, v51  }
0x142: {  	v34 =	vld [tilespmem:s5+$0x150];
	v23 =	vmul.f32 v23, v23;
	v62 =	vadd.f32 v53, v4;
	v18 =	vadd.f32 v54, v18  }
0x143: {  	v63 =	vld [tilespmem:s6+$0x1A0];
	v54 =	vadd.f32 v43, v11;
	v46 =	vadd.f32 v44, v22;
	v22 =	vmul.f32 v47, v47  }
0x144: {  	v55 =	vmul.f32 v28, v28;
	v28 =	vmul.f32 v41, v41;
	v43 =	vadd.f32 v36, v10  }
0x145: {  	v49 =	vld [tilespmem:s5+$0x160];
	v26 =	vmul.f32 v26, v26;
	v27 =	vsub.f32 v9, v59;
	v21 =	vadd.f32 v22, v46  }
0x146: {  	v47 =	vld [tilespmem:s6+$0x150];
	v25 =	vmul.f32 v25, v25;
	v22 =	vadd.f32 v56, v55;
	v45 =	vadd.f32 v28, v23  }
0x147: {  	v41 =	vld [tilespmem:s5+$0x1B0];
	v46 =	vmul.f32 v29, v29;
	v23 =	vmul.f32 v50, v50;
	v55 =	vadd.f32 v34, v10  }
0x148: {  	v38 =	vld [tilespmem:s6+$0x120];
	v29 =	vsub.f32 v7, v63;
	v27 =	vmul.f32 v27, v27;
	v61 =	vsel vm0, v18, v21  }
0x149: {  	v44 =	vld [tilespmem:s6+$0x140];
	v22 =	vadd.f32 v26, v22;
	v21 =	vsel vm0, v21, v18;
	v18 =	vadd.f32 v42, v20  }
0x14a: {  	v59 =	vld [tilespmem:s6+$0x190];
	v20 =	vadd.f32 v46, v45;
	v31 =	vmul.f32 v55, v55;
	v48 =	vadd.f32 v30, v27  }
0x14b: {  	v51 =	vld [tilespmem:s6+$0x1E0];
	v33 =	vperm.xlane v61, v0;
	v28 =	vsub.f32 v8, v47;
	v27 =	vadd.f32 v49, v6  }
0x14c: {  	v42 =	vld [tilespmem:s6+$0x130];
	v29 =	vmul.f32 v29, v29;
	v50 =	vadd.f32 v41, v4;
	v22 =	vadd.f32 v35, v22  }
0x14d: {  	v57 =	vld [tilespmem:s5+$0x180];
	v30 =	vmul.f32 v54, v54;
	v20 =	vadd.f32 v23, v20;
	v37 =	vadd.f32 v21, v33  }
0x14e: {  	v45 =	vld [tilespmem:s6+$0x1C0];
	v21 =	vsub.f32 v7, v38;
	v33 =	vsub.f32 v9, v44;
	v28 =	vmul.f32 v28, v28  }
0x14f: {  	v56 =	vld [tilespmem:s6+$0x170];
	v58 =	vadd.f32 v31, v30;
	v27 =	vmul.f32 v27, v27;
	v30 =	vsub.f32 v8, v59  }
0x150: {  	v31 =	vsub.f32 v7, v51;
	v40 =	vsel vm1, v37, v19;
	v19 =	vsel vm1, v19, v37  }
0x151: {  	v35 =	vld [tilespmem:s6+$0x180];
	v21 =	vmul.f32 v21, v21;
	v52 =	vsub.f32 v5, v42;
	v33 =	vmul.f32 v33, v33  }
0x152: {  	v61 =	vld [tilespmem:s5+$0x1A0];
	v23 =	vadd.f32 v27, v58;
	v27 =	vmul.f32 v62, v62;
	v42 =	vadd.f32 v57, v11  }
0x153: {  	v44 =	vld [tilespmem:s5+$0x1C0];
	v30 =	vmul.f32 v30, v30;
	v54 =	vsub.f32 v9, v45;
	v62 =	vsel vm0, v24, v22  }
0x154: {  	v31 =	vmul.f32 v31, v31;
	v26 =	vperm.xlane v40, v1;
	v40 =	vsub.f32 v5, v56  }
0x155: {  	v47 =	vld [tilespmem:s6+$0x1D0];
	v22 =	vsel vm0, v22, v24;
	v21 =	vadd.f32 v21, v48;
	v60 =	vadd.f32 v28, v33  }
0x156: {  	v37 =	vld [tilespmem:s5+$0x1D0];
	v35 =	vsub.f32 v9, v35;
	v32 =	vmul.f32 v42, v42;
	v33 =	vmul.f32 v43, v43  }
0x157: {  	v49 =	vld [tilespmem:s5+$0x1E0];
	v28 =	vadd.f32 v61, v6;
	v23 =	vadd.f32 v27, v23;
	v58 =	vmul.f32 v54, v54  }
0x158: {  	v59 =	vld [tilespmem:s6+$0x1F0];
	v19 =	vadd.f32 v19, v26;
	v26 =	vmul.f32 v52, v52;
	v53 =	vadd.f32 v44, v11  }
0x159: {  	v56 =	vld [tilespmem:s5+$0x1F0];
	v25 =	vadd.f32 v25, v60;
	v46 =	vmul.f32 v35, v35;
	v48 =	vadd.f32 v33, v32  }
0x15a: {  	v35 =	vsub.f32 v8, v47;
	v21 =	vadd.f32 v26, v21;
	v26 =	vmul.f32 v40, v40  }
0x15b: {  	v52 =	vld [tilespmem:s6+$0x1B0];
	v28 =	vmul.f32 v28, v28;
	v55 =	vadd.f32 v37, v10;
	v27 =	vadd.f32 v30, v46  }
0x15c: {  	v57 =	vmul.f32 v53, v53;
	v30 =	vadd.f32 v49, v6;
	v25 =	vadd.f32 v26, v25  }
0x15d: {  	v26 =	vadd.f32 v28, v48;
	v28 =	vmul.f32 v50, v50;
	v60 =	vmul.f32 v55, v55  }
0x15e: {  	v37 =	vsub.f32 v5, v59;
	v35 =	vmul.f32 v35, v35;
	v63 =	vadd.f32 v56, v4  }
0x15f: {  	v30 =	vmul.f32 v30, v30;
	v26 =	vadd.f32 v28, v26;
	v28 =	vadd.f32 v60, v57  }
0x160: {  	v39 =	vsel vm0, v23, v20;
	v61 =	vadd.f32 v35, v58;
	v36 =	vsub.f32 v5, v52  }
0x161: {  	v32 =	vmul.f32 v37, v37;
	v38 =	vmul.f32 v63, v63;
	v28 =	vadd.f32 v30, v28  }
0x162: {  	v27 =	vadd.f32 v29, v27;
	v29 =	vadd.f32 v31, v61;
	v24 =	vmul.f32 v36, v36  }
0x163: {  	v22 =	vperm.xlane v22, v0;
	v40 =	vperm.xlane v39, v0;
	v28 =	vadd.f32 v38, v28  }
0x164: {  	v20 =	vsel vm0, v20, v23;
	v41 =	vadd.f32 v24, v27;
	v42 =	vadd.f32 v32, v29  }
0x165: {  	v22 =	vadd.f32 v62, v22;
	v20 =	vadd.f32 v20, v40;
	v43 =	vsel vm0, v28, v26  }
0x166: {  	v44 =	vsel vm0, v25, v21;
	v45 =	vsel vm0, v42, v41;
	v27 =	vperm.xlane v43, v0  }
0x167: {  	v46 =	vperm.xlane v44, v0;
	v26 =	vsel vm0, v26, v28;
	v47 =	vperm.xlane v45, v0  }
0x168: {  	v21 =	vsel vm0, v21, v25;
	v23 =	vsel vm0, v41, v42;
	v48 =	vadd.f32 v26, v27  }
0x169: {  	v21 =	vadd.f32 v21, v46;
	v23 =	vadd.f32 v47, v23  }
0x16a: {  	v49 =	vsel vm1, v18, v22;
	v50 =	vsel vm1, v48, v20  }
0x16b: {  	v18 =	vsel vm1, v22, v18;
	v51 =	vsel vm1, v23, v21;
	v22 =	vperm.xlane v50, v1  }
0x16c: {  	v18 =	vperm.xlane v18, v1;
	v20 =	vsel vm1, v20, v48;
	v25 =	vperm.xlane v51, v1  }
0x16d: {  	v52 =	vsel vm2, v17, v14;
	v21 =	vsel vm1, v21, v23;
	v20 =	vadd.f32 v20, v22  }
0x16e: {  	v14 =	vsel vm2, v14, v17;
	v54 =	vadd.f32 v49, v18;
	v55 =	vadd.f32 v21, v25  }
0x16f: {  	v53 =	vperm.xlane v52, v2;
	v57 =	vsel vm2, v16, v15;
	v56 =	vsel vm2, v20, v19  }
0x170: {  	v15 =	vsel vm2, v15, v16;
	v58 =	vsel vm2, v55, v54;
	v21 =	vperm.xlane v56, v2  }
0x171: {  	v22 =	vperm.xlane v57, v2;
	v19 =	vsel vm2, v19, v20;
	v59 =	vperm.xlane v58, v2  }
0x172: {  	v14 =	vadd.f32 v14, v53;
	v17 =	vsel vm2, v54, v55;
	v60 =	vadd.f32 v19, v21  }
0x173: {  	v15 =	vadd.f32 v15, v22;
	v17 =	vadd.f32 v17, v59  }
0x174: {  	v61 =	vsel vm3, v60, v14  }
0x175: {  	p0 =	sne.s32 s7, $0x80;
	v62 =	vsel vm3, v17, v15;
	v18 =	vperm.xlane v61, v3  }
.Ltmp1:
0x176: {  	v14 =	vsel vm3, v14, v60;
	v63 =	vperm.xlane v62, v3;
	(pc) =	sbr.rel @p0 .LBB2_5-.Ltmp1, $4  }
0x177: {  	v15 =	vsel vm3, v15, v17;
	v14 =	vadd.f32 v14, v18  }
0x178: {  	s8 =	sshra.s32 s7, $0x2;
	v15 =	vadd.f32 v15, v63  }
0x179: {  	[tilespmem:v12+s8+$0x0 ss:$0x1] =	vst.idx.msk $0xffff, v14  }
0x17a: {  	s7 =	sadd.s32 $0x40, s7;
	s5 =	sadd.s32 $0x400, s5;
	s6 =	sadd.s32 $0x400, s6;
	[tilespmem:v13+s8+$0x0 ss:$0x1] =	vst.idx.msk $0xffff, v15  }
0x17b: {  	v12 =	vld [tilespmem:$0xE580]  }
0x17c: {  	v13 =	vld [tilespmem:$0xFE80]  }
0x17d: {  	v14 =	vld [tilespmem:$0xE590]  }
0x17e: {  	v15 =	vld [tilespmem:$0xFE90]  }
0x17f: {  	v16 =	vld [tilespmem:$0xE5A0]  }
0x180: {  	v17 =	vld [tilespmem:$0xFEA0]  }
0x181: {  	v18 =	vld [tilespmem:$0xE5C0]  }
0x182: {  	v19 =	vld [tilespmem:$0xE5D0];
	v12 =	vadd.f32 v12, v11;
	v14 =	vadd.f32 v14, v10  }
0x183: {  	v21 =	vld [tilespmem:$0xFEC0];
	v13 =	vsub.f32 v9, v13  }
0x184: {  	v22 =	vld [tilespmem:$0xFED0];
	v15 =	vsub.f32 v8, v15;
	v12 =	vmul.f32 v12, v12;
	v14 =	vmul.f32 v14, v14  }
0x185: {  	v20 =	vld [tilespmem:$0xE5B0];
	v13 =	vmul.f32 v13, v13  }
0x186: {  	v61 =	vld [tilespmem:$0xE5E0];
	v15 =	vmul.f32 v15, v15;
	v12 =	vadd.f32 v14, v12;
	v14 =	vsub.f32 v7, v17  }
0x187: {  	v62 =	vld [tilespmem:$0xFEE0];
	v16 =	vadd.f32 v16, v6;
	v11 =	vadd.f32 v18, v11  }
0x188: {  	v63 =	vld [tilespmem:$0xE5F0];
	v10 =	vadd.f32 v19, v10;
	v13 =	vadd.f32 v15, v13;
	v14 =	vmul.f32 v14, v14  }
0x189: {  	v9 =	vsub.f32 v9, v21;
	v8 =	vsub.f32 v8, v22;
	v15 =	vld [tilespmem:$0xFEB0]  }
0x18a: {  	v11 =	vmul.f32 v11, v11;
	v10 =	vmul.f32 v10, v10;
	v13 =	vadd.f32 v14, v13;
	v14 =	vld [tilespmem:$0xFEF0]  }
0x18b: {  	v6 =	vadd.f32 v61, v6;
	v16 =	vmul.f32 v16, v16;
	v9 =	vmul.f32 v9, v9  }
0x18c: {  	v8 =	vmul.f32 v8, v8;
	v10 =	vadd.f32 v10, v11;
	v7 =	vsub.f32 v7, v62  }
0x18d: {  	v11 =	vadd.f32 v20, v4;
	v4 =	vadd.f32 v63, v4  }
0x18e: {  	v6 =	vmul.f32 v6, v6;
	v8 =	vadd.f32 v8, v9;
	v12 =	vadd.f32 v16, v12  }
0x18f: {  	v7 =	vmul.f32 v7, v7;
	v15 =	vsub.f32 v5, v15;
	v5 =	vsub.f32 v5, v14  }
0x190: {  	v9 =	vmul.f32 v11, v11;
	v6 =	vadd.f32 v6, v10;
	v4 =	vmul.f32 v4, v4  }
0x191: {  	v7 =	vadd.f32 v7, v8;
	v10 =	vmul.f32 v15, v15;
	v5 =	vmul.f32 v5, v5  }
0x192: {  	v8 =	vadd.f32 v9, v12;
	v4 =	vadd.f32 v4, v6  }
0x193: {  	v6 =	vadd.f32 v10, v13;
	v5 =	vadd.f32 v5, v7  }
0x194: {  	v7 =	vsel vm0, v4, v8  }
0x195: {  	v7 =	vperm.xlane v7, v0;
	v9 =	vsel vm0, v5, v6  }
0x196: {  	v4 =	vsel vm0, v8, v4;
	v8 =	vperm.xlane v9, v0  }
0x197: {  	v5 =	vsel vm0, v6, v5;
	v4 =	vadd.f32 v4, v7  }
0x198: {  	v5 =	vadd.f32 v5, v8  }
0x199: {  	v6 =	vsel vm1, $0x0, v4  }
0x19a: {  	v6 =	vperm.xlane v6, v1;
	v7 =	vsel vm1, $0x0, v5  }
0x19b: {  	v4 =	vnsel vm1, $0x0, v4;
	v7 =	vperm.xlane v7, v1  }
0x19c: {  	v5 =	vnsel vm1, $0x0, v5;
	v4 =	vadd.f32 v4, v6  }
0x19d: {  	v5 =	vadd.f32 v5, v7  }
0x19e: {  	v6 =	vsel vm2, $0x0, v4  }
0x19f: {  	v6 =	vperm.xlane v6, v2;
	v7 =	vsel vm2, $0x0, v5  }
0x1a0: {  	v4 =	vnsel vm2, $0x0, v4;
	v7 =	vperm.xlane v7, v2  }
0x1a1: {  	v5 =	vnsel vm2, $0x0, v5;
	v4 =	vadd.f32 v4, v6  }
0x1a2: {  	v5 =	vadd.f32 v5, v7  }
0x1a3: {  	v6 =	vsel vm3, $0x0, v4  }
0x1a4: {  	v6 =	vperm.xlane v6, v3;
	v7 =	vsel vm3, $0x0, v5  }
0x1a5: {  	v4 =	vnsel vm3, $0x0, v4;
	v7 =	vperm.xlane v7, v3  }
0x1a6: {  	p0 =	seq.s32 s20, $0x3F;
	v5 =	vnsel vm3, $0x0, v5;
	v4 =	vadd.f32 v4, v6  }
0x1a7: {  	s5 =	smul.u32 @!p0 $0x70, s20;
	v5 =	vadd.f32 v5, v7  }
0x1a8: {  	[tilespmem:s18+$0x11380] =	vst v4  }
0x1a9: {  	s7 =	simm.s32 @!p0 $0x32;
	s8 =	simm.s32 @!p0 $0xD980;
	s6 =	sadd.s32 @!p0 $0x1F0, s5;
	[tilespmem:s18+$0x13380] =	vst v5  }
0x1aa: {  	[tilespmem:s8], [sflag:$0x4] =	stream.indirect.gather @!p0 [hbm4b:s3+s7], $0x40, s6, s7, $0xb8;
	[tilespmem:$0x15380] =	vst v63  }
0x1ab: {  	s5 =	sadd.s32 @!p0 $0x1DF0, s5;
	s6 =	simm.s32 @!p0 $0xF280  }
0x1ac: {  	[tilespmem:s6], [sflag:$0x6] =	stream.indirect.gather @!p0 [hbm4b:s3+s7], $0x40, s5, s7, $0xb8;
	[tilespmem:$0x15380] =	vst v63  }
0x1ad: {  	_ =	swait.ge [sflag:s0], $0xC80  }
0x1ae: {  	[sflag:s0] =	ssyncset.done $0x0  }
0x1af: {  	[sflag:s0] =	ssyncadd.s32 $0xFFFFF380  }
0x1b0: {  	_ =	swait.ge [sflag:s19], $0xC80  }
0x1b1: {  	[sflag:s19] =	ssyncset.done $0x0  }
0x1b2: {  	s18 =	sshll.u32 s17, $0x6;
	[sflag:s19] =	ssyncadd.s32 $0xFFFFF380  }
0x1b3: {  	v11 =	vld [tilespmem:s18+$0xB980]  }
0x1b4: {  	v10 =	vld [tilespmem:s18+$0xB990]  }
0x1b5: {  	v6 =	vld [tilespmem:s18+$0xB9A0]  }
0x1b6: {  	v4 =	vld [tilespmem:s18+$0xB9B0]  }
0x1b7: {  	v9 =	vld [tilespmem:s18+$0x9980]  }
0x1b8: {  	v8 =	vld [tilespmem:s18+$0x9990]  }
0x1b9: {  	s17 =	sor.u32 $0x30, s18;
	v7 =	vld [tilespmem:s18+$0x99A0]  }
0x1ba: {  	v12 =	vmov s4;
	v13 =	vmov s16;
	s5 =	simm.s32 $0x0;
	s6 =	simm.s32 $0xE800;
	v5 =	vld [tilespmem:s18+$0x99B0];
	s18 =	simm.s32 $0x10100  }
.LBB2_7:
0x1bb: {  	v14 =	vld [tilespmem:s6+$0xFFFFFE00]  }
0x1bc: {  	v15 =	vld [tilespmem:s18+$0xFFFFFE00]  }
0x1bd: {  	v16 =	vld [tilespmem:s6+$0xFFFFFE10]  }
0x1be: {  	v17 =	vld [tilespmem:s18+$0xFFFFFE10]  }
0x1bf: {  	v18 =	vld [tilespmem:s6+$0xFFFFFE20]  }
0x1c0: {  	v19 =	vld [tilespmem:s18+$0xFFFFFE20]  }
0x1c1: {  	v20 =	vld [tilespmem:s6+$0xFFFFFE30]  }
0x1c2: {  	v21 =	vld [tilespmem:s6+$0xFFFFFE40]  }
0x1c3: {  	v22 =	vld [tilespmem:s6+$0xFFFFFE50]  }
0x1c4: {  	v23 =	vld [tilespmem:s18+$0xFFFFFE40]  }
0x1c5: {  	v24 =	vld [tilespmem:s6+$0xFFFFFE60]  }
0x1c6: {  	v53 =	vld [tilespmem:s6+$0xFFFFFE70]  }
0x1c7: {  	v25 =	vld [tilespmem:s18+$0xFFFFFE30]  }
0x1c8: {  	v55 =	vld [tilespmem:s18+$0xFFFFFE60];
	v14 =	vadd.f32 v14, v11  }
0x1c9: {  	v26 =	vld [tilespmem:s18+$0xFFFFFE70];
	v16 =	vadd.f32 v16, v10;
	v15 =	vsub.f32 v9, v15  }
0x1ca: {  	v58 =	vld [tilespmem:s6+$0xFFFFFE80];
	v17 =	vsub.f32 v8, v17;
	v18 =	vadd.f32 v18, v6  }
0x1cb: {  	v59 =	vld [tilespmem:s18+$0xFFFFFE80];
	v52 =	vsub.f32 v7, v19;
	v21 =	vadd.f32 v21, v11  }
0x1cc: {  	v30 =	vld [tilespmem:s6+$0xFFFFFEC0];
	v22 =	vadd.f32 v22, v10;
	v54 =	vadd.f32 v20, v4  }
0x1cd: {  	v31 =	vld [tilespmem:s6+$0xFFFFFED0];
	v24 =	vadd.f32 v24, v6;
	v23 =	vsub.f32 v9, v23  }
0x1ce: {  	v27 =	vld [tilespmem:s18+$0xFFFFFEC0];
	v19 =	vadd.f32 v53, v4;
	v57 =	vsub.f32 v5, v25  }
0x1cf: {  	v40 =	vld [tilespmem:s18+$0xFFFFFEE0];
	v20 =	vsub.f32 v7, v55;
	v60 =	vsub.f32 v5, v26  }
0x1d0: {  	v50 =	vld [tilespmem:s6+$0xFFFFFF00];
	v33 =	vadd.f32 v58, v11;
	v36 =	vsub.f32 v9, v59  }
0x1d1: {  	v63 =	vld [tilespmem:s18+$0xFFFFFE90];
	v25 =	vadd.f32 v30, v11;
	v14 =	vmul.f32 v14, v14;
	v16 =	vmul.f32 v16, v16  }
0x1d2: {  	v26 =	vadd.f32 v31, v10;
	v15 =	vmul.f32 v15, v15;
	v17 =	vmul.f32 v17, v17  }
0x1d3: {  	v51 =	vld [tilespmem:s18+$0xFFFFFE50];
	v42 =	vsub.f32 v9, v27;
	v18 =	vmul.f32 v18, v18;
	v21 =	vmul.f32 v21, v21  }
0x1d4: {  	v49 =	vsub.f32 v7, v40;
	v53 =	vld [tilespmem:s6+$0xFFFFFF10];
	v22 =	vmul.f32 v22, v22;
	v56 =	vmul.f32 v24, v24  }
0x1d5: {  	v58 =	vadd.f32 v50, v11;
	v31 =	vld [tilespmem:s18+$0xFFFFFFC0];
	v23 =	vmul.f32 v23, v23;
	v19 =	vmul.f32 v19, v19  }
0x1d6: {  	v20 =	vmul.f32 v20, v20;
	v24 =	vsub.f32 v8, v63;
	v25 =	vmul.f32 v25, v25  }
0x1d7: {  	v32 =	vld [tilespmem:s6+$0xFFFFFEA0];
	v26 =	vmul.f32 v26, v26;
	v14 =	vadd.f32 v16, v14;
	v15 =	vadd.f32 v17, v15  }
0x1d8: {  	v61 =	vld [tilespmem:s6+$0xFFFFFE90];
	v28 =	vmul.f32 v60, v60;
	v16 =	vsub.f32 v8, v51;
	v21 =	vadd.f32 v22, v21  }
0x1d9: {  	v37 =	vld [tilespmem:s6+$0xFFFFFEB0];
	v17 =	vmul.f32 v52, v52;
	v39 =	vadd.f32 v26, v25;
	v60 =	vadd.f32 v53, v10  }
0x1da: {  	v52 =	vld [tilespmem:s18+$0xFFFFFF00];
	v31 =	vsub.f32 v9, v31;
	v14 =	vadd.f32 v18, v14;
	v18 =	vmul.f32 v54, v54  }
0x1db: {  	v34 =	vld [tilespmem:s6+$0xFFFFFEE0];
	v16 =	vmul.f32 v16, v16;
	v21 =	vadd.f32 v56, v21;
	v15 =	vadd.f32 v17, v15  }
0x1dc: {  	v38 =	vld [tilespmem:s6+$0xFFFFFEF0];
	v62 =	vmul.f32 v57, v57;
	v17 =	vadd.f32 v32, v6;
	v14 =	vadd.f32 v18, v14  }
0x1dd: {  	v46 =	vmul.f32 v42, v42;
	v53 =	vld [tilespmem:s6+$0xFFFFFFC0];
	v16 =	vadd.f32 v16, v23;
	v19 =	vadd.f32 v19, v21  }
0x1de: {  	v44 =	vld [tilespmem:s18+$0xFFFFFEF0];
	v24 =	vmul.f32 v24, v24;
	v15 =	vadd.f32 v62, v15;
	v21 =	vadd.f32 v61, v10  }
0x1df: {  	v22 =	vmul.f32 v58, v58;
	v18 =	vadd.f32 v37, v4;
	v61 =	vld [tilespmem:s6+$0xFFFFFF30];
	v59 =	vsub.f32 v9, v52  }
0x1e0: {  	v62 =	vld [tilespmem:s6+$0xFFFFFF40];
	v16 =	vadd.f32 v20, v16;
	v29 =	vsel vm0, v19, v14;
	v14 =	vsel vm0, v14, v19  }
0x1e1: {  	v19 =	vmul.f32 v33, v33;
	v21 =	vmul.f32 v21, v21;
	v20 =	vadd.f32 v34, v6  }
0x1e2: {  	v41 =	vld [tilespmem:s18+$0xFFFFFEB0];
	v58 =	vadd.f32 v53, v11;
	v23 =	vperm.xlane v29, v0;
	v16 =	vadd.f32 v28, v16  }
0x1e3: {  	v32 =	vld [tilespmem:s18+$0xFFFFFF40];
	v17 =	vmul.f32 v17, v17;
	v19 =	vadd.f32 v21, v19;
	v21 =	vsub.f32 v5, v44  }
0x1e4: {  	v18 =	vmul.f32 v18, v18;
	v29 =	vld [tilespmem:s18+$0xFFFFFEA0];
	v14 =	vadd.f32 v14, v23;
	v23 =	vadd.f32 v38, v4  }
0x1e5: {  	v55 =	vld [tilespmem:s6+$0xFFFFFF20];
	v20 =	vmul.f32 v20, v20;
	v40 =	vadd.f32 v62, v11;
	v25 =	vadd.f32 v61, v4  }
0x1e6: {  	v28 =	vld [tilespmem:s18+$0xFFFFFED0];
	v35 =	vsel vm0, v15, v16;
	v15 =	vsel vm0, v16, v15;
	v17 =	vadd.f32 v17, v19  }
0x1e7: {  	v54 =	vld [tilespmem:s18+$0xFFFFFF10];
	v16 =	vmul.f32 v36, v36;
	v20 =	vadd.f32 v20, v39;
	v19 =	vsub.f32 v5, v41  }
0x1e8: {  	v37 =	vld [tilespmem:s18+$0xFFFFFF30];
	v21 =	vmul.f32 v21, v21;
	v41 =	vsub.f32 v9, v32;
	v15 =	vperm.xlane v15, v0  }
0x1e9: {  	v33 =	vld [tilespmem:s6+$0xFFFFFF50];
	v23 =	vmul.f32 v23, v23;
	v25 =	vmul.f32 v25, v25;
	v45 =	vsub.f32 v7, v29  }
0x1ea: {  	v32 =	vld [tilespmem:s6+$0xFFFFFFF0];
	v17 =	vadd.f32 v18, v17;
	v16 =	vadd.f32 v24, v16;
	v24 =	vmul.f32 v49, v49  }
0x1eb: {  	v19 =	vmul.f32 v19, v19;
	v43 =	vsub.f32 v8, v28;
	v20 =	vadd.f32 v23, v20  }
0x1ec: {  	v44 =	vld [tilespmem:s18+$0xFFFFFF70];
	v15 =	vadd.f32 v35, v15;
	v23 =	vadd.f32 v55, v6;
	v48 =	vmul.f32 v45, v45  }
0x1ed: {  	v56 =	vld [tilespmem:s18+$0xFFFFFF20];
	v47 =	vmul.f32 v43, v43;
	v51 =	vsel vm0, v20, v17;
	v17 =	vsel vm0, v17, v20  }
0x1ee: {  	v42 =	vld [tilespmem:s6+$0xFFFFFF70];
	v20 =	vsub.f32 v8, v54;
	v36 =	vmul.f32 v23, v23;
	v43 =	vadd.f32 v33, v10  }
0x1ef: {  	v45 =	vld [tilespmem:s6+$0xFFFFFF80];
	v23 =	vsub.f32 v5, v37;
	v37 =	vadd.f32 v32, v4;
	v26 =	vperm.xlane v51, v0  }
0x1f0: {  	v16 =	vadd.f32 v48, v16;
	v18 =	vadd.f32 v47, v46;
	v20 =	vmul.f32 v20, v20  }
0x1f1: {  	v27 =	vmul.f32 v43, v43;
	v47 =	vsub.f32 v5, v44;
	v17 =	vadd.f32 v17, v26  }
0x1f2: {  	v35 =	vld [tilespmem:s18+$0xFFFFFF50];
	v23 =	vmul.f32 v23, v23;
	v16 =	vadd.f32 v19, v16;
	v19 =	vsub.f32 v7, v56  }
0x1f3: {  	v48 =	vld [tilespmem:s6+$0xFFFFFF90];
	v26 =	vadd.f32 v42, v4;
	v18 =	vadd.f32 v24, v18;
	v24 =	vmul.f32 v60, v60  }
0x1f4: {  	v51 =	vmul.f32 v47, v47;
	v55 =	vadd.f32 v45, v11;
	v57 =	vsel vm1, v14, v17  }
0x1f5: {  	v52 =	vld [tilespmem:s6+$0xFFFFFFA0];
	v14 =	vsel vm1, v17, v14;
	v17 =	vmul.f32 v59, v59;
	v19 =	vmul.f32 v19, v19  }
0x1f6: {  	v38 =	vld [tilespmem:s6+$0xFFFFFF60];
	v50 =	vmul.f32 v26, v26;
	v18 =	vadd.f32 v21, v18;
	v14 =	vperm.xlane v14, v1  }
0x1f7: {  	v56 =	vld [tilespmem:s6+$0xFFFFFFB0];
	v22 =	vadd.f32 v24, v22;
	v24 =	vsub.f32 v8, v35;
	v21 =	vmul.f32 v40, v40  }
0x1f8: {  	v39 =	vld [tilespmem:s18+$0xFFFFFF60];
	v28 =	vadd.f32 v48, v10;
	v40 =	vmul.f32 v31, v31;
	v17 =	vadd.f32 v20, v17  }
0x1f9: {  	v63 =	vsel vm0, v18, v16;
	v16 =	vsel vm0, v16, v18;
	v14 =	vadd.f32 v57, v14  }
0x1fa: {  	v46 =	vld [tilespmem:s18+$0xFFFFFF80];
	v20 =	vadd.f32 v36, v22;
	v22 =	vmul.f32 v41, v41;
	v24 =	vmul.f32 v24, v24  }
0x1fb: {  	v59 =	vld [tilespmem:s18+$0xFFFFFFD0];
	v18 =	vadd.f32 v38, v6;
	v21 =	vadd.f32 v27, v21;
	v28 =	vmul.f32 v28, v28  }
0x1fc: {  	v49 =	vld [tilespmem:s18+$0xFFFFFF90];
	v27 =	vadd.f32 v52, v6;
	v26 =	vadd.f32 v56, v4;
	v34 =	vperm.xlane v63, v0  }
0x1fd: {  	v54 =	vld [tilespmem:s6+$0xFFFFFFD0];
	v17 =	vadd.f32 v19, v17;
	v19 =	vsub.f32 v7, v39;
	v39 =	vmul.f32 v37, v37  }
0x1fe: {  	v57 =	vld [tilespmem:s6+$0xFFFFFFE0];
	v22 =	vadd.f32 v24, v22;
	v18 =	vmul.f32 v18, v18;
	v20 =	vadd.f32 v25, v20  }
0x1ff: {  	v38 =	vld [tilespmem:s18+$0xFFFFFFF0];
	v24 =	vsub.f32 v9, v46;
	v27 =	vmul.f32 v27, v27;
	v16 =	vadd.f32 v16, v34  }
0x200: {  	v63 =	vld [tilespmem:s18+$0xFFFFFFB0];
	v19 =	vmul.f32 v19, v19;
	v17 =	vadd.f32 v23, v17;
	v23 =	vsub.f32 v8, v59  }
0x201: {  	v26 =	vmul.f32 v26, v26;
	v18 =	vadd.f32 v18, v21;
	v21 =	vsub.f32 v8, v49  }
0x202: {  	v24 =	vmul.f32 v24, v24;
	v19 =	vadd.f32 v19, v22;
	v25 =	vsel vm1, v15, v16  }
0x203: {  	v47 =	vld [tilespmem:s18+$0x0];
	v15 =	vsel vm1, v16, v15;
	v16 =	vmul.f32 v55, v55;
	v22 =	vadd.f32 v54, v10  }
0x204: {  	v53 =	vld [tilespmem:s6+$0x20];
	v61 =	vadd.f32 v57, v6;
	v23 =	vmul.f32 v23, v23;
	v45 =	vsub.f32 v5, v38  }
0x205: {  	v60 =	vld [tilespmem:s18+$0xFFFFFFA0];
	v18 =	vadd.f32 v50, v18;
	v15 =	vperm.xlane v15, v1;
	v43 =	vsub.f32 v5, v63  }
0x206: {  	v62 =	vld [tilespmem:s18+$0xFFFFFFE0];
	v21 =	vmul.f32 v21, v21;
	v19 =	vadd.f32 v51, v19;
	v16 =	vadd.f32 v28, v16  }
0x207: {  	v33 =	vld [tilespmem:s18+$0xD0];
	v22 =	vmul.f32 v22, v22;
	v36 =	vmul.f32 v61, v61;
	v23 =	vadd.f32 v23, v40  }
0x208: {  	v56 =	vld [tilespmem:s18+$0x20];
	v51 =	vmul.f32 v45, v45;
	v61 =	vsub.f32 v9, v47;
	v30 =	vsel vm0, v20, v18  }
0x209: {  	v44 =	vld [tilespmem:s6+$0x0];
	v18 =	vsel vm0, v18, v20;
	v21 =	vadd.f32 v21, v24;
	v20 =	vmul.f32 v58, v58  }
0x20a: {  	v50 =	vld [tilespmem:s6+$0x10];
	v24 =	vsub.f32 v7, v60;
	v48 =	vmul.f32 v43, v43;
	v15 =	vadd.f32 v25, v15  }
0x20b: {  	v63 =	vld [tilespmem:s18+$0x40];
	v18 =	vperm.xlane v18, v0;
	v16 =	vadd.f32 v27, v16;
	v41 =	vsel vm0, v19, v17  }
0x20c: {  	v52 =	vld [tilespmem:s18+$0x10];
	v27 =	vsub.f32 v7, v62;
	v17 =	vsel vm0, v17, v19;
	v20 =	vadd.f32 v22, v20  }
0x20d: {  	v58 =	vld [tilespmem:s6+$0x30];
	v42 =	vmul.f32 v24, v24;
	v24 =	vadd.f32 v53, v6;
	v22 =	vsub.f32 v7, v56  }
0x20e: {  	v60 =	vld [tilespmem:s18+$0x30];
	v35 =	vmul.f32 v61, v61;
	v16 =	vadd.f32 v26, v16;
	v18 =	vadd.f32 v30, v18  }
0x20f: {  	v62 =	vld [tilespmem:s6+$0x40];
	v28 =	vperm.xlane v41, v0;
	v26 =	vadd.f32 v44, v11;
	v59 =	vadd.f32 v50, v10  }
0x210: {  	v41 =	vld [tilespmem:s18+$0x60];
	v27 =	vmul.f32 v27, v27;
	v47 =	vsub.f32 v9, v63;
	v20 =	vadd.f32 v36, v20  }
0x211: {  	v44 =	vld [tilespmem:s6+$0x70];
	v21 =	vadd.f32 v42, v21;
	v17 =	vadd.f32 v17, v28;
	v24 =	vmul.f32 v24, v24  }
0x212: {  	v63 =	vld [tilespmem:s6+$0xB0];
	v22 =	vmul.f32 v22, v22;
	v23 =	vadd.f32 v27, v23;
	v26 =	vmul.f32 v26, v26  }
0x213: {  	v50 =	vld [tilespmem:s18+$0x80];
	v28 =	vmul.f32 v59, v59;
	v42 =	vadd.f32 v58, v4;
	v43 =	vsub.f32 v5, v60  }
0x214: {  	v36 =	vld [tilespmem:s6+$0x50];
	v31 =	vmul.f32 v47, v47;
	v20 =	vadd.f32 v39, v20;
	v54 =	vadd.f32 v48, v21  }
0x215: {  	v60 =	vld [tilespmem:s6+$0xD0];
	v55 =	vadd.f32 v51, v23;
	v26 =	vadd.f32 v28, v26;
	v53 =	vmul.f32 v43, v43  }
0x216: {  	v39 =	vld [tilespmem:s6+$0x60];
	v46 =	vsel vm0, v20, v16;
	v16 =	vsel vm0, v16, v20;
	v20 =	vsub.f32 v8, v52  }
0x217: {  	v48 =	vld [tilespmem:s18+$0x70];
	v28 =	vadd.f32 v44, v4;
	v47 =	vadd.f32 v63, v4;
	v49 =	vperm.xlane v46, v0  }
0x218: {  	v37 =	vld [tilespmem:s18+$0x50];
	v27 =	vsel vm0, v55, v54;
	v24 =	vadd.f32 v24, v26;
	v46 =	vadd.f32 v62, v11  }
0x219: {  	v43 =	vld [tilespmem:s18+$0xA0];
	v19 =	vsel vm0, v54, v55;
	v30 =	vadd.f32 v36, v10;
	v26 =	vsub.f32 v7, v41  }
0x21a: {  	v52 =	vld [tilespmem:s6+$0x90];
	v62 =	vsub.f32 v9, v50;
	v27 =	vperm.xlane v27, v0;
	v20 =	vmul.f32 v20, v20  }
0x21b: {  	v58 =	vld [tilespmem:s6+$0xC0];
	v23 =	vadd.f32 v60, v10;
	v16 =	vadd.f32 v16, v49;
	v30 =	vmul.f32 v30, v30  }
0x21c: {  	v21 =	vadd.f32 v39, v6;
	v26 =	vmul.f32 v26, v26;
	v51 =	vsub.f32 v5, v48  }
0x21d: {  	v39 =	vmul.f32 v62, v62;
	v19 =	vadd.f32 v27, v19;
	v20 =	vadd.f32 v20, v35  }
0x21e: {  	v27 =	vsub.f32 v8, v37;
	v23 =	vmul.f32 v23, v23;
	v25 =	vsub.f32 v7, v43  }
0x21f: {  	v49 =	vld [tilespmem:s6+$0x80];
	v57 =	vsel vm1, v16, v18;
	v16 =	vsel vm1, v18, v16;
	v36 =	vadd.f32 v52, v10  }
0x220: {  	v54 =	vld [tilespmem:s18+$0x90];
	v18 =	vadd.f32 v58, v11;
	v52 =	vsub.f32 v8, v33;
	v40 =	vsel vm1, v17, v19  }
0x221: {  	v34 =	vld [tilespmem:s18+$0x110];
	v17 =	vsel vm1, v19, v17;
	v27 =	vmul.f32 v27, v27;
	v19 =	vmul.f32 v42, v42  }
0x222: {  	v41 =	vld [tilespmem:s6+$0xF0];
	v38 =	vperm.xlane v57, v1;
	v20 =	vadd.f32 v22, v20;
	v45 =	vperm.xlane v17, v1  }
0x223: {  	v57 =	vld [tilespmem:s6+$0xA0];
	v17 =	vmul.f32 v46, v46;
	v27 =	vadd.f32 v27, v31;
	v19 =	vadd.f32 v19, v24  }
0x224: {  	v62 =	vld [tilespmem:s6+$0x110];
	v18 =	vmul.f32 v18, v18;
	v20 =	vadd.f32 v53, v20;
	v61 =	vadd.f32 v49, v11  }
0x225: {  	v21 =	vmul.f32 v21, v21;
	v24 =	vsub.f32 v8, v54;
	v17 =	vadd.f32 v30, v17  }
0x226: {  	v28 =	vmul.f32 v28, v28;
	v37 =	vld [tilespmem:s6+$0xE0];
	v18 =	vadd.f32 v23, v18;
	v30 =	vsub.f32 v8, v34  }
0x227: {  	v49 =	vld [tilespmem:s18+$0xB0];
	v55 =	vadd.f32 v26, v27;
	v24 =	vmul.f32 v24, v24;
	v17 =	vadd.f32 v21, v17  }
0x228: {  	v53 =	vld [tilespmem:s18+$0xF0];
	v21 =	vmul.f32 v51, v51;
	v27 =	vadd.f32 v57, v6;
	v51 =	vadd.f32 v41, v4  }
0x229: {  	v25 =	vmul.f32 v25, v25;
	v41 =	vadd.f32 v62, v10;
	v24 =	vadd.f32 v24, v39  }
0x22a: {  	v26 =	vmul.f32 v36, v36;
	v36 =	vld [tilespmem:s6+$0x120];
	v56 =	vadd.f32 v28, v17;
	v17 =	vadd.f32 v16, v38  }
0x22b: {  	v57 =	vld [tilespmem:s6+$0x100];
	v30 =	vmul.f32 v30, v30;
	v16 =	vadd.f32 v40, v45;
	v21 =	vadd.f32 v21, v55  }
0x22c: {  	v48 =	vld [tilespmem:s18+$0xE0];
	v38 =	vmul.f32 v61, v61;
	v44 =	vmul.f32 v27, v27;
	v45 =	vadd.f32 v37, v6  }
0x22d: {  	v39 =	vld [tilespmem:s6+$0x130];
	v54 =	vmul.f32 v51, v51;
	v58 =	vsub.f32 v5, v49;
	v60 =	vsub.f32 v5, v53  }
0x22e: {  	v40 =	vld [tilespmem:s18+$0xC0];
	v24 =	vadd.f32 v25, v24;
	v59 =	vsel vm0, v56, v19;
	v19 =	vsel vm0, v19, v56  }
0x22f: {  	v51 =	vld [tilespmem:s18+$0x160];
	v42 =	vsel vm0, v20, v21;
	v50 =	vmul.f32 v45, v45;
	v63 =	vmul.f32 v58, v58  }
0x230: {  	v53 =	vld [tilespmem:s6+$0x170];
	v29 =	vadd.f32 v36, v6;
	v22 =	vperm.xlane v59, v0;
	v23 =	vadd.f32 v57, v11  }
0x231: {  	v43 =	vld [tilespmem:s6+$0x140];
	v20 =	vsel vm0, v21, v20;
	v18 =	vadd.f32 v50, v18;
	v24 =	vadd.f32 v63, v24  }
0x232: {  	v56 =	vmul.f32 v52, v52;
	v36 =	vld [tilespmem:s6+$0x190];
	v50 =	vadd.f32 v39, v4;
	v19 =	vadd.f32 v19, v22  }
0x233: {  	v35 =	vmul.f32 v60, v60;
	v59 =	vld [tilespmem:s18+$0x100];
	v22 =	vadd.f32 v26, v38;
	v28 =	vsub.f32 v9, v40  }
0x234: {  	v20 =	vperm.xlane v20, v0;
	v26 =	vsub.f32 v7, v48;
	v25 =	vsub.f32 v7, v51  }
0x235: {  	v34 =	vld [tilespmem:s6+$0x150];
	v23 =	vmul.f32 v23, v23;
	v62 =	vadd.f32 v53, v4;
	v18 =	vadd.f32 v54, v18  }
0x236: {  	v63 =	vld [tilespmem:s18+$0x1A0];
	v54 =	vadd.f32 v43, v11;
	v46 =	vadd.f32 v44, v22;
	v22 =	vmul.f32 v47, v47  }
0x237: {  	v55 =	vmul.f32 v28, v28;
	v28 =	vmul.f32 v41, v41;
	v43 =	vadd.f32 v36, v10  }
0x238: {  	v49 =	vld [tilespmem:s6+$0x160];
	v26 =	vmul.f32 v26, v26;
	v27 =	vsub.f32 v9, v59;
	v21 =	vadd.f32 v22, v46  }
0x239: {  	v47 =	vld [tilespmem:s18+$0x150];
	v25 =	vmul.f32 v25, v25;
	v22 =	vadd.f32 v56, v55;
	v45 =	vadd.f32 v28, v23  }
0x23a: {  	v41 =	vld [tilespmem:s6+$0x1B0];
	v46 =	vmul.f32 v29, v29;
	v23 =	vmul.f32 v50, v50;
	v55 =	vadd.f32 v34, v10  }
0x23b: {  	v38 =	vld [tilespmem:s18+$0x120];
	v29 =	vsub.f32 v7, v63;
	v27 =	vmul.f32 v27, v27;
	v61 =	vsel vm0, v18, v21  }
0x23c: {  	v44 =	vld [tilespmem:s18+$0x140];
	v22 =	vadd.f32 v26, v22;
	v21 =	vsel vm0, v21, v18;
	v18 =	vadd.f32 v42, v20  }
0x23d: {  	v59 =	vld [tilespmem:s18+$0x190];
	v20 =	vadd.f32 v46, v45;
	v31 =	vmul.f32 v55, v55;
	v48 =	vadd.f32 v30, v27  }
0x23e: {  	v51 =	vld [tilespmem:s18+$0x1E0];
	v33 =	vperm.xlane v61, v0;
	v28 =	vsub.f32 v8, v47;
	v27 =	vadd.f32 v49, v6  }
0x23f: {  	v42 =	vld [tilespmem:s18+$0x130];
	v29 =	vmul.f32 v29, v29;
	v50 =	vadd.f32 v41, v4;
	v22 =	vadd.f32 v35, v22  }
0x240: {  	v57 =	vld [tilespmem:s6+$0x180];
	v30 =	vmul.f32 v54, v54;
	v20 =	vadd.f32 v23, v20;
	v37 =	vadd.f32 v21, v33  }
0x241: {  	v45 =	vld [tilespmem:s18+$0x1C0];
	v21 =	vsub.f32 v7, v38;
	v33 =	vsub.f32 v9, v44;
	v28 =	vmul.f32 v28, v28  }
0x242: {  	v56 =	vld [tilespmem:s18+$0x170];
	v58 =	vadd.f32 v31, v30;
	v27 =	vmul.f32 v27, v27;
	v30 =	vsub.f32 v8, v59  }
0x243: {  	v31 =	vsub.f32 v7, v51;
	v40 =	vsel vm1, v37, v19;
	v19 =	vsel vm1, v19, v37  }
0x244: {  	v35 =	vld [tilespmem:s18+$0x180];
	v21 =	vmul.f32 v21, v21;
	v52 =	vsub.f32 v5, v42;
	v33 =	vmul.f32 v33, v33  }
0x245: {  	v61 =	vld [tilespmem:s6+$0x1A0];
	v23 =	vadd.f32 v27, v58;
	v27 =	vmul.f32 v62, v62;
	v42 =	vadd.f32 v57, v11  }
0x246: {  	v44 =	vld [tilespmem:s6+$0x1C0];
	v30 =	vmul.f32 v30, v30;
	v54 =	vsub.f32 v9, v45;
	v62 =	vsel vm0, v24, v22  }
0x247: {  	v31 =	vmul.f32 v31, v31;
	v26 =	vperm.xlane v40, v1;
	v40 =	vsub.f32 v5, v56  }
0x248: {  	v47 =	vld [tilespmem:s18+$0x1D0];
	v22 =	vsel vm0, v22, v24;
	v21 =	vadd.f32 v21, v48;
	v60 =	vadd.f32 v28, v33  }
0x249: {  	v37 =	vld [tilespmem:s6+$0x1D0];
	v35 =	vsub.f32 v9, v35;
	v32 =	vmul.f32 v42, v42;
	v33 =	vmul.f32 v43, v43  }
0x24a: {  	v49 =	vld [tilespmem:s6+$0x1E0];
	v28 =	vadd.f32 v61, v6;
	v23 =	vadd.f32 v27, v23;
	v58 =	vmul.f32 v54, v54  }
0x24b: {  	v59 =	vld [tilespmem:s18+$0x1F0];
	v19 =	vadd.f32 v19, v26;
	v26 =	vmul.f32 v52, v52;
	v53 =	vadd.f32 v44, v11  }
0x24c: {  	v56 =	vld [tilespmem:s6+$0x1F0];
	v25 =	vadd.f32 v25, v60;
	v46 =	vmul.f32 v35, v35;
	v48 =	vadd.f32 v33, v32  }
0x24d: {  	v35 =	vsub.f32 v8, v47;
	v21 =	vadd.f32 v26, v21;
	v26 =	vmul.f32 v40, v40  }
0x24e: {  	v52 =	vld [tilespmem:s18+$0x1B0];
	v28 =	vmul.f32 v28, v28;
	v55 =	vadd.f32 v37, v10;
	v27 =	vadd.f32 v30, v46  }
0x24f: {  	v57 =	vmul.f32 v53, v53;
	v30 =	vadd.f32 v49, v6;
	v25 =	vadd.f32 v26, v25  }
0x250: {  	v26 =	vadd.f32 v28, v48;
	v28 =	vmul.f32 v50, v50;
	v60 =	vmul.f32 v55, v55  }
0x251: {  	v37 =	vsub.f32 v5, v59;
	v35 =	vmul.f32 v35, v35;
	v63 =	vadd.f32 v56, v4  }
0x252: {  	v30 =	vmul.f32 v30, v30;
	v26 =	vadd.f32 v28, v26;
	v28 =	vadd.f32 v60, v57  }
0x253: {  	v39 =	vsel vm0, v23, v20;
	v61 =	vadd.f32 v35, v58;
	v36 =	vsub.f32 v5, v52  }
0x254: {  	v32 =	vmul.f32 v37, v37;
	v38 =	vmul.f32 v63, v63;
	v28 =	vadd.f32 v30, v28  }
0x255: {  	v27 =	vadd.f32 v29, v27;
	v29 =	vadd.f32 v31, v61;
	v24 =	vmul.f32 v36, v36  }
0x256: {  	v22 =	vperm.xlane v22, v0;
	v40 =	vperm.xlane v39, v0;
	v28 =	vadd.f32 v38, v28  }
0x257: {  	v20 =	vsel vm0, v20, v23;
	v41 =	vadd.f32 v24, v27;
	v42 =	vadd.f32 v32, v29  }
0x258: {  	v22 =	vadd.f32 v62, v22;
	v20 =	vadd.f32 v20, v40;
	v43 =	vsel vm0, v28, v26  }
0x259: {  	v44 =	vsel vm0, v25, v21;
	v45 =	vsel vm0, v42, v41;
	v27 =	vperm.xlane v43, v0  }
0x25a: {  	v46 =	vperm.xlane v44, v0;
	v26 =	vsel vm0, v26, v28;
	v47 =	vperm.xlane v45, v0  }
0x25b: {  	v21 =	vsel vm0, v21, v25;
	v23 =	vsel vm0, v41, v42;
	v48 =	vadd.f32 v26, v27  }
0x25c: {  	v21 =	vadd.f32 v21, v46;
	v23 =	vadd.f32 v47, v23  }
0x25d: {  	v49 =	vsel vm1, v18, v22;
	v50 =	vsel vm1, v48, v20  }
0x25e: {  	v18 =	vsel vm1, v22, v18;
	v51 =	vsel vm1, v23, v21;
	v22 =	vperm.xlane v50, v1  }
0x25f: {  	v18 =	vperm.xlane v18, v1;
	v20 =	vsel vm1, v20, v48;
	v25 =	vperm.xlane v51, v1  }
0x260: {  	v52 =	vsel vm2, v17, v14;
	v21 =	vsel vm1, v21, v23;
	v20 =	vadd.f32 v20, v22  }
0x261: {  	v14 =	vsel vm2, v14, v17;
	v54 =	vadd.f32 v49, v18;
	v55 =	vadd.f32 v21, v25  }
0x262: {  	v53 =	vperm.xlane v52, v2;
	v57 =	vsel vm2, v16, v15;
	v56 =	vsel vm2, v20, v19  }
0x263: {  	v15 =	vsel vm2, v15, v16;
	v58 =	vsel vm2, v55, v54;
	v21 =	vperm.xlane v56, v2  }
0x264: {  	v22 =	vperm.xlane v57, v2;
	v19 =	vsel vm2, v19, v20;
	v59 =	vperm.xlane v58, v2  }
0x265: {  	v14 =	vadd.f32 v14, v53;
	v17 =	vsel vm2, v54, v55;
	v60 =	vadd.f32 v19, v21  }
0x266: {  	v15 =	vadd.f32 v15, v22;
	v17 =	vadd.f32 v17, v59  }
0x267: {  	v61 =	vsel vm3, v60, v14  }
0x268: {  	p0 =	sne.s32 s5, $0x80;
	v62 =	vsel vm3, v17, v15;
	v18 =	vperm.xlane v61, v3  }
.Ltmp2:
0x269: {  	v14 =	vsel vm3, v14, v60;
	v63 =	vperm.xlane v62, v3;
	(pc) =	sbr.rel @p0 .LBB2_7-.Ltmp2, $4  }
0x26a: {  	v15 =	vsel vm3, v15, v17;
	v14 =	vadd.f32 v14, v18  }
0x26b: {  	s7 =	sshra.s32 s5, $0x2;
	v15 =	vadd.f32 v15, v63  }
0x26c: {  	[tilespmem:v12+s7+$0x0 ss:$0x1] =	vst.idx.msk $0xffff, v14  }
0x26d: {  	s5 =	sadd.s32 $0x40, s5;
	s6 =	sadd.s32 $0x400, s6;
	s18 =	sadd.s32 $0x400, s18;
	[tilespmem:v13+s7+$0x0 ss:$0x1] =	vst.idx.msk $0xffff, v15  }
0x26e: {  	v12 =	vld [tilespmem:$0xF200]  }
0x26f: {  	v13 =	vld [tilespmem:$0x10B00]  }
0x270: {  	v14 =	vld [tilespmem:$0xF210]  }
0x271: {  	v15 =	vld [tilespmem:$0x10B10]  }
0x272: {  	v16 =	vld [tilespmem:$0xF220]  }
0x273: {  	v17 =	vld [tilespmem:$0x10B20]  }
0x274: {  	v18 =	vld [tilespmem:$0xF240]  }
0x275: {  	v19 =	vld [tilespmem:$0xF250]  }
0x276: {  	v21 =	vld [tilespmem:$0x10B40]  }
0x277: {  	v22 =	vld [tilespmem:$0x10B50]  }
0x278: {  	v43 =	vld [tilespmem:$0xF260];
	v12 =	vadd.f32 v12, v11;
	v14 =	vadd.f32 v14, v10  }
0x279: {  	v46 =	vld [tilespmem:$0x10B60];
	v13 =	vsub.f32 v9, v13;
	v15 =	vsub.f32 v8, v15  }
0x27a: {  	v20 =	vld [tilespmem:$0xF230];
	v16 =	vadd.f32 v16, v6;
	v42 =	vsub.f32 v7, v17  }
0x27b: {  	v48 =	vld [tilespmem:$0xF270];
	v44 =	vadd.f32 v18, v11;
	v45 =	vadd.f32 v19, v10  }
0x27c: {  	v49 =	vsub.f32 v9, v21;
	v51 =	vsub.f32 v8, v22  }
0x27d: {  	v52 =	vadd.f32 v43, v6;
	v12 =	vmul.f32 v12, v12;
	v14 =	vmul.f32 v14, v14  }
0x27e: {  	v47 =	vld [tilespmem:$0x10B30];
	v53 =	vsub.f32 v7, v46;
	v13 =	vmul.f32 v13, v13;
	v15 =	vmul.f32 v15, v15  }
0x27f: {  	v50 =	vld [tilespmem:$0x10B70];
	v54 =	vadd.f32 v20, v4;
	v16 =	vmul.f32 v16, v16;
	v11 =	vmul.f32 v44, v44  }
0x280: {  	v4 =	vadd.f32 v48, v4;
	v10 =	vmul.f32 v45, v45;
	v9 =	vmul.f32 v49, v49  }
0x281: {  	v8 =	vmul.f32 v51, v51;
	v6 =	vmul.f32 v52, v52;
	v12 =	vadd.f32 v14, v12  }
0x282: {  	v7 =	vmul.f32 v53, v53;
	v13 =	vadd.f32 v15, v13;
	v10 =	vadd.f32 v10, v11  }
0x283: {  	v14 =	vmul.f32 v42, v42;
	v15 =	vsub.f32 v5, v47;
	v8 =	vadd.f32 v8, v9  }
0x284: {  	v55 =	vmul.f32 v54, v54;
	v5 =	vsub.f32 v5, v50;
	v12 =	vadd.f32 v16, v12  }
0x285: {  	v4 =	vmul.f32 v4, v4;
	v13 =	vadd.f32 v14, v13;
	v6 =	vadd.f32 v6, v10  }
0x286: {  	v56 =	vmul.f32 v15, v15;
	v7 =	vadd.f32 v7, v8;
	v5 =	vmul.f32 v5, v5  }
0x287: {  	v57 =	vadd.f32 v55, v12;
	v4 =	vadd.f32 v4, v6  }
0x288: {  	v58 =	vadd.f32 v56, v13;
	v5 =	vadd.f32 v5, v7  }
0x289: {  	v59 =	vsel vm0, v4, v57  }
0x28a: {  	v60 =	vsel vm0, v5, v58;
	v7 =	vperm.xlane v59, v0  }
0x28b: {  	v4 =	vsel vm0, v57, v4;
	v61 =	vperm.xlane v60, v0  }
0x28c: {  	v5 =	vsel vm0, v58, v5;
	v4 =	vadd.f32 v4, v7  }
0x28d: {  	v5 =	vadd.f32 v5, v61  }
0x28e: {  	v62 =	vsel vm1, $0x0, v4  }
0x28f: {  	v63 =	vsel vm1, $0x0, v5;
	v6 =	vperm.xlane v62, v1  }
0x290: {  	v4 =	vnsel vm1, $0x0, v4;
	v7 =	vperm.xlane v63, v1  }
0x291: {  	v5 =	vnsel vm1, $0x0, v5;
	v4 =	vadd.f32 v4, v6  }
0x292: {  	v5 =	vadd.f32 v5, v7  }
0x293: {  	v6 =	vsel vm2, $0x0, v4  }
0x294: {  	v7 =	vsel vm2, $0x0, v5;
	v6 =	vperm.xlane v6, v2  }
0x295: {  	v4 =	vnsel vm2, $0x0, v4;
	v7 =	vperm.xlane v7, v2  }
0x296: {  	v5 =	vnsel vm2, $0x0, v5;
	v4 =	vadd.f32 v4, v6  }
0x297: {  	v5 =	vadd.f32 v5, v7  }
0x298: {  	s20 =	sadd.s32 $0x1, s20;
	v6 =	vsel vm3, $0x0, v4  }
0x299: {  	p0 =	sne.s32 s20, $0x40;
	v7 =	vsel vm3, $0x0, v5;
	v6 =	vperm.xlane v6, v3  }
.Ltmp3:
0x29a: {  	v4 =	vnsel vm3, $0x0, v4;
	v7 =	vperm.xlane v7, v3;
	(pc) =	sbr.rel @p0 .LBB2_4-.Ltmp3, $4  }
0x29b: {  	v5 =	vnsel vm3, $0x0, v5;
	v4 =	vadd.f32 v4, v6  }
0x29c: {  	v5 =	vadd.f32 v5, v7  }
0x29d: {  	s21 =	sadd.s32 $0x80, s21;
	[tilespmem:s17+$0x11380] =	vst v4  }
0x29e: {  	s26 =	sadd.s32 $0x80, s26;
	s4 =	sadd.s32 $0x80, s4;
	s16 =	sadd.s32 $0x80, s16;
	[tilespmem:s17+$0x13380] =	vst v5  }
0x29f: {  	s4 =	simm.s32 $0x10B80  }
0x2a0: {  	[hbm4b:s10+s2] =	stream.linear.scatter [tilespmem:s4], [sflag:$0x8], $0x800, $0x38;
	[tilespmem:$0x15380] =	vst v63  }
0x2a1: {  	_ =	swait.ge [sflag:s14], $0x800  }
0x2a2: {  	[sflag:s14] =	ssyncset.done $0x0  }
0x2a3: {  	s21 =	simm.s32 $0x11380;
	[sflag:s14] =	ssyncadd.s32 $0xFFFFF800  }
0x2a4: {  	[hbm4b:s11+s2] =	stream.linear.scatter [tilespmem:s21], [sflag:$0x8], $0x2000, $0x38;
	[tilespmem:$0x15380] =	vst v63  }
0x2a5: {  	s28 =	sadd.s32 $0x1, s28;
	_ =	swait.ge [sflag:s14], $0x2000  }
0x2a6: {  	p0 =	sne.s32 s28, s13;
	[sflag:s14] =	ssyncset.done $0x0  }
.Ltmp4:
0x2a7: {  	s26 =	simm.s32 $0x13380;
	[sflag:s14] =	ssyncadd.s32 $0xFFFFE000;
	(pc) =	sbr.rel @p0 .LBB2_1-.Ltmp4, $4  }
0x2a8: {  	[hbm4b:s12+s2] =	stream.linear.scatter [tilespmem:s26], [sflag:$0x8], $0x2000, $0x38;
	[tilespmem:$0x15380] =	vst v63  }
0x2a9: {  	_ =	swait.ge [sflag:s14], $0x2000  }
0x2aa: {  	[sflag:s14] =	ssyncset.done $0x0  }
0x2ab: {  	[sflag:s14] =	ssyncadd.s32 $0xFFFFE000  }
0x2ac: {  	_ =	sfence.sel $0x180000  }
0x2ad: {  	[bflag:$0x0] =	sbarrier.arrive $0xFFFF  }
0x2ae: {  	_ =	strace $0x90000047  }
0x2af: {  	s0 =	stileid.u32;
	[bflag:$0x2] =	sbarrier.arrive $0xFFFF  }
0x2b0: {  	p0 =	sne.s32 s0, $0x0;
	s0 =	rddreg [dreg:$0x4]  }
0x2b1: {  	s0 =	sadd.s32 @!p0 $0x100000, s0  }
0x2b2: {  	[sflag:s0] =	ssyncadd.tile.s32 @!p0 $0x1;
	_ =	shalt  }
.Lfunc_end2:
_tile_overlayer_lowered:
.L_overlay_start_2:
0x2b3: {  	(tag) =	ssettag $0x2  }
0x2b4: {  	s0 =	rddreg [dreg:$0x0];
	s2 =	stileid.u32  }
0x2b5: {  	s1 =	rddreg [dreg:$0x1];
	p0 =	sne.s32 s2, $0x0  }
0x2b6: {  	s3 =	rddreg [dreg:$0x2];
	[bflag:$0x3] =	sbarrier.arrive $0xFFFF;
	s2 =	simm.s32 @!p0 $0x1C08  }
0x2b7: {  	[timem:s3], [sflag:s2] =	dma.local @!p0 [hbm:s0], s1  }
0x2b8: {  	s0 =	simm.s32 @!p0 $0x8  }
0x2b9: {  	_ =	swait.ge @!p0 [sflag:s0], s1  }
0x2ba: {  	s1 =	ssub.s32 @!p0 $0x0, s1;
	[sflag:s0] =	ssyncset.done @!p0 $0x0  }
0x2bb: {  	[sflag:s0] =	ssyncadd.s32 @!p0 s1  }
0x2bc: {  	[bflag:$0x3] =	sbarrier.arrive $0xFFFF  }
0x2bd: {  	_ =	shalt  }

</sc_bundles>
